<compile_context>
chip_gen: v7x
topology: tpu7x:2x2x1
jax: 0.10.2.dev20260603
libtpu: 0.0.44.dev20260713+nightly
codegen_flags: <defaults>
</compile_context>

<pallas_src>
import functools

import jax
import jax.numpy as jnp
from jax import lax
from jax.experimental import pallas as pl
from jax.experimental.pallas import tpu as pltpu
from jax.experimental.pallas import tpu_sc as plsc

_NC = 2
_NS = 16
_NW = _NC * _NS
_CH = 128
_NBUF = 8

_f32 = jnp.float32


def _mesh():
    return plsc.VectorSubcoreMesh(core_axis_name="c", subcore_axis_name="s")


def _deg_call(dst3, ones_rows, zinit, *, NP, K):
    F = ones_rows.shape[1]

    @functools.partial(
        pl.kernel,
        mesh=_mesh(),
        compiler_params=pltpu.CompilerParams(use_tc_tiling_on_sc=False),
        out_type=jax.ShapeDtypeStruct((_NC, NP, F), _f32),
        scratch_types=[
            pltpu.VMEM_SHARED((NP, F), _f32),
            pltpu.VMEM((K, _CH), jnp.int32),
            pltpu.VMEM((_CH, F), _f32),
            pltpu.SemaphoreType.DMA((_NBUF,)),
        ],
    )
    def k(dst_h, ones_h, zinit_h, out_h, spmem, idx_d, rows, sem_s):
        c = lax.axis_index("c")
        s = lax.axis_index("s")
        wid = s * _NC + c
        nps = NP // _NS
        pltpu.sync_copy(zinit_h.at[pl.ds(s * nps, nps)],
                        spmem.at[pl.ds(s * nps, nps)])
        pltpu.sync_copy(dst_h.at[wid], idx_d)
        pltpu.sync_copy(ones_h, rows)
        plsc.subcore_barrier()

        for b in range(_NBUF):
            pltpu.async_copy(rows, spmem.at[idx_d.at[b]], sem_s.at[b],
                             add=True)

        def step(i, _):
            j0 = i * _NBUF
            for b in range(_NBUF):
                j = j0 + b

                @pl.when(j + _NBUF < K)
                def _():
                    pltpu.make_async_copy(rows, spmem.at[idx_d.at[j]],
                                          sem_s.at[b]).wait()
                    pltpu.async_copy(rows, spmem.at[idx_d.at[j + _NBUF]],
                                     sem_s.at[b], add=True)

            return ()

        lax.fori_loop(0, K // _NBUF, step, ())
        for b in range(_NBUF):
            pltpu.make_async_copy(rows, spmem.at[idx_d.at[K - _NBUF + b]],
                                  sem_s.at[b]).wait()
        plsc.subcore_barrier()
        nps = NP // _NS
        pltpu.sync_copy(spmem.at[pl.ds(s * nps, nps)],
                        out_h.at[c].at[pl.ds(s * nps, nps)])

    return k(dst3, ones_rows, zinit)


def _agg_call(table, src3, dst3, zinit, *, NP, K):
    F = table.shape[1]

    @functools.partial(
        pl.kernel,
        mesh=_mesh(),
        compiler_params=pltpu.CompilerParams(use_tc_tiling_on_sc=False),
        out_type=jax.ShapeDtypeStruct((_NC, NP, F), _f32),
        scratch_types=[
            pltpu.VMEM_SHARED((NP, F), _f32),
            pltpu.VMEM((K, _CH), jnp.int32),
            pltpu.VMEM((K, _CH), jnp.int32),
            pltpu.VMEM((_NBUF, _CH, F), _f32),
            pltpu.SemaphoreType.DMA((_NBUF,)),
            pltpu.SemaphoreType.DMA((_NBUF,)),
        ],
    )
    def k(table_h, src_h, dst_h, zinit_h, out_h, spmem, idx_s, idx_d, rows,
          sem_g, sem_s):
        c = lax.axis_index("c")
        s = lax.axis_index("s")
        wid = s * _NC + c
        nps = NP // _NS
        pltpu.sync_copy(zinit_h.at[pl.ds(s * nps, nps)],
                        spmem.at[pl.ds(s * nps, nps)])
        pltpu.sync_copy(src_h.at[wid], idx_s)
        pltpu.sync_copy(dst_h.at[wid], idx_d)
        plsc.subcore_barrier()

        for b in range(_NBUF):
            pltpu.async_copy(table_h.at[idx_s.at[b]], rows.at[b], sem_g.at[b])

        def step(i, _):
            j0 = i * _NBUF
            for b in range(_NBUF):
                j = j0 + b
                pltpu.make_async_copy(table_h.at[idx_s.at[j]], rows.at[b],
                                      sem_g.at[b]).wait()
                pltpu.async_copy(rows.at[b], spmem.at[idx_d.at[j]],
                                 sem_s.at[b], add=True)

                @pl.when(j + _NBUF < K)
                def _():
                    pltpu.make_async_copy(rows.at[b], spmem.at[idx_d.at[j]],
                                          sem_s.at[b]).wait()
                    pltpu.async_copy(table_h.at[idx_s.at[j + _NBUF]],
                                     rows.at[b], sem_g.at[b])

            return ()

        lax.fori_loop(0, K // _NBUF, step, ())
        for b in range(_NBUF):
            pltpu.make_async_copy(rows.at[b],
                                  spmem.at[idx_d.at[K - _NBUF + b]],
                                  sem_s.at[b]).wait()
        plsc.subcore_barrier()
        nps = NP // _NS
        pltpu.sync_copy(spmem.at[pl.ds(s * nps, nps)],
                        out_h.at[c].at[pl.ds(s * nps, nps)])

    return k(table, src3, dst3, zinit)


def _tc_a(degp, x, w1):
    N = x.shape[0]
    H = w1.shape[1]

    def body(degp_ref, x_ref, w1_ref, hs1_ref, dinv_ref):
        deg = degp_ref[0, 0:N, 0:1] + degp_ref[1, 0:N, 0:1] + 1.0
        dinv = lax.rsqrt(deg)
        h = jnp.dot(x_ref[...], w1_ref[...], preferred_element_type=_f32)
        hs1_ref[...] = h * dinv
        dinv_ref[...] = dinv

    return pl.pallas_call(
        body,
        out_shape=(jax.ShapeDtypeStruct((N, H), _f32),
                   jax.ShapeDtypeStruct((N, 1), _f32)),
    )(degp, x, w1)


def _tc_b(m1, hs1, dinv, b1r, w2p):
    N = hs1.shape[0]
    F2 = w2p.shape[1]

    def body(m1_ref, hs1_ref, dinv_ref, b1_ref, w2_ref, hs2_ref):
        dinv = dinv_ref[...]
        z = dinv * (m1_ref[0, 0:N] + m1_ref[1, 0:N] + hs1_ref[...]) + b1_ref[...]
        z = jnp.maximum(z, 0.0)
        h2 = jnp.dot(z, w2_ref[...], preferred_element_type=_f32)
        hs2_ref[...] = h2 * dinv

    return pl.pallas_call(
        body,
        out_shape=jax.ShapeDtypeStruct((N, F2), _f32),
    )(m1, hs1, dinv, b1r, w2p)


def _tc_c(m2, hs2, dinv, b2r):
    N, F2 = hs2.shape

    def body(m2_ref, hs2_ref, dinv_ref, b2_ref, out_ref):
        out_ref[...] = (dinv_ref[...]
                        * (m2_ref[0, 0:N] + m2_ref[1, 0:N] + hs2_ref[...])
                        + b2_ref[...])

    return pl.pallas_call(
        body,
        out_shape=jax.ShapeDtypeStruct((N, F2), _f32),
    )(m2, hs2, dinv, b2r)


def kernel(x, edge_index, W1, b1, W2, b2):
    N, D = x.shape
    H = W1.shape[1]
    C = W2.shape[1]
    E = edge_index.shape[1]

    F2 = C
    NP = -(-(N + 1) // 128) * 128
    per_w = -(-E // (_NW * _NBUF * _CH)) * (_NBUF * _CH)
    K = per_w // _CH
    E_pad = per_w * _NW
    pad = E_pad - E

    src = edge_index[0]
    dst = edge_index[1]
    pad_src = jnp.arange(pad, dtype=jnp.int32) % N
    pad_dst = N + jnp.arange(pad, dtype=jnp.int32) % (NP - N)
    src3 = jnp.concatenate([src, pad_src]).reshape(_NW, K, _CH)
    dst3 = jnp.concatenate([dst, pad_dst]).reshape(_NW, K, _CH)
    zeros_h = jnp.zeros((NP, H), _f32)
    zeros_c = jnp.zeros((NP, F2), _f32)
    ones8 = jnp.ones((_CH, 8), _f32)
    zeros8 = jnp.zeros((NP, 8), _f32)
    b1r = b1.reshape(1, H)
    b2r = b2.reshape(1, F2)

    degp = _deg_call(dst3, ones8, zeros8, NP=NP, K=K)
    hs1, dinv = _tc_a(degp, x, W1)
    m1 = _agg_call(hs1, src3, dst3, zeros_h, NP=NP, K=K)
    hs2 = _tc_b(m1, hs1, dinv, b1r, W2)
    m2 = _agg_call(hs2, src3, dst3, zeros_c, NP=NP, K=K)
    return _tc_c(m2, hs2, dinv, b2r)

# --- scband reference (transcript-rebuilt; emitter-appended) ---
"""Pipeline reference for scband-simple-gcn-16063177687398 (READ-ONLY COPY).

The authoritative reference and input builder live on the scoring server;
editing this copy changes nothing except your own understanding.
"""

import jax, jax.numpy as jnp
import numpy as np

N = 10000
E = 320000
D = 128
H = 16
C = 40


def _glorot(key, shape):
    fan_in, fan_out = shape[0], shape[1]
    limit = np.sqrt(6.0 / (fan_in + fan_out))
    return jax.random.uniform(key, shape, dtype=jnp.float32, minval=-limit, maxval=limit)


def setup_inputs(seed: int = 0) -> dict:
    key = jax.random.key(seed)
    k1, k2, k3, k4 = jax.random.split(key, 4)
    x = jax.random.normal(k1, (N, D), dtype=jnp.float32)
    edge_index = jax.random.randint(k2, (2, E), 0, N, dtype=jnp.int32)
    W1 = _glorot(k3, (D, H))
    b1 = jnp.zeros((H,), dtype=jnp.float32)
    W2 = _glorot(k4, (H, C))
    b2 = jnp.zeros((C,), dtype=jnp.float32)
    return {"x": x, "edge_index": edge_index, "W1": W1, "b1": b1, "W2": W2, "b2": b2}


def _gcn_conv(x, edge_index, W, b):
    n = x.shape[0]
    src = edge_index[0]
    dst = edge_index[1]
    self_idx = jnp.arange(n, dtype=src.dtype)
    src = jnp.concatenate([src, self_idx])
    dst = jnp.concatenate([dst, self_idx])
    ones = jnp.ones(src.shape[0], dtype=x.dtype)
    deg = jax.ops.segment_sum(ones, dst, num_segments=n)
    dinv = jnp.where(deg > 0, jax.lax.rsqrt(jnp.maximum(deg, 1e-12)), 0.0)
    norm = dinv[src] * dinv[dst]
    h = x @ W
    msgs = jnp.take(h, src, axis=0) * norm[:, None]
    out = jax.ops.segment_sum(msgs, dst, num_segments=n)
    return out + b


def reference(x, edge_index, W1, b1, W2, b2):
    h = _gcn_conv(x, edge_index, W1, b1)
    h = jax.nn.relu(h)
    out = _gcn_conv(h, edge_index, W2, b2)
    return out

if __name__ == "__main__":
    import jax
    _d = setup_inputs()
    print(jax.jit(kernel)(*tuple(_d.values())))

</pallas_src>

<mosaic_0001>
#map = affine_map<(d0, d1) -> (0, 0, 0)>
#map1 = affine_map<(d0, d1) -> (0, 0)>
module attributes {stable_mosaic.version = 14 : i64} {
  func.func @k(%arg0: i32, %arg1: i32, %arg2: memref<32x80x128xi32, #tpu.memory_space<hbm>>, %arg3: memref<128x8xf32, #tpu.memory_space<hbm>>, %arg4: memref<10112x8xf32, #tpu.memory_space<hbm>>, %arg5: memref<2x10112x8xf32, #tpu.memory_space<hbm>>, %arg6: memref<10112x8xf32, #tpu.memory_space<vmem_shared>>, %arg7: memref<80x128xi32, #tpu.memory_space<vmem>>, %arg8: memref<128x8xf32, #tpu.memory_space<vmem>>, %arg9: memref<8x!tpu.dma_semaphore, #tpu.memory_space<semaphore_mem>>) attributes {dimension_semantics = [#tpu.dimension_semantics<core_parallel>, #tpu.dimension_semantics<subcore_parallel>], iteration_bounds = array<i64: 2, 16>, scalar_prefetch = 0 : i64, scratch_operands = 4 : i64, tpu.core_type = #tpu.core_type<sc_vector_subcore>, window_params = [{transform_indices = #map}, {transform_indices = #map1}, {transform_indices = #map1}, {transform_indices = #map}]} {
    %mul3A = arith.constant 2 : i32
    %mul3A_0 = arith.muli %arg1, %mul3A : i32
    %add3A = arith.addi %mul3A_0, %arg0 : i32
    %mul3A_1 = arith.constant 632 : i32
    %mul3A_2 = arith.muli %arg1, %mul3A_1 : i32
    %mul3A_3 = arith.constant 632 : i32
    %mul3A_4 = arith.muli %arg1, %mul3A_3 : i32
    "tpu.region"() ({
      %run_scoped3A = tpu.sem_alloc : memref<!tpu.dma_semaphore, #tpu.memory_space<semaphore_mem>>
      %dma_start3A_172 = arith.constant 0 : i32
      %dma_start3A_173 = tpu.memref_slice %arg6[%mul3A_4, %dma_start3A_172] : memref<10112x8xf32, #tpu.memory_space<vmem_shared>> -> memref<632x8xf32, #tpu.memory_space<vmem_shared>>
      %dma_start3A_174 = arith.constant 0 : i32
      %dma_start3A_175 = tpu.memref_slice %arg4[%mul3A_2, %dma_start3A_174] : memref<10112x8xf32, #tpu.memory_space<hbm>> -> memref<632x8xf32, #tpu.memory_space<hbm>>
      tpu.enqueue_dma source(%dma_start3A_175 : memref<632x8xf32, #tpu.memory_space<hbm>>) target(%dma_start3A_173 : memref<632x8xf32, #tpu.memory_space<vmem_shared>>) target_semaphore(%run_scoped3A : memref<!tpu.dma_semaphore, #tpu.memory_space<semaphore_mem>>)
      %dma_wait3A_176 = arith.constant 0 : i32
      %dma_wait3A_177 = tpu.memref_slice %arg6[%mul3A_4, %dma_wait3A_176] : memref<10112x8xf32, #tpu.memory_space<vmem_shared>> -> memref<632x8xf32, #tpu.memory_space<vmem_shared>>
      %dma_wait3A_178 = arith.constant 0 : i32
      %dma_wait3A_179 = tpu.memref_slice %arg4[%mul3A_2, %dma_wait3A_178] : memref<10112x8xf32, #tpu.memory_space<hbm>> -> memref<632x8xf32, #tpu.memory_space<hbm>>
      tpu.wait_dma2 semaphore(%run_scoped3A : memref<!tpu.dma_semaphore, #tpu.memory_space<semaphore_mem>>) src(%dma_wait3A_179 : memref<632x8xf32, #tpu.memory_space<hbm>>) dst(%dma_wait3A_177 : memref<632x8xf32, #tpu.memory_space<vmem_shared>>)
      tpu.yield
    }) : () -> ()
    "tpu.region"() ({
      %run_scoped3A = tpu.sem_alloc : memref<!tpu.dma_semaphore, #tpu.memory_space<semaphore_mem>>
      %dma_start3A_172 = arith.constant 0 : i32
      %dma_start3A_173 = arith.constant 0 : i32
      %dma_start3A_174 = tpu.memref_slice %arg2[%add3A, %dma_start3A_172, %dma_start3A_173] : memref<32x80x128xi32, #tpu.memory_space<hbm>> -> memref<1x80x128xi32, #tpu.memory_space<hbm>>
      %dma_start3A_175 = tpu.memref_squeeze %dma_start3A_174 : memref<1x80x128xi32, #tpu.memory_space<hbm>> -> memref<80x128xi32, #tpu.memory_space<hbm>>
      %dma_start3A_176 = arith.constant 0 : i32
      %dma_start3A_177 = arith.constant 0 : i32
      %dma_start3A_178 = tpu.memref_slice %arg2[%add3A, %dma_start3A_176, %dma_start3A_177] : memref<32x80x128xi32, #tpu.memory_space<hbm>> -> memref<1x80x128xi32, #tpu.memory_space<hbm>>
      %dma_start3A_179 = tpu.memref_squeeze %dma_start3A_178 : memref<1x80x128xi32, #tpu.memory_space<hbm>> -> memref<80x128xi32, #tpu.memory_space<hbm>>
      tpu.enqueue_dma source(%dma_start3A_179 : memref<80x128xi32, #tpu.memory_space<hbm>>) target(%arg7 : memref<80x128xi32, #tpu.memory_space<vmem>>) target_semaphore(%run_scoped3A : memref<!tpu.dma_semaphore, #tpu.memory_space<semaphore_mem>>)
      %dma_wait3A_180 = arith.constant 0 : i32
      %dma_wait3A_181 = arith.constant 0 : i32
      %dma_wait3A_182 = tpu.memref_slice %arg2[%add3A, %dma_wait3A_180, %dma_wait3A_181] : memref<32x80x128xi32, #tpu.memory_space<hbm>> -> memref<1x80x128xi32, #tpu.memory_space<hbm>>
      %dma_wait3A_183 = tpu.memref_squeeze %dma_wait3A_182 : memref<1x80x128xi32, #tpu.memory_space<hbm>> -> memref<80x128xi32, #tpu.memory_space<hbm>>
      %dma_wait3A_184 = arith.constant 0 : i32
      %dma_wait3A_185 = arith.constant 0 : i32
      %dma_wait3A_186 = tpu.memref_slice %arg2[%add3A, %dma_wait3A_184, %dma_wait3A_185] : memref<32x80x128xi32, #tpu.memory_space<hbm>> -> memref<1x80x128xi32, #tpu.memory_space<hbm>>
      %dma_wait3A_187 = tpu.memref_squeeze %dma_wait3A_186 : memref<1x80x128xi32, #tpu.memory_space<hbm>> -> memref<80x128xi32, #tpu.memory_space<hbm>>
      tpu.wait_dma2 semaphore(%run_scoped3A : memref<!tpu.dma_semaphore, #tpu.memory_space<semaphore_mem>>) src(%dma_wait3A_187 : memref<80x128xi32, #tpu.memory_space<hbm>>) dst(%arg7 : memref<80x128xi32, #tpu.memory_space<vmem>>)
      tpu.yield
    }) : () -> ()
    "tpu.region"() ({
      %run_scoped3A = tpu.sem_alloc : memref<!tpu.dma_semaphore, #tpu.memory_space<semaphore_mem>>
      tpu.enqueue_dma source(%arg3 : memref<128x8xf32, #tpu.memory_space<hbm>>) target(%arg8 : memref<128x8xf32, #tpu.memory_space<vmem>>) target_semaphore(%run_scoped3A : memref<!tpu.dma_semaphore, #tpu.memory_space<semaphore_mem>>)
      tpu.wait_dma2 semaphore(%run_scoped3A : memref<!tpu.dma_semaphore, #tpu.memory_space<semaphore_mem>>) src(%arg3 : memref<128x8xf32, #tpu.memory_space<hbm>>) dst(%arg8 : memref<128x8xf32, #tpu.memory_space<vmem>>)
      tpu.yield
    }) : () -> ()
    %barrier3A = arith.constant 0 : index
    tpu.barrier barrier_id(%barrier3A)
    %dma_start3A = arith.constant 0 : i32
    %dma_start3A_5 = arith.constant 0 : i32
    %dma_start3A_6 = arith.constant 0 : i32
    %dma_start3A_7 = tpu.memref_slice %arg7[%dma_start3A, %dma_start3A_6] : memref<80x128xi32, #tpu.memory_space<vmem>> -> memref<1x128xi32, #tpu.memory_space<vmem>>
    %dma_start3A_8 = tpu.memref_squeeze %dma_start3A_7 : memref<1x128xi32, #tpu.memory_space<vmem>> -> memref<128xi32, #tpu.memory_space<vmem>>
    %dma_start3A_9 = arith.constant 0 : i32
    %dma_start3A_10 = arith.constant 0 : i32
    %dma_start3A_11 = tpu.memref_slice %arg6[%dma_start3A_9, %dma_start3A_10] : memref<10112x8xf32, #tpu.memory_space<vmem_shared>> -> memref<10112x8xf32, #tpu.memory_space<vmem_shared>>
    %dma_start3A_12 = tpu.memref_slice %arg9[%dma_start3A_5] : memref<8x!tpu.dma_semaphore, #tpu.memory_space<semaphore_mem>> -> memref<1x!tpu.dma_semaphore, #tpu.memory_space<semaphore_mem>>
    %dma_start3A_13 = tpu.memref_squeeze %dma_start3A_12 : memref<1x!tpu.dma_semaphore, #tpu.memory_space<semaphore_mem>> -> memref<!tpu.dma_semaphore, #tpu.memory_space<semaphore_mem>>
    tpu.enqueue_indirect_dma source(%arg8 : memref<128x8xf32, #tpu.memory_space<vmem>>) target(%dma_start3A_11 : memref<10112x8xf32, #tpu.memory_space<vmem_shared>>) offsets(%dma_start3A_8 : memref<128xi32, #tpu.memory_space<vmem>>) semaphore(%dma_start3A_13 : memref<!tpu.dma_semaphore, #tpu.memory_space<semaphore_mem>>) {add = true}
    %dma_start3A_14 = arith.constant 1 : i32
    %dma_start3A_15 = arith.constant 1 : i32
    %dma_start3A_16 = arith.constant 0 : i32
    %dma_start3A_17 = tpu.memref_slice %arg7[%dma_start3A_14, %dma_start3A_16] : memref<80x128xi32, #tpu.memory_space<vmem>> -> memref<1x128xi32, #tpu.memory_space<vmem>>
    %dma_start3A_18 = tpu.memref_squeeze %dma_start3A_17 : memref<1x128xi32, #tpu.memory_space<vmem>> -> memref<128xi32, #tpu.memory_space<vmem>>
    %dma_start3A_19 = arith.constant 0 : i32
    %dma_start3A_20 = arith.constant 0 : i32
    %dma_start3A_21 = tpu.memref_slice %arg6[%dma_start3A_19, %dma_start3A_20] : memref<10112x8xf32, #tpu.memory_space<vmem_shared>> -> memref<10112x8xf32, #tpu.memory_space<vmem_shared>>
    %dma_start3A_22 = tpu.memref_slice %arg9[%dma_start3A_15] : memref<8x!tpu.dma_semaphore, #tpu.memory_space<semaphore_mem>> -> memref<1x!tpu.dma_semaphore, #tpu.memory_space<semaphore_mem>>
    %dma_start3A_23 = tpu.memref_squeeze %dma_start3A_22 : memref<1x!tpu.dma_semaphore, #tpu.memory_space<semaphore_mem>> -> memref<!tpu.dma_semaphore, #tpu.memory_space<semaphore_mem>>
    tpu.enqueue_indirect_dma source(%arg8 : memref<128x8xf32, #tpu.memory_space<vmem>>) target(%dma_start3A_21 : memref<10112x8xf32, #tpu.memory_space<vmem_shared>>) offsets(%dma_start3A_18 : memref<128xi32, #tpu.memory_space<vmem>>) semaphore(%dma_start3A_23 : memref<!tpu.dma_semaphore, #tpu.memory_space<semaphore_mem>>) {add = true}
    %dma_start3A_24 = arith.constant 2 : i32
    %dma_start3A_25 = arith.constant 2 : i32
    %dma_start3A_26 = arith.constant 0 : i32
    %dma_start3A_27 = tpu.memref_slice %arg7[%dma_start3A_24, %dma_start3A_26] : memref<80x128xi32, #tpu.memory_space<vmem>> -> memref<1x128xi32, #tpu.memory_space<vmem>>
    %dma_start3A_28 = tpu.memref_squeeze %dma_start3A_27 : memref<1x128xi32, #tpu.memory_space<vmem>> -> memref<128xi32, #tpu.memory_space<vmem>>
    %dma_start3A_29 = arith.constant 0 : i32
    %dma_start3A_30 = arith.constant 0 : i32
    %dma_start3A_31 = tpu.memref_slice %arg6[%dma_start3A_29, %dma_start3A_30] : memref<10112x8xf32, #tpu.memory_space<vmem_shared>> -> memref<10112x8xf32, #tpu.memory_space<vmem_shared>>
    %dma_start3A_32 = tpu.memref_slice %arg9[%dma_start3A_25] : memref<8x!tpu.dma_semaphore, #tpu.memory_space<semaphore_mem>> -> memref<1x!tpu.dma_semaphore, #tpu.memory_space<semaphore_mem>>
    %dma_start3A_33 = tpu.memref_squeeze %dma_start3A_32 : memref<1x!tpu.dma_semaphore, #tpu.memory_space<semaphore_mem>> -> memref<!tpu.dma_semaphore, #tpu.memory_space<semaphore_mem>>
    tpu.enqueue_indirect_dma source(%arg8 : memref<128x8xf32, #tpu.memory_space<vmem>>) target(%dma_start3A_31 : memref<10112x8xf32, #tpu.memory_space<vmem_shared>>) offsets(%dma_start3A_28 : memref<128xi32, #tpu.memory_space<vmem>>) semaphore(%dma_start3A_33 : memref<!tpu.dma_semaphore, #tpu.memory_space<semaphore_mem>>) {add = true}
    %dma_start3A_34 = arith.constant 3 : i32
    %dma_start3A_35 = arith.constant 3 : i32
    %dma_start3A_36 = arith.constant 0 : i32
    %dma_start3A_37 = tpu.memref_slice %arg7[%dma_start3A_34, %dma_start3A_36] : memref<80x128xi32, #tpu.memory_space<vmem>> -> memref<1x128xi32, #tpu.memory_space<vmem>>
    %dma_start3A_38 = tpu.memref_squeeze %dma_start3A_37 : memref<1x128xi32, #tpu.memory_space<vmem>> -> memref<128xi32, #tpu.memory_space<vmem>>
    %dma_start3A_39 = arith.constant 0 : i32
    %dma_start3A_40 = arith.constant 0 : i32
    %dma_start3A_41 = tpu.memref_slice %arg6[%dma_start3A_39, %dma_start3A_40] : memref<10112x8xf32, #tpu.memory_space<vmem_shared>> -> memref<10112x8xf32, #tpu.memory_space<vmem_shared>>
    %dma_start3A_42 = tpu.memref_slice %arg9[%dma_start3A_35] : memref<8x!tpu.dma_semaphore, #tpu.memory_space<semaphore_mem>> -> memref<1x!tpu.dma_semaphore, #tpu.memory_space<semaphore_mem>>
    %dma_start3A_43 = tpu.memref_squeeze %dma_start3A_42 : memref<1x!tpu.dma_semaphore, #tpu.memory_space<semaphore_mem>> -> memref<!tpu.dma_semaphore, #tpu.memory_space<semaphore_mem>>
    tpu.enqueue_indirect_dma source(%arg8 : memref<128x8xf32, #tpu.memory_space<vmem>>) target(%dma_start3A_41 : memref<10112x8xf32, #tpu.memory_space<vmem_shared>>) offsets(%dma_start3A_38 : memref<128xi32, #tpu.memory_space<vmem>>) semaphore(%dma_start3A_43 : memref<!tpu.dma_semaphore, #tpu.memory_space<semaphore_mem>>) {add = true}
    %dma_start3A_44 = arith.constant 4 : i32
    %dma_start3A_45 = arith.constant 4 : i32
    %dma_start3A_46 = arith.constant 0 : i32
    %dma_start3A_47 = tpu.memref_slice %arg7[%dma_start3A_44, %dma_start3A_46] : memref<80x128xi32, #tpu.memory_space<vmem>> -> memref<1x128xi32, #tpu.memory_space<vmem>>
    %dma_start3A_48 = tpu.memref_squeeze %dma_start3A_47 : memref<1x128xi32, #tpu.memory_space<vmem>> -> memref<128xi32, #tpu.memory_space<vmem>>
    %dma_start3A_49 = arith.constant 0 : i32
    %dma_start3A_50 = arith.constant 0 : i32
    %dma_start3A_51 = tpu.memref_slice %arg6[%dma_start3A_49, %dma_start3A_50] : memref<10112x8xf32, #tpu.memory_space<vmem_shared>> -> memref<10112x8xf32, #tpu.memory_space<vmem_shared>>
    %dma_start3A_52 = tpu.memref_slice %arg9[%dma_start3A_45] : memref<8x!tpu.dma_semaphore, #tpu.memory_space<semaphore_mem>> -> memref<1x!tpu.dma_semaphore, #tpu.memory_space<semaphore_mem>>
    %dma_start3A_53 = tpu.memref_squeeze %dma_start3A_52 : memref<1x!tpu.dma_semaphore, #tpu.memory_space<semaphore_mem>> -> memref<!tpu.dma_semaphore, #tpu.memory_space<semaphore_mem>>
    tpu.enqueue_indirect_dma source(%arg8 : memref<128x8xf32, #tpu.memory_space<vmem>>) target(%dma_start3A_51 : memref<10112x8xf32, #tpu.memory_space<vmem_shared>>) offsets(%dma_start3A_48 : memref<128xi32, #tpu.memory_space<vmem>>) semaphore(%dma_start3A_53 : memref<!tpu.dma_semaphore, #tpu.memory_space<semaphore_mem>>) {add = true}
    %dma_start3A_54 = arith.constant 5 : i32
    %dma_start3A_55 = arith.constant 5 : i32
    %dma_start3A_56 = arith.constant 0 : i32
    %dma_start3A_57 = tpu.memref_slice %arg7[%dma_start3A_54, %dma_start3A_56] : memref<80x128xi32, #tpu.memory_space<vmem>> -> memref<1x128xi32, #tpu.memory_space<vmem>>
    %dma_start3A_58 = tpu.memref_squeeze %dma_start3A_57 : memref<1x128xi32, #tpu.memory_space<vmem>> -> memref<128xi32, #tpu.memory_space<vmem>>
    %dma_start3A_59 = arith.constant 0 : i32
    %dma_start3A_60 = arith.constant 0 : i32
    %dma_start3A_61 = tpu.memref_slice %arg6[%dma_start3A_59, %dma_start3A_60] : memref<10112x8xf32, #tpu.memory_space<vmem_shared>> -> memref<10112x8xf32, #tpu.memory_space<vmem_shared>>
    %dma_start3A_62 = tpu.memref_slice %arg9[%dma_start3A_55] : memref<8x!tpu.dma_semaphore, #tpu.memory_space<semaphore_mem>> -> memref<1x!tpu.dma_semaphore, #tpu.memory_space<semaphore_mem>>
    %dma_start3A_63 = tpu.memref_squeeze %dma_start3A_62 : memref<1x!tpu.dma_semaphore, #tpu.memory_space<semaphore_mem>> -> memref<!tpu.dma_semaphore, #tpu.memory_space<semaphore_mem>>
    tpu.enqueue_indirect_dma source(%arg8 : memref<128x8xf32, #tpu.memory_space<vmem>>) target(%dma_start3A_61 : memref<10112x8xf32, #tpu.memory_space<vmem_shared>>) offsets(%dma_start3A_58 : memref<128xi32, #tpu.memory_space<vmem>>) semaphore(%dma_start3A_63 : memref<!tpu.dma_semaphore, #tpu.memory_space<semaphore_mem>>) {add = true}
    %dma_start3A_64 = arith.constant 6 : i32
    %dma_start3A_65 = arith.constant 6 : i32
    %dma_start3A_66 = arith.constant 0 : i32
    %dma_start3A_67 = tpu.memref_slice %arg7[%dma_start3A_64, %dma_start3A_66] : memref<80x128xi32, #tpu.memory_space<vmem>> -> memref<1x128xi32, #tpu.memory_space<vmem>>
    %dma_start3A_68 = tpu.memref_squeeze %dma_start3A_67 : memref<1x128xi32, #tpu.memory_space<vmem>> -> memref<128xi32, #tpu.memory_space<vmem>>
    %dma_start3A_69 = arith.constant 0 : i32
    %dma_start3A_70 = arith.constant 0 : i32
    %dma_start3A_71 = tpu.memref_slice %arg6[%dma_start3A_69, %dma_start3A_70] : memref<10112x8xf32, #tpu.memory_space<vmem_shared>> -> memref<10112x8xf32, #tpu.memory_space<vmem_shared>>
    %dma_start3A_72 = tpu.memref_slice %arg9[%dma_start3A_65] : memref<8x!tpu.dma_semaphore, #tpu.memory_space<semaphore_mem>> -> memref<1x!tpu.dma_semaphore, #tpu.memory_space<semaphore_mem>>
    %dma_start3A_73 = tpu.memref_squeeze %dma_start3A_72 : memref<1x!tpu.dma_semaphore, #tpu.memory_space<semaphore_mem>> -> memref<!tpu.dma_semaphore, #tpu.memory_space<semaphore_mem>>
    tpu.enqueue_indirect_dma source(%arg8 : memref<128x8xf32, #tpu.memory_space<vmem>>) target(%dma_start3A_71 : memref<10112x8xf32, #tpu.memory_space<vmem_shared>>) offsets(%dma_start3A_68 : memref<128xi32, #tpu.memory_space<vmem>>) semaphore(%dma_start3A_73 : memref<!tpu.dma_semaphore, #tpu.memory_space<semaphore_mem>>) {add = true}
    %dma_start3A_74 = arith.constant 7 : i32
    %dma_start3A_75 = arith.constant 7 : i32
    %dma_start3A_76 = arith.constant 0 : i32
    %dma_start3A_77 = tpu.memref_slice %arg7[%dma_start3A_74, %dma_start3A_76] : memref<80x128xi32, #tpu.memory_space<vmem>> -> memref<1x128xi32, #tpu.memory_space<vmem>>
    %dma_start3A_78 = tpu.memref_squeeze %dma_start3A_77 : memref<1x128xi32, #tpu.memory_space<vmem>> -> memref<128xi32, #tpu.memory_space<vmem>>
    %dma_start3A_79 = arith.constant 0 : i32
    %dma_start3A_80 = arith.constant 0 : i32
    %dma_start3A_81 = tpu.memref_slice %arg6[%dma_start3A_79, %dma_start3A_80] : memref<10112x8xf32, #tpu.memory_space<vmem_shared>> -> memref<10112x8xf32, #tpu.memory_space<vmem_shared>>
    %dma_start3A_82 = tpu.memref_slice %arg9[%dma_start3A_75] : memref<8x!tpu.dma_semaphore, #tpu.memory_space<semaphore_mem>> -> memref<1x!tpu.dma_semaphore, #tpu.memory_space<semaphore_mem>>
    %dma_start3A_83 = tpu.memref_squeeze %dma_start3A_82 : memref<1x!tpu.dma_semaphore, #tpu.memory_space<semaphore_mem>> -> memref<!tpu.dma_semaphore, #tpu.memory_space<semaphore_mem>>
    tpu.enqueue_indirect_dma source(%arg8 : memref<128x8xf32, #tpu.memory_space<vmem>>) target(%dma_start3A_81 : memref<10112x8xf32, #tpu.memory_space<vmem_shared>>) offsets(%dma_start3A_78 : memref<128xi32, #tpu.memory_space<vmem>>) semaphore(%dma_start3A_83 : memref<!tpu.dma_semaphore, #tpu.memory_space<semaphore_mem>>) {add = true}
    %scan3A = arith.constant 0 : i32
    %scan3A_84 = arith.constant 10 : i32
    %scan3A_85 = arith.addi %scan3A, %scan3A_84 : i32
    %scan3A_86 = arith.constant 1 : i32
    scf.for %scan3A_172 = %scan3A to %scan3A_85 step %scan3A_86  : i32 {
      %mul3A_173 = arith.constant 8 : i32
      %mul3A_174 = arith.muli %scan3A_172, %mul3A_173 : i32
      %add3A_175 = arith.constant 0 : i32
      %add3A_176 = arith.addi %mul3A_174, %add3A_175 : i32
      %add3A_177 = arith.constant 8 : i32
      %add3A_178 = arith.addi %add3A_176, %add3A_177 : i32
      %lt3A = arith.constant 80 : i32
      %lt3A_179 = arith.cmpi slt, %add3A_178, %lt3A : i32
      %convert_element_type3A = arith.extui %lt3A_179 : i1 to i32
      %cond3A = arith.constant 0 : i32
      %cond3A_180 = arith.cmpi ne, %convert_element_type3A, %cond3A : i32
      scf.if %cond3A_180 {
        %dma_wait3A_244 = arith.constant 0 : i32
        %dma_wait3A_245 = arith.constant 0 : i32
        %dma_wait3A_246 = tpu.memref_slice %arg7[%add3A_176, %dma_wait3A_245] : memref<80x128xi32, #tpu.memory_space<vmem>> -> memref<1x128xi32, #tpu.memory_space<vmem>>
        %dma_wait3A_247 = tpu.memref_squeeze %dma_wait3A_246 : memref<1x128xi32, #tpu.memory_space<vmem>> -> memref<128xi32, #tpu.memory_space<vmem>>
        %dma_wait3A_248 = arith.constant 0 : i32
        %dma_wait3A_249 = arith.constant 0 : i32
        %dma_wait3A_250 = tpu.memref_slice %arg6[%dma_wait3A_248, %dma_wait3A_249] : memref<10112x8xf32, #tpu.memory_space<vmem_shared>> -> memref<10112x8xf32, #tpu.memory_space<vmem_shared>>
        %dma_wait3A_251 = tpu.memref_slice %arg9[%dma_wait3A_244] : memref<8x!tpu.dma_semaphore, #tpu.memory_space<semaphore_mem>> -> memref<1x!tpu.dma_semaphore, #tpu.memory_space<semaphore_mem>>
        %dma_wait3A_252 = tpu.memref_squeeze %dma_wait3A_251 : memref<1x!tpu.dma_semaphore, #tpu.memory_space<semaphore_mem>> -> memref<!tpu.dma_semaphore, #tpu.memory_space<semaphore_mem>>
        tpu.wait_indirect_dma semaphore(%dma_wait3A_252 : memref<!tpu.dma_semaphore, #tpu.memory_space<semaphore_mem>>) src(%arg8 : memref<128x8xf32, #tpu.memory_space<vmem>>) dst(%dma_wait3A_250 : memref<10112x8xf32, #tpu.memory_space<vmem_shared>>)
        %add3A_253 = arith.constant 8 : i32
        %add3A_254 = arith.addi %add3A_176, %add3A_253 : i32
        %dma_start3A_255 = arith.constant 0 : i32
        %dma_start3A_256 = arith.constant 0 : i32
        %dma_start3A_257 = tpu.memref_slice %arg7[%add3A_254, %dma_start3A_256] : memref<80x128xi32, #tpu.memory_space<vmem>> -> memref<1x128xi32, #tpu.memory_space<vmem>>
        %dma_start3A_258 = tpu.memref_squeeze %dma_start3A_257 : memref<1x128xi32, #tpu.memory_space<vmem>> -> memref<128xi32, #tpu.memory_space<vmem>>
        %dma_start3A_259 = arith.constant 0 : i32
        %dma_start3A_260 = arith.constant 0 : i32
        %dma_start3A_261 = tpu.memref_slice %arg6[%dma_start3A_259, %dma_start3A_260] : memref<10112x8xf32, #tpu.memory_space<vmem_shared>> -> memref<10112x8xf32, #tpu.memory_space<vmem_shared>>
        %dma_start3A_262 = tpu.memref_slice %arg9[%dma_start3A_255] : memref<8x!tpu.dma_semaphore, #tpu.memory_space<semaphore_mem>> -> memref<1x!tpu.dma_semaphore, #tpu.memory_space<semaphore_mem>>
        %dma_start3A_263 = tpu.memref_squeeze %dma_start3A_262 : memref<1x!tpu.dma_semaphore, #tpu.memory_space<semaphore_mem>> -> memref<!tpu.dma_semaphore, #tpu.memory_space<semaphore_mem>>
        tpu.enqueue_indirect_dma source(%arg8 : memref<128x8xf32, #tpu.memory_space<vmem>>) target(%dma_start3A_261 : memref<10112x8xf32, #tpu.memory_space<vmem_shared>>) offsets(%dma_start3A_258 : memref<128xi32, #tpu.memory_space<vmem>>) semaphore(%dma_start3A_263 : memref<!tpu.dma_semaphore, #tpu.memory_space<semaphore_mem>>) {add = true}
      } else {
      }
      %add3A_181 = arith.constant 1 : i32
      %add3A_182 = arith.addi %mul3A_174, %add3A_181 : i32
      %add3A_183 = arith.constant 8 : i32
      %add3A_184 = arith.addi %add3A_182, %add3A_183 : i32
      %lt3A_185 = arith.constant 80 : i32
      %lt3A_186 = arith.cmpi slt, %add3A_184, %lt3A_185 : i32
      %convert_element_type3A_187 = arith.extui %lt3A_186 : i1 to i32
      %cond3A_188 = arith.constant 0 : i32
      %cond3A_189 = arith.cmpi ne, %convert_element_type3A_187, %cond3A_188 : i32
      scf.if %cond3A_189 {
        %dma_wait3A_244 = arith.constant 1 : i32
        %dma_wait3A_245 = arith.constant 0 : i32
        %dma_wait3A_246 = tpu.memref_slice %arg7[%add3A_182, %dma_wait3A_245] : memref<80x128xi32, #tpu.memory_space<vmem>> -> memref<1x128xi32, #tpu.memory_space<vmem>>
        %dma_wait3A_247 = tpu.memref_squeeze %dma_wait3A_246 : memref<1x128xi32, #tpu.memory_space<vmem>> -> memref<128xi32, #tpu.memory_space<vmem>>
        %dma_wait3A_248 = arith.constant 0 : i32
        %dma_wait3A_249 = arith.constant 0 : i32
        %dma_wait3A_250 = tpu.memref_slice %arg6[%dma_wait3A_248, %dma_wait3A_249] : memref<10112x8xf32, #tpu.memory_space<vmem_shared>> -> memref<10112x8xf32, #tpu.memory_space<vmem_shared>>
        %dma_wait3A_251 = tpu.memref_slice %arg9[%dma_wait3A_244] : memref<8x!tpu.dma_semaphore, #tpu.memory_space<semaphore_mem>> -> memref<1x!tpu.dma_semaphore, #tpu.memory_space<semaphore_mem>>
        %dma_wait3A_252 = tpu.memref_squeeze %dma_wait3A_251 : memref<1x!tpu.dma_semaphore, #tpu.memory_space<semaphore_mem>> -> memref<!tpu.dma_semaphore, #tpu.memory_space<semaphore_mem>>
        tpu.wait_indirect_dma semaphore(%dma_wait3A_252 : memref<!tpu.dma_semaphore, #tpu.memory_space<semaphore_mem>>) src(%arg8 : memref<128x8xf32, #tpu.memory_space<vmem>>) dst(%dma_wait3A_250 : memref<10112x8xf32, #tpu.memory_space<vmem_shared>>)
        %add3A_253 = arith.constant 8 : i32
        %add3A_254 = arith.addi %add3A_182, %add3A_253 : i32
        %dma_start3A_255 = arith.constant 1 : i32
        %dma_start3A_256 = arith.constant 0 : i32
        %dma_start3A_257 = tpu.memref_slice %arg7[%add3A_254, %dma_start3A_256] : memref<80x128xi32, #tpu.memory_space<vmem>> -> memref<1x128xi32, #tpu.memory_space<vmem>>
        %dma_start3A_258 = tpu.memref_squeeze %dma_start3A_257 : memref<1x128xi32, #tpu.memory_space<vmem>> -> memref<128xi32, #tpu.memory_space<vmem>>
        %dma_start3A_259 = arith.constant 0 : i32
        %dma_start3A_260 = arith.constant 0 : i32
        %dma_start3A_261 = tpu.memref_slice %arg6[%dma_start3A_259, %dma_start3A_260] : memref<10112x8xf32, #tpu.memory_space<vmem_shared>> -> memref<10112x8xf32, #tpu.memory_space<vmem_shared>>
        %dma_start3A_262 = tpu.memref_slice %arg9[%dma_start3A_255] : memref<8x!tpu.dma_semaphore, #tpu.memory_space<semaphore_mem>> -> memref<1x!tpu.dma_semaphore, #tpu.memory_space<semaphore_mem>>
        %dma_start3A_263 = tpu.memref_squeeze %dma_start3A_262 : memref<1x!tpu.dma_semaphore, #tpu.memory_space<semaphore_mem>> -> memref<!tpu.dma_semaphore, #tpu.memory_space<semaphore_mem>>
        tpu.enqueue_indirect_dma source(%arg8 : memref<128x8xf32, #tpu.memory_space<vmem>>) target(%dma_start3A_261 : memref<10112x8xf32, #tpu.memory_space<vmem_shared>>) offsets(%dma_start3A_258 : memref<128xi32, #tpu.memory_space<vmem>>) semaphore(%dma_start3A_263 : memref<!tpu.dma_semaphore, #tpu.memory_space<semaphore_mem>>) {add = true}
      } else {
      }
      %add3A_190 = arith.constant 2 : i32
      %add3A_191 = arith.addi %mul3A_174, %add3A_190 : i32
      %add3A_192 = arith.constant 8 : i32
      %add3A_193 = arith.addi %add3A_191, %add3A_192 : i32
      %lt3A_194 = arith.constant 80 : i32
      %lt3A_195 = arith.cmpi slt, %add3A_193, %lt3A_194 : i32
      %convert_element_type3A_196 = arith.extui %lt3A_195 : i1 to i32
      %cond3A_197 = arith.constant 0 : i32
      %cond3A_198 = arith.cmpi ne, %convert_element_type3A_196, %cond3A_197 : i32
      scf.if %cond3A_198 {
        %dma_wait3A_244 = arith.constant 2 : i32
        %dma_wait3A_245 = arith.constant 0 : i32
        %dma_wait3A_246 = tpu.memref_slice %arg7[%add3A_191, %dma_wait3A_245] : memref<80x128xi32, #tpu.memory_space<vmem>> -> memref<1x128xi32, #tpu.memory_space<vmem>>
        %dma_wait3A_247 = tpu.memref_squeeze %dma_wait3A_246 : memref<1x128xi32, #tpu.memory_space<vmem>> -> memref<128xi32, #tpu.memory_space<vmem>>
        %dma_wait3A_248 = arith.constant 0 : i32
        %dma_wait3A_249 = arith.constant 0 : i32
        %dma_wait3A_250 = tpu.memref_slice %arg6[%dma_wait3A_248, %dma_wait3A_249] : memref<10112x8xf32, #tpu.memory_space<vmem_shared>> -> memref<10112x8xf32, #tpu.memory_space<vmem_shared>>
        %dma_wait3A_251 = tpu.memref_slice %arg9[%dma_wait3A_244] : memref<8x!tpu.dma_semaphore, #tpu.memory_space<semaphore_mem>> -> memref<1x!tpu.dma_semaphore, #tpu.memory_space<semaphore_mem>>
        %dma_wait3A_252 = tpu.memref_squeeze %dma_wait3A_251 : memref<1x!tpu.dma_semaphore, #tpu.memory_space<semaphore_mem>> -> memref<!tpu.dma_semaphore, #tpu.memory_space<semaphore_mem>>
        tpu.wait_indirect_dma semaphore(%dma_wait3A_252 : memref<!tpu.dma_semaphore, #tpu.memory_space<semaphore_mem>>) src(%arg8 : memref<128x8xf32, #tpu.memory_space<vmem>>) dst(%dma_wait3A_250 : memref<10112x8xf32, #tpu.memory_space<vmem_shared>>)
        %add3A_253 = arith.constant 8 : i32
        %add3A_254 = arith.addi %add3A_191, %add3A_253 : i32
        %dma_start3A_255 = arith.constant 2 : i32
        %dma_start3A_256 = arith.constant 0 : i32
        %dma_start3A_257 = tpu.memref_slice %arg7[%add3A_254, %dma_start3A_256] : memref<80x128xi32, #tpu.memory_space<vmem>> -> memref<1x128xi32, #tpu.memory_space<vmem>>
        %dma_start3A_258 = tpu.memref_squeeze %dma_start3A_257 : memref<1x128xi32, #tpu.memory_space<vmem>> -> memref<128xi32, #tpu.memory_space<vmem>>
        %dma_start3A_259 = arith.constant 0 : i32
        %dma_start3A_260 = arith.constant 0 : i32
        %dma_start3A_261 = tpu.memref_slice %arg6[%dma_start3A_259, %dma_start3A_260] : memref<10112x8xf32, #tpu.memory_space<vmem_shared>> -> memref<10112x8xf32, #tpu.memory_space<vmem_shared>>
        %dma_start3A_262 = tpu.memref_slice %arg9[%dma_start3A_255] : memref<8x!tpu.dma_semaphore, #tpu.memory_space<semaphore_mem>> -> memref<1x!tpu.dma_semaphore, #tpu.memory_space<semaphore_mem>>
        %dma_start3A_263 = tpu.memref_squeeze %dma_start3A_262 : memref<1x!tpu.dma_semaphore, #tpu.memory_space<semaphore_mem>> -> memref<!tpu.dma_semaphore, #tpu.memory_space<semaphore_mem>>
        tpu.enqueue_indirect_dma source(%arg8 : memref<128x8xf32, #tpu.memory_space<vmem>>) target(%dma_start3A_261 : memref<10112x8xf32, #tpu.memory_space<vmem_shared>>) offsets(%dma_start3A_258 : memref<128xi32, #tpu.memory_space<vmem>>) semaphore(%dma_start3A_263 : memref<!tpu.dma_semaphore, #tpu.memory_space<semaphore_mem>>) {add = true}
      } else {
      }
      %add3A_199 = arith.constant 3 : i32
      %add3A_200 = arith.addi %mul3A_174, %add3A_199 : i32
      %add3A_201 = arith.constant 8 : i32
      %add3A_202 = arith.addi %add3A_200, %add3A_201 : i32
      %lt3A_203 = arith.constant 80 : i32
      %lt3A_204 = arith.cmpi slt, %add3A_202, %lt3A_203 : i32
      %convert_element_type3A_205 = arith.extui %lt3A_204 : i1 to i32
      %cond3A_206 = arith.constant 0 : i32
      %cond3A_207 = arith.cmpi ne, %convert_element_type3A_205, %cond3A_206 : i32
      scf.if %cond3A_207 {
        %dma_wait3A_244 = arith.constant 3 : i32
        %dma_wait3A_245 = arith.constant 0 : i32
        %dma_wait3A_246 = tpu.memref_slice %arg7[%add3A_200, %dma_wait3A_245] : memref<80x128xi32, #tpu.memory_space<vmem>> -> memref<1x128xi32, #tpu.memory_space<vmem>>
        %dma_wait3A_247 = tpu.memref_squeeze %dma_wait3A_246 : memref<1x128xi32, #tpu.memory_space<vmem>> -> memref<128xi32, #tpu.memory_space<vmem>>
        %dma_wait3A_248 = arith.constant 0 : i32
        %dma_wait3A_249 = arith.constant 0 : i32
        %dma_wait3A_250 = tpu.memref_slice %arg6[%dma_wait3A_248, %dma_wait3A_249] : memref<10112x8xf32, #tpu.memory_space<vmem_shared>> -> memref<10112x8xf32, #tpu.memory_space<vmem_shared>>
        %dma_wait3A_251 = tpu.memref_slice %arg9[%dma_wait3A_244] : memref<8x!tpu.dma_semaphore, #tpu.memory_space<semaphore_mem>> -> memref<1x!tpu.dma_semaphore, #tpu.memory_space<semaphore_mem>>
        %dma_wait3A_252 = tpu.memref_squeeze %dma_wait3A_251 : memref<1x!tpu.dma_semaphore, #tpu.memory_space<semaphore_mem>> -> memref<!tpu.dma_semaphore, #tpu.memory_space<semaphore_mem>>
        tpu.wait_indirect_dma semaphore(%dma_wait3A_252 : memref<!tpu.dma_semaphore, #tpu.memory_space<semaphore_mem>>) src(%arg8 : memref<128x8xf32, #tpu.memory_space<vmem>>) dst(%dma_wait3A_250 : memref<10112x8xf32, #tpu.memory_space<vmem_shared>>)
        %add3A_253 = arith.constant 8 : i32
        %add3A_254 = arith.addi %add3A_200, %add3A_253 : i32
        %dma_start3A_255 = arith.constant 3 : i32
        %dma_start3A_256 = arith.constant 0 : i32
        %dma_start3A_257 = tpu.memref_slice %arg7[%add3A_254, %dma_start3A_256] : memref<80x128xi32, #tpu.memory_space<vmem>> -> memref<1x128xi32, #tpu.memory_space<vmem>>
        %dma_start3A_258 = tpu.memref_squeeze %dma_start3A_257 : memref<1x128xi32, #tpu.memory_space<vmem>> -> memref<128xi32, #tpu.memory_space<vmem>>
        %dma_start3A_259 = arith.constant 0 : i32
        %dma_start3A_260 = arith.constant 0 : i32
        %dma_start3A_261 = tpu.memref_slice %arg6[%dma_start3A_259, %dma_start3A_260] : memref<10112x8xf32, #tpu.memory_space<vmem_shared>> -> memref<10112x8xf32, #tpu.memory_space<vmem_shared>>
        %dma_start3A_262 = tpu.memref_slice %arg9[%dma_start3A_255] : memref<8x!tpu.dma_semaphore, #tpu.memory_space<semaphore_mem>> -> memref<1x!tpu.dma_semaphore, #tpu.memory_space<semaphore_mem>>
        %dma_start3A_263 = tpu.memref_squeeze %dma_start3A_262 : memref<1x!tpu.dma_semaphore, #tpu.memory_space<semaphore_mem>> -> memref<!tpu.dma_semaphore, #tpu.memory_space<semaphore_mem>>
        tpu.enqueue_indirect_dma source(%arg8 : memref<128x8xf32, #tpu.memory_space<vmem>>) target(%dma_start3A_261 : memref<10112x8xf32, #tpu.memory_space<vmem_shared>>) offsets(%dma_start3A_258 : memref<128xi32, #tpu.memory_space<vmem>>) semaphore(%dma_start3A_263 : memref<!tpu.dma_semaphore, #tpu.memory_space<semaphore_mem>>) {add = true}
      } else {
      }
      %add3A_208 = arith.constant 4 : i32
      %add3A_209 = arith.addi %mul3A_174, %add3A_208 : i32
      %add3A_210 = arith.constant 8 : i32
      %add3A_211 = arith.addi %add3A_209, %add3A_210 : i32
      %lt3A_212 = arith.constant 80 : i32
      %lt3A_213 = arith.cmpi slt, %add3A_211, %lt3A_212 : i32
      %convert_element_type3A_214 = arith.extui %lt3A_213 : i1 to i32
      %cond3A_215 = arith.constant 0 : i32
      %cond3A_216 = arith.cmpi ne, %convert_element_type3A_214, %cond3A_215 : i32
      scf.if %cond3A_216 {
        %dma_wait3A_244 = arith.constant 4 : i32
        %dma_wait3A_245 = arith.constant 0 : i32
        %dma_wait3A_246 = tpu.memref_slice %arg7[%add3A_209, %dma_wait3A_245] : memref<80x128xi32, #tpu.memory_space<vmem>> -> memref<1x128xi32, #tpu.memory_space<vmem>>
        %dma_wait3A_247 = tpu.memref_squeeze %dma_wait3A_246 : memref<1x128xi32, #tpu.memory_space<vmem>> -> memref<128xi32, #tpu.memory_space<vmem>>
        %dma_wait3A_248 = arith.constant 0 : i32
        %dma_wait3A_249 = arith.constant 0 : i32
        %dma_wait3A_250 = tpu.memref_slice %arg6[%dma_wait3A_248, %dma_wait3A_249] : memref<10112x8xf32, #tpu.memory_space<vmem_shared>> -> memref<10112x8xf32, #tpu.memory_space<vmem_shared>>
        %dma_wait3A_251 = tpu.memref_slice %arg9[%dma_wait3A_244] : memref<8x!tpu.dma_semaphore, #tpu.memory_space<semaphore_mem>> -> memref<1x!tpu.dma_semaphore, #tpu.memory_space<semaphore_mem>>
        %dma_wait3A_252 = tpu.memref_squeeze %dma_wait3A_251 : memref<1x!tpu.dma_semaphore, #tpu.memory_space<semaphore_mem>> -> memref<!tpu.dma_semaphore, #tpu.memory_space<semaphore_mem>>
        tpu.wait_indirect_dma semaphore(%dma_wait3A_252 : memref<!tpu.dma_semaphore, #tpu.memory_space<semaphore_mem>>) src(%arg8 : memref<128x8xf32, #tpu.memory_space<vmem>>) dst(%dma_wait3A_250 : memref<10112x8xf32, #tpu.memory_space<vmem_shared>>)
        %add3A_253 = arith.constant 8 : i32
        %add3A_254 = arith.addi %add3A_209, %add3A_253 : i32
        %dma_start3A_255 = arith.constant 4 : i32
        %dma_start3A_256 = arith.constant 0 : i32
        %dma_start3A_257 = tpu.memref_slice %arg7[%add3A_254, %dma_start3A_256] : memref<80x128xi32, #tpu.memory_space<vmem>> -> memref<1x128xi32, #tpu.memory_space<vmem>>
        %dma_start3A_258 = tpu.memref_squeeze %dma_start3A_257 : memref<1x128xi32, #tpu.memory_space<vmem>> -> memref<128xi32, #tpu.memory_space<vmem>>
        %dma_start3A_259 = arith.constant 0 : i32
        %dma_start3A_260 = arith.constant 0 : i32
        %dma_start3A_261 = tpu.memref_slice %arg6[%dma_start3A_259, %dma_start3A_260] : memref<10112x8xf32, #tpu.memory_space<vmem_shared>> -> memref<10112x8xf32, #tpu.memory_space<vmem_shared>>
        %dma_start3A_262 = tpu.memref_slice %arg9[%dma_start3A_255] : memref<8x!tpu.dma_semaphore, #tpu.memory_space<semaphore_mem>> -> memref<1x!tpu.dma_semaphore, #tpu.memory_space<semaphore_mem>>
        %dma_start3A_263 = tpu.memref_squeeze %dma_start3A_262 : memref<1x!tpu.dma_semaphore, #tpu.memory_space<semaphore_mem>> -> memref<!tpu.dma_semaphore, #tpu.memory_space<semaphore_mem>>
        tpu.enqueue_indirect_dma source(%arg8 : memref<128x8xf32, #tpu.memory_space<vmem>>) target(%dma_start3A_261 : memref<10112x8xf32, #tpu.memory_space<vmem_shared>>) offsets(%dma_start3A_258 : memref<128xi32, #tpu.memory_space<vmem>>) semaphore(%dma_start3A_263 : memref<!tpu.dma_semaphore, #tpu.memory_space<semaphore_mem>>) {add = true}
      } else {
      }
      %add3A_217 = arith.constant 5 : i32
      %add3A_218 = arith.addi %mul3A_174, %add3A_217 : i32
      %add3A_219 = arith.constant 8 : i32
      %add3A_220 = arith.addi %add3A_218, %add3A_219 : i32
      %lt3A_221 = arith.constant 80 : i32
      %lt3A_222 = arith.cmpi slt, %add3A_220, %lt3A_221 : i32
      %convert_element_type3A_223 = arith.extui %lt3A_222 : i1 to i32
      %cond3A_224 = arith.constant 0 : i32
      %cond3A_225 = arith.cmpi ne, %convert_element_type3A_223, %cond3A_224 : i32
      scf.if %cond3A_225 {
        %dma_wait3A_244 = arith.constant 5 : i32
        %dma_wait3A_245 = arith.constant 0 : i32
        %dma_wait3A_246 = tpu.memref_slice %arg7[%add3A_218, %dma_wait3A_245] : memref<80x128xi32, #tpu.memory_space<vmem>> -> memref<1x128xi32, #tpu.memory_space<vmem>>
        %dma_wait3A_247 = tpu.memref_squeeze %dma_wait3A_246 : memref<1x128xi32, #tpu.memory_space<vmem>> -> memref<128xi32, #tpu.memory_space<vmem>>
        %dma_wait3A_248 = arith.constant 0 : i32
        %dma_wait3A_249 = arith.constant 0 : i32
        %dma_wait3A_250 = tpu.memref_slice %arg6[%dma_wait3A_248, %dma_wait3A_249] : memref<10112x8xf32, #tpu.memory_space<vmem_shared>> -> memref<10112x8xf32, #tpu.memory_space<vmem_shared>>
        %dma_wait3A_251 = tpu.memref_slice %arg9[%dma_wait3A_244] : memref<8x!tpu.dma_semaphore, #tpu.memory_space<semaphore_mem>> -> memref<1x!tpu.dma_semaphore, #tpu.memory_space<semaphore_mem>>
        %dma_wait3A_252 = tpu.memref_squeeze %dma_wait3A_251 : memref<1x!tpu.dma_semaphore, #tpu.memory_space<semaphore_mem>> -> memref<!tpu.dma_semaphore, #tpu.memory_space<semaphore_mem>>
        tpu.wait_indirect_dma semaphore(%dma_wait3A_252 : memref<!tpu.dma_semaphore, #tpu.memory_space<semaphore_mem>>) src(%arg8 : memref<128x8xf32, #tpu.memory_space<vmem>>) dst(%dma_wait3A_250 : memref<10112x8xf32, #tpu.memory_space<vmem_shared>>)
        %add3A_253 = arith.constant 8 : i32
        %add3A_254 = arith.addi %add3A_218, %add3A_253 : i32
        %dma_start3A_255 = arith.constant 5 : i32
        %dma_start3A_256 = arith.constant 0 : i32
        %dma_start3A_257 = tpu.memref_slice %arg7[%add3A_254, %dma_start3A_256] : memref<80x128xi32, #tpu.memory_space<vmem>> -> memref<1x128xi32, #tpu.memory_space<vmem>>
        %dma_start3A_258 = tpu.memref_squeeze %dma_start3A_257 : memref<1x128xi32, #tpu.memory_space<vmem>> -> memref<128xi32, #tpu.memory_space<vmem>>
        %dma_start3A_259 = arith.constant 0 : i32
        %dma_start3A_260 = arith.constant 0 : i32
        %dma_start3A_261 = tpu.memref_slice %arg6[%dma_start3A_259, %dma_start3A_260] : memref<10112x8xf32, #tpu.memory_space<vmem_shared>> -> memref<10112x8xf32, #tpu.memory_space<vmem_shared>>
        %dma_start3A_262 = tpu.memref_slice %arg9[%dma_start3A_255] : memref<8x!tpu.dma_semaphore, #tpu.memory_space<semaphore_mem>> -> memref<1x!tpu.dma_semaphore, #tpu.memory_space<semaphore_mem>>
        %dma_start3A_263 = tpu.memref_squeeze %dma_start3A_262 : memref<1x!tpu.dma_semaphore, #tpu.memory_space<semaphore_mem>> -> memref<!tpu.dma_semaphore, #tpu.memory_space<semaphore_mem>>
        tpu.enqueue_indirect_dma source(%arg8 : memref<128x8xf32, #tpu.memory_space<vmem>>) target(%dma_start3A_261 : memref<10112x8xf32, #tpu.memory_space<vmem_shared>>) offsets(%dma_start3A_258 : memref<128xi32, #tpu.memory_space<vmem>>) semaphore(%dma_start3A_263 : memref<!tpu.dma_semaphore, #tpu.memory_space<semaphore_mem>>) {add = true}
      } else {
      }
      %add3A_226 = arith.constant 6 : i32
      %add3A_227 = arith.addi %mul3A_174, %add3A_226 : i32
      %add3A_228 = arith.constant 8 : i32
      %add3A_229 = arith.addi %add3A_227, %add3A_228 : i32
      %lt3A_230 = arith.constant 80 : i32
      %lt3A_231 = arith.cmpi slt, %add3A_229, %lt3A_230 : i32
      %convert_element_type3A_232 = arith.extui %lt3A_231 : i1 to i32
      %cond3A_233 = arith.constant 0 : i32
      %cond3A_234 = arith.cmpi ne, %convert_element_type3A_232, %cond3A_233 : i32
      scf.if %cond3A_234 {
        %dma_wait3A_244 = arith.constant 6 : i32
        %dma_wait3A_245 = arith.constant 0 : i32
        %dma_wait3A_246 = tpu.memref_slice %arg7[%add3A_227, %dma_wait3A_245] : memref<80x128xi32, #tpu.memory_space<vmem>> -> memref<1x128xi32, #tpu.memory_space<vmem>>
        %dma_wait3A_247 = tpu.memref_squeeze %dma_wait3A_246 : memref<1x128xi32, #tpu.memory_space<vmem>> -> memref<128xi32, #tpu.memory_space<vmem>>
        %dma_wait3A_248 = arith.constant 0 : i32
        %dma_wait3A_249 = arith.constant 0 : i32
        %dma_wait3A_250 = tpu.memref_slice %arg6[%dma_wait3A_248, %dma_wait3A_249] : memref<10112x8xf32, #tpu.memory_space<vmem_shared>> -> memref<10112x8xf32, #tpu.memory_space<vmem_shared>>
        %dma_wait3A_251 = tpu.memref_slice %arg9[%dma_wait3A_244] : memref<8x!tpu.dma_semaphore, #tpu.memory_space<semaphore_mem>> -> memref<1x!tpu.dma_semaphore, #tpu.memory_space<semaphore_mem>>
        %dma_wait3A_252 = tpu.memref_squeeze %dma_wait3A_251 : memref<1x!tpu.dma_semaphore, #tpu.memory_space<semaphore_mem>> -> memref<!tpu.dma_semaphore, #tpu.memory_space<semaphore_mem>>
        tpu.wait_indirect_dma semaphore(%dma_wait3A_252 : memref<!tpu.dma_semaphore, #tpu.memory_space<semaphore_mem>>) src(%arg8 : memref<128x8xf32, #tpu.memory_space<vmem>>) dst(%dma_wait3A_250 : memref<10112x8xf32, #tpu.memory_space<vmem_shared>>)
        %add3A_253 = arith.constant 8 : i32
        %add3A_254 = arith.addi %add3A_227, %add3A_253 : i32
        %dma_start3A_255 = arith.constant 6 : i32
        %dma_start3A_256 = arith.constant 0 : i32
        %dma_start3A_257 = tpu.memref_slice %arg7[%add3A_254, %dma_start3A_256] : memref<80x128xi32, #tpu.memory_space<vmem>> -> memref<1x128xi32, #tpu.memory_space<vmem>>
        %dma_start3A_258 = tpu.memref_squeeze %dma_start3A_257 : memref<1x128xi32, #tpu.memory_space<vmem>> -> memref<128xi32, #tpu.memory_space<vmem>>
        %dma_start3A_259 = arith.constant 0 : i32
        %dma_start3A_260 = arith.constant 0 : i32
        %dma_start3A_261 = tpu.memref_slice %arg6[%dma_start3A_259, %dma_start3A_260] : memref<10112x8xf32, #tpu.memory_space<vmem_shared>> -> memref<10112x8xf32, #tpu.memory_space<vmem_shared>>
        %dma_start3A_262 = tpu.memref_slice %arg9[%dma_start3A_255] : memref<8x!tpu.dma_semaphore, #tpu.memory_space<semaphore_mem>> -> memref<1x!tpu.dma_semaphore, #tpu.memory_space<semaphore_mem>>
        %dma_start3A_263 = tpu.memref_squeeze %dma_start3A_262 : memref<1x!tpu.dma_semaphore, #tpu.memory_space<semaphore_mem>> -> memref<!tpu.dma_semaphore, #tpu.memory_space<semaphore_mem>>
        tpu.enqueue_indirect_dma source(%arg8 : memref<128x8xf32, #tpu.memory_space<vmem>>) target(%dma_start3A_261 : memref<10112x8xf32, #tpu.memory_space<vmem_shared>>) offsets(%dma_start3A_258 : memref<128xi32, #tpu.memory_space<vmem>>) semaphore(%dma_start3A_263 : memref<!tpu.dma_semaphore, #tpu.memory_space<semaphore_mem>>) {add = true}
      } else {
      }
      %add3A_235 = arith.constant 7 : i32
      %add3A_236 = arith.addi %mul3A_174, %add3A_235 : i32
      %add3A_237 = arith.constant 8 : i32
      %add3A_238 = arith.addi %add3A_236, %add3A_237 : i32
      %lt3A_239 = arith.constant 80 : i32
      %lt3A_240 = arith.cmpi slt, %add3A_238, %lt3A_239 : i32
      %convert_element_type3A_241 = arith.extui %lt3A_240 : i1 to i32
      %cond3A_242 = arith.constant 0 : i32
      %cond3A_243 = arith.cmpi ne, %convert_element_type3A_241, %cond3A_242 : i32
      scf.if %cond3A_243 {
        %dma_wait3A_244 = arith.constant 7 : i32
        %dma_wait3A_245 = arith.constant 0 : i32
        %dma_wait3A_246 = tpu.memref_slice %arg7[%add3A_236, %dma_wait3A_245] : memref<80x128xi32, #tpu.memory_space<vmem>> -> memref<1x128xi32, #tpu.memory_space<vmem>>
        %dma_wait3A_247 = tpu.memref_squeeze %dma_wait3A_246 : memref<1x128xi32, #tpu.memory_space<vmem>> -> memref<128xi32, #tpu.memory_space<vmem>>
        %dma_wait3A_248 = arith.constant 0 : i32
        %dma_wait3A_249 = arith.constant 0 : i32
        %dma_wait3A_250 = tpu.memref_slice %arg6[%dma_wait3A_248, %dma_wait3A_249] : memref<10112x8xf32, #tpu.memory_space<vmem_shared>> -> memref<10112x8xf32, #tpu.memory_space<vmem_shared>>
        %dma_wait3A_251 = tpu.memref_slice %arg9[%dma_wait3A_244] : memref<8x!tpu.dma_semaphore, #tpu.memory_space<semaphore_mem>> -> memref<1x!tpu.dma_semaphore, #tpu.memory_space<semaphore_mem>>
        %dma_wait3A_252 = tpu.memref_squeeze %dma_wait3A_251 : memref<1x!tpu.dma_semaphore, #tpu.memory_space<semaphore_mem>> -> memref<!tpu.dma_semaphore, #tpu.memory_space<semaphore_mem>>
        tpu.wait_indirect_dma semaphore(%dma_wait3A_252 : memref<!tpu.dma_semaphore, #tpu.memory_space<semaphore_mem>>) src(%arg8 : memref<128x8xf32, #tpu.memory_space<vmem>>) dst(%dma_wait3A_250 : memref<10112x8xf32, #tpu.memory_space<vmem_shared>>)
        %add3A_253 = arith.constant 8 : i32
        %add3A_254 = arith.addi %add3A_236, %add3A_253 : i32
        %dma_start3A_255 = arith.constant 7 : i32
        %dma_start3A_256 = arith.constant 0 : i32
        %dma_start3A_257 = tpu.memref_slice %arg7[%add3A_254, %dma_start3A_256] : memref<80x128xi32, #tpu.memory_space<vmem>> -> memref<1x128xi32, #tpu.memory_space<vmem>>
        %dma_start3A_258 = tpu.memref_squeeze %dma_start3A_257 : memref<1x128xi32, #tpu.memory_space<vmem>> -> memref<128xi32, #tpu.memory_space<vmem>>
        %dma_start3A_259 = arith.constant 0 : i32
        %dma_start3A_260 = arith.constant 0 : i32
        %dma_start3A_261 = tpu.memref_slice %arg6[%dma_start3A_259, %dma_start3A_260] : memref<10112x8xf32, #tpu.memory_space<vmem_shared>> -> memref<10112x8xf32, #tpu.memory_space<vmem_shared>>
        %dma_start3A_262 = tpu.memref_slice %arg9[%dma_start3A_255] : memref<8x!tpu.dma_semaphore, #tpu.memory_space<semaphore_mem>> -> memref<1x!tpu.dma_semaphore, #tpu.memory_space<semaphore_mem>>
        %dma_start3A_263 = tpu.memref_squeeze %dma_start3A_262 : memref<1x!tpu.dma_semaphore, #tpu.memory_space<semaphore_mem>> -> memref<!tpu.dma_semaphore, #tpu.memory_space<semaphore_mem>>
        tpu.enqueue_indirect_dma source(%arg8 : memref<128x8xf32, #tpu.memory_space<vmem>>) target(%dma_start3A_261 : memref<10112x8xf32, #tpu.memory_space<vmem_shared>>) offsets(%dma_start3A_258 : memref<128xi32, #tpu.memory_space<vmem>>) semaphore(%dma_start3A_263 : memref<!tpu.dma_semaphore, #tpu.memory_space<semaphore_mem>>) {add = true}
      } else {
      }
    }
    %scan3A_87 = arith.constant 10 : i32
    %dma_wait3A = arith.constant 72 : i32
    %dma_wait3A_88 = arith.constant 0 : i32
    %dma_wait3A_89 = arith.constant 0 : i32
    %dma_wait3A_90 = tpu.memref_slice %arg7[%dma_wait3A, %dma_wait3A_89] : memref<80x128xi32, #tpu.memory_space<vmem>> -> memref<1x128xi32, #tpu.memory_space<vmem>>
    %dma_wait3A_91 = tpu.memref_squeeze %dma_wait3A_90 : memref<1x128xi32, #tpu.memory_space<vmem>> -> memref<128xi32, #tpu.memory_space<vmem>>
    %dma_wait3A_92 = arith.constant 0 : i32
    %dma_wait3A_93 = arith.constant 0 : i32
    %dma_wait3A_94 = tpu.memref_slice %arg6[%dma_wait3A_92, %dma_wait3A_93] : memref<10112x8xf32, #tpu.memory_space<vmem_shared>> -> memref<10112x8xf32, #tpu.memory_space<vmem_shared>>
    %dma_wait3A_95 = tpu.memref_slice %arg9[%dma_wait3A_88] : memref<8x!tpu.dma_semaphore, #tpu.memory_space<semaphore_mem>> -> memref<1x!tpu.dma_semaphore, #tpu.memory_space<semaphore_mem>>
    %dma_wait3A_96 = tpu.memref_squeeze %dma_wait3A_95 : memref<1x!tpu.dma_semaphore, #tpu.memory_space<semaphore_mem>> -> memref<!tpu.dma_semaphore, #tpu.memory_space<semaphore_mem>>
    tpu.wait_indirect_dma semaphore(%dma_wait3A_96 : memref<!tpu.dma_semaphore, #tpu.memory_space<semaphore_mem>>) src(%arg8 : memref<128x8xf32, #tpu.memory_space<vmem>>) dst(%dma_wait3A_94 : memref<10112x8xf32, #tpu.memory_space<vmem_shared>>)
    %dma_wait3A_97 = arith.constant 73 : i32
    %dma_wait3A_98 = arith.constant 1 : i32
    %dma_wait3A_99 = arith.constant 0 : i32
    %dma_wait3A_100 = tpu.memref_slice %arg7[%dma_wait3A_97, %dma_wait3A_99] : memref<80x128xi32, #tpu.memory_space<vmem>> -> memref<1x128xi32, #tpu.memory_space<vmem>>
    %dma_wait3A_101 = tpu.memref_squeeze %dma_wait3A_100 : memref<1x128xi32, #tpu.memory_space<vmem>> -> memref<128xi32, #tpu.memory_space<vmem>>
    %dma_wait3A_102 = arith.constant 0 : i32
    %dma_wait3A_103 = arith.constant 0 : i32
    %dma_wait3A_104 = tpu.memref_slice %arg6[%dma_wait3A_102, %dma_wait3A_103] : memref<10112x8xf32, #tpu.memory_space<vmem_shared>> -> memref<10112x8xf32, #tpu.memory_space<vmem_shared>>
    %dma_wait3A_105 = tpu.memref_slice %arg9[%dma_wait3A_98] : memref<8x!tpu.dma_semaphore, #tpu.memory_space<semaphore_mem>> -> memref<1x!tpu.dma_semaphore, #tpu.memory_space<semaphore_mem>>
    %dma_wait3A_106 = tpu.memref_squeeze %dma_wait3A_105 : memref<1x!tpu.dma_semaphore, #tpu.memory_space<semaphore_mem>> -> memref<!tpu.dma_semaphore, #tpu.memory_space<semaphore_mem>>
    tpu.wait_indirect_dma semaphore(%dma_wait3A_106 : memref<!tpu.dma_semaphore, #tpu.memory_space<semaphore_mem>>) src(%arg8 : memref<128x8xf32, #tpu.memory_space<vmem>>) dst(%dma_wait3A_104 : memref<10112x8xf32, #tpu.memory_space<vmem_shared>>)
    %dma_wait3A_107 = arith.constant 74 : i32
    %dma_wait3A_108 = arith.constant 2 : i32
    %dma_wait3A_109 = arith.constant 0 : i32
    %dma_wait3A_110 = tpu.memref_slice %arg7[%dma_wait3A_107, %dma_wait3A_109] : memref<80x128xi32, #tpu.memory_space<vmem>> -> memref<1x128xi32, #tpu.memory_space<vmem>>
    %dma_wait3A_111 = tpu.memref_squeeze %dma_wait3A_110 : memref<1x128xi32, #tpu.memory_space<vmem>> -> memref<128xi32, #tpu.memory_space<vmem>>
    %dma_wait3A_112 = arith.constant 0 : i32
    %dma_wait3A_113 = arith.constant 0 : i32
    %dma_wait3A_114 = tpu.memref_slice %arg6[%dma_wait3A_112, %dma_wait3A_113] : memref<10112x8xf32, #tpu.memory_space<vmem_shared>> -> memref<10112x8xf32, #tpu.memory_space<vmem_shared>>
    %dma_wait3A_115 = tpu.memref_slice %arg9[%dma_wait3A_108] : memref<8x!tpu.dma_semaphore, #tpu.memory_space<semaphore_mem>> -> memref<1x!tpu.dma_semaphore, #tpu.memory_space<semaphore_mem>>
    %dma_wait3A_116 = tpu.memref_squeeze %dma_wait3A_115 : memref<1x!tpu.dma_semaphore, #tpu.memory_space<semaphore_mem>> -> memref<!tpu.dma_semaphore, #tpu.memory_space<semaphore_mem>>
    tpu.wait_indirect_dma semaphore(%dma_wait3A_116 : memref<!tpu.dma_semaphore, #tpu.memory_space<semaphore_mem>>) src(%arg8 : memref<128x8xf32, #tpu.memory_space<vmem>>) dst(%dma_wait3A_114 : memref<10112x8xf32, #tpu.memory_space<vmem_shared>>)
    %dma_wait3A_117 = arith.constant 75 : i32
    %dma_wait3A_118 = arith.constant 3 : i32
    %dma_wait3A_119 = arith.constant 0 : i32
    %dma_wait3A_120 = tpu.memref_slice %arg7[%dma_wait3A_117, %dma_wait3A_119] : memref<80x128xi32, #tpu.memory_space<vmem>> -> memref<1x128xi32, #tpu.memory_space<vmem>>
    %dma_wait3A_121 = tpu.memref_squeeze %dma_wait3A_120 : memref<1x128xi32, #tpu.memory_space<vmem>> -> memref<128xi32, #tpu.memory_space<vmem>>
    %dma_wait3A_122 = arith.constant 0 : i32
    %dma_wait3A_123 = arith.constant 0 : i32
    %dma_wait3A_124 = tpu.memref_slice %arg6[%dma_wait3A_122, %dma_wait3A_123] : memref<10112x8xf32, #tpu.memory_space<vmem_shared>> -> memref<10112x8xf32, #tpu.memory_space<vmem_shared>>
    %dma_wait3A_125 = tpu.memref_slice %arg9[%dma_wait3A_118] : memref<8x!tpu.dma_semaphore, #tpu.memory_space<semaphore_mem>> -> memref<1x!tpu.dma_semaphore, #tpu.memory_space<semaphore_mem>>
    %dma_wait3A_126 = tpu.memref_squeeze %dma_wait3A_125 : memref<1x!tpu.dma_semaphore, #tpu.memory_space<semaphore_mem>> -> memref<!tpu.dma_semaphore, #tpu.memory_space<semaphore_mem>>
    tpu.wait_indirect_dma semaphore(%dma_wait3A_126 : memref<!tpu.dma_semaphore, #tpu.memory_space<semaphore_mem>>) src(%arg8 : memref<128x8xf32, #tpu.memory_space<vmem>>) dst(%dma_wait3A_124 : memref<10112x8xf32, #tpu.memory_space<vmem_shared>>)
    %dma_wait3A_127 = arith.constant 76 : i32
    %dma_wait3A_128 = arith.constant 4 : i32
    %dma_wait3A_129 = arith.constant 0 : i32
    %dma_wait3A_130 = tpu.memref_slice %arg7[%dma_wait3A_127, %dma_wait3A_129] : memref<80x128xi32, #tpu.memory_space<vmem>> -> memref<1x128xi32, #tpu.memory_space<vmem>>
    %dma_wait3A_131 = tpu.memref_squeeze %dma_wait3A_130 : memref<1x128xi32, #tpu.memory_space<vmem>> -> memref<128xi32, #tpu.memory_space<vmem>>
    %dma_wait3A_132 = arith.constant 0 : i32
    %dma_wait3A_133 = arith.constant 0 : i32
    %dma_wait3A_134 = tpu.memref_slice %arg6[%dma_wait3A_132, %dma_wait3A_133] : memref<10112x8xf32, #tpu.memory_space<vmem_shared>> -> memref<10112x8xf32, #tpu.memory_space<vmem_shared>>
    %dma_wait3A_135 = tpu.memref_slice %arg9[%dma_wait3A_128] : memref<8x!tpu.dma_semaphore, #tpu.memory_space<semaphore_mem>> -> memref<1x!tpu.dma_semaphore, #tpu.memory_space<semaphore_mem>>
    %dma_wait3A_136 = tpu.memref_squeeze %dma_wait3A_135 : memref<1x!tpu.dma_semaphore, #tpu.memory_space<semaphore_mem>> -> memref<!tpu.dma_semaphore, #tpu.memory_space<semaphore_mem>>
    tpu.wait_indirect_dma semaphore(%dma_wait3A_136 : memref<!tpu.dma_semaphore, #tpu.memory_space<semaphore_mem>>) src(%arg8 : memref<128x8xf32, #tpu.memory_space<vmem>>) dst(%dma_wait3A_134 : memref<10112x8xf32, #tpu.memory_space<vmem_shared>>)
    %dma_wait3A_137 = arith.constant 77 : i32
    %dma_wait3A_138 = arith.constant 5 : i32
    %dma_wait3A_139 = arith.constant 0 : i32
    %dma_wait3A_140 = tpu.memref_slice %arg7[%dma_wait3A_137, %dma_wait3A_139] : memref<80x128xi32, #tpu.memory_space<vmem>> -> memref<1x128xi32, #tpu.memory_space<vmem>>
    %dma_wait3A_141 = tpu.memref_squeeze %dma_wait3A_140 : memref<1x128xi32, #tpu.memory_space<vmem>> -> memref<128xi32, #tpu.memory_space<vmem>>
    %dma_wait3A_142 = arith.constant 0 : i32
    %dma_wait3A_143 = arith.constant 0 : i32
    %dma_wait3A_144 = tpu.memref_slice %arg6[%dma_wait3A_142, %dma_wait3A_143] : memref<10112x8xf32, #tpu.memory_space<vmem_shared>> -> memref<10112x8xf32, #tpu.memory_space<vmem_shared>>
    %dma_wait3A_145 = tpu.memref_slice %arg9[%dma_wait3A_138] : memref<8x!tpu.dma_semaphore, #tpu.memory_space<semaphore_mem>> -> memref<1x!tpu.dma_semaphore, #tpu.memory_space<semaphore_mem>>
    %dma_wait3A_146 = tpu.memref_squeeze %dma_wait3A_145 : memref<1x!tpu.dma_semaphore, #tpu.memory_space<semaphore_mem>> -> memref<!tpu.dma_semaphore, #tpu.memory_space<semaphore_mem>>
    tpu.wait_indirect_dma semaphore(%dma_wait3A_146 : memref<!tpu.dma_semaphore, #tpu.memory_space<semaphore_mem>>) src(%arg8 : memref<128x8xf32, #tpu.memory_space<vmem>>) dst(%dma_wait3A_144 : memref<10112x8xf32, #tpu.memory_space<vmem_shared>>)
    %dma_wait3A_147 = arith.constant 78 : i32
    %dma_wait3A_148 = arith.constant 6 : i32
    %dma_wait3A_149 = arith.constant 0 : i32
    %dma_wait3A_150 = tpu.memref_slice %arg7[%dma_wait3A_147, %dma_wait3A_149] : memref<80x128xi32, #tpu.memory_space<vmem>> -> memref<1x128xi32, #tpu.memory_space<vmem>>
    %dma_wait3A_151 = tpu.memref_squeeze %dma_wait3A_150 : memref<1x128xi32, #tpu.memory_space<vmem>> -> memref<128xi32, #tpu.memory_space<vmem>>
    %dma_wait3A_152 = arith.constant 0 : i32
    %dma_wait3A_153 = arith.constant 0 : i32
    %dma_wait3A_154 = tpu.memref_slice %arg6[%dma_wait3A_152, %dma_wait3A_153] : memref<10112x8xf32, #tpu.memory_space<vmem_shared>> -> memref<10112x8xf32, #tpu.memory_space<vmem_shared>>
    %dma_wait3A_155 = tpu.memref_slice %arg9[%dma_wait3A_148] : memref<8x!tpu.dma_semaphore, #tpu.memory_space<semaphore_mem>> -> memref<1x!tpu.dma_semaphore, #tpu.memory_space<semaphore_mem>>
    %dma_wait3A_156 = tpu.memref_squeeze %dma_wait3A_155 : memref<1x!tpu.dma_semaphore, #tpu.memory_space<semaphore_mem>> -> memref<!tpu.dma_semaphore, #tpu.memory_space<semaphore_mem>>
    tpu.wait_indirect_dma semaphore(%dma_wait3A_156 : memref<!tpu.dma_semaphore, #tpu.memory_space<semaphore_mem>>) src(%arg8 : memref<128x8xf32, #tpu.memory_space<vmem>>) dst(%dma_wait3A_154 : memref<10112x8xf32, #tpu.memory_space<vmem_shared>>)
    %dma_wait3A_157 = arith.constant 79 : i32
    %dma_wait3A_158 = arith.constant 7 : i32
    %dma_wait3A_159 = arith.constant 0 : i32
    %dma_wait3A_160 = tpu.memref_slice %arg7[%dma_wait3A_157, %dma_wait3A_159] : memref<80x128xi32, #tpu.memory_space<vmem>> -> memref<1x128xi32, #tpu.memory_space<vmem>>
    %dma_wait3A_161 = tpu.memref_squeeze %dma_wait3A_160 : memref<1x128xi32, #tpu.memory_space<vmem>> -> memref<128xi32, #tpu.memory_space<vmem>>
    %dma_wait3A_162 = arith.constant 0 : i32
    %dma_wait3A_163 = arith.constant 0 : i32
    %dma_wait3A_164 = tpu.memref_slice %arg6[%dma_wait3A_162, %dma_wait3A_163] : memref<10112x8xf32, #tpu.memory_space<vmem_shared>> -> memref<10112x8xf32, #tpu.memory_space<vmem_shared>>
    %dma_wait3A_165 = tpu.memref_slice %arg9[%dma_wait3A_158] : memref<8x!tpu.dma_semaphore, #tpu.memory_space<semaphore_mem>> -> memref<1x!tpu.dma_semaphore, #tpu.memory_space<semaphore_mem>>
    %dma_wait3A_166 = tpu.memref_squeeze %dma_wait3A_165 : memref<1x!tpu.dma_semaphore, #tpu.memory_space<semaphore_mem>> -> memref<!tpu.dma_semaphore, #tpu.memory_space<semaphore_mem>>
    tpu.wait_indirect_dma semaphore(%dma_wait3A_166 : memref<!tpu.dma_semaphore, #tpu.memory_space<semaphore_mem>>) src(%arg8 : memref<128x8xf32, #tpu.memory_space<vmem>>) dst(%dma_wait3A_164 : memref<10112x8xf32, #tpu.memory_space<vmem_shared>>)
    %barrier3A_167 = arith.constant 0 : index
    tpu.barrier barrier_id(%barrier3A_167)
    %mul3A_168 = arith.constant 632 : i32
    %mul3A_169 = arith.muli %arg1, %mul3A_168 : i32
    %mul3A_170 = arith.constant 632 : i32
    %mul3A_171 = arith.muli %arg1, %mul3A_170 : i32
    "tpu.region"() ({
      %run_scoped3A = tpu.sem_alloc : memref<!tpu.dma_semaphore, #tpu.memory_space<semaphore_mem>>
      %dma_start3A_172 = arith.constant 0 : i32
      %dma_start3A_173 = arith.constant 0 : i32
      %dma_start3A_174 = tpu.memref_slice %arg5[%arg0, %dma_start3A_172, %dma_start3A_173] : memref<2x10112x8xf32, #tpu.memory_space<hbm>> -> memref<1x10112x8xf32, #tpu.memory_space<hbm>>
      %dma_start3A_175 = tpu.memref_squeeze %dma_start3A_174 : memref<1x10112x8xf32, #tpu.memory_space<hbm>> -> memref<10112x8xf32, #tpu.memory_space<hbm>>
      %dma_start3A_176 = arith.constant 0 : i32
      %dma_start3A_177 = tpu.memref_slice %dma_start3A_175[%mul3A_171, %dma_start3A_176] : memref<10112x8xf32, #tpu.memory_space<hbm>> -> memref<632x8xf32, #tpu.memory_space<hbm>>
      %dma_start3A_178 = arith.constant 0 : i32
      %dma_start3A_179 = tpu.memref_slice %arg6[%mul3A_169, %dma_start3A_178] : memref<10112x8xf32, #tpu.memory_space<vmem_shared>> -> memref<632x8xf32, #tpu.memory_space<vmem_shared>>
      tpu.enqueue_dma source(%dma_start3A_179 : memref<632x8xf32, #tpu.memory_space<vmem_shared>>) target(%dma_start3A_177 : memref<632x8xf32, #tpu.memory_space<hbm>>) target_semaphore(%run_scoped3A : memref<!tpu.dma_semaphore, #tpu.memory_space<semaphore_mem>>)
      %dma_wait3A_180 = arith.constant 0 : i32
      %dma_wait3A_181 = arith.constant 0 : i32
      %dma_wait3A_182 = tpu.memref_slice %arg5[%arg0, %dma_wait3A_180, %dma_wait3A_181] : memref<2x10112x8xf32, #tpu.memory_space<hbm>> -> memref<1x10112x8xf32, #tpu.memory_space<hbm>>
      %dma_wait3A_183 = tpu.memref_squeeze %dma_wait3A_182 : memref<1x10112x8xf32, #tpu.memory_space<hbm>> -> memref<10112x8xf32, #tpu.memory_space<hbm>>
      %dma_wait3A_184 = arith.constant 0 : i32
      %dma_wait3A_185 = tpu.memref_slice %dma_wait3A_183[%mul3A_171, %dma_wait3A_184] : memref<10112x8xf32, #tpu.memory_space<hbm>> -> memref<632x8xf32, #tpu.memory_space<hbm>>
      %dma_wait3A_186 = arith.constant 0 : i32
      %dma_wait3A_187 = tpu.memref_slice %arg6[%mul3A_169, %dma_wait3A_186] : memref<10112x8xf32, #tpu.memory_space<vmem_shared>> -> memref<632x8xf32, #tpu.memory_space<vmem_shared>>
      tpu.wait_dma2 semaphore(%run_scoped3A : memref<!tpu.dma_semaphore, #tpu.memory_space<semaphore_mem>>) src(%dma_wait3A_187 : memref<632x8xf32, #tpu.memory_space<vmem_shared>>) dst(%dma_wait3A_185 : memref<632x8xf32, #tpu.memory_space<hbm>>)
      tpu.yield
    }) : () -> ()
    return
  }
}

#map = affine_map<(d0, d1) -> (0, 0)>
#map1 = affine_map<(d0, d1) -> (0, 0, 0)>
module attributes {stable_mosaic.version = 14 : i64} {
  func.func @k(%arg0: i32, %arg1: i32, %arg2: memref<10000x16xf32, #tpu.memory_space<hbm>>, %arg3: memref<32x80x128xi32, #tpu.memory_space<hbm>>, %arg4: memref<32x80x128xi32, #tpu.memory_space<hbm>>, %arg5: memref<10112x16xf32, #tpu.memory_space<hbm>>, %arg6: memref<2x10112x16xf32, #tpu.memory_space<hbm>>, %arg7: memref<10112x16xf32, #tpu.memory_space<vmem_shared>>, %arg8: memref<80x128xi32, #tpu.memory_space<vmem>>, %arg9: memref<80x128xi32, #tpu.memory_space<vmem>>, %arg10: memref<8x128x16xf32, #tpu.memory_space<vmem>>, %arg11: memref<8x!tpu.dma_semaphore, #tpu.memory_space<semaphore_mem>>, %arg12: memref<8x!tpu.dma_semaphore, #tpu.memory_space<semaphore_mem>>) attributes {dimension_semantics = [#tpu.dimension_semantics<core_parallel>, #tpu.dimension_semantics<subcore_parallel>], iteration_bounds = array<i64: 2, 16>, scalar_prefetch = 0 : i64, scratch_operands = 6 : i64, tpu.core_type = #tpu.core_type<sc_vector_subcore>, window_params = [{transform_indices = #map}, {transform_indices = #map1}, {transform_indices = #map1}, {transform_indices = #map}, {transform_indices = #map1}]} {
    %mul3A = arith.constant 2 : i32
    %mul3A_0 = arith.muli %arg1, %mul3A : i32
    %add3A = arith.addi %mul3A_0, %arg0 : i32
    %mul3A_1 = arith.constant 632 : i32
    %mul3A_2 = arith.muli %arg1, %mul3A_1 : i32
    %mul3A_3 = arith.constant 632 : i32
    %mul3A_4 = arith.muli %arg1, %mul3A_3 : i32
    "tpu.region"() ({
      %run_scoped3A = tpu.sem_alloc : memref<!tpu.dma_semaphore, #tpu.memory_space<semaphore_mem>>
      %dma_start3A_252 = arith.constant 0 : i32
      %dma_start3A_253 = tpu.memref_slice %arg7[%mul3A_4, %dma_start3A_252] : memref<10112x16xf32, #tpu.memory_space<vmem_shared>> -> memref<632x16xf32, #tpu.memory_space<vmem_shared>>
      %dma_start3A_254 = arith.constant 0 : i32
      %dma_start3A_255 = tpu.memref_slice %arg5[%mul3A_2, %dma_start3A_254] : memref<10112x16xf32, #tpu.memory_space<hbm>> -> memref<632x16xf32, #tpu.memory_space<hbm>>
      tpu.enqueue_dma source(%dma_start3A_255 : memref<632x16xf32, #tpu.memory_space<hbm>>) target(%dma_start3A_253 : memref<632x16xf32, #tpu.memory_space<vmem_shared>>) target_semaphore(%run_scoped3A : memref<!tpu.dma_semaphore, #tpu.memory_space<semaphore_mem>>)
      %dma_wait3A_256 = arith.constant 0 : i32
      %dma_wait3A_257 = tpu.memref_slice %arg7[%mul3A_4, %dma_wait3A_256] : memref<10112x16xf32, #tpu.memory_space<vmem_shared>> -> memref<632x16xf32, #tpu.memory_space<vmem_shared>>
      %dma_wait3A_258 = arith.constant 0 : i32
      %dma_wait3A_259 = tpu.memref_slice %arg5[%mul3A_2, %dma_wait3A_258] : memref<10112x16xf32, #tpu.memory_space<hbm>> -> memref<632x16xf32, #tpu.memory_space<hbm>>
      tpu.wait_dma2 semaphore(%run_scoped3A : memref<!tpu.dma_semaphore, #tpu.memory_space<semaphore_mem>>) src(%dma_wait3A_259 : memref<632x16xf32, #tpu.memory_space<hbm>>) dst(%dma_wait3A_257 : memref<632x16xf32, #tpu.memory_space<vmem_shared>>)
      tpu.yield
    }) : () -> ()
    "tpu.region"() ({
      %run_scoped3A = tpu.sem_alloc : memref<!tpu.dma_semaphore, #tpu.memory_space<semaphore_mem>>
      %dma_start3A_252 = arith.constant 0 : i32
      %dma_start3A_253 = arith.constant 0 : i32
      %dma_start3A_254 = tpu.memref_slice %arg3[%add3A, %dma_start3A_252, %dma_start3A_253] : memref<32x80x128xi32, #tpu.memory_space<hbm>> -> memref<1x80x128xi32, #tpu.memory_space<hbm>>
      %dma_start3A_255 = tpu.memref_squeeze %dma_start3A_254 : memref<1x80x128xi32, #tpu.memory_space<hbm>> -> memref<80x128xi32, #tpu.memory_space<hbm>>
      %dma_start3A_256 = arith.constant 0 : i32
      %dma_start3A_257 = arith.constant 0 : i32
      %dma_start3A_258 = tpu.memref_slice %arg3[%add3A, %dma_start3A_256, %dma_start3A_257] : memref<32x80x128xi32, #tpu.memory_space<hbm>> -> memref<1x80x128xi32, #tpu.memory_space<hbm>>
      %dma_start3A_259 = tpu.memref_squeeze %dma_start3A_258 : memref<1x80x128xi32, #tpu.memory_space<hbm>> -> memref<80x128xi32, #tpu.memory_space<hbm>>
      tpu.enqueue_dma source(%dma_start3A_259 : memref<80x128xi32, #tpu.memory_space<hbm>>) target(%arg8 : memref<80x128xi32, #tpu.memory_space<vmem>>) target_semaphore(%run_scoped3A : memref<!tpu.dma_semaphore, #tpu.memory_space<semaphore_mem>>)
      %dma_wait3A_260 = arith.constant 0 : i32
      %dma_wait3A_261 = arith.constant 0 : i32
      %dma_wait3A_262 = tpu.memref_slice %arg3[%add3A, %dma_wait3A_260, %dma_wait3A_261] : memref<32x80x128xi32, #tpu.memory_space<hbm>> -> memref<1x80x128xi32, #tpu.memory_space<hbm>>
      %dma_wait3A_263 = tpu.memref_squeeze %dma_wait3A_262 : memref<1x80x128xi32, #tpu.memory_space<hbm>> -> memref<80x128xi32, #tpu.memory_space<hbm>>
      %dma_wait3A_264 = arith.constant 0 : i32
      %dma_wait3A_265 = arith.constant 0 : i32
      %dma_wait3A_266 = tpu.memref_slice %arg3[%add3A, %dma_wait3A_264, %dma_wait3A_265] : memref<32x80x128xi32, #tpu.memory_space<hbm>> -> memref<1x80x128xi32, #tpu.memory_space<hbm>>
      %dma_wait3A_267 = tpu.memref_squeeze %dma_wait3A_266 : memref<1x80x128xi32, #tpu.memory_space<hbm>> -> memref<80x128xi32, #tpu.memory_space<hbm>>
      tpu.wait_dma2 semaphore(%run_scoped3A : memref<!tpu.dma_semaphore, #tpu.memory_space<semaphore_mem>>) src(%dma_wait3A_267 : memref<80x128xi32, #tpu.memory_space<hbm>>) dst(%arg8 : memref<80x128xi32, #tpu.memory_space<vmem>>)
      tpu.yield
    }) : () -> ()
    "tpu.region"() ({
      %run_scoped3A = tpu.sem_alloc : memref<!tpu.dma_semaphore, #tpu.memory_space<semaphore_mem>>
      %dma_start3A_252 = arith.constant 0 : i32
      %dma_start3A_253 = arith.constant 0 : i32
      %dma_start3A_254 = tpu.memref_slice %arg4[%add3A, %dma_start3A_252, %dma_start3A_253] : memref<32x80x128xi32, #tpu.memory_space<hbm>> -> memref<1x80x128xi32, #tpu.memory_space<hbm>>
      %dma_start3A_255 = tpu.memref_squeeze %dma_start3A_254 : memref<1x80x128xi32, #tpu.memory_space<hbm>> -> memref<80x128xi32, #tpu.memory_space<hbm>>
      %dma_start3A_256 = arith.constant 0 : i32
      %dma_start3A_257 = arith.constant 0 : i32
      %dma_start3A_258 = tpu.memref_slice %arg4[%add3A, %dma_start3A_256, %dma_start3A_257] : memref<32x80x128xi32, #tpu.memory_space<hbm>> -> memref<1x80x128xi32, #tpu.memory_space<hbm>>
      %dma_start3A_259 = tpu.memref_squeeze %dma_start3A_258 : memref<1x80x128xi32, #tpu.memory_space<hbm>> -> memref<80x128xi32, #tpu.memory_space<hbm>>
      tpu.enqueue_dma source(%dma_start3A_259 : memref<80x128xi32, #tpu.memory_space<hbm>>) target(%arg9 : memref<80x128xi32, #tpu.memory_space<vmem>>) target_semaphore(%run_scoped3A : memref<!tpu.dma_semaphore, #tpu.memory_space<semaphore_mem>>)
      %dma_wait3A_260 = arith.constant 0 : i32
      %dma_wait3A_261 = arith.constant 0 : i32
      %dma_wait3A_262 = tpu.memref_slice %arg4[%add3A, %dma_wait3A_260, %dma_wait3A_261] : memref<32x80x128xi32, #tpu.memory_space<hbm>> -> memref<1x80x128xi32, #tpu.memory_space<hbm>>
      %dma_wait3A_263 = tpu.memref_squeeze %dma_wait3A_262 : memref<1x80x128xi32, #tpu.memory_space<hbm>> -> memref<80x128xi32, #tpu.memory_space<hbm>>
      %dma_wait3A_264 = arith.constant 0 : i32
      %dma_wait3A_265 = arith.constant 0 : i32
      %dma_wait3A_266 = tpu.memref_slice %arg4[%add3A, %dma_wait3A_264, %dma_wait3A_265] : memref<32x80x128xi32, #tpu.memory_space<hbm>> -> memref<1x80x128xi32, #tpu.memory_space<hbm>>
      %dma_wait3A_267 = tpu.memref_squeeze %dma_wait3A_266 : memref<1x80x128xi32, #tpu.memory_space<hbm>> -> memref<80x128xi32, #tpu.memory_space<hbm>>
      tpu.wait_dma2 semaphore(%run_scoped3A : memref<!tpu.dma_semaphore, #tpu.memory_space<semaphore_mem>>) src(%dma_wait3A_267 : memref<80x128xi32, #tpu.memory_space<hbm>>) dst(%arg9 : memref<80x128xi32, #tpu.memory_space<vmem>>)
      tpu.yield
    }) : () -> ()
    %barrier3A = arith.constant 0 : index
    tpu.barrier barrier_id(%barrier3A)
    %dma_start3A = arith.constant 0 : i32
    %dma_start3A_5 = arith.constant 0 : i32
    %dma_start3A_6 = arith.constant 0 : i32
    %dma_start3A_7 = arith.constant 0 : i32
    %dma_start3A_8 = arith.constant 0 : i32
    %dma_start3A_9 = tpu.memref_slice %arg10[%dma_start3A_5, %dma_start3A_7, %dma_start3A_8] : memref<8x128x16xf32, #tpu.memory_space<vmem>> -> memref<1x128x16xf32, #tpu.memory_space<vmem>>
    %dma_start3A_10 = tpu.memref_squeeze %dma_start3A_9 : memref<1x128x16xf32, #tpu.memory_space<vmem>> -> memref<128x16xf32, #tpu.memory_space<vmem>>
    %dma_start3A_11 = arith.constant 0 : i32
    %dma_start3A_12 = tpu.memref_slice %arg8[%dma_start3A, %dma_start3A_11] : memref<80x128xi32, #tpu.memory_space<vmem>> -> memref<1x128xi32, #tpu.memory_space<vmem>>
    %dma_start3A_13 = tpu.memref_squeeze %dma_start3A_12 : memref<1x128xi32, #tpu.memory_space<vmem>> -> memref<128xi32, #tpu.memory_space<vmem>>
    %dma_start3A_14 = arith.constant 0 : i32
    %dma_start3A_15 = arith.constant 0 : i32
    %dma_start3A_16 = tpu.memref_slice %arg2[%dma_start3A_14, %dma_start3A_15] : memref<10000x16xf32, #tpu.memory_space<hbm>> -> memref<10000x16xf32, #tpu.memory_space<hbm>>
    %dma_start3A_17 = tpu.memref_slice %arg11[%dma_start3A_6] : memref<8x!tpu.dma_semaphore, #tpu.memory_space<semaphore_mem>> -> memref<1x!tpu.dma_semaphore, #tpu.memory_space<semaphore_mem>>
    %dma_start3A_18 = tpu.memref_squeeze %dma_start3A_17 : memref<1x!tpu.dma_semaphore, #tpu.memory_space<semaphore_mem>> -> memref<!tpu.dma_semaphore, #tpu.memory_space<semaphore_mem>>
    tpu.enqueue_indirect_dma source(%dma_start3A_16 : memref<10000x16xf32, #tpu.memory_space<hbm>>) target(%dma_start3A_10 : memref<128x16xf32, #tpu.memory_space<vmem>>) offsets(%dma_start3A_13 : memref<128xi32, #tpu.memory_space<vmem>>) semaphore(%dma_start3A_18 : memref<!tpu.dma_semaphore, #tpu.memory_space<semaphore_mem>>)
    %dma_start3A_19 = arith.constant 1 : i32
    %dma_start3A_20 = arith.constant 1 : i32
    %dma_start3A_21 = arith.constant 1 : i32
    %dma_start3A_22 = arith.constant 0 : i32
    %dma_start3A_23 = arith.constant 0 : i32
    %dma_start3A_24 = tpu.memref_slice %arg10[%dma_start3A_20, %dma_start3A_22, %dma_start3A_23] : memref<8x128x16xf32, #tpu.memory_space<vmem>> -> memref<1x128x16xf32, #tpu.memory_space<vmem>>
    %dma_start3A_25 = tpu.memref_squeeze %dma_start3A_24 : memref<1x128x16xf32, #tpu.memory_space<vmem>> -> memref<128x16xf32, #tpu.memory_space<vmem>>
    %dma_start3A_26 = arith.constant 0 : i32
    %dma_start3A_27 = tpu.memref_slice %arg8[%dma_start3A_19, %dma_start3A_26] : memref<80x128xi32, #tpu.memory_space<vmem>> -> memref<1x128xi32, #tpu.memory_space<vmem>>
    %dma_start3A_28 = tpu.memref_squeeze %dma_start3A_27 : memref<1x128xi32, #tpu.memory_space<vmem>> -> memref<128xi32, #tpu.memory_space<vmem>>
    %dma_start3A_29 = arith.constant 0 : i32
    %dma_start3A_30 = arith.constant 0 : i32
    %dma_start3A_31 = tpu.memref_slice %arg2[%dma_start3A_29, %dma_start3A_30] : memref<10000x16xf32, #tpu.memory_space<hbm>> -> memref<10000x16xf32, #tpu.memory_space<hbm>>
    %dma_start3A_32 = tpu.memref_slice %arg11[%dma_start3A_21] : memref<8x!tpu.dma_semaphore, #tpu.memory_space<semaphore_mem>> -> memref<1x!tpu.dma_semaphore, #tpu.memory_space<semaphore_mem>>
    %dma_start3A_33 = tpu.memref_squeeze %dma_start3A_32 : memref<1x!tpu.dma_semaphore, #tpu.memory_space<semaphore_mem>> -> memref<!tpu.dma_semaphore, #tpu.memory_space<semaphore_mem>>
    tpu.enqueue_indirect_dma source(%dma_start3A_31 : memref<10000x16xf32, #tpu.memory_space<hbm>>) target(%dma_start3A_25 : memref<128x16xf32, #tpu.memory_space<vmem>>) offsets(%dma_start3A_28 : memref<128xi32, #tpu.memory_space<vmem>>) semaphore(%dma_start3A_33 : memref<!tpu.dma_semaphore, #tpu.memory_space<semaphore_mem>>)
    %dma_start3A_34 = arith.constant 2 : i32
    %dma_start3A_35 = arith.constant 2 : i32
    %dma_start3A_36 = arith.constant 2 : i32
    %dma_start3A_37 = arith.constant 0 : i32
    %dma_start3A_38 = arith.constant 0 : i32
    %dma_start3A_39 = tpu.memref_slice %arg10[%dma_start3A_35, %dma_start3A_37, %dma_start3A_38] : memref<8x128x16xf32, #tpu.memory_space<vmem>> -> memref<1x128x16xf32, #tpu.memory_space<vmem>>
    %dma_start3A_40 = tpu.memref_squeeze %dma_start3A_39 : memref<1x128x16xf32, #tpu.memory_space<vmem>> -> memref<128x16xf32, #tpu.memory_space<vmem>>
    %dma_start3A_41 = arith.constant 0 : i32
    %dma_start3A_42 = tpu.memref_slice %arg8[%dma_start3A_34, %dma_start3A_41] : memref<80x128xi32, #tpu.memory_space<vmem>> -> memref<1x128xi32, #tpu.memory_space<vmem>>
    %dma_start3A_43 = tpu.memref_squeeze %dma_start3A_42 : memref<1x128xi32, #tpu.memory_space<vmem>> -> memref<128xi32, #tpu.memory_space<vmem>>
    %dma_start3A_44 = arith.constant 0 : i32
    %dma_start3A_45 = arith.constant 0 : i32
    %dma_start3A_46 = tpu.memref_slice %arg2[%dma_start3A_44, %dma_start3A_45] : memref<10000x16xf32, #tpu.memory_space<hbm>> -> memref<10000x16xf32, #tpu.memory_space<hbm>>
    %dma_start3A_47 = tpu.memref_slice %arg11[%dma_start3A_36] : memref<8x!tpu.dma_semaphore, #tpu.memory_space<semaphore_mem>> -> memref<1x!tpu.dma_semaphore, #tpu.memory_space<semaphore_mem>>
    %dma_start3A_48 = tpu.memref_squeeze %dma_start3A_47 : memref<1x!tpu.dma_semaphore, #tpu.memory_space<semaphore_mem>> -> memref<!tpu.dma_semaphore, #tpu.memory_space<semaphore_mem>>
    tpu.enqueue_indirect_dma source(%dma_start3A_46 : memref<10000x16xf32, #tpu.memory_space<hbm>>) target(%dma_start3A_40 : memref<128x16xf32, #tpu.memory_space<vmem>>) offsets(%dma_start3A_43 : memref<128xi32, #tpu.memory_space<vmem>>) semaphore(%dma_start3A_48 : memref<!tpu.dma_semaphore, #tpu.memory_space<semaphore_mem>>)
    %dma_start3A_49 = arith.constant 3 : i32
    %dma_start3A_50 = arith.constant 3 : i32
    %dma_start3A_51 = arith.constant 3 : i32
    %dma_start3A_52 = arith.constant 0 : i32
    %dma_start3A_53 = arith.constant 0 : i32
    %dma_start3A_54 = tpu.memref_slice %arg10[%dma_start3A_50, %dma_start3A_52, %dma_start3A_53] : memref<8x128x16xf32, #tpu.memory_space<vmem>> -> memref<1x128x16xf32, #tpu.memory_space<vmem>>
    %dma_start3A_55 = tpu.memref_squeeze %dma_start3A_54 : memref<1x128x16xf32, #tpu.memory_space<vmem>> -> memref<128x16xf32, #tpu.memory_space<vmem>>
    %dma_start3A_56 = arith.constant 0 : i32
    %dma_start3A_57 = tpu.memref_slice %arg8[%dma_start3A_49, %dma_start3A_56] : memref<80x128xi32, #tpu.memory_space<vmem>> -> memref<1x128xi32, #tpu.memory_space<vmem>>
    %dma_start3A_58 = tpu.memref_squeeze %dma_start3A_57 : memref<1x128xi32, #tpu.memory_space<vmem>> -> memref<128xi32, #tpu.memory_space<vmem>>
    %dma_start3A_59 = arith.constant 0 : i32
    %dma_start3A_60 = arith.constant 0 : i32
    %dma_start3A_61 = tpu.memref_slice %arg2[%dma_start3A_59, %dma_start3A_60] : memref<10000x16xf32, #tpu.memory_space<hbm>> -> memref<10000x16xf32, #tpu.memory_space<hbm>>
    %dma_start3A_62 = tpu.memref_slice %arg11[%dma_start3A_51] : memref<8x!tpu.dma_semaphore, #tpu.memory_space<semaphore_mem>> -> memref<1x!tpu.dma_semaphore, #tpu.memory_space<semaphore_mem>>
    %dma_start3A_63 = tpu.memref_squeeze %dma_start3A_62 : memref<1x!tpu.dma_semaphore, #tpu.memory_space<semaphore_mem>> -> memref<!tpu.dma_semaphore, #tpu.memory_space<semaphore_mem>>
    tpu.enqueue_indirect_dma source(%dma_start3A_61 : memref<10000x16xf32, #tpu.memory_space<hbm>>) target(%dma_start3A_55 : memref<128x16xf32, #tpu.memory_space<vmem>>) offsets(%dma_start3A_58 : memref<128xi32, #tpu.memory_space<vmem>>) semaphore(%dma_start3A_63 : memref<!tpu.dma_semaphore, #tpu.memory_space<semaphore_mem>>)
    %dma_start3A_64 = arith.constant 4 : i32
    %dma_start3A_65 = arith.constant 4 : i32
    %dma_start3A_66 = arith.constant 4 : i32
    %dma_start3A_67 = arith.constant 0 : i32
    %dma_start3A_68 = arith.constant 0 : i32
    %dma_start3A_69 = tpu.memref_slice %arg10[%dma_start3A_65, %dma_start3A_67, %dma_start3A_68] : memref<8x128x16xf32, #tpu.memory_space<vmem>> -> memref<1x128x16xf32, #tpu.memory_space<vmem>>
    %dma_start3A_70 = tpu.memref_squeeze %dma_start3A_69 : memref<1x128x16xf32, #tpu.memory_space<vmem>> -> memref<128x16xf32, #tpu.memory_space<vmem>>
    %dma_start3A_71 = arith.constant 0 : i32
    %dma_start3A_72 = tpu.memref_slice %arg8[%dma_start3A_64, %dma_start3A_71] : memref<80x128xi32, #tpu.memory_space<vmem>> -> memref<1x128xi32, #tpu.memory_space<vmem>>
    %dma_start3A_73 = tpu.memref_squeeze %dma_start3A_72 : memref<1x128xi32, #tpu.memory_space<vmem>> -> memref<128xi32, #tpu.memory_space<vmem>>
    %dma_start3A_74 = arith.constant 0 : i32
    %dma_start3A_75 = arith.constant 0 : i32
    %dma_start3A_76 = tpu.memref_slice %arg2[%dma_start3A_74, %dma_start3A_75] : memref<10000x16xf32, #tpu.memory_space<hbm>> -> memref<10000x16xf32, #tpu.memory_space<hbm>>
    %dma_start3A_77 = tpu.memref_slice %arg11[%dma_start3A_66] : memref<8x!tpu.dma_semaphore, #tpu.memory_space<semaphore_mem>> -> memref<1x!tpu.dma_semaphore, #tpu.memory_space<semaphore_mem>>
    %dma_start3A_78 = tpu.memref_squeeze %dma_start3A_77 : memref<1x!tpu.dma_semaphore, #tpu.memory_space<semaphore_mem>> -> memref<!tpu.dma_semaphore, #tpu.memory_space<semaphore_mem>>
    tpu.enqueue_indirect_dma source(%dma_start3A_76 : memref<10000x16xf32, #tpu.memory_space<hbm>>) target(%dma_start3A_70 : memref<128x16xf32, #tpu.memory_space<vmem>>) offsets(%dma_start3A_73 : memref<128xi32, #tpu.memory_space<vmem>>) semaphore(%dma_start3A_78 : memref<!tpu.dma_semaphore, #tpu.memory_space<semaphore_mem>>)
    %dma_start3A_79 = arith.constant 5 : i32
    %dma_start3A_80 = arith.constant 5 : i32
    %dma_start3A_81 = arith.constant 5 : i32
    %dma_start3A_82 = arith.constant 0 : i32
    %dma_start3A_83 = arith.constant 0 : i32
    %dma_start3A_84 = tpu.memref_slice %arg10[%dma_start3A_80, %dma_start3A_82, %dma_start3A_83] : memref<8x128x16xf32, #tpu.memory_space<vmem>> -> memref<1x128x16xf32, #tpu.memory_space<vmem>>
    %dma_start3A_85 = tpu.memref_squeeze %dma_start3A_84 : memref<1x128x16xf32, #tpu.memory_space<vmem>> -> memref<128x16xf32, #tpu.memory_space<vmem>>
    %dma_start3A_86 = arith.constant 0 : i32
    %dma_start3A_87 = tpu.memref_slice %arg8[%dma_start3A_79, %dma_start3A_86] : memref<80x128xi32, #tpu.memory_space<vmem>> -> memref<1x128xi32, #tpu.memory_space<vmem>>
    %dma_start3A_88 = tpu.memref_squeeze %dma_start3A_87 : memref<1x128xi32, #tpu.memory_space<vmem>> -> memref<128xi32, #tpu.memory_space<vmem>>
    %dma_start3A_89 = arith.constant 0 : i32
    %dma_start3A_90 = arith.constant 0 : i32
    %dma_start3A_91 = tpu.memref_slice %arg2[%dma_start3A_89, %dma_start3A_90] : memref<10000x16xf32, #tpu.memory_space<hbm>> -> memref<10000x16xf32, #tpu.memory_space<hbm>>
    %dma_start3A_92 = tpu.memref_slice %arg11[%dma_start3A_81] : memref<8x!tpu.dma_semaphore, #tpu.memory_space<semaphore_mem>> -> memref<1x!tpu.dma_semaphore, #tpu.memory_space<semaphore_mem>>
    %dma_start3A_93 = tpu.memref_squeeze %dma_start3A_92 : memref<1x!tpu.dma_semaphore, #tpu.memory_space<semaphore_mem>> -> memref<!tpu.dma_semaphore, #tpu.memory_space<semaphore_mem>>
    tpu.enqueue_indirect_dma source(%dma_start3A_91 : memref<10000x16xf32, #tpu.memory_space<hbm>>) target(%dma_start3A_85 : memref<128x16xf32, #tpu.memory_space<vmem>>) offsets(%dma_start3A_88 : memref<128xi32, #tpu.memory_space<vmem>>) semaphore(%dma_start3A_93 : memref<!tpu.dma_semaphore, #tpu.memory_space<semaphore_mem>>)
    %dma_start3A_94 = arith.constant 6 : i32
    %dma_start3A_95 = arith.constant 6 : i32
    %dma_start3A_96 = arith.constant 6 : i32
    %dma_start3A_97 = arith.constant 0 : i32
    %dma_start3A_98 = arith.constant 0 : i32
    %dma_start3A_99 = tpu.memref_slice %arg10[%dma_start3A_95, %dma_start3A_97, %dma_start3A_98] : memref<8x128x16xf32, #tpu.memory_space<vmem>> -> memref<1x128x16xf32, #tpu.memory_space<vmem>>
    %dma_start3A_100 = tpu.memref_squeeze %dma_start3A_99 : memref<1x128x16xf32, #tpu.memory_space<vmem>> -> memref<128x16xf32, #tpu.memory_space<vmem>>
    %dma_start3A_101 = arith.constant 0 : i32
    %dma_start3A_102 = tpu.memref_slice %arg8[%dma_start3A_94, %dma_start3A_101] : memref<80x128xi32, #tpu.memory_space<vmem>> -> memref<1x128xi32, #tpu.memory_space<vmem>>
    %dma_start3A_103 = tpu.memref_squeeze %dma_start3A_102 : memref<1x128xi32, #tpu.memory_space<vmem>> -> memref<128xi32, #tpu.memory_space<vmem>>
    %dma_start3A_104 = arith.constant 0 : i32
    %dma_start3A_105 = arith.constant 0 : i32
    %dma_start3A_106 = tpu.memref_slice %arg2[%dma_start3A_104, %dma_start3A_105] : memref<10000x16xf32, #tpu.memory_space<hbm>> -> memref<10000x16xf32, #tpu.memory_space<hbm>>
    %dma_start3A_107 = tpu.memref_slice %arg11[%dma_start3A_96] : memref<8x!tpu.dma_semaphore, #tpu.memory_space<semaphore_mem>> -> memref<1x!tpu.dma_semaphore, #tpu.memory_space<semaphore_mem>>
    %dma_start3A_108 = tpu.memref_squeeze %dma_start3A_107 : memref<1x!tpu.dma_semaphore, #tpu.memory_space<semaphore_mem>> -> memref<!tpu.dma_semaphore, #tpu.memory_space<semaphore_mem>>
    tpu.enqueue_indirect_dma source(%dma_start3A_106 : memref<10000x16xf32, #tpu.memory_space<hbm>>) target(%dma_start3A_100 : memref<128x16xf32, #tpu.memory_space<vmem>>) offsets(%dma_start3A_103 : memref<128xi32, #tpu.memory_space<vmem>>) semaphore(%dma_start3A_108 : memref<!tpu.dma_semaphore, #tpu.memory_space<semaphore_mem>>)
    %dma_start3A_109 = arith.constant 7 : i32
    %dma_start3A_110 = arith.constant 7 : i32
    %dma_start3A_111 = arith.constant 7 : i32
    %dma_start3A_112 = arith.constant 0 : i32
    %dma_start3A_113 = arith.constant 0 : i32
    %dma_start3A_114 = tpu.memref_slice %arg10[%dma_start3A_110, %dma_start3A_112, %dma_start3A_113] : memref<8x128x16xf32, #tpu.memory_space<vmem>> -> memref<1x128x16xf32, #tpu.memory_space<vmem>>
    %dma_start3A_115 = tpu.memref_squeeze %dma_start3A_114 : memref<1x128x16xf32, #tpu.memory_space<vmem>> -> memref<128x16xf32, #tpu.memory_space<vmem>>
    %dma_start3A_116 = arith.constant 0 : i32
    %dma_start3A_117 = tpu.memref_slice %arg8[%dma_start3A_109, %dma_start3A_116] : memref<80x128xi32, #tpu.memory_space<vmem>> -> memref<1x128xi32, #tpu.memory_space<vmem>>
    %dma_start3A_118 = tpu.memref_squeeze %dma_start3A_117 : memref<1x128xi32, #tpu.memory_space<vmem>> -> memref<128xi32, #tpu.memory_space<vmem>>
    %dma_start3A_119 = arith.constant 0 : i32
    %dma_start3A_120 = arith.constant 0 : i32
    %dma_start3A_121 = tpu.memref_slice %arg2[%dma_start3A_119, %dma_start3A_120] : memref<10000x16xf32, #tpu.memory_space<hbm>> -> memref<10000x16xf32, #tpu.memory_space<hbm>>
    %dma_start3A_122 = tpu.memref_slice %arg11[%dma_start3A_111] : memref<8x!tpu.dma_semaphore, #tpu.memory_space<semaphore_mem>> -> memref<1x!tpu.dma_semaphore, #tpu.memory_space<semaphore_mem>>
    %dma_start3A_123 = tpu.memref_squeeze %dma_start3A_122 : memref<1x!tpu.dma_semaphore, #tpu.memory_space<semaphore_mem>> -> memref<!tpu.dma_semaphore, #tpu.memory_space<semaphore_mem>>
    tpu.enqueue_indirect_dma source(%dma_start3A_121 : memref<10000x16xf32, #tpu.memory_space<hbm>>) target(%dma_start3A_115 : memref<128x16xf32, #tpu.memory_space<vmem>>) offsets(%dma_start3A_118 : memref<128xi32, #tpu.memory_space<vmem>>) semaphore(%dma_start3A_123 : memref<!tpu.dma_semaphore, #tpu.memory_space<semaphore_mem>>)
    %scan3A = arith.constant 0 : i32
    %scan3A_124 = arith.constant 10 : i32
    %scan3A_125 = arith.addi %scan3A, %scan3A_124 : i32
    %scan3A_126 = arith.constant 1 : i32
    scf.for %scan3A_252 = %scan3A to %scan3A_125 step %scan3A_126  : i32 {
      %mul3A_253 = arith.constant 8 : i32
      %mul3A_254 = arith.muli %scan3A_252, %mul3A_253 : i32
      %add3A_255 = arith.constant 0 : i32
      %add3A_256 = arith.addi %mul3A_254, %add3A_255 : i32
      %dma_wait3A_257 = arith.constant 0 : i32
      %dma_wait3A_258 = arith.constant 0 : i32
      %dma_wait3A_259 = arith.constant 0 : i32
      %dma_wait3A_260 = arith.constant 0 : i32
      %dma_wait3A_261 = tpu.memref_slice %arg10[%dma_wait3A_257, %dma_wait3A_259, %dma_wait3A_260] : memref<8x128x16xf32, #tpu.memory_space<vmem>> -> memref<1x128x16xf32, #tpu.memory_space<vmem>>
      %dma_wait3A_262 = tpu.memref_squeeze %dma_wait3A_261 : memref<1x128x16xf32, #tpu.memory_space<vmem>> -> memref<128x16xf32, #tpu.memory_space<vmem>>
      %dma_wait3A_263 = arith.constant 0 : i32
      %dma_wait3A_264 = tpu.memref_slice %arg8[%add3A_256, %dma_wait3A_263] : memref<80x128xi32, #tpu.memory_space<vmem>> -> memref<1x128xi32, #tpu.memory_space<vmem>>
      %dma_wait3A_265 = tpu.memref_squeeze %dma_wait3A_264 : memref<1x128xi32, #tpu.memory_space<vmem>> -> memref<128xi32, #tpu.memory_space<vmem>>
      %dma_wait3A_266 = arith.constant 0 : i32
      %dma_wait3A_267 = arith.constant 0 : i32
      %dma_wait3A_268 = tpu.memref_slice %arg2[%dma_wait3A_266, %dma_wait3A_267] : memref<10000x16xf32, #tpu.memory_space<hbm>> -> memref<10000x16xf32, #tpu.memory_space<hbm>>
      %dma_wait3A_269 = tpu.memref_slice %arg11[%dma_wait3A_258] : memref<8x!tpu.dma_semaphore, #tpu.memory_space<semaphore_mem>> -> memref<1x!tpu.dma_semaphore, #tpu.memory_space<semaphore_mem>>
      %dma_wait3A_270 = tpu.memref_squeeze %dma_wait3A_269 : memref<1x!tpu.dma_semaphore, #tpu.memory_space<semaphore_mem>> -> memref<!tpu.dma_semaphore, #tpu.memory_space<semaphore_mem>>
      tpu.wait_indirect_dma semaphore(%dma_wait3A_270 : memref<!tpu.dma_semaphore, #tpu.memory_space<semaphore_mem>>) src(%dma_wait3A_268 : memref<10000x16xf32, #tpu.memory_space<hbm>>) dst(%dma_wait3A_262 : memref<128x16xf32, #tpu.memory_space<vmem>>)
      %dma_start3A_271 = arith.constant 0 : i32
      %dma_start3A_272 = arith.constant 0 : i32
      %dma_start3A_273 = arith.constant 0 : i32
      %dma_start3A_274 = arith.constant 0 : i32
      %dma_start3A_275 = tpu.memref_slice %arg10[%dma_start3A_271, %dma_start3A_273, %dma_start3A_274] : memref<8x128x16xf32, #tpu.memory_space<vmem>> -> memref<1x128x16xf32, #tpu.memory_space<vmem>>
      %dma_start3A_276 = tpu.memref_squeeze %dma_start3A_275 : memref<1x128x16xf32, #tpu.memory_space<vmem>> -> memref<128x16xf32, #tpu.memory_space<vmem>>
      %dma_start3A_277 = arith.constant 0 : i32
      %dma_start3A_278 = tpu.memref_slice %arg9[%add3A_256, %dma_start3A_277] : memref<80x128xi32, #tpu.memory_space<vmem>> -> memref<1x128xi32, #tpu.memory_space<vmem>>
      %dma_start3A_279 = tpu.memref_squeeze %dma_start3A_278 : memref<1x128xi32, #tpu.memory_space<vmem>> -> memref<128xi32, #tpu.memory_space<vmem>>
      %dma_start3A_280 = arith.constant 0 : i32
      %dma_start3A_281 = arith.constant 0 : i32
      %dma_start3A_282 = tpu.memref_slice %arg7[%dma_start3A_280, %dma_start3A_281] : memref<10112x16xf32, #tpu.memory_space<vmem_shared>> -> memref<10112x16xf32, #tpu.memory_space<vmem_shared>>
      %dma_start3A_283 = tpu.memref_slice %arg12[%dma_start3A_272] : memref<8x!tpu.dma_semaphore, #tpu.memory_space<semaphore_mem>> -> memref<1x!tpu.dma_semaphore, #tpu.memory_space<semaphore_mem>>
      %dma_start3A_284 = tpu.memref_squeeze %dma_start3A_283 : memref<1x!tpu.dma_semaphore, #tpu.memory_space<semaphore_mem>> -> memref<!tpu.dma_semaphore, #tpu.memory_space<semaphore_mem>>
      tpu.enqueue_indirect_dma source(%dma_start3A_276 : memref<128x16xf32, #tpu.memory_space<vmem>>) target(%dma_start3A_282 : memref<10112x16xf32, #tpu.memory_space<vmem_shared>>) offsets(%dma_start3A_279 : memref<128xi32, #tpu.memory_space<vmem>>) semaphore(%dma_start3A_284 : memref<!tpu.dma_semaphore, #tpu.memory_space<semaphore_mem>>) {add = true}
      %add3A_285 = arith.constant 8 : i32
      %add3A_286 = arith.addi %add3A_256, %add3A_285 : i32
      %lt3A = arith.constant 80 : i32
      %lt3A_287 = arith.cmpi slt, %add3A_286, %lt3A : i32
      %convert_element_type3A = arith.extui %lt3A_287 : i1 to i32
      %cond3A = arith.constant 0 : i32
      %cond3A_288 = arith.cmpi ne, %convert_element_type3A, %cond3A : i32
      scf.if %cond3A_288 {
        %dma_wait3A_548 = arith.constant 0 : i32
        %dma_wait3A_549 = arith.constant 0 : i32
        %dma_wait3A_550 = arith.constant 0 : i32
        %dma_wait3A_551 = arith.constant 0 : i32
        %dma_wait3A_552 = tpu.memref_slice %arg10[%dma_wait3A_548, %dma_wait3A_550, %dma_wait3A_551] : memref<8x128x16xf32, #tpu.memory_space<vmem>> -> memref<1x128x16xf32, #tpu.memory_space<vmem>>
        %dma_wait3A_553 = tpu.memref_squeeze %dma_wait3A_552 : memref<1x128x16xf32, #tpu.memory_space<vmem>> -> memref<128x16xf32, #tpu.memory_space<vmem>>
        %dma_wait3A_554 = arith.constant 0 : i32
        %dma_wait3A_555 = tpu.memref_slice %arg9[%add3A_256, %dma_wait3A_554] : memref<80x128xi32, #tpu.memory_space<vmem>> -> memref<1x128xi32, #tpu.memory_space<vmem>>
        %dma_wait3A_556 = tpu.memref_squeeze %dma_wait3A_555 : memref<1x128xi32, #tpu.memory_space<vmem>> -> memref<128xi32, #tpu.memory_space<vmem>>
        %dma_wait3A_557 = arith.constant 0 : i32
        %dma_wait3A_558 = arith.constant 0 : i32
        %dma_wait3A_559 = tpu.memref_slice %arg7[%dma_wait3A_557, %dma_wait3A_558] : memref<10112x16xf32, #tpu.memory_space<vmem_shared>> -> memref<10112x16xf32, #tpu.memory_space<vmem_shared>>
        %dma_wait3A_560 = tpu.memref_slice %arg12[%dma_wait3A_549] : memref<8x!tpu.dma_semaphore, #tpu.memory_space<semaphore_mem>> -> memref<1x!tpu.dma_semaphore, #tpu.memory_space<semaphore_mem>>
        %dma_wait3A_561 = tpu.memref_squeeze %dma_wait3A_560 : memref<1x!tpu.dma_semaphore, #tpu.memory_space<semaphore_mem>> -> memref<!tpu.dma_semaphore, #tpu.memory_space<semaphore_mem>>
        tpu.wait_indirect_dma semaphore(%dma_wait3A_561 : memref<!tpu.dma_semaphore, #tpu.memory_space<semaphore_mem>>) src(%dma_wait3A_553 : memref<128x16xf32, #tpu.memory_space<vmem>>) dst(%dma_wait3A_559 : memref<10112x16xf32, #tpu.memory_space<vmem_shared>>)
        %add3A_562 = arith.constant 8 : i32
        %add3A_563 = arith.addi %add3A_256, %add3A_562 : i32
        %dma_start3A_564 = arith.constant 0 : i32
        %dma_start3A_565 = arith.constant 0 : i32
        %dma_start3A_566 = arith.constant 0 : i32
        %dma_start3A_567 = arith.constant 0 : i32
        %dma_start3A_568 = tpu.memref_slice %arg10[%dma_start3A_564, %dma_start3A_566, %dma_start3A_567] : memref<8x128x16xf32, #tpu.memory_space<vmem>> -> memref<1x128x16xf32, #tpu.memory_space<vmem>>
        %dma_start3A_569 = tpu.memref_squeeze %dma_start3A_568 : memref<1x128x16xf32, #tpu.memory_space<vmem>> -> memref<128x16xf32, #tpu.memory_space<vmem>>
        %dma_start3A_570 = arith.constant 0 : i32
        %dma_start3A_571 = tpu.memref_slice %arg8[%add3A_563, %dma_start3A_570] : memref<80x128xi32, #tpu.memory_space<vmem>> -> memref<1x128xi32, #tpu.memory_space<vmem>>
        %dma_start3A_572 = tpu.memref_squeeze %dma_start3A_571 : memref<1x128xi32, #tpu.memory_space<vmem>> -> memref<128xi32, #tpu.memory_space<vmem>>
        %dma_start3A_573 = arith.constant 0 : i32
        %dma_start3A_574 = arith.constant 0 : i32
        %dma_start3A_575 = tpu.memref_slice %arg2[%dma_start3A_573, %dma_start3A_574] : memref<10000x16xf32, #tpu.memory_space<hbm>> -> memref<10000x16xf32, #tpu.memory_space<hbm>>
        %dma_start3A_576 = tpu.memref_slice %arg11[%dma_start3A_565] : memref<8x!tpu.dma_semaphore, #tpu.memory_space<semaphore_mem>> -> memref<1x!tpu.dma_semaphore, #tpu.memory_space<semaphore_mem>>
        %dma_start3A_577 = tpu.memref_squeeze %dma_start3A_576 : memref<1x!tpu.dma_semaphore, #tpu.memory_space<semaphore_mem>> -> memref<!tpu.dma_semaphore, #tpu.memory_space<semaphore_mem>>
        tpu.enqueue_indirect_dma source(%dma_start3A_575 : memref<10000x16xf32, #tpu.memory_space<hbm>>) target(%dma_start3A_569 : memref<128x16xf32, #tpu.memory_space<vmem>>) offsets(%dma_start3A_572 : memref<128xi32, #tpu.memory_space<vmem>>) semaphore(%dma_start3A_577 : memref<!tpu.dma_semaphore, #tpu.memory_space<semaphore_mem>>)
      } else {
      }
      %add3A_289 = arith.constant 1 : i32
      %add3A_290 = arith.addi %mul3A_254, %add3A_289 : i32
      %dma_wait3A_291 = arith.constant 1 : i32
      %dma_wait3A_292 = arith.constant 1 : i32
      %dma_wait3A_293 = arith.constant 0 : i32
      %dma_wait3A_294 = arith.constant 0 : i32
      %dma_wait3A_295 = tpu.memref_slice %arg10[%dma_wait3A_291, %dma_wait3A_293, %dma_wait3A_294] : memref<8x128x16xf32, #tpu.memory_space<vmem>> -> memref<1x128x16xf32, #tpu.memory_space<vmem>>
      %dma_wait3A_296 = tpu.memref_squeeze %dma_wait3A_295 : memref<1x128x16xf32, #tpu.memory_space<vmem>> -> memref<128x16xf32, #tpu.memory_space<vmem>>
      %dma_wait3A_297 = arith.constant 0 : i32
      %dma_wait3A_298 = tpu.memref_slice %arg8[%add3A_290, %dma_wait3A_297] : memref<80x128xi32, #tpu.memory_space<vmem>> -> memref<1x128xi32, #tpu.memory_space<vmem>>
      %dma_wait3A_299 = tpu.memref_squeeze %dma_wait3A_298 : memref<1x128xi32, #tpu.memory_space<vmem>> -> memref<128xi32, #tpu.memory_space<vmem>>
      %dma_wait3A_300 = arith.constant 0 : i32
      %dma_wait3A_301 = arith.constant 0 : i32
      %dma_wait3A_302 = tpu.memref_slice %arg2[%dma_wait3A_300, %dma_wait3A_301] : memref<10000x16xf32, #tpu.memory_space<hbm>> -> memref<10000x16xf32, #tpu.memory_space<hbm>>
      %dma_wait3A_303 = tpu.memref_slice %arg11[%dma_wait3A_292] : memref<8x!tpu.dma_semaphore, #tpu.memory_space<semaphore_mem>> -> memref<1x!tpu.dma_semaphore, #tpu.memory_space<semaphore_mem>>
      %dma_wait3A_304 = tpu.memref_squeeze %dma_wait3A_303 : memref<1x!tpu.dma_semaphore, #tpu.memory_space<semaphore_mem>> -> memref<!tpu.dma_semaphore, #tpu.memory_space<semaphore_mem>>
      tpu.wait_indirect_dma semaphore(%dma_wait3A_304 : memref<!tpu.dma_semaphore, #tpu.memory_space<semaphore_mem>>) src(%dma_wait3A_302 : memref<10000x16xf32, #tpu.memory_space<hbm>>) dst(%dma_wait3A_296 : memref<128x16xf32, #tpu.memory_space<vmem>>)
      %dma_start3A_305 = arith.constant 1 : i32
      %dma_start3A_306 = arith.constant 1 : i32
      %dma_start3A_307 = arith.constant 0 : i32
      %dma_start3A_308 = arith.constant 0 : i32
      %dma_start3A_309 = tpu.memref_slice %arg10[%dma_start3A_305, %dma_start3A_307, %dma_start3A_308] : memref<8x128x16xf32, #tpu.memory_space<vmem>> -> memref<1x128x16xf32, #tpu.memory_space<vmem>>
      %dma_start3A_310 = tpu.memref_squeeze %dma_start3A_309 : memref<1x128x16xf32, #tpu.memory_space<vmem>> -> memref<128x16xf32, #tpu.memory_space<vmem>>
      %dma_start3A_311 = arith.constant 0 : i32
      %dma_start3A_312 = tpu.memref_slice %arg9[%add3A_290, %dma_start3A_311] : memref<80x128xi32, #tpu.memory_space<vmem>> -> memref<1x128xi32, #tpu.memory_space<vmem>>
      %dma_start3A_313 = tpu.memref_squeeze %dma_start3A_312 : memref<1x128xi32, #tpu.memory_space<vmem>> -> memref<128xi32, #tpu.memory_space<vmem>>
      %dma_start3A_314 = arith.constant 0 : i32
      %dma_start3A_315 = arith.constant 0 : i32
      %dma_start3A_316 = tpu.memref_slice %arg7[%dma_start3A_314, %dma_start3A_315] : memref<10112x16xf32, #tpu.memory_space<vmem_shared>> -> memref<10112x16xf32, #tpu.memory_space<vmem_shared>>
      %dma_start3A_317 = tpu.memref_slice %arg12[%dma_start3A_306] : memref<8x!tpu.dma_semaphore, #tpu.memory_space<semaphore_mem>> -> memref<1x!tpu.dma_semaphore, #tpu.memory_space<semaphore_mem>>
      %dma_start3A_318 = tpu.memref_squeeze %dma_start3A_317 : memref<1x!tpu.dma_semaphore, #tpu.memory_space<semaphore_mem>> -> memref<!tpu.dma_semaphore, #tpu.memory_space<semaphore_mem>>
      tpu.enqueue_indirect_dma source(%dma_start3A_310 : memref<128x16xf32, #tpu.memory_space<vmem>>) target(%dma_start3A_316 : memref<10112x16xf32, #tpu.memory_space<vmem_shared>>) offsets(%dma_start3A_313 : memref<128xi32, #tpu.memory_space<vmem>>) semaphore(%dma_start3A_318 : memref<!tpu.dma_semaphore, #tpu.memory_space<semaphore_mem>>) {add = true}
      %add3A_319 = arith.constant 8 : i32
      %add3A_320 = arith.addi %add3A_290, %add3A_319 : i32
      %lt3A_321 = arith.constant 80 : i32
      %lt3A_322 = arith.cmpi slt, %add3A_320, %lt3A_321 : i32
      %convert_element_type3A_323 = arith.extui %lt3A_322 : i1 to i32
      %cond3A_324 = arith.constant 0 : i32
      %cond3A_325 = arith.cmpi ne, %convert_element_type3A_323, %cond3A_324 : i32
      scf.if %cond3A_325 {
        %dma_wait3A_548 = arith.constant 1 : i32
        %dma_wait3A_549 = arith.constant 1 : i32
        %dma_wait3A_550 = arith.constant 0 : i32
        %dma_wait3A_551 = arith.constant 0 : i32
        %dma_wait3A_552 = tpu.memref_slice %arg10[%dma_wait3A_548, %dma_wait3A_550, %dma_wait3A_551] : memref<8x128x16xf32, #tpu.memory_space<vmem>> -> memref<1x128x16xf32, #tpu.memory_space<vmem>>
        %dma_wait3A_553 = tpu.memref_squeeze %dma_wait3A_552 : memref<1x128x16xf32, #tpu.memory_space<vmem>> -> memref<128x16xf32, #tpu.memory_space<vmem>>
        %dma_wait3A_554 = arith.constant 0 : i32
        %dma_wait3A_555 = tpu.memref_slice %arg9[%add3A_290, %dma_wait3A_554] : memref<80x128xi32, #tpu.memory_space<vmem>> -> memref<1x128xi32, #tpu.memory_space<vmem>>
        %dma_wait3A_556 = tpu.memref_squeeze %dma_wait3A_555 : memref<1x128xi32, #tpu.memory_space<vmem>> -> memref<128xi32, #tpu.memory_space<vmem>>
        %dma_wait3A_557 = arith.constant 0 : i32
        %dma_wait3A_558 = arith.constant 0 : i32
        %dma_wait3A_559 = tpu.memref_slice %arg7[%dma_wait3A_557, %dma_wait3A_558] : memref<10112x16xf32, #tpu.memory_space<vmem_shared>> -> memref<10112x16xf32, #tpu.memory_space<vmem_shared>>
        %dma_wait3A_560 = tpu.memref_slice %arg12[%dma_wait3A_549] : memref<8x!tpu.dma_semaphore, #tpu.memory_space<semaphore_mem>> -> memref<1x!tpu.dma_semaphore, #tpu.memory_space<semaphore_mem>>
        %dma_wait3A_561 = tpu.memref_squeeze %dma_wait3A_560 : memref<1x!tpu.dma_semaphore, #tpu.memory_space<semaphore_mem>> -> memref<!tpu.dma_semaphore, #tpu.memory_space<semaphore_mem>>
        tpu.wait_indirect_dma semaphore(%dma_wait3A_561 : memref<!tpu.dma_semaphore, #tpu.memory_space<semaphore_mem>>) src(%dma_wait3A_553 : memref<128x16xf32, #tpu.memory_space<vmem>>) dst(%dma_wait3A_559 : memref<10112x16xf32, #tpu.memory_space<vmem_shared>>)
        %add3A_562 = arith.constant 8 : i32
        %add3A_563 = arith.addi %add3A_290, %add3A_562 : i32
        %dma_start3A_564 = arith.constant 1 : i32
        %dma_start3A_565 = arith.constant 1 : i32
        %dma_start3A_566 = arith.constant 0 : i32
        %dma_start3A_567 = arith.constant 0 : i32
        %dma_start3A_568 = tpu.memref_slice %arg10[%dma_start3A_564, %dma_start3A_566, %dma_start3A_567] : memref<8x128x16xf32, #tpu.memory_space<vmem>> -> memref<1x128x16xf32, #tpu.memory_space<vmem>>
        %dma_start3A_569 = tpu.memref_squeeze %dma_start3A_568 : memref<1x128x16xf32, #tpu.memory_space<vmem>> -> memref<128x16xf32, #tpu.memory_space<vmem>>
        %dma_start3A_570 = arith.constant 0 : i32
        %dma_start3A_571 = tpu.memref_slice %arg8[%add3A_563, %dma_start3A_570] : memref<80x128xi32, #tpu.memory_space<vmem>> -> memref<1x128xi32, #tpu.memory_space<vmem>>
        %dma_start3A_572 = tpu.memref_squeeze %dma_start3A_571 : memref<1x128xi32, #tpu.memory_space<vmem>> -> memref<128xi32, #tpu.memory_space<vmem>>
        %dma_start3A_573 = arith.constant 0 : i32
        %dma_start3A_574 = arith.constant 0 : i32
        %dma_start3A_575 = tpu.memref_slice %arg2[%dma_start3A_573, %dma_start3A_574] : memref<10000x16xf32, #tpu.memory_space<hbm>> -> memref<10000x16xf32, #tpu.memory_space<hbm>>
        %dma_start3A_576 = tpu.memref_slice %arg11[%dma_start3A_565] : memref<8x!tpu.dma_semaphore, #tpu.memory_space<semaphore_mem>> -> memref<1x!tpu.dma_semaphore, #tpu.memory_space<semaphore_mem>>
        %dma_start3A_577 = tpu.memref_squeeze %dma_start3A_576 : memref<1x!tpu.dma_semaphore, #tpu.memory_space<semaphore_mem>> -> memref<!tpu.dma_semaphore, #tpu.memory_space<semaphore_mem>>
        tpu.enqueue_indirect_dma source(%dma_start3A_575 : memref<10000x16xf32, #tpu.memory_space<hbm>>) target(%dma_start3A_569 : memref<128x16xf32, #tpu.memory_space<vmem>>) offsets(%dma_start3A_572 : memref<128xi32, #tpu.memory_space<vmem>>) semaphore(%dma_start3A_577 : memref<!tpu.dma_semaphore, #tpu.memory_space<semaphore_mem>>)
      } else {
      }
      %add3A_326 = arith.constant 2 : i32
      %add3A_327 = arith.addi %mul3A_254, %add3A_326 : i32
      %dma_wait3A_328 = arith.constant 2 : i32
      %dma_wait3A_329 = arith.constant 2 : i32
      %dma_wait3A_330 = arith.constant 0 : i32
      %dma_wait3A_331 = arith.constant 0 : i32
      %dma_wait3A_332 = tpu.memref_slice %arg10[%dma_wait3A_328, %dma_wait3A_330, %dma_wait3A_331] : memref<8x128x16xf32, #tpu.memory_space<vmem>> -> memref<1x128x16xf32, #tpu.memory_space<vmem>>
      %dma_wait3A_333 = tpu.memref_squeeze %dma_wait3A_332 : memref<1x128x16xf32, #tpu.memory_space<vmem>> -> memref<128x16xf32, #tpu.memory_space<vmem>>
      %dma_wait3A_334 = arith.constant 0 : i32
      %dma_wait3A_335 = tpu.memref_slice %arg8[%add3A_327, %dma_wait3A_334] : memref<80x128xi32, #tpu.memory_space<vmem>> -> memref<1x128xi32, #tpu.memory_space<vmem>>
      %dma_wait3A_336 = tpu.memref_squeeze %dma_wait3A_335 : memref<1x128xi32, #tpu.memory_space<vmem>> -> memref<128xi32, #tpu.memory_space<vmem>>
      %dma_wait3A_337 = arith.constant 0 : i32
      %dma_wait3A_338 = arith.constant 0 : i32
      %dma_wait3A_339 = tpu.memref_slice %arg2[%dma_wait3A_337, %dma_wait3A_338] : memref<10000x16xf32, #tpu.memory_space<hbm>> -> memref<10000x16xf32, #tpu.memory_space<hbm>>
      %dma_wait3A_340 = tpu.memref_slice %arg11[%dma_wait3A_329] : memref<8x!tpu.dma_semaphore, #tpu.memory_space<semaphore_mem>> -> memref<1x!tpu.dma_semaphore, #tpu.memory_space<semaphore_mem>>
      %dma_wait3A_341 = tpu.memref_squeeze %dma_wait3A_340 : memref<1x!tpu.dma_semaphore, #tpu.memory_space<semaphore_mem>> -> memref<!tpu.dma_semaphore, #tpu.memory_space<semaphore_mem>>
      tpu.wait_indirect_dma semaphore(%dma_wait3A_341 : memref<!tpu.dma_semaphore, #tpu.memory_space<semaphore_mem>>) src(%dma_wait3A_339 : memref<10000x16xf32, #tpu.memory_space<hbm>>) dst(%dma_wait3A_333 : memref<128x16xf32, #tpu.memory_space<vmem>>)
      %dma_start3A_342 = arith.constant 2 : i32
      %dma_start3A_343 = arith.constant 2 : i32
      %dma_start3A_344 = arith.constant 0 : i32
      %dma_start3A_345 = arith.constant 0 : i32
      %dma_start3A_346 = tpu.memref_slice %arg10[%dma_start3A_342, %dma_start3A_344, %dma_start3A_345] : memref<8x128x16xf32, #tpu.memory_space<vmem>> -> memref<1x128x16xf32, #tpu.memory_space<vmem>>
      %dma_start3A_347 = tpu.memref_squeeze %dma_start3A_346 : memref<1x128x16xf32, #tpu.memory_space<vmem>> -> memref<128x16xf32, #tpu.memory_space<vmem>>
      %dma_start3A_348 = arith.constant 0 : i32
      %dma_start3A_349 = tpu.memref_slice %arg9[%add3A_327, %dma_start3A_348] : memref<80x128xi32, #tpu.memory_space<vmem>> -> memref<1x128xi32, #tpu.memory_space<vmem>>
      %dma_start3A_350 = tpu.memref_squeeze %dma_start3A_349 : memref<1x128xi32, #tpu.memory_space<vmem>> -> memref<128xi32, #tpu.memory_space<vmem>>
      %dma_start3A_351 = arith.constant 0 : i32
      %dma_start3A_352 = arith.constant 0 : i32
      %dma_start3A_353 = tpu.memref_slice %arg7[%dma_start3A_351, %dma_start3A_352] : memref<10112x16xf32, #tpu.memory_space<vmem_shared>> -> memref<10112x16xf32, #tpu.memory_space<vmem_shared>>
      %dma_start3A_354 = tpu.memref_slice %arg12[%dma_start3A_343] : memref<8x!tpu.dma_semaphore, #tpu.memory_space<semaphore_mem>> -> memref<1x!tpu.dma_semaphore, #tpu.memory_space<semaphore_mem>>
      %dma_start3A_355 = tpu.memref_squeeze %dma_start3A_354 : memref<1x!tpu.dma_semaphore, #tpu.memory_space<semaphore_mem>> -> memref<!tpu.dma_semaphore, #tpu.memory_space<semaphore_mem>>
      tpu.enqueue_indirect_dma source(%dma_start3A_347 : memref<128x16xf32, #tpu.memory_space<vmem>>) target(%dma_start3A_353 : memref<10112x16xf32, #tpu.memory_space<vmem_shared>>) offsets(%dma_start3A_350 : memref<128xi32, #tpu.memory_space<vmem>>) semaphore(%dma_start3A_355 : memref<!tpu.dma_semaphore, #tpu.memory_space<semaphore_mem>>) {add = true}
      %add3A_356 = arith.constant 8 : i32
      %add3A_357 = arith.addi %add3A_327, %add3A_356 : i32
      %lt3A_358 = arith.constant 80 : i32
      %lt3A_359 = arith.cmpi slt, %add3A_357, %lt3A_358 : i32
      %convert_element_type3A_360 = arith.extui %lt3A_359 : i1 to i32
      %cond3A_361 = arith.constant 0 : i32
      %cond3A_362 = arith.cmpi ne, %convert_element_type3A_360, %cond3A_361 : i32
      scf.if %cond3A_362 {
        %dma_wait3A_548 = arith.constant 2 : i32
        %dma_wait3A_549 = arith.constant 2 : i32
        %dma_wait3A_550 = arith.constant 0 : i32
        %dma_wait3A_551 = arith.constant 0 : i32
        %dma_wait3A_552 = tpu.memref_slice %arg10[%dma_wait3A_548, %dma_wait3A_550, %dma_wait3A_551] : memref<8x128x16xf32, #tpu.memory_space<vmem>> -> memref<1x128x16xf32, #tpu.memory_space<vmem>>
        %dma_wait3A_553 = tpu.memref_squeeze %dma_wait3A_552 : memref<1x128x16xf32, #tpu.memory_space<vmem>> -> memref<128x16xf32, #tpu.memory_space<vmem>>
        %dma_wait3A_554 = arith.constant 0 : i32
        %dma_wait3A_555 = tpu.memref_slice %arg9[%add3A_327, %dma_wait3A_554] : memref<80x128xi32, #tpu.memory_space<vmem>> -> memref<1x128xi32, #tpu.memory_space<vmem>>
        %dma_wait3A_556 = tpu.memref_squeeze %dma_wait3A_555 : memref<1x128xi32, #tpu.memory_space<vmem>> -> memref<128xi32, #tpu.memory_space<vmem>>
        %dma_wait3A_557 = arith.constant 0 : i32
        %dma_wait3A_558 = arith.constant 0 : i32
        %dma_wait3A_559 = tpu.memref_slice %arg7[%dma_wait3A_557, %dma_wait3A_558] : memref<10112x16xf32, #tpu.memory_space<vmem_shared>> -> memref<10112x16xf32, #tpu.memory_space<vmem_shared>>
        %dma_wait3A_560 = tpu.memref_slice %arg12[%dma_wait3A_549] : memref<8x!tpu.dma_semaphore, #tpu.memory_space<semaphore_mem>> -> memref<1x!tpu.dma_semaphore, #tpu.memory_space<semaphore_mem>>
        %dma_wait3A_561 = tpu.memref_squeeze %dma_wait3A_560 : memref<1x!tpu.dma_semaphore, #tpu.memory_space<semaphore_mem>> -> memref<!tpu.dma_semaphore, #tpu.memory_space<semaphore_mem>>
        tpu.wait_indirect_dma semaphore(%dma_wait3A_561 : memref<!tpu.dma_semaphore, #tpu.memory_space<semaphore_mem>>) src(%dma_wait3A_553 : memref<128x16xf32, #tpu.memory_space<vmem>>) dst(%dma_wait3A_559 : memref<10112x16xf32, #tpu.memory_space<vmem_shared>>)
        %add3A_562 = arith.constant 8 : i32
        %add3A_563 = arith.addi %add3A_327, %add3A_562 : i32
        %dma_start3A_564 = arith.constant 2 : i32
        %dma_start3A_565 = arith.constant 2 : i32
        %dma_start3A_566 = arith.constant 0 : i32
        %dma_start3A_567 = arith.constant 0 : i32
        %dma_start3A_568 = tpu.memref_slice %arg10[%dma_start3A_564, %dma_start3A_566, %dma_start3A_567] : memref<8x128x16xf32, #tpu.memory_space<vmem>> -> memref<1x128x16xf32, #tpu.memory_space<vmem>>
        %dma_start3A_569 = tpu.memref_squeeze %dma_start3A_568 : memref<1x128x16xf32, #tpu.memory_space<vmem>> -> memref<128x16xf32, #tpu.memory_space<vmem>>
        %dma_start3A_570 = arith.constant 0 : i32
        %dma_start3A_571 = tpu.memref_slice %arg8[%add3A_563, %dma_start3A_570] : memref<80x128xi32, #tpu.memory_space<vmem>> -> memref<1x128xi32, #tpu.memory_space<vmem>>
        %dma_start3A_572 = tpu.memref_squeeze %dma_start3A_571 : memref<1x128xi32, #tpu.memory_space<vmem>> -> memref<128xi32, #tpu.memory_space<vmem>>
        %dma_start3A_573 = arith.constant 0 : i32
        %dma_start3A_574 = arith.constant 0 : i32
        %dma_start3A_575 = tpu.memref_slice %arg2[%dma_start3A_573, %dma_start3A_574] : memref<10000x16xf32, #tpu.memory_space<hbm>> -> memref<10000x16xf32, #tpu.memory_space<hbm>>
        %dma_start3A_576 = tpu.memref_slice %arg11[%dma_start3A_565] : memref<8x!tpu.dma_semaphore, #tpu.memory_space<semaphore_mem>> -> memref<1x!tpu.dma_semaphore, #tpu.memory_space<semaphore_mem>>
        %dma_start3A_577 = tpu.memref_squeeze %dma_start3A_576 : memref<1x!tpu.dma_semaphore, #tpu.memory_space<semaphore_mem>> -> memref<!tpu.dma_semaphore, #tpu.memory_space<semaphore_mem>>
        tpu.enqueue_indirect_dma source(%dma_start3A_575 : memref<10000x16xf32, #tpu.memory_space<hbm>>) target(%dma_start3A_569 : memref<128x16xf32, #tpu.memory_space<vmem>>) offsets(%dma_start3A_572 : memref<128xi32, #tpu.memory_space<vmem>>) semaphore(%dma_start3A_577 : memref<!tpu.dma_semaphore, #tpu.memory_space<semaphore_mem>>)
      } else {
      }
      %add3A_363 = arith.constant 3 : i32
      %add3A_364 = arith.addi %mul3A_254, %add3A_363 : i32
      %dma_wait3A_365 = arith.constant 3 : i32
      %dma_wait3A_366 = arith.constant 3 : i32
      %dma_wait3A_367 = arith.constant 0 : i32
      %dma_wait3A_368 = arith.constant 0 : i32
      %dma_wait3A_369 = tpu.memref_slice %arg10[%dma_wait3A_365, %dma_wait3A_367, %dma_wait3A_368] : memref<8x128x16xf32, #tpu.memory_space<vmem>> -> memref<1x128x16xf32, #tpu.memory_space<vmem>>
      %dma_wait3A_370 = tpu.memref_squeeze %dma_wait3A_369 : memref<1x128x16xf32, #tpu.memory_space<vmem>> -> memref<128x16xf32, #tpu.memory_space<vmem>>
      %dma_wait3A_371 = arith.constant 0 : i32
      %dma_wait3A_372 = tpu.memref_slice %arg8[%add3A_364, %dma_wait3A_371] : memref<80x128xi32, #tpu.memory_space<vmem>> -> memref<1x128xi32, #tpu.memory_space<vmem>>
      %dma_wait3A_373 = tpu.memref_squeeze %dma_wait3A_372 : memref<1x128xi32, #tpu.memory_space<vmem>> -> memref<128xi32, #tpu.memory_space<vmem>>
      %dma_wait3A_374 = arith.constant 0 : i32
      %dma_wait3A_375 = arith.constant 0 : i32
      %dma_wait3A_376 = tpu.memref_slice %arg2[%dma_wait3A_374, %dma_wait3A_375] : memref<10000x16xf32, #tpu.memory_space<hbm>> -> memref<10000x16xf32, #tpu.memory_space<hbm>>
      %dma_wait3A_377 = tpu.memref_slice %arg11[%dma_wait3A_366] : memref<8x!tpu.dma_semaphore, #tpu.memory_space<semaphore_mem>> -> memref<1x!tpu.dma_semaphore, #tpu.memory_space<semaphore_mem>>
      %dma_wait3A_378 = tpu.memref_squeeze %dma_wait3A_377 : memref<1x!tpu.dma_semaphore, #tpu.memory_space<semaphore_mem>> -> memref<!tpu.dma_semaphore, #tpu.memory_space<semaphore_mem>>
      tpu.wait_indirect_dma semaphore(%dma_wait3A_378 : memref<!tpu.dma_semaphore, #tpu.memory_space<semaphore_mem>>) src(%dma_wait3A_376 : memref<10000x16xf32, #tpu.memory_space<hbm>>) dst(%dma_wait3A_370 : memref<128x16xf32, #tpu.memory_space<vmem>>)
      %dma_start3A_379 = arith.constant 3 : i32
      %dma_start3A_380 = arith.constant 3 : i32
      %dma_start3A_381 = arith.constant 0 : i32
      %dma_start3A_382 = arith.constant 0 : i32
      %dma_start3A_383 = tpu.memref_slice %arg10[%dma_start3A_379, %dma_start3A_381, %dma_start3A_382] : memref<8x128x16xf32, #tpu.memory_space<vmem>> -> memref<1x128x16xf32, #tpu.memory_space<vmem>>
      %dma_start3A_384 = tpu.memref_squeeze %dma_start3A_383 : memref<1x128x16xf32, #tpu.memory_space<vmem>> -> memref<128x16xf32, #tpu.memory_space<vmem>>
      %dma_start3A_385 = arith.constant 0 : i32
      %dma_start3A_386 = tpu.memref_slice %arg9[%add3A_364, %dma_start3A_385] : memref<80x128xi32, #tpu.memory_space<vmem>> -> memref<1x128xi32, #tpu.memory_space<vmem>>
      %dma_start3A_387 = tpu.memref_squeeze %dma_start3A_386 : memref<1x128xi32, #tpu.memory_space<vmem>> -> memref<128xi32, #tpu.memory_space<vmem>>
      %dma_start3A_388 = arith.constant 0 : i32
      %dma_start3A_389 = arith.constant 0 : i32
      %dma_start3A_390 = tpu.memref_slice %arg7[%dma_start3A_388, %dma_start3A_389] : memref<10112x16xf32, #tpu.memory_space<vmem_shared>> -> memref<10112x16xf32, #tpu.memory_space<vmem_shared>>
      %dma_start3A_391 = tpu.memref_slice %arg12[%dma_start3A_380] : memref<8x!tpu.dma_semaphore, #tpu.memory_space<semaphore_mem>> -> memref<1x!tpu.dma_semaphore, #tpu.memory_space<semaphore_mem>>
      %dma_start3A_392 = tpu.memref_squeeze %dma_start3A_391 : memref<1x!tpu.dma_semaphore, #tpu.memory_space<semaphore_mem>> -> memref<!tpu.dma_semaphore, #tpu.memory_space<semaphore_mem>>
      tpu.enqueue_indirect_dma source(%dma_start3A_384 : memref<128x16xf32, #tpu.memory_space<vmem>>) target(%dma_start3A_390 : memref<10112x16xf32, #tpu.memory_space<vmem_shared>>) offsets(%dma_start3A_387 : memref<128xi32, #tpu.memory_space<vmem>>) semaphore(%dma_start3A_392 : memref<!tpu.dma_semaphore, #tpu.memory_space<semaphore_mem>>) {add = true}
      %add3A_393 = arith.constant 8 : i32
      %add3A_394 = arith.addi %add3A_364, %add3A_393 : i32
      %lt3A_395 = arith.constant 80 : i32
      %lt3A_396 = arith.cmpi slt, %add3A_394, %lt3A_395 : i32
      %convert_element_type3A_397 = arith.extui %lt3A_396 : i1 to i32
      %cond3A_398 = arith.constant 0 : i32
      %cond3A_399 = arith.cmpi ne, %convert_element_type3A_397, %cond3A_398 : i32
      scf.if %cond3A_399 {
        %dma_wait3A_548 = arith.constant 3 : i32
        %dma_wait3A_549 = arith.constant 3 : i32
        %dma_wait3A_550 = arith.constant 0 : i32
        %dma_wait3A_551 = arith.constant 0 : i32
        %dma_wait3A_552 = tpu.memref_slice %arg10[%dma_wait3A_548, %dma_wait3A_550, %dma_wait3A_551] : memref<8x128x16xf32, #tpu.memory_space<vmem>> -> memref<1x128x16xf32, #tpu.memory_space<vmem>>
        %dma_wait3A_553 = tpu.memref_squeeze %dma_wait3A_552 : memref<1x128x16xf32, #tpu.memory_space<vmem>> -> memref<128x16xf32, #tpu.memory_space<vmem>>
        %dma_wait3A_554 = arith.constant 0 : i32
        %dma_wait3A_555 = tpu.memref_slice %arg9[%add3A_364, %dma_wait3A_554] : memref<80x128xi32, #tpu.memory_space<vmem>> -> memref<1x128xi32, #tpu.memory_space<vmem>>
        %dma_wait3A_556 = tpu.memref_squeeze %dma_wait3A_555 : memref<1x128xi32, #tpu.memory_space<vmem>> -> memref<128xi32, #tpu.memory_space<vmem>>
        %dma_wait3A_557 = arith.constant 0 : i32
        %dma_wait3A_558 = arith.constant 0 : i32
        %dma_wait3A_559 = tpu.memref_slice %arg7[%dma_wait3A_557, %dma_wait3A_558] : memref<10112x16xf32, #tpu.memory_space<vmem_shared>> -> memref<10112x16xf32, #tpu.memory_space<vmem_shared>>
        %dma_wait3A_560 = tpu.memref_slice %arg12[%dma_wait3A_549] : memref<8x!tpu.dma_semaphore, #tpu.memory_space<semaphore_mem>> -> memref<1x!tpu.dma_semaphore, #tpu.memory_space<semaphore_mem>>
        %dma_wait3A_561 = tpu.memref_squeeze %dma_wait3A_560 : memref<1x!tpu.dma_semaphore, #tpu.memory_space<semaphore_mem>> -> memref<!tpu.dma_semaphore, #tpu.memory_space<semaphore_mem>>
        tpu.wait_indirect_dma semaphore(%dma_wait3A_561 : memref<!tpu.dma_semaphore, #tpu.memory_space<semaphore_mem>>) src(%dma_wait3A_553 : memref<128x16xf32, #tpu.memory_space<vmem>>) dst(%dma_wait3A_559 : memref<10112x16xf32, #tpu.memory_space<vmem_shared>>)
        %add3A_562 = arith.constant 8 : i32
        %add3A_563 = arith.addi %add3A_364, %add3A_562 : i32
        %dma_start3A_564 = arith.constant 3 : i32
        %dma_start3A_565 = arith.constant 3 : i32
        %dma_start3A_566 = arith.constant 0 : i32
        %dma_start3A_567 = arith.constant 0 : i32
        %dma_start3A_568 = tpu.memref_slice %arg10[%dma_start3A_564, %dma_start3A_566, %dma_start3A_567] : memref<8x128x16xf32, #tpu.memory_space<vmem>> -> memref<1x128x16xf32, #tpu.memory_space<vmem>>
        %dma_start3A_569 = tpu.memref_squeeze %dma_start3A_568 : memref<1x128x16xf32, #tpu.memory_space<vmem>> -> memref<128x16xf32, #tpu.memory_space<vmem>>
        %dma_start3A_570 = arith.constant 0 : i32
        %dma_start3A_571 = tpu.memref_slice %arg8[%add3A_563, %dma_start3A_570] : memref<80x128xi32, #tpu.memory_space<vmem>> -> memref<1x128xi32, #tpu.memory_space<vmem>>
        %dma_start3A_572 = tpu.memref_squeeze %dma_start3A_571 : memref<1x128xi32, #tpu.memory_space<vmem>> -> memref<128xi32, #tpu.memory_space<vmem>>
        %dma_start3A_573 = arith.constant 0 : i32
        %dma_start3A_574 = arith.constant 0 : i32
        %dma_start3A_575 = tpu.memref_slice %arg2[%dma_start3A_573, %dma_start3A_574] : memref<10000x16xf32, #tpu.memory_space<hbm>> -> memref<10000x16xf32, #tpu.memory_space<hbm>>
        %dma_start3A_576 = tpu.memref_slice %arg11[%dma_start3A_565] : memref<8x!tpu.dma_semaphore, #tpu.memory_space<semaphore_mem>> -> memref<1x!tpu.dma_semaphore, #tpu.memory_space<semaphore_mem>>
        %dma_start3A_577 = tpu.memref_squeeze %dma_start3A_576 : memref<1x!tpu.dma_semaphore, #tpu.memory_space<semaphore_mem>> -> memref<!tpu.dma_semaphore, #tpu.memory_space<semaphore_mem>>
        tpu.enqueue_indirect_dma source(%dma_start3A_575 : memref<10000x16xf32, #tpu.memory_space<hbm>>) target(%dma_start3A_569 : memref<128x16xf32, #tpu.memory_space<vmem>>) offsets(%dma_start3A_572 : memref<128xi32, #tpu.memory_space<vmem>>) semaphore(%dma_start3A_577 : memref<!tpu.dma_semaphore, #tpu.memory_space<semaphore_mem>>)
      } else {
      }
      %add3A_400 = arith.constant 4 : i32
      %add3A_401 = arith.addi %mul3A_254, %add3A_400 : i32
      %dma_wait3A_402 = arith.constant 4 : i32
      %dma_wait3A_403 = arith.constant 4 : i32
      %dma_wait3A_404 = arith.constant 0 : i32
      %dma_wait3A_405 = arith.constant 0 : i32
      %dma_wait3A_406 = tpu.memref_slice %arg10[%dma_wait3A_402, %dma_wait3A_404, %dma_wait3A_405] : memref<8x128x16xf32, #tpu.memory_space<vmem>> -> memref<1x128x16xf32, #tpu.memory_space<vmem>>
      %dma_wait3A_407 = tpu.memref_squeeze %dma_wait3A_406 : memref<1x128x16xf32, #tpu.memory_space<vmem>> -> memref<128x16xf32, #tpu.memory_space<vmem>>
      %dma_wait3A_408 = arith.constant 0 : i32
      %dma_wait3A_409 = tpu.memref_slice %arg8[%add3A_401, %dma_wait3A_408] : memref<80x128xi32, #tpu.memory_space<vmem>> -> memref<1x128xi32, #tpu.memory_space<vmem>>
      %dma_wait3A_410 = tpu.memref_squeeze %dma_wait3A_409 : memref<1x128xi32, #tpu.memory_space<vmem>> -> memref<128xi32, #tpu.memory_space<vmem>>
      %dma_wait3A_411 = arith.constant 0 : i32
      %dma_wait3A_412 = arith.constant 0 : i32
      %dma_wait3A_413 = tpu.memref_slice %arg2[%dma_wait3A_411, %dma_wait3A_412] : memref<10000x16xf32, #tpu.memory_space<hbm>> -> memref<10000x16xf32, #tpu.memory_space<hbm>>
      %dma_wait3A_414 = tpu.memref_slice %arg11[%dma_wait3A_403] : memref<8x!tpu.dma_semaphore, #tpu.memory_space<semaphore_mem>> -> memref<1x!tpu.dma_semaphore, #tpu.memory_space<semaphore_mem>>
      %dma_wait3A_415 = tpu.memref_squeeze %dma_wait3A_414 : memref<1x!tpu.dma_semaphore, #tpu.memory_space<semaphore_mem>> -> memref<!tpu.dma_semaphore, #tpu.memory_space<semaphore_mem>>
      tpu.wait_indirect_dma semaphore(%dma_wait3A_415 : memref<!tpu.dma_semaphore, #tpu.memory_space<semaphore_mem>>) src(%dma_wait3A_413 : memref<10000x16xf32, #tpu.memory_space<hbm>>) dst(%dma_wait3A_407 : memref<128x16xf32, #tpu.memory_space<vmem>>)
      %dma_start3A_416 = arith.constant 4 : i32
      %dma_start3A_417 = arith.constant 4 : i32
      %dma_start3A_418 = arith.constant 0 : i32
      %dma_start3A_419 = arith.constant 0 : i32
      %dma_start3A_420 = tpu.memref_slice %arg10[%dma_start3A_416, %dma_start3A_418, %dma_start3A_419] : memref<8x128x16xf32, #tpu.memory_space<vmem>> -> memref<1x128x16xf32, #tpu.memory_space<vmem>>
      %dma_start3A_421 = tpu.memref_squeeze %dma_start3A_420 : memref<1x128x16xf32, #tpu.memory_space<vmem>> -> memref<128x16xf32, #tpu.memory_space<vmem>>
      %dma_start3A_422 = arith.constant 0 : i32
      %dma_start3A_423 = tpu.memref_slice %arg9[%add3A_401, %dma_start3A_422] : memref<80x128xi32, #tpu.memory_space<vmem>> -> memref<1x128xi32, #tpu.memory_space<vmem>>
      %dma_start3A_424 = tpu.memref_squeeze %dma_start3A_423 : memref<1x128xi32, #tpu.memory_space<vmem>> -> memref<128xi32, #tpu.memory_space<vmem>>
      %dma_start3A_425 = arith.constant 0 : i32
      %dma_start3A_426 = arith.constant 0 : i32
      %dma_start3A_427 = tpu.memref_slice %arg7[%dma_start3A_425, %dma_start3A_426] : memref<10112x16xf32, #tpu.memory_space<vmem_shared>> -> memref<10112x16xf32, #tpu.memory_space<vmem_shared>>
      %dma_start3A_428 = tpu.memref_slice %arg12[%dma_start3A_417] : memref<8x!tpu.dma_semaphore, #tpu.memory_space<semaphore_mem>> -> memref<1x!tpu.dma_semaphore, #tpu.memory_space<semaphore_mem>>
      %dma_start3A_429 = tpu.memref_squeeze %dma_start3A_428 : memref<1x!tpu.dma_semaphore, #tpu.memory_space<semaphore_mem>> -> memref<!tpu.dma_semaphore, #tpu.memory_space<semaphore_mem>>
      tpu.enqueue_indirect_dma source(%dma_start3A_421 : memref<128x16xf32, #tpu.memory_space<vmem>>) target(%dma_start3A_427 : memref<10112x16xf32, #tpu.memory_space<vmem_shared>>) offsets(%dma_start3A_424 : memref<128xi32, #tpu.memory_space<vmem>>) semaphore(%dma_start3A_429 : memref<!tpu.dma_semaphore, #tpu.memory_space<semaphore_mem>>) {add = true}
      %add3A_430 = arith.constant 8 : i32
      %add3A_431 = arith.addi %add3A_401, %add3A_430 : i32
      %lt3A_432 = arith.constant 80 : i32
      %lt3A_433 = arith.cmpi slt, %add3A_431, %lt3A_432 : i32
      %convert_element_type3A_434 = arith.extui %lt3A_433 : i1 to i32
      %cond3A_435 = arith.constant 0 : i32
      %cond3A_436 = arith.cmpi ne, %convert_element_type3A_434, %cond3A_435 : i32
      scf.if %cond3A_436 {
        %dma_wait3A_548 = arith.constant 4 : i32
        %dma_wait3A_549 = arith.constant 4 : i32
        %dma_wait3A_550 = arith.constant 0 : i32
        %dma_wait3A_551 = arith.constant 0 : i32
        %dma_wait3A_552 = tpu.memref_slice %arg10[%dma_wait3A_548, %dma_wait3A_550, %dma_wait3A_551] : memref<8x128x16xf32, #tpu.memory_space<vmem>> -> memref<1x128x16xf32, #tpu.memory_space<vmem>>
        %dma_wait3A_553 = tpu.memref_squeeze %dma_wait3A_552 : memref<1x128x16xf32, #tpu.memory_space<vmem>> -> memref<128x16xf32, #tpu.memory_space<vmem>>
        %dma_wait3A_554 = arith.constant 0 : i32
        %dma_wait3A_555 = tpu.memref_slice %arg9[%add3A_401, %dma_wait3A_554] : memref<80x128xi32, #tpu.memory_space<vmem>> -> memref<1x128xi32, #tpu.memory_space<vmem>>
        %dma_wait3A_556 = tpu.memref_squeeze %dma_wait3A_555 : memref<1x128xi32, #tpu.memory_space<vmem>> -> memref<128xi32, #tpu.memory_space<vmem>>
        %dma_wait3A_557 = arith.constant 0 : i32
        %dma_wait3A_558 = arith.constant 0 : i32
        %dma_wait3A_559 = tpu.memref_slice %arg7[%dma_wait3A_557, %dma_wait3A_558] : memref<10112x16xf32, #tpu.memory_space<vmem_shared>> -> memref<10112x16xf32, #tpu.memory_space<vmem_shared>>
        %dma_wait3A_560 = tpu.memref_slice %arg12[%dma_wait3A_549] : memref<8x!tpu.dma_semaphore, #tpu.memory_space<semaphore_mem>> -> memref<1x!tpu.dma_semaphore, #tpu.memory_space<semaphore_mem>>
        %dma_wait3A_561 = tpu.memref_squeeze %dma_wait3A_560 : memref<1x!tpu.dma_semaphore, #tpu.memory_space<semaphore_mem>> -> memref<!tpu.dma_semaphore, #tpu.memory_space<semaphore_mem>>
        tpu.wait_indirect_dma semaphore(%dma_wait3A_561 : memref<!tpu.dma_semaphore, #tpu.memory_space<semaphore_mem>>) src(%dma_wait3A_553 : memref<128x16xf32, #tpu.memory_space<vmem>>) dst(%dma_wait3A_559 : memref<10112x16xf32, #tpu.memory_space<vmem_shared>>)
        %add3A_562 = arith.constant 8 : i32
        %add3A_563 = arith.addi %add3A_401, %add3A_562 : i32
        %dma_start3A_564 = arith.constant 4 : i32
        %dma_start3A_565 = arith.constant 4 : i32
        %dma_start3A_566 = arith.constant 0 : i32
        %dma_start3A_567 = arith.constant 0 : i32
        %dma_start3A_568 = tpu.memref_slice %arg10[%dma_start3A_564, %dma_start3A_566, %dma_start3A_567] : memref<8x128x16xf32, #tpu.memory_space<vmem>> -> memref<1x128x16xf32, #tpu.memory_space<vmem>>
        %dma_start3A_569 = tpu.memref_squeeze %dma_start3A_568 : memref<1x128x16xf32, #tpu.memory_space<vmem>> -> memref<128x16xf32, #tpu.memory_space<vmem>>
        %dma_start3A_570 = arith.constant 0 : i32
        %dma_start3A_571 = tpu.memref_slice %arg8[%add3A_563, %dma_start3A_570] : memref<80x128xi32, #tpu.memory_space<vmem>> -> memref<1x128xi32, #tpu.memory_space<vmem>>
        %dma_start3A_572 = tpu.memref_squeeze %dma_start3A_571 : memref<1x128xi32, #tpu.memory_space<vmem>> -> memref<128xi32, #tpu.memory_space<vmem>>
        %dma_start3A_573 = arith.constant 0 : i32
        %dma_start3A_574 = arith.constant 0 : i32
        %dma_start3A_575 = tpu.memref_slice %arg2[%dma_start3A_573, %dma_start3A_574] : memref<10000x16xf32, #tpu.memory_space<hbm>> -> memref<10000x16xf32, #tpu.memory_space<hbm>>
        %dma_start3A_576 = tpu.memref_slice %arg11[%dma_start3A_565] : memref<8x!tpu.dma_semaphore, #tpu.memory_space<semaphore_mem>> -> memref<1x!tpu.dma_semaphore, #tpu.memory_space<semaphore_mem>>
        %dma_start3A_577 = tpu.memref_squeeze %dma_start3A_576 : memref<1x!tpu.dma_semaphore, #tpu.memory_space<semaphore_mem>> -> memref<!tpu.dma_semaphore, #tpu.memory_space<semaphore_mem>>
        tpu.enqueue_indirect_dma source(%dma_start3A_575 : memref<10000x16xf32, #tpu.memory_space<hbm>>) target(%dma_start3A_569 : memref<128x16xf32, #tpu.memory_space<vmem>>) offsets(%dma_start3A_572 : memref<128xi32, #tpu.memory_space<vmem>>) semaphore(%dma_start3A_577 : memref<!tpu.dma_semaphore, #tpu.memory_space<semaphore_mem>>)
      } else {
      }
      %add3A_437 = arith.constant 5 : i32
      %add3A_438 = arith.addi %mul3A_254, %add3A_437 : i32
      %dma_wait3A_439 = arith.constant 5 : i32
      %dma_wait3A_440 = arith.constant 5 : i32
      %dma_wait3A_441 = arith.constant 0 : i32
      %dma_wait3A_442 = arith.constant 0 : i32
      %dma_wait3A_443 = tpu.memref_slice %arg10[%dma_wait3A_439, %dma_wait3A_441, %dma_wait3A_442] : memref<8x128x16xf32, #tpu.memory_space<vmem>> -> memref<1x128x16xf32, #tpu.memory_space<vmem>>
      %dma_wait3A_444 = tpu.memref_squeeze %dma_wait3A_443 : memref<1x128x16xf32, #tpu.memory_space<vmem>> -> memref<128x16xf32, #tpu.memory_space<vmem>>
      %dma_wait3A_445 = arith.constant 0 : i32
      %dma_wait3A_446 = tpu.memref_slice %arg8[%add3A_438, %dma_wait3A_445] : memref<80x128xi32, #tpu.memory_space<vmem>> -> memref<1x128xi32, #tpu.memory_space<vmem>>
      %dma_wait3A_447 = tpu.memref_squeeze %dma_wait3A_446 : memref<1x128xi32, #tpu.memory_space<vmem>> -> memref<128xi32, #tpu.memory_space<vmem>>
      %dma_wait3A_448 = arith.constant 0 : i32
      %dma_wait3A_449 = arith.constant 0 : i32
      %dma_wait3A_450 = tpu.memref_slice %arg2[%dma_wait3A_448, %dma_wait3A_449] : memref<10000x16xf32, #tpu.memory_space<hbm>> -> memref<10000x16xf32, #tpu.memory_space<hbm>>
      %dma_wait3A_451 = tpu.memref_slice %arg11[%dma_wait3A_440] : memref<8x!tpu.dma_semaphore, #tpu.memory_space<semaphore_mem>> -> memref<1x!tpu.dma_semaphore, #tpu.memory_space<semaphore_mem>>
      %dma_wait3A_452 = tpu.memref_squeeze %dma_wait3A_451 : memref<1x!tpu.dma_semaphore, #tpu.memory_space<semaphore_mem>> -> memref<!tpu.dma_semaphore, #tpu.memory_space<semaphore_mem>>
      tpu.wait_indirect_dma semaphore(%dma_wait3A_452 : memref<!tpu.dma_semaphore, #tpu.memory_space<semaphore_mem>>) src(%dma_wait3A_450 : memref<10000x16xf32, #tpu.memory_space<hbm>>) dst(%dma_wait3A_444 : memref<128x16xf32, #tpu.memory_space<vmem>>)
      %dma_start3A_453 = arith.constant 5 : i32
      %dma_start3A_454 = arith.constant 5 : i32
      %dma_start3A_455 = arith.constant 0 : i32
      %dma_start3A_456 = arith.constant 0 : i32
      %dma_start3A_457 = tpu.memref_slice %arg10[%dma_start3A_453, %dma_start3A_455, %dma_start3A_456] : memref<8x128x16xf32, #tpu.memory_space<vmem>> -> memref<1x128x16xf32, #tpu.memory_space<vmem>>
      %dma_start3A_458 = tpu.memref_squeeze %dma_start3A_457 : memref<1x128x16xf32, #tpu.memory_space<vmem>> -> memref<128x16xf32, #tpu.memory_space<vmem>>
      %dma_start3A_459 = arith.constant 0 : i32
      %dma_start3A_460 = tpu.memref_slice %arg9[%add3A_438, %dma_start3A_459] : memref<80x128xi32, #tpu.memory_space<vmem>> -> memref<1x128xi32, #tpu.memory_space<vmem>>
      %dma_start3A_461 = tpu.memref_squeeze %dma_start3A_460 : memref<1x128xi32, #tpu.memory_space<vmem>> -> memref<128xi32, #tpu.memory_space<vmem>>
      %dma_start3A_462 = arith.constant 0 : i32
      %dma_start3A_463 = arith.constant 0 : i32
      %dma_start3A_464 = tpu.memref_slice %arg7[%dma_start3A_462, %dma_start3A_463] : memref<10112x16xf32, #tpu.memory_space<vmem_shared>> -> memref<10112x16xf32, #tpu.memory_space<vmem_shared>>
      %dma_start3A_465 = tpu.memref_slice %arg12[%dma_start3A_454] : memref<8x!tpu.dma_semaphore, #tpu.memory_space<semaphore_mem>> -> memref<1x!tpu.dma_semaphore, #tpu.memory_space<semaphore_mem>>
      %dma_start3A_466 = tpu.memref_squeeze %dma_start3A_465 : memref<1x!tpu.dma_semaphore, #tpu.memory_space<semaphore_mem>> -> memref<!tpu.dma_semaphore, #tpu.memory_space<semaphore_mem>>
      tpu.enqueue_indirect_dma source(%dma_start3A_458 : memref<128x16xf32, #tpu.memory_space<vmem>>) target(%dma_start3A_464 : memref<10112x16xf32, #tpu.memory_space<vmem_shared>>) offsets(%dma_start3A_461 : memref<128xi32, #tpu.memory_space<vmem>>) semaphore(%dma_start3A_466 : memref<!tpu.dma_semaphore, #tpu.memory_space<semaphore_mem>>) {add = true}
      %add3A_467 = arith.constant 8 : i32
      %add3A_468 = arith.addi %add3A_438, %add3A_467 : i32
      %lt3A_469 = arith.constant 80 : i32
      %lt3A_470 = arith.cmpi slt, %add3A_468, %lt3A_469 : i32
      %convert_element_type3A_471 = arith.extui %lt3A_470 : i1 to i32
      %cond3A_472 = arith.constant 0 : i32
      %cond3A_473 = arith.cmpi ne, %convert_element_type3A_471, %cond3A_472 : i32
      scf.if %cond3A_473 {
        %dma_wait3A_548 = arith.constant 5 : i32
        %dma_wait3A_549 = arith.constant 5 : i32
        %dma_wait3A_550 = arith.constant 0 : i32
        %dma_wait3A_551 = arith.constant 0 : i32
        %dma_wait3A_552 = tpu.memref_slice %arg10[%dma_wait3A_548, %dma_wait3A_550, %dma_wait3A_551] : memref<8x128x16xf32, #tpu.memory_space<vmem>> -> memref<1x128x16xf32, #tpu.memory_space<vmem>>
        %dma_wait3A_553 = tpu.memref_squeeze %dma_wait3A_552 : memref<1x128x16xf32, #tpu.memory_space<vmem>> -> memref<128x16xf32, #tpu.memory_space<vmem>>
        %dma_wait3A_554 = arith.constant 0 : i32
        %dma_wait3A_555 = tpu.memref_slice %arg9[%add3A_438, %dma_wait3A_554] : memref<80x128xi32, #tpu.memory_space<vmem>> -> memref<1x128xi32, #tpu.memory_space<vmem>>
        %dma_wait3A_556 = tpu.memref_squeeze %dma_wait3A_555 : memref<1x128xi32, #tpu.memory_space<vmem>> -> memref<128xi32, #tpu.memory_space<vmem>>
        %dma_wait3A_557 = arith.constant 0 : i32
        %dma_wait3A_558 = arith.constant 0 : i32
        %dma_wait3A_559 = tpu.memref_slice %arg7[%dma_wait3A_557, %dma_wait3A_558] : memref<10112x16xf32, #tpu.memory_space<vmem_shared>> -> memref<10112x16xf32, #tpu.memory_space<vmem_shared>>
        %dma_wait3A_560 = tpu.memref_slice %arg12[%dma_wait3A_549] : memref<8x!tpu.dma_semaphore, #tpu.memory_space<semaphore_mem>> -> memref<1x!tpu.dma_semaphore, #tpu.memory_space<semaphore_mem>>
        %dma_wait3A_561 = tpu.memref_squeeze %dma_wait3A_560 : memref<1x!tpu.dma_semaphore, #tpu.memory_space<semaphore_mem>> -> memref<!tpu.dma_semaphore, #tpu.memory_space<semaphore_mem>>
        tpu.wait_indirect_dma semaphore(%dma_wait3A_561 : memref<!tpu.dma_semaphore, #tpu.memory_space<semaphore_mem>>) src(%dma_wait3A_553 : memref<128x16xf32, #tpu.memory_space<vmem>>) dst(%dma_wait3A_559 : memref<10112x16xf32, #tpu.memory_space<vmem_shared>>)
        %add3A_562 = arith.constant 8 : i32
        %add3A_563 = arith.addi %add3A_438, %add3A_562 : i32
        %dma_start3A_564 = arith.constant 5 : i32
        %dma_start3A_565 = arith.constant 5 : i32
        %dma_start3A_566 = arith.constant 0 : i32
        %dma_start3A_567 = arith.constant 0 : i32
        %dma_start3A_568 = tpu.memref_slice %arg10[%dma_start3A_564, %dma_start3A_566, %dma_start3A_567] : memref<8x128x16xf32, #tpu.memory_space<vmem>> -> memref<1x128x16xf32, #tpu.memory_space<vmem>>
        %dma_start3A_569 = tpu.memref_squeeze %dma_start3A_568 : memref<1x128x16xf32, #tpu.memory_space<vmem>> -> memref<128x16xf32, #tpu.memory_space<vmem>>
        %dma_start3A_570 = arith.constant 0 : i32
        %dma_start3A_571 = tpu.memref_slice %arg8[%add3A_563, %dma_start3A_570] : memref<80x128xi32, #tpu.memory_space<vmem>> -> memref<1x128xi32, #tpu.memory_space<vmem>>
        %dma_start3A_572 = tpu.memref_squeeze %dma_start3A_571 : memref<1x128xi32, #tpu.memory_space<vmem>> -> memref<128xi32, #tpu.memory_space<vmem>>
        %dma_start3A_573 = arith.constant 0 : i32
        %dma_start3A_574 = arith.constant 0 : i32
        %dma_start3A_575 = tpu.memref_slice %arg2[%dma_start3A_573, %dma_start3A_574] : memref<10000x16xf32, #tpu.memory_space<hbm>> -> memref<10000x16xf32, #tpu.memory_space<hbm>>
        %dma_start3A_576 = tpu.memref_slice %arg11[%dma_start3A_565] : memref<8x!tpu.dma_semaphore, #tpu.memory_space<semaphore_mem>> -> memref<1x!tpu.dma_semaphore, #tpu.memory_space<semaphore_mem>>
        %dma_start3A_577 = tpu.memref_squeeze %dma_start3A_576 : memref<1x!tpu.dma_semaphore, #tpu.memory_space<semaphore_mem>> -> memref<!tpu.dma_semaphore, #tpu.memory_space<semaphore_mem>>
        tpu.enqueue_indirect_dma source(%dma_start3A_575 : memref<10000x16xf32, #tpu.memory_space<hbm>>) target(%dma_start3A_569 : memref<128x16xf32, #tpu.memory_space<vmem>>) offsets(%dma_start3A_572 : memref<128xi32, #tpu.memory_space<vmem>>) semaphore(%dma_start3A_577 : memref<!tpu.dma_semaphore, #tpu.memory_space<semaphore_mem>>)
      } else {
      }
      %add3A_474 = arith.constant 6 : i32
      %add3A_475 = arith.addi %mul3A_254, %add3A_474 : i32
      %dma_wait3A_476 = arith.constant 6 : i32
      %dma_wait3A_477 = arith.constant 6 : i32
      %dma_wait3A_478 = arith.constant 0 : i32
      %dma_wait3A_479 = arith.constant 0 : i32
      %dma_wait3A_480 = tpu.memref_slice %arg10[%dma_wait3A_476, %dma_wait3A_478, %dma_wait3A_479] : memref<8x128x16xf32, #tpu.memory_space<vmem>> -> memref<1x128x16xf32, #tpu.memory_space<vmem>>
      %dma_wait3A_481 = tpu.memref_squeeze %dma_wait3A_480 : memref<1x128x16xf32, #tpu.memory_space<vmem>> -> memref<128x16xf32, #tpu.memory_space<vmem>>
      %dma_wait3A_482 = arith.constant 0 : i32
      %dma_wait3A_483 = tpu.memref_slice %arg8[%add3A_475, %dma_wait3A_482] : memref<80x128xi32, #tpu.memory_space<vmem>> -> memref<1x128xi32, #tpu.memory_space<vmem>>
      %dma_wait3A_484 = tpu.memref_squeeze %dma_wait3A_483 : memref<1x128xi32, #tpu.memory_space<vmem>> -> memref<128xi32, #tpu.memory_space<vmem>>
      %dma_wait3A_485 = arith.constant 0 : i32
      %dma_wait3A_486 = arith.constant 0 : i32
      %dma_wait3A_487 = tpu.memref_slice %arg2[%dma_wait3A_485, %dma_wait3A_486] : memref<10000x16xf32, #tpu.memory_space<hbm>> -> memref<10000x16xf32, #tpu.memory_space<hbm>>
      %dma_wait3A_488 = tpu.memref_slice %arg11[%dma_wait3A_477] : memref<8x!tpu.dma_semaphore, #tpu.memory_space<semaphore_mem>> -> memref<1x!tpu.dma_semaphore, #tpu.memory_space<semaphore_mem>>
      %dma_wait3A_489 = tpu.memref_squeeze %dma_wait3A_488 : memref<1x!tpu.dma_semaphore, #tpu.memory_space<semaphore_mem>> -> memref<!tpu.dma_semaphore, #tpu.memory_space<semaphore_mem>>
      tpu.wait_indirect_dma semaphore(%dma_wait3A_489 : memref<!tpu.dma_semaphore, #tpu.memory_space<semaphore_mem>>) src(%dma_wait3A_487 : memref<10000x16xf32, #tpu.memory_space<hbm>>) dst(%dma_wait3A_481 : memref<128x16xf32, #tpu.memory_space<vmem>>)
      %dma_start3A_490 = arith.constant 6 : i32
      %dma_start3A_491 = arith.constant 6 : i32
      %dma_start3A_492 = arith.constant 0 : i32
      %dma_start3A_493 = arith.constant 0 : i32
      %dma_start3A_494 = tpu.memref_slice %arg10[%dma_start3A_490, %dma_start3A_492, %dma_start3A_493] : memref<8x128x16xf32, #tpu.memory_space<vmem>> -> memref<1x128x16xf32, #tpu.memory_space<vmem>>
      %dma_start3A_495 = tpu.memref_squeeze %dma_start3A_494 : memref<1x128x16xf32, #tpu.memory_space<vmem>> -> memref<128x16xf32, #tpu.memory_space<vmem>>
      %dma_start3A_496 = arith.constant 0 : i32
      %dma_start3A_497 = tpu.memref_slice %arg9[%add3A_475, %dma_start3A_496] : memref<80x128xi32, #tpu.memory_space<vmem>> -> memref<1x128xi32, #tpu.memory_space<vmem>>
      %dma_start3A_498 = tpu.memref_squeeze %dma_start3A_497 : memref<1x128xi32, #tpu.memory_space<vmem>> -> memref<128xi32, #tpu.memory_space<vmem>>
      %dma_start3A_499 = arith.constant 0 : i32
      %dma_start3A_500 = arith.constant 0 : i32
      %dma_start3A_501 = tpu.memref_slice %arg7[%dma_start3A_499, %dma_start3A_500] : memref<10112x16xf32, #tpu.memory_space<vmem_shared>> -> memref<10112x16xf32, #tpu.memory_space<vmem_shared>>
      %dma_start3A_502 = tpu.memref_slice %arg12[%dma_start3A_491] : memref<8x!tpu.dma_semaphore, #tpu.memory_space<semaphore_mem>> -> memref<1x!tpu.dma_semaphore, #tpu.memory_space<semaphore_mem>>
      %dma_start3A_503 = tpu.memref_squeeze %dma_start3A_502 : memref<1x!tpu.dma_semaphore, #tpu.memory_space<semaphore_mem>> -> memref<!tpu.dma_semaphore, #tpu.memory_space<semaphore_mem>>
      tpu.enqueue_indirect_dma source(%dma_start3A_495 : memref<128x16xf32, #tpu.memory_space<vmem>>) target(%dma_start3A_501 : memref<10112x16xf32, #tpu.memory_space<vmem_shared>>) offsets(%dma_start3A_498 : memref<128xi32, #tpu.memory_space<vmem>>) semaphore(%dma_start3A_503 : memref<!tpu.dma_semaphore, #tpu.memory_space<semaphore_mem>>) {add = true}
      %add3A_504 = arith.constant 8 : i32
      %add3A_505 = arith.addi %add3A_475, %add3A_504 : i32
      %lt3A_506 = arith.constant 80 : i32
      %lt3A_507 = arith.cmpi slt, %add3A_505, %lt3A_506 : i32
      %convert_element_type3A_508 = arith.extui %lt3A_507 : i1 to i32
      %cond3A_509 = arith.constant 0 : i32
      %cond3A_510 = arith.cmpi ne, %convert_element_type3A_508, %cond3A_509 : i32
      scf.if %cond3A_510 {
        %dma_wait3A_548 = arith.constant 6 : i32
        %dma_wait3A_549 = arith.constant 6 : i32
        %dma_wait3A_550 = arith.constant 0 : i32
        %dma_wait3A_551 = arith.constant 0 : i32
        %dma_wait3A_552 = tpu.memref_slice %arg10[%dma_wait3A_548, %dma_wait3A_550, %dma_wait3A_551] : memref<8x128x16xf32, #tpu.memory_space<vmem>> -> memref<1x128x16xf32, #tpu.memory_space<vmem>>
        %dma_wait3A_553 = tpu.memref_squeeze %dma_wait3A_552 : memref<1x128x16xf32, #tpu.memory_space<vmem>> -> memref<128x16xf32, #tpu.memory_space<vmem>>
        %dma_wait3A_554 = arith.constant 0 : i32
        %dma_wait3A_555 = tpu.memref_slice %arg9[%add3A_475, %dma_wait3A_554] : memref<80x128xi32, #tpu.memory_space<vmem>> -> memref<1x128xi32, #tpu.memory_space<vmem>>
        %dma_wait3A_556 = tpu.memref_squeeze %dma_wait3A_555 : memref<1x128xi32, #tpu.memory_space<vmem>> -> memref<128xi32, #tpu.memory_space<vmem>>
        %dma_wait3A_557 = arith.constant 0 : i32
        %dma_wait3A_558 = arith.constant 0 : i32
        %dma_wait3A_559 = tpu.memref_slice %arg7[%dma_wait3A_557, %dma_wait3A_558] : memref<10112x16xf32, #tpu.memory_space<vmem_shared>> -> memref<10112x16xf32, #tpu.memory_space<vmem_shared>>
        %dma_wait3A_560 = tpu.memref_slice %arg12[%dma_wait3A_549] : memref<8x!tpu.dma_semaphore, #tpu.memory_space<semaphore_mem>> -> memref<1x!tpu.dma_semaphore, #tpu.memory_space<semaphore_mem>>
        %dma_wait3A_561 = tpu.memref_squeeze %dma_wait3A_560 : memref<1x!tpu.dma_semaphore, #tpu.memory_space<semaphore_mem>> -> memref<!tpu.dma_semaphore, #tpu.memory_space<semaphore_mem>>
        tpu.wait_indirect_dma semaphore(%dma_wait3A_561 : memref<!tpu.dma_semaphore, #tpu.memory_space<semaphore_mem>>) src(%dma_wait3A_553 : memref<128x16xf32, #tpu.memory_space<vmem>>) dst(%dma_wait3A_559 : memref<10112x16xf32, #tpu.memory_space<vmem_shared>>)
        %add3A_562 = arith.constant 8 : i32
        %add3A_563 = arith.addi %add3A_475, %add3A_562 : i32
        %dma_start3A_564 = arith.constant 6 : i32
        %dma_start3A_565 = arith.constant 6 : i32
        %dma_start3A_566 = arith.constant 0 : i32
        %dma_start3A_567 = arith.constant 0 : i32
        %dma_start3A_568 = tpu.memref_slice %arg10[%dma_start3A_564, %dma_start3A_566, %dma_start3A_567] : memref<8x128x16xf32, #tpu.memory_space<vmem>> -> memref<1x128x16xf32, #tpu.memory_space<vmem>>
        %dma_start3A_569 = tpu.memref_squeeze %dma_start3A_568 : memref<1x128x16xf32, #tpu.memory_space<vmem>> -> memref<128x16xf32, #tpu.memory_space<vmem>>
        %dma_start3A_570 = arith.constant 0 : i32
        %dma_start3A_571 = tpu.memref_slice %arg8[%add3A_563, %dma_start3A_570] : memref<80x128xi32, #tpu.memory_space<vmem>> -> memref<1x128xi32, #tpu.memory_space<vmem>>
        %dma_start3A_572 = tpu.memref_squeeze %dma_start3A_571 : memref<1x128xi32, #tpu.memory_space<vmem>> -> memref<128xi32, #tpu.memory_space<vmem>>
        %dma_start3A_573 = arith.constant 0 : i32
        %dma_start3A_574 = arith.constant 0 : i32
        %dma_start3A_575 = tpu.memref_slice %arg2[%dma_start3A_573, %dma_start3A_574] : memref<10000x16xf32, #tpu.memory_space<hbm>> -> memref<10000x16xf32, #tpu.memory_space<hbm>>
        %dma_start3A_576 = tpu.memref_slice %arg11[%dma_start3A_565] : memref<8x!tpu.dma_semaphore, #tpu.memory_space<semaphore_mem>> -> memref<1x!tpu.dma_semaphore, #tpu.memory_space<semaphore_mem>>
        %dma_start3A_577 = tpu.memref_squeeze %dma_start3A_576 : memref<1x!tpu.dma_semaphore, #tpu.memory_space<semaphore_mem>> -> memref<!tpu.dma_semaphore, #tpu.memory_space<semaphore_mem>>
        tpu.enqueue_indirect_dma source(%dma_start3A_575 : memref<10000x16xf32, #tpu.memory_space<hbm>>) target(%dma_start3A_569 : memref<128x16xf32, #tpu.memory_space<vmem>>) offsets(%dma_start3A_572 : memref<128xi32, #tpu.memory_space<vmem>>) semaphore(%dma_start3A_577 : memref<!tpu.dma_semaphore, #tpu.memory_space<semaphore_mem>>)
      } else {
      }
      %add3A_511 = arith.constant 7 : i32
      %add3A_512 = arith.addi %mul3A_254, %add3A_511 : i32
      %dma_wait3A_513 = arith.constant 7 : i32
      %dma_wait3A_514 = arith.constant 7 : i32
      %dma_wait3A_515 = arith.constant 0 : i32
      %dma_wait3A_516 = arith.constant 0 : i32
      %dma_wait3A_517 = tpu.memref_slice %arg10[%dma_wait3A_513, %dma_wait3A_515, %dma_wait3A_516] : memref<8x128x16xf32, #tpu.memory_space<vmem>> -> memref<1x128x16xf32, #tpu.memory_space<vmem>>
      %dma_wait3A_518 = tpu.memref_squeeze %dma_wait3A_517 : memref<1x128x16xf32, #tpu.memory_space<vmem>> -> memref<128x16xf32, #tpu.memory_space<vmem>>
      %dma_wait3A_519 = arith.constant 0 : i32
      %dma_wait3A_520 = tpu.memref_slice %arg8[%add3A_512, %dma_wait3A_519] : memref<80x128xi32, #tpu.memory_space<vmem>> -> memref<1x128xi32, #tpu.memory_space<vmem>>
      %dma_wait3A_521 = tpu.memref_squeeze %dma_wait3A_520 : memref<1x128xi32, #tpu.memory_space<vmem>> -> memref<128xi32, #tpu.memory_space<vmem>>
      %dma_wait3A_522 = arith.constant 0 : i32
      %dma_wait3A_523 = arith.constant 0 : i32
      %dma_wait3A_524 = tpu.memref_slice %arg2[%dma_wait3A_522, %dma_wait3A_523] : memref<10000x16xf32, #tpu.memory_space<hbm>> -> memref<10000x16xf32, #tpu.memory_space<hbm>>
      %dma_wait3A_525 = tpu.memref_slice %arg11[%dma_wait3A_514] : memref<8x!tpu.dma_semaphore, #tpu.memory_space<semaphore_mem>> -> memref<1x!tpu.dma_semaphore, #tpu.memory_space<semaphore_mem>>
      %dma_wait3A_526 = tpu.memref_squeeze %dma_wait3A_525 : memref<1x!tpu.dma_semaphore, #tpu.memory_space<semaphore_mem>> -> memref<!tpu.dma_semaphore, #tpu.memory_space<semaphore_mem>>
      tpu.wait_indirect_dma semaphore(%dma_wait3A_526 : memref<!tpu.dma_semaphore, #tpu.memory_space<semaphore_mem>>) src(%dma_wait3A_524 : memref<10000x16xf32, #tpu.memory_space<hbm>>) dst(%dma_wait3A_518 : memref<128x16xf32, #tpu.memory_space<vmem>>)
      %dma_start3A_527 = arith.constant 7 : i32
      %dma_start3A_528 = arith.constant 7 : i32
      %dma_start3A_529 = arith.constant 0 : i32
      %dma_start3A_530 = arith.constant 0 : i32
      %dma_start3A_531 = tpu.memref_slice %arg10[%dma_start3A_527, %dma_start3A_529, %dma_start3A_530] : memref<8x128x16xf32, #tpu.memory_space<vmem>> -> memref<1x128x16xf32, #tpu.memory_space<vmem>>
      %dma_start3A_532 = tpu.memref_squeeze %dma_start3A_531 : memref<1x128x16xf32, #tpu.memory_space<vmem>> -> memref<128x16xf32, #tpu.memory_space<vmem>>
      %dma_start3A_533 = arith.constant 0 : i32
      %dma_start3A_534 = tpu.memref_slice %arg9[%add3A_512, %dma_start3A_533] : memref<80x128xi32, #tpu.memory_space<vmem>> -> memref<1x128xi32, #tpu.memory_space<vmem>>
      %dma_start3A_535 = tpu.memref_squeeze %dma_start3A_534 : memref<1x128xi32, #tpu.memory_space<vmem>> -> memref<128xi32, #tpu.memory_space<vmem>>
      %dma_start3A_536 = arith.constant 0 : i32
      %dma_start3A_537 = arith.constant 0 : i32
      %dma_start3A_538 = tpu.memref_slice %arg7[%dma_start3A_536, %dma_start3A_537] : memref<10112x16xf32, #tpu.memory_space<vmem_shared>> -> memref<10112x16xf32, #tpu.memory_space<vmem_shared>>
      %dma_start3A_539 = tpu.memref_slice %arg12[%dma_start3A_528] : memref<8x!tpu.dma_semaphore, #tpu.memory_space<semaphore_mem>> -> memref<1x!tpu.dma_semaphore, #tpu.memory_space<semaphore_mem>>
      %dma_start3A_540 = tpu.memref_squeeze %dma_start3A_539 : memref<1x!tpu.dma_semaphore, #tpu.memory_space<semaphore_mem>> -> memref<!tpu.dma_semaphore, #tpu.memory_space<semaphore_mem>>
      tpu.enqueue_indirect_dma source(%dma_start3A_532 : memref<128x16xf32, #tpu.memory_space<vmem>>) target(%dma_start3A_538 : memref<10112x16xf32, #tpu.memory_space<vmem_shared>>) offsets(%dma_start3A_535 : memref<128xi32, #tpu.memory_space<vmem>>) semaphore(%dma_start3A_540 : memref<!tpu.dma_semaphore, #tpu.memory_space<semaphore_mem>>) {add = true}
      %add3A_541 = arith.constant 8 : i32
      %add3A_542 = arith.addi %add3A_512, %add3A_541 : i32
      %lt3A_543 = arith.constant 80 : i32
      %lt3A_544 = arith.cmpi slt, %add3A_542, %lt3A_543 : i32
      %convert_element_type3A_545 = arith.extui %lt3A_544 : i1 to i32
      %cond3A_546 = arith.constant 0 : i32
      %cond3A_547 = arith.cmpi ne, %convert_element_type3A_545, %cond3A_546 : i32
      scf.if %cond3A_547 {
        %dma_wait3A_548 = arith.constant 7 : i32
        %dma_wait3A_549 = arith.constant 7 : i32
        %dma_wait3A_550 = arith.constant 0 : i32
        %dma_wait3A_551 = arith.constant 0 : i32
        %dma_wait3A_552 = tpu.memref_slice %arg10[%dma_wait3A_548, %dma_wait3A_550, %dma_wait3A_551] : memref<8x128x16xf32, #tpu.memory_space<vmem>> -> memref<1x128x16xf32, #tpu.memory_space<vmem>>
        %dma_wait3A_553 = tpu.memref_squeeze %dma_wait3A_552 : memref<1x128x16xf32, #tpu.memory_space<vmem>> -> memref<128x16xf32, #tpu.memory_space<vmem>>
        %dma_wait3A_554 = arith.constant 0 : i32
        %dma_wait3A_555 = tpu.memref_slice %arg9[%add3A_512, %dma_wait3A_554] : memref<80x128xi32, #tpu.memory_space<vmem>> -> memref<1x128xi32, #tpu.memory_space<vmem>>
        %dma_wait3A_556 = tpu.memref_squeeze %dma_wait3A_555 : memref<1x128xi32, #tpu.memory_space<vmem>> -> memref<128xi32, #tpu.memory_space<vmem>>
        %dma_wait3A_557 = arith.constant 0 : i32
        %dma_wait3A_558 = arith.constant 0 : i32
        %dma_wait3A_559 = tpu.memref_slice %arg7[%dma_wait3A_557, %dma_wait3A_558] : memref<10112x16xf32, #tpu.memory_space<vmem_shared>> -> memref<10112x16xf32, #tpu.memory_space<vmem_shared>>
        %dma_wait3A_560 = tpu.memref_slice %arg12[%dma_wait3A_549] : memref<8x!tpu.dma_semaphore, #tpu.memory_space<semaphore_mem>> -> memref<1x!tpu.dma_semaphore, #tpu.memory_space<semaphore_mem>>
        %dma_wait3A_561 = tpu.memref_squeeze %dma_wait3A_560 : memref<1x!tpu.dma_semaphore, #tpu.memory_space<semaphore_mem>> -> memref<!tpu.dma_semaphore, #tpu.memory_space<semaphore_mem>>
        tpu.wait_indirect_dma semaphore(%dma_wait3A_561 : memref<!tpu.dma_semaphore, #tpu.memory_space<semaphore_mem>>) src(%dma_wait3A_553 : memref<128x16xf32, #tpu.memory_space<vmem>>) dst(%dma_wait3A_559 : memref<10112x16xf32, #tpu.memory_space<vmem_shared>>)
        %add3A_562 = arith.constant 8 : i32
        %add3A_563 = arith.addi %add3A_512, %add3A_562 : i32
        %dma_start3A_564 = arith.constant 7 : i32
        %dma_start3A_565 = arith.constant 7 : i32
        %dma_start3A_566 = arith.constant 0 : i32
        %dma_start3A_567 = arith.constant 0 : i32
        %dma_start3A_568 = tpu.memref_slice %arg10[%dma_start3A_564, %dma_start3A_566, %dma_start3A_567] : memref<8x128x16xf32, #tpu.memory_space<vmem>> -> memref<1x128x16xf32, #tpu.memory_space<vmem>>
        %dma_start3A_569 = tpu.memref_squeeze %dma_start3A_568 : memref<1x128x16xf32, #tpu.memory_space<vmem>> -> memref<128x16xf32, #tpu.memory_space<vmem>>
        %dma_start3A_570 = arith.constant 0 : i32
        %dma_start3A_571 = tpu.memref_slice %arg8[%add3A_563, %dma_start3A_570] : memref<80x128xi32, #tpu.memory_space<vmem>> -> memref<1x128xi32, #tpu.memory_space<vmem>>
        %dma_start3A_572 = tpu.memref_squeeze %dma_start3A_571 : memref<1x128xi32, #tpu.memory_space<vmem>> -> memref<128xi32, #tpu.memory_space<vmem>>
        %dma_start3A_573 = arith.constant 0 : i32
        %dma_start3A_574 = arith.constant 0 : i32
        %dma_start3A_575 = tpu.memref_slice %arg2[%dma_start3A_573, %dma_start3A_574] : memref<10000x16xf32, #tpu.memory_space<hbm>> -> memref<10000x16xf32, #tpu.memory_space<hbm>>
        %dma_start3A_576 = tpu.memref_slice %arg11[%dma_start3A_565] : memref<8x!tpu.dma_semaphore, #tpu.memory_space<semaphore_mem>> -> memref<1x!tpu.dma_semaphore, #tpu.memory_space<semaphore_mem>>
        %dma_start3A_577 = tpu.memref_squeeze %dma_start3A_576 : memref<1x!tpu.dma_semaphore, #tpu.memory_space<semaphore_mem>> -> memref<!tpu.dma_semaphore, #tpu.memory_space<semaphore_mem>>
        tpu.enqueue_indirect_dma source(%dma_start3A_575 : memref<10000x16xf32, #tpu.memory_space<hbm>>) target(%dma_start3A_569 : memref<128x16xf32, #tpu.memory_space<vmem>>) offsets(%dma_start3A_572 : memref<128xi32, #tpu.memory_space<vmem>>) semaphore(%dma_start3A_577 : memref<!tpu.dma_semaphore, #tpu.memory_space<semaphore_mem>>)
      } else {
      }
    }
    %scan3A_127 = arith.constant 10 : i32
    %dma_wait3A = arith.constant 0 : i32
    %dma_wait3A_128 = arith.constant 72 : i32
    %dma_wait3A_129 = arith.constant 0 : i32
    %dma_wait3A_130 = arith.constant 0 : i32
    %dma_wait3A_131 = arith.constant 0 : i32
    %dma_wait3A_132 = tpu.memref_slice %arg10[%dma_wait3A, %dma_wait3A_130, %dma_wait3A_131] : memref<8x128x16xf32, #tpu.memory_space<vmem>> -> memref<1x128x16xf32, #tpu.memory_space<vmem>>
    %dma_wait3A_133 = tpu.memref_squeeze %dma_wait3A_132 : memref<1x128x16xf32, #tpu.memory_space<vmem>> -> memref<128x16xf32, #tpu.memory_space<vmem>>
    %dma_wait3A_134 = arith.constant 0 : i32
    %dma_wait3A_135 = tpu.memref_slice %arg9[%dma_wait3A_128, %dma_wait3A_134] : memref<80x128xi32, #tpu.memory_space<vmem>> -> memref<1x128xi32, #tpu.memory_space<vmem>>
    %dma_wait3A_136 = tpu.memref_squeeze %dma_wait3A_135 : memref<1x128xi32, #tpu.memory_space<vmem>> -> memref<128xi32, #tpu.memory_space<vmem>>
    %dma_wait3A_137 = arith.constant 0 : i32
    %dma_wait3A_138 = arith.constant 0 : i32
    %dma_wait3A_139 = tpu.memref_slice %arg7[%dma_wait3A_137, %dma_wait3A_138] : memref<10112x16xf32, #tpu.memory_space<vmem_shared>> -> memref<10112x16xf32, #tpu.memory_space<vmem_shared>>
    %dma_wait3A_140 = tpu.memref_slice %arg12[%dma_wait3A_129] : memref<8x!tpu.dma_semaphore, #tpu.memory_space<semaphore_mem>> -> memref<1x!tpu.dma_semaphore, #tpu.memory_space<semaphore_mem>>
    %dma_wait3A_141 = tpu.memref_squeeze %dma_wait3A_140 : memref<1x!tpu.dma_semaphore, #tpu.memory_space<semaphore_mem>> -> memref<!tpu.dma_semaphore, #tpu.memory_space<semaphore_mem>>
    tpu.wait_indirect_dma semaphore(%dma_wait3A_141 : memref<!tpu.dma_semaphore, #tpu.memory_space<semaphore_mem>>) src(%dma_wait3A_133 : memref<128x16xf32, #tpu.memory_space<vmem>>) dst(%dma_wait3A_139 : memref<10112x16xf32, #tpu.memory_space<vmem_shared>>)
    %dma_wait3A_142 = arith.constant 1 : i32
    %dma_wait3A_143 = arith.constant 73 : i32
    %dma_wait3A_144 = arith.constant 1 : i32
    %dma_wait3A_145 = arith.constant 0 : i32
    %dma_wait3A_146 = arith.constant 0 : i32
    %dma_wait3A_147 = tpu.memref_slice %arg10[%dma_wait3A_142, %dma_wait3A_145, %dma_wait3A_146] : memref<8x128x16xf32, #tpu.memory_space<vmem>> -> memref<1x128x16xf32, #tpu.memory_space<vmem>>
    %dma_wait3A_148 = tpu.memref_squeeze %dma_wait3A_147 : memref<1x128x16xf32, #tpu.memory_space<vmem>> -> memref<128x16xf32, #tpu.memory_space<vmem>>
    %dma_wait3A_149 = arith.constant 0 : i32
    %dma_wait3A_150 = tpu.memref_slice %arg9[%dma_wait3A_143, %dma_wait3A_149] : memref<80x128xi32, #tpu.memory_space<vmem>> -> memref<1x128xi32, #tpu.memory_space<vmem>>
    %dma_wait3A_151 = tpu.memref_squeeze %dma_wait3A_150 : memref<1x128xi32, #tpu.memory_space<vmem>> -> memref<128xi32, #tpu.memory_space<vmem>>
    %dma_wait3A_152 = arith.constant 0 : i32
    %dma_wait3A_153 = arith.constant 0 : i32
    %dma_wait3A_154 = tpu.memref_slice %arg7[%dma_wait3A_152, %dma_wait3A_153] : memref<10112x16xf32, #tpu.memory_space<vmem_shared>> -> memref<10112x16xf32, #tpu.memory_space<vmem_shared>>
    %dma_wait3A_155 = tpu.memref_slice %arg12[%dma_wait3A_144] : memref<8x!tpu.dma_semaphore, #tpu.memory_space<semaphore_mem>> -> memref<1x!tpu.dma_semaphore, #tpu.memory_space<semaphore_mem>>
    %dma_wait3A_156 = tpu.memref_squeeze %dma_wait3A_155 : memref<1x!tpu.dma_semaphore, #tpu.memory_space<semaphore_mem>> -> memref<!tpu.dma_semaphore, #tpu.memory_space<semaphore_mem>>
    tpu.wait_indirect_dma semaphore(%dma_wait3A_156 : memref<!tpu.dma_semaphore, #tpu.memory_space<semaphore_mem>>) src(%dma_wait3A_148 : memref<128x16xf32, #tpu.memory_space<vmem>>) dst(%dma_wait3A_154 : memref<10112x16xf32, #tpu.memory_space<vmem_shared>>)
    %dma_wait3A_157 = arith.constant 2 : i32
    %dma_wait3A_158 = arith.constant 74 : i32
    %dma_wait3A_159 = arith.constant 2 : i32
    %dma_wait3A_160 = arith.constant 0 : i32
    %dma_wait3A_161 = arith.constant 0 : i32
    %dma_wait3A_162 = tpu.memref_slice %arg10[%dma_wait3A_157, %dma_wait3A_160, %dma_wait3A_161] : memref<8x128x16xf32, #tpu.memory_space<vmem>> -> memref<1x128x16xf32, #tpu.memory_space<vmem>>
    %dma_wait3A_163 = tpu.memref_squeeze %dma_wait3A_162 : memref<1x128x16xf32, #tpu.memory_space<vmem>> -> memref<128x16xf32, #tpu.memory_space<vmem>>
    %dma_wait3A_164 = arith.constant 0 : i32
    %dma_wait3A_165 = tpu.memref_slice %arg9[%dma_wait3A_158, %dma_wait3A_164] : memref<80x128xi32, #tpu.memory_space<vmem>> -> memref<1x128xi32, #tpu.memory_space<vmem>>
    %dma_wait3A_166 = tpu.memref_squeeze %dma_wait3A_165 : memref<1x128xi32, #tpu.memory_space<vmem>> -> memref<128xi32, #tpu.memory_space<vmem>>
    %dma_wait3A_167 = arith.constant 0 : i32
    %dma_wait3A_168 = arith.constant 0 : i32
    %dma_wait3A_169 = tpu.memref_slice %arg7[%dma_wait3A_167, %dma_wait3A_168] : memref<10112x16xf32, #tpu.memory_space<vmem_shared>> -> memref<10112x16xf32, #tpu.memory_space<vmem_shared>>
    %dma_wait3A_170 = tpu.memref_slice %arg12[%dma_wait3A_159] : memref<8x!tpu.dma_semaphore, #tpu.memory_space<semaphore_mem>> -> memref<1x!tpu.dma_semaphore, #tpu.memory_space<semaphore_mem>>
    %dma_wait3A_171 = tpu.memref_squeeze %dma_wait3A_170 : memref<1x!tpu.dma_semaphore, #tpu.memory_space<semaphore_mem>> -> memref<!tpu.dma_semaphore, #tpu.memory_space<semaphore_mem>>
    tpu.wait_indirect_dma semaphore(%dma_wait3A_171 : memref<!tpu.dma_semaphore, #tpu.memory_space<semaphore_mem>>) src(%dma_wait3A_163 : memref<128x16xf32, #tpu.memory_space<vmem>>) dst(%dma_wait3A_169 : memref<10112x16xf32, #tpu.memory_space<vmem_shared>>)
    %dma_wait3A_172 = arith.constant 3 : i32
    %dma_wait3A_173 = arith.constant 75 : i32
    %dma_wait3A_174 = arith.constant 3 : i32
    %dma_wait3A_175 = arith.constant 0 : i32
    %dma_wait3A_176 = arith.constant 0 : i32
    %dma_wait3A_177 = tpu.memref_slice %arg10[%dma_wait3A_172, %dma_wait3A_175, %dma_wait3A_176] : memref<8x128x16xf32, #tpu.memory_space<vmem>> -> memref<1x128x16xf32, #tpu.memory_space<vmem>>
    %dma_wait3A_178 = tpu.memref_squeeze %dma_wait3A_177 : memref<1x128x16xf32, #tpu.memory_space<vmem>> -> memref<128x16xf32, #tpu.memory_space<vmem>>
    %dma_wait3A_179 = arith.constant 0 : i32
    %dma_wait3A_180 = tpu.memref_slice %arg9[%dma_wait3A_173, %dma_wait3A_179] : memref<80x128xi32, #tpu.memory_space<vmem>> -> memref<1x128xi32, #tpu.memory_space<vmem>>
    %dma_wait3A_181 = tpu.memref_squeeze %dma_wait3A_180 : memref<1x128xi32, #tpu.memory_space<vmem>> -> memref<128xi32, #tpu.memory_space<vmem>>
    %dma_wait3A_182 = arith.constant 0 : i32
    %dma_wait3A_183 = arith.constant 0 : i32
    %dma_wait3A_184 = tpu.memref_slice %arg7[%dma_wait3A_182, %dma_wait3A_183] : memref<10112x16xf32, #tpu.memory_space<vmem_shared>> -> memref<10112x16xf32, #tpu.memory_space<vmem_shared>>
    %dma_wait3A_185 = tpu.memref_slice %arg12[%dma_wait3A_174] : memref<8x!tpu.dma_semaphore, #tpu.memory_space<semaphore_mem>> -> memref<1x!tpu.dma_semaphore, #tpu.memory_space<semaphore_mem>>
    %dma_wait3A_186 = tpu.memref_squeeze %dma_wait3A_185 : memref<1x!tpu.dma_semaphore, #tpu.memory_space<semaphore_mem>> -> memref<!tpu.dma_semaphore, #tpu.memory_space<semaphore_mem>>
    tpu.wait_indirect_dma semaphore(%dma_wait3A_186 : memref<!tpu.dma_semaphore, #tpu.memory_space<semaphore_mem>>) src(%dma_wait3A_178 : memref<128x16xf32, #tpu.memory_space<vmem>>) dst(%dma_wait3A_184 : memref<10112x16xf32, #tpu.memory_space<vmem_shared>>)
    %dma_wait3A_187 = arith.constant 4 : i32
    %dma_wait3A_188 = arith.constant 76 : i32
    %dma_wait3A_189 = arith.constant 4 : i32
    %dma_wait3A_190 = arith.constant 0 : i32
    %dma_wait3A_191 = arith.constant 0 : i32
    %dma_wait3A_192 = tpu.memref_slice %arg10[%dma_wait3A_187, %dma_wait3A_190, %dma_wait3A_191] : memref<8x128x16xf32, #tpu.memory_space<vmem>> -> memref<1x128x16xf32, #tpu.memory_space<vmem>>
    %dma_wait3A_193 = tpu.memref_squeeze %dma_wait3A_192 : memref<1x128x16xf32, #tpu.memory_space<vmem>> -> memref<128x16xf32, #tpu.memory_space<vmem>>
    %dma_wait3A_194 = arith.constant 0 : i32
    %dma_wait3A_195 = tpu.memref_slice %arg9[%dma_wait3A_188, %dma_wait3A_194] : memref<80x128xi32, #tpu.memory_space<vmem>> -> memref<1x128xi32, #tpu.memory_space<vmem>>
    %dma_wait3A_196 = tpu.memref_squeeze %dma_wait3A_195 : memref<1x128xi32, #tpu.memory_space<vmem>> -> memref<128xi32, #tpu.memory_space<vmem>>
    %dma_wait3A_197 = arith.constant 0 : i32
    %dma_wait3A_198 = arith.constant 0 : i32
    %dma_wait3A_199 = tpu.memref_slice %arg7[%dma_wait3A_197, %dma_wait3A_198] : memref<10112x16xf32, #tpu.memory_space<vmem_shared>> -> memref<10112x16xf32, #tpu.memory_space<vmem_shared>>
    %dma_wait3A_200 = tpu.memref_slice %arg12[%dma_wait3A_189] : memref<8x!tpu.dma_semaphore, #tpu.memory_space<semaphore_mem>> -> memref<1x!tpu.dma_semaphore, #tpu.memory_space<semaphore_mem>>
    %dma_wait3A_201 = tpu.memref_squeeze %dma_wait3A_200 : memref<1x!tpu.dma_semaphore, #tpu.memory_space<semaphore_mem>> -> memref<!tpu.dma_semaphore, #tpu.memory_space<semaphore_mem>>
    tpu.wait_indirect_dma semaphore(%dma_wait3A_201 : memref<!tpu.dma_semaphore, #tpu.memory_space<semaphore_mem>>) src(%dma_wait3A_193 : memref<128x16xf32, #tpu.memory_space<vmem>>) dst(%dma_wait3A_199 : memref<10112x16xf32, #tpu.memory_space<vmem_shared>>)
    %dma_wait3A_202 = arith.constant 5 : i32
    %dma_wait3A_203 = arith.constant 77 : i32
    %dma_wait3A_204 = arith.constant 5 : i32
    %dma_wait3A_205 = arith.constant 0 : i32
    %dma_wait3A_206 = arith.constant 0 : i32
    %dma_wait3A_207 = tpu.memref_slice %arg10[%dma_wait3A_202, %dma_wait3A_205, %dma_wait3A_206] : memref<8x128x16xf32, #tpu.memory_space<vmem>> -> memref<1x128x16xf32, #tpu.memory_space<vmem>>
    %dma_wait3A_208 = tpu.memref_squeeze %dma_wait3A_207 : memref<1x128x16xf32, #tpu.memory_space<vmem>> -> memref<128x16xf32, #tpu.memory_space<vmem>>
    %dma_wait3A_209 = arith.constant 0 : i32
    %dma_wait3A_210 = tpu.memref_slice %arg9[%dma_wait3A_203, %dma_wait3A_209] : memref<80x128xi32, #tpu.memory_space<vmem>> -> memref<1x128xi32, #tpu.memory_space<vmem>>
    %dma_wait3A_211 = tpu.memref_squeeze %dma_wait3A_210 : memref<1x128xi32, #tpu.memory_space<vmem>> -> memref<128xi32, #tpu.memory_space<vmem>>
    %dma_wait3A_212 = arith.constant 0 : i32
    %dma_wait3A_213 = arith.constant 0 : i32
    %dma_wait3A_214 = tpu.memref_slice %arg7[%dma_wait3A_212, %dma_wait3A_213] : memref<10112x16xf32, #tpu.memory_space<vmem_shared>> -> memref<10112x16xf32, #tpu.memory_space<vmem_shared>>
    %dma_wait3A_215 = tpu.memref_slice %arg12[%dma_wait3A_204] : memref<8x!tpu.dma_semaphore, #tpu.memory_space<semaphore_mem>> -> memref<1x!tpu.dma_semaphore, #tpu.memory_space<semaphore_mem>>
    %dma_wait3A_216 = tpu.memref_squeeze %dma_wait3A_215 : memref<1x!tpu.dma_semaphore, #tpu.memory_space<semaphore_mem>> -> memref<!tpu.dma_semaphore, #tpu.memory_space<semaphore_mem>>
    tpu.wait_indirect_dma semaphore(%dma_wait3A_216 : memref<!tpu.dma_semaphore, #tpu.memory_space<semaphore_mem>>) src(%dma_wait3A_208 : memref<128x16xf32, #tpu.memory_space<vmem>>) dst(%dma_wait3A_214 : memref<10112x16xf32, #tpu.memory_space<vmem_shared>>)
    %dma_wait3A_217 = arith.constant 6 : i32
    %dma_wait3A_218 = arith.constant 78 : i32
    %dma_wait3A_219 = arith.constant 6 : i32
    %dma_wait3A_220 = arith.constant 0 : i32
    %dma_wait3A_221 = arith.constant 0 : i32
    %dma_wait3A_222 = tpu.memref_slice %arg10[%dma_wait3A_217, %dma_wait3A_220, %dma_wait3A_221] : memref<8x128x16xf32, #tpu.memory_space<vmem>> -> memref<1x128x16xf32, #tpu.memory_space<vmem>>
    %dma_wait3A_223 = tpu.memref_squeeze %dma_wait3A_222 : memref<1x128x16xf32, #tpu.memory_space<vmem>> -> memref<128x16xf32, #tpu.memory_space<vmem>>
    %dma_wait3A_224 = arith.constant 0 : i32
    %dma_wait3A_225 = tpu.memref_slice %arg9[%dma_wait3A_218, %dma_wait3A_224] : memref<80x128xi32, #tpu.memory_space<vmem>> -> memref<1x128xi32, #tpu.memory_space<vmem>>
    %dma_wait3A_226 = tpu.memref_squeeze %dma_wait3A_225 : memref<1x128xi32, #tpu.memory_space<vmem>> -> memref<128xi32, #tpu.memory_space<vmem>>
    %dma_wait3A_227 = arith.constant 0 : i32
    %dma_wait3A_228 = arith.constant 0 : i32
    %dma_wait3A_229 = tpu.memref_slice %arg7[%dma_wait3A_227, %dma_wait3A_228] : memref<10112x16xf32, #tpu.memory_space<vmem_shared>> -> memref<10112x16xf32, #tpu.memory_space<vmem_shared>>
    %dma_wait3A_230 = tpu.memref_slice %arg12[%dma_wait3A_219] : memref<8x!tpu.dma_semaphore, #tpu.memory_space<semaphore_mem>> -> memref<1x!tpu.dma_semaphore, #tpu.memory_space<semaphore_mem>>
    %dma_wait3A_231 = tpu.memref_squeeze %dma_wait3A_230 : memref<1x!tpu.dma_semaphore, #tpu.memory_space<semaphore_mem>> -> memref<!tpu.dma_semaphore, #tpu.memory_space<semaphore_mem>>
    tpu.wait_indirect_dma semaphore(%dma_wait3A_231 : memref<!tpu.dma_semaphore, #tpu.memory_space<semaphore_mem>>) src(%dma_wait3A_223 : memref<128x16xf32, #tpu.memory_space<vmem>>) dst(%dma_wait3A_229 : memref<10112x16xf32, #tpu.memory_space<vmem_shared>>)
    %dma_wait3A_232 = arith.constant 7 : i32
    %dma_wait3A_233 = arith.constant 79 : i32
    %dma_wait3A_234 = arith.constant 7 : i32
    %dma_wait3A_235 = arith.constant 0 : i32
    %dma_wait3A_236 = arith.constant 0 : i32
    %dma_wait3A_237 = tpu.memref_slice %arg10[%dma_wait3A_232, %dma_wait3A_235, %dma_wait3A_236] : memref<8x128x16xf32, #tpu.memory_space<vmem>> -> memref<1x128x16xf32, #tpu.memory_space<vmem>>
    %dma_wait3A_238 = tpu.memref_squeeze %dma_wait3A_237 : memref<1x128x16xf32, #tpu.memory_space<vmem>> -> memref<128x16xf32, #tpu.memory_space<vmem>>
    %dma_wait3A_239 = arith.constant 0 : i32
    %dma_wait3A_240 = tpu.memref_slice %arg9[%dma_wait3A_233, %dma_wait3A_239] : memref<80x128xi32, #tpu.memory_space<vmem>> -> memref<1x128xi32, #tpu.memory_space<vmem>>
    %dma_wait3A_241 = tpu.memref_squeeze %dma_wait3A_240 : memref<1x128xi32, #tpu.memory_space<vmem>> -> memref<128xi32, #tpu.memory_space<vmem>>
    %dma_wait3A_242 = arith.constant 0 : i32
    %dma_wait3A_243 = arith.constant 0 : i32
    %dma_wait3A_244 = tpu.memref_slice %arg7[%dma_wait3A_242, %dma_wait3A_243] : memref<10112x16xf32, #tpu.memory_space<vmem_shared>> -> memref<10112x16xf32, #tpu.memory_space<vmem_shared>>
    %dma_wait3A_245 = tpu.memref_slice %arg12[%dma_wait3A_234] : memref<8x!tpu.dma_semaphore, #tpu.memory_space<semaphore_mem>> -> memref<1x!tpu.dma_semaphore, #tpu.memory_space<semaphore_mem>>
    %dma_wait3A_246 = tpu.memref_squeeze %dma_wait3A_245 : memref<1x!tpu.dma_semaphore, #tpu.memory_space<semaphore_mem>> -> memref<!tpu.dma_semaphore, #tpu.memory_space<semaphore_mem>>
    tpu.wait_indirect_dma semaphore(%dma_wait3A_246 : memref<!tpu.dma_semaphore, #tpu.memory_space<semaphore_mem>>) src(%dma_wait3A_238 : memref<128x16xf32, #tpu.memory_space<vmem>>) dst(%dma_wait3A_244 : memref<10112x16xf32, #tpu.memory_space<vmem_shared>>)
    %barrier3A_247 = arith.constant 0 : index
    tpu.barrier barrier_id(%barrier3A_247)
    %mul3A_248 = arith.constant 632 : i32
    %mul3A_249 = arith.muli %arg1, %mul3A_248 : i32
    %mul3A_250 = arith.constant 632 : i32
    %mul3A_251 = arith.muli %arg1, %mul3A_250 : i32
    "tpu.region"() ({
      %run_scoped3A = tpu.sem_alloc : memref<!tpu.dma_semaphore, #tpu.memory_space<semaphore_mem>>
      %dma_start3A_252 = arith.constant 0 : i32
      %dma_start3A_253 = arith.constant 0 : i32
      %dma_start3A_254 = tpu.memref_slice %arg6[%arg0, %dma_start3A_252, %dma_start3A_253] : memref<2x10112x16xf32, #tpu.memory_space<hbm>> -> memref<1x10112x16xf32, #tpu.memory_space<hbm>>
      %dma_start3A_255 = tpu.memref_squeeze %dma_start3A_254 : memref<1x10112x16xf32, #tpu.memory_space<hbm>> -> memref<10112x16xf32, #tpu.memory_space<hbm>>
      %dma_start3A_256 = arith.constant 0 : i32
      %dma_start3A_257 = tpu.memref_slice %dma_start3A_255[%mul3A_251, %dma_start3A_256] : memref<10112x16xf32, #tpu.memory_space<hbm>> -> memref<632x16xf32, #tpu.memory_space<hbm>>
      %dma_start3A_258 = arith.constant 0 : i32
      %dma_start3A_259 = tpu.memref_slice %arg7[%mul3A_249, %dma_start3A_258] : memref<10112x16xf32, #tpu.memory_space<vmem_shared>> -> memref<632x16xf32, #tpu.memory_space<vmem_shared>>
      tpu.enqueue_dma source(%dma_start3A_259 : memref<632x16xf32, #tpu.memory_space<vmem_shared>>) target(%dma_start3A_257 : memref<632x16xf32, #tpu.memory_space<hbm>>) target_semaphore(%run_scoped3A : memref<!tpu.dma_semaphore, #tpu.memory_space<semaphore_mem>>)
      %dma_wait3A_260 = arith.constant 0 : i32
      %dma_wait3A_261 = arith.constant 0 : i32
      %dma_wait3A_262 = tpu.memref_slice %arg6[%arg0, %dma_wait3A_260, %dma_wait3A_261] : memref<2x10112x16xf32, #tpu.memory_space<hbm>> -> memref<1x10112x16xf32, #tpu.memory_space<hbm>>
      %dma_wait3A_263 = tpu.memref_squeeze %dma_wait3A_262 : memref<1x10112x16xf32, #tpu.memory_space<hbm>> -> memref<10112x16xf32, #tpu.memory_space<hbm>>
      %dma_wait3A_264 = arith.constant 0 : i32
      %dma_wait3A_265 = tpu.memref_slice %dma_wait3A_263[%mul3A_251, %dma_wait3A_264] : memref<10112x16xf32, #tpu.memory_space<hbm>> -> memref<632x16xf32, #tpu.memory_space<hbm>>
      %dma_wait3A_266 = arith.constant 0 : i32
      %dma_wait3A_267 = tpu.memref_slice %arg7[%mul3A_249, %dma_wait3A_266] : memref<10112x16xf32, #tpu.memory_space<vmem_shared>> -> memref<632x16xf32, #tpu.memory_space<vmem_shared>>
      tpu.wait_dma2 semaphore(%run_scoped3A : memref<!tpu.dma_semaphore, #tpu.memory_space<semaphore_mem>>) src(%dma_wait3A_267 : memref<632x16xf32, #tpu.memory_space<vmem_shared>>) dst(%dma_wait3A_265 : memref<632x16xf32, #tpu.memory_space<hbm>>)
      tpu.yield
    }) : () -> ()
    return
  }
}

#map = affine_map<(d0, d1) -> (0, 0)>
#map1 = affine_map<(d0, d1) -> (0, 0, 0)>
module attributes {stable_mosaic.version = 14 : i64} {
  func.func @k(%arg0: i32, %arg1: i32, %arg2: memref<10000x40xf32, #tpu.memory_space<hbm>>, %arg3: memref<32x80x128xi32, #tpu.memory_space<hbm>>, %arg4: memref<32x80x128xi32, #tpu.memory_space<hbm>>, %arg5: memref<10112x40xf32, #tpu.memory_space<hbm>>, %arg6: memref<2x10112x40xf32, #tpu.memory_space<hbm>>, %arg7: memref<10112x40xf32, #tpu.memory_space<vmem_shared>>, %arg8: memref<80x128xi32, #tpu.memory_space<vmem>>, %arg9: memref<80x128xi32, #tpu.memory_space<vmem>>, %arg10: memref<8x128x40xf32, #tpu.memory_space<vmem>>, %arg11: memref<8x!tpu.dma_semaphore, #tpu.memory_space<semaphore_mem>>, %arg12: memref<8x!tpu.dma_semaphore, #tpu.memory_space<semaphore_mem>>) attributes {dimension_semantics = [#tpu.dimension_semantics<core_parallel>, #tpu.dimension_semantics<subcore_parallel>], iteration_bounds = array<i64: 2, 16>, scalar_prefetch = 0 : i64, scratch_operands = 6 : i64, tpu.core_type = #tpu.core_type<sc_vector_subcore>, window_params = [{transform_indices = #map}, {transform_indices = #map1}, {transform_indices = #map1}, {transform_indices = #map}, {transform_indices = #map1}]} {
    %mul3A = arith.constant 2 : i32
    %mul3A_0 = arith.muli %arg1, %mul3A : i32
    %add3A = arith.addi %mul3A_0, %arg0 : i32
    %mul3A_1 = arith.constant 632 : i32
    %mul3A_2 = arith.muli %arg1, %mul3A_1 : i32
    %mul3A_3 = arith.constant 632 : i32
    %mul3A_4 = arith.muli %arg1, %mul3A_3 : i32
    "tpu.region"() ({
      %run_scoped3A = tpu.sem_alloc : memref<!tpu.dma_semaphore, #tpu.memory_space<semaphore_mem>>
      %dma_start3A_252 = arith.constant 0 : i32
      %dma_start3A_253 = tpu.memref_slice %arg7[%mul3A_4, %dma_start3A_252] : memref<10112x40xf32, #tpu.memory_space<vmem_shared>> -> memref<632x40xf32, #tpu.memory_space<vmem_shared>>
      %dma_start3A_254 = arith.constant 0 : i32
      %dma_start3A_255 = tpu.memref_slice %arg5[%mul3A_2, %dma_start3A_254] : memref<10112x40xf32, #tpu.memory_space<hbm>> -> memref<632x40xf32, #tpu.memory_space<hbm>>
      tpu.enqueue_dma source(%dma_start3A_255 : memref<632x40xf32, #tpu.memory_space<hbm>>) target(%dma_start3A_253 : memref<632x40xf32, #tpu.memory_space<vmem_shared>>) target_semaphore(%run_scoped3A : memref<!tpu.dma_semaphore, #tpu.memory_space<semaphore_mem>>)
      %dma_wait3A_256 = arith.constant 0 : i32
      %dma_wait3A_257 = tpu.memref_slice %arg7[%mul3A_4, %dma_wait3A_256] : memref<10112x40xf32, #tpu.memory_space<vmem_shared>> -> memref<632x40xf32, #tpu.memory_space<vmem_shared>>
      %dma_wait3A_258 = arith.constant 0 : i32
      %dma_wait3A_259 = tpu.memref_slice %arg5[%mul3A_2, %dma_wait3A_258] : memref<10112x40xf32, #tpu.memory_space<hbm>> -> memref<632x40xf32, #tpu.memory_space<hbm>>
      tpu.wait_dma2 semaphore(%run_scoped3A : memref<!tpu.dma_semaphore, #tpu.memory_space<semaphore_mem>>) src(%dma_wait3A_259 : memref<632x40xf32, #tpu.memory_space<hbm>>) dst(%dma_wait3A_257 : memref<632x40xf32, #tpu.memory_space<vmem_shared>>)
      tpu.yield
    }) : () -> ()
    "tpu.region"() ({
      %run_scoped3A = tpu.sem_alloc : memref<!tpu.dma_semaphore, #tpu.memory_space<semaphore_mem>>
      %dma_start3A_252 = arith.constant 0 : i32
      %dma_start3A_253 = arith.constant 0 : i32
      %dma_start3A_254 = tpu.memref_slice %arg3[%add3A, %dma_start3A_252, %dma_start3A_253] : memref<32x80x128xi32, #tpu.memory_space<hbm>> -> memref<1x80x128xi32, #tpu.memory_space<hbm>>
      %dma_start3A_255 = tpu.memref_squeeze %dma_start3A_254 : memref<1x80x128xi32, #tpu.memory_space<hbm>> -> memref<80x128xi32, #tpu.memory_space<hbm>>
      %dma_start3A_256 = arith.constant 0 : i32
      %dma_start3A_257 = arith.constant 0 : i32
      %dma_start3A_258 = tpu.memref_slice %arg3[%add3A, %dma_start3A_256, %dma_start3A_257] : memref<32x80x128xi32, #tpu.memory_space<hbm>> -> memref<1x80x128xi32, #tpu.memory_space<hbm>>
      %dma_start3A_259 = tpu.memref_squeeze %dma_start3A_258 : memref<1x80x128xi32, #tpu.memory_space<hbm>> -> memref<80x128xi32, #tpu.memory_space<hbm>>
      tpu.enqueue_dma source(%dma_start3A_259 : memref<80x128xi32, #tpu.memory_space<hbm>>) target(%arg8 : memref<80x128xi32, #tpu.memory_space<vmem>>) target_semaphore(%run_scoped3A : memref<!tpu.dma_semaphore, #tpu.memory_space<semaphore_mem>>)
      %dma_wait3A_260 = arith.constant 0 : i32
      %dma_wait3A_261 = arith.constant 0 : i32
      %dma_wait3A_262 = tpu.memref_slice %arg3[%add3A, %dma_wait3A_260, %dma_wait3A_261] : memref<32x80x128xi32, #tpu.memory_space<hbm>> -> memref<1x80x128xi32, #tpu.memory_space<hbm>>
      %dma_wait3A_263 = tpu.memref_squeeze %dma_wait3A_262 : memref<1x80x128xi32, #tpu.memory_space<hbm>> -> memref<80x128xi32, #tpu.memory_space<hbm>>
      %dma_wait3A_264 = arith.constant 0 : i32
      %dma_wait3A_265 = arith.constant 0 : i32
      %dma_wait3A_266 = tpu.memref_slice %arg3[%add3A, %dma_wait3A_264, %dma_wait3A_265] : memref<32x80x128xi32, #tpu.memory_space<hbm>> -> memref<1x80x128xi32, #tpu.memory_space<hbm>>
      %dma_wait3A_267 = tpu.memref_squeeze %dma_wait3A_266 : memref<1x80x128xi32, #tpu.memory_space<hbm>> -> memref<80x128xi32, #tpu.memory_space<hbm>>
      tpu.wait_dma2 semaphore(%run_scoped3A : memref<!tpu.dma_semaphore, #tpu.memory_space<semaphore_mem>>) src(%dma_wait3A_267 : memref<80x128xi32, #tpu.memory_space<hbm>>) dst(%arg8 : memref<80x128xi32, #tpu.memory_space<vmem>>)
      tpu.yield
    }) : () -> ()
    "tpu.region"() ({
      %run_scoped3A = tpu.sem_alloc : memref<!tpu.dma_semaphore, #tpu.memory_space<semaphore_mem>>
      %dma_start3A_252 = arith.constant 0 : i32
      %dma_start3A_253 = arith.constant 0 : i32
      %dma_start3A_254 = tpu.memref_slice %arg4[%add3A, %dma_start3A_252, %dma_start3A_253] : memref<32x80x128xi32, #tpu.memory_space<hbm>> -> memref<1x80x128xi32, #tpu.memory_space<hbm>>
      %dma_start3A_255 = tpu.memref_squeeze %dma_start3A_254 : memref<1x80x128xi32, #tpu.memory_space<hbm>> -> memref<80x128xi32, #tpu.memory_space<hbm>>
      %dma_start3A_256 = arith.constant 0 : i32
      %dma_start3A_257 = arith.constant 0 : i32
      %dma_start3A_258 = tpu.memref_slice %arg4[%add3A, %dma_start3A_256, %dma_start3A_257] : memref<32x80x128xi32, #tpu.memory_space<hbm>> -> memref<1x80x128xi32, #tpu.memory_space<hbm>>
      %dma_start3A_259 = tpu.memref_squeeze %dma_start3A_258 : memref<1x80x128xi32, #tpu.memory_space<hbm>> -> memref<80x128xi32, #tpu.memory_space<hbm>>
      tpu.enqueue_dma source(%dma_start3A_259 : memref<80x128xi32, #tpu.memory_space<hbm>>) target(%arg9 : memref<80x128xi32, #tpu.memory_space<vmem>>) target_semaphore(%run_scoped3A : memref<!tpu.dma_semaphore, #tpu.memory_space<semaphore_mem>>)
      %dma_wait3A_260 = arith.constant 0 : i32
      %dma_wait3A_261 = arith.constant 0 : i32
      %dma_wait3A_262 = tpu.memref_slice %arg4[%add3A, %dma_wait3A_260, %dma_wait3A_261] : memref<32x80x128xi32, #tpu.memory_space<hbm>> -> memref<1x80x128xi32, #tpu.memory_space<hbm>>
      %dma_wait3A_263 = tpu.memref_squeeze %dma_wait3A_262 : memref<1x80x128xi32, #tpu.memory_space<hbm>> -> memref<80x128xi32, #tpu.memory_space<hbm>>
      %dma_wait3A_264 = arith.constant 0 : i32
      %dma_wait3A_265 = arith.constant 0 : i32
      %dma_wait3A_266 = tpu.memref_slice %arg4[%add3A, %dma_wait3A_264, %dma_wait3A_265] : memref<32x80x128xi32, #tpu.memory_space<hbm>> -> memref<1x80x128xi32, #tpu.memory_space<hbm>>
      %dma_wait3A_267 = tpu.memref_squeeze %dma_wait3A_266 : memref<1x80x128xi32, #tpu.memory_space<hbm>> -> memref<80x128xi32, #tpu.memory_space<hbm>>
      tpu.wait_dma2 semaphore(%run_scoped3A : memref<!tpu.dma_semaphore, #tpu.memory_space<semaphore_mem>>) src(%dma_wait3A_267 : memref<80x128xi32, #tpu.memory_space<hbm>>) dst(%arg9 : memref<80x128xi32, #tpu.memory_space<vmem>>)
      tpu.yield
    }) : () -> ()
    %barrier3A = arith.constant 0 : index
    tpu.barrier barrier_id(%barrier3A)
    %dma_start3A = arith.constant 0 : i32
    %dma_start3A_5 = arith.constant 0 : i32
    %dma_start3A_6 = arith.constant 0 : i32
    %dma_start3A_7 = arith.constant 0 : i32
    %dma_start3A_8 = arith.constant 0 : i32
    %dma_start3A_9 = tpu.memref_slice %arg10[%dma_start3A_5, %dma_start3A_7, %dma_start3A_8] : memref<8x128x40xf32, #tpu.memory_space<vmem>> -> memref<1x128x40xf32, #tpu.memory_space<vmem>>
    %dma_start3A_10 = tpu.memref_squeeze %dma_start3A_9 : memref<1x128x40xf32, #tpu.memory_space<vmem>> -> memref<128x40xf32, #tpu.memory_space<vmem>>
    %dma_start3A_11 = arith.constant 0 : i32
    %dma_start3A_12 = tpu.memref_slice %arg8[%dma_start3A, %dma_start3A_11] : memref<80x128xi32, #tpu.memory_space<vmem>> -> memref<1x128xi32, #tpu.memory_space<vmem>>
    %dma_start3A_13 = tpu.memref_squeeze %dma_start3A_12 : memref<1x128xi32, #tpu.memory_space<vmem>> -> memref<128xi32, #tpu.memory_space<vmem>>
    %dma_start3A_14 = arith.constant 0 : i32
    %dma_start3A_15 = arith.constant 0 : i32
    %dma_start3A_16 = tpu.memref_slice %arg2[%dma_start3A_14, %dma_start3A_15] : memref<10000x40xf32, #tpu.memory_space<hbm>> -> memref<10000x40xf32, #tpu.memory_space<hbm>>
    %dma_start3A_17 = tpu.memref_slice %arg11[%dma_start3A_6] : memref<8x!tpu.dma_semaphore, #tpu.memory_space<semaphore_mem>> -> memref<1x!tpu.dma_semaphore, #tpu.memory_space<semaphore_mem>>
    %dma_start3A_18 = tpu.memref_squeeze %dma_start3A_17 : memref<1x!tpu.dma_semaphore, #tpu.memory_space<semaphore_mem>> -> memref<!tpu.dma_semaphore, #tpu.memory_space<semaphore_mem>>
    tpu.enqueue_indirect_dma source(%dma_start3A_16 : memref<10000x40xf32, #tpu.memory_space<hbm>>) target(%dma_start3A_10 : memref<128x40xf32, #tpu.memory_space<vmem>>) offsets(%dma_start3A_13 : memref<128xi32, #tpu.memory_space<vmem>>) semaphore(%dma_start3A_18 : memref<!tpu.dma_semaphore, #tpu.memory_space<semaphore_mem>>)
    %dma_start3A_19 = arith.constant 1 : i32
    %dma_start3A_20 = arith.constant 1 : i32
    %dma_start3A_21 = arith.constant 1 : i32
    %dma_start3A_22 = arith.constant 0 : i32
    %dma_start3A_23 = arith.constant 0 : i32
    %dma_start3A_24 = tpu.memref_slice %arg10[%dma_start3A_20, %dma_start3A_22, %dma_start3A_23] : memref<8x128x40xf32, #tpu.memory_space<vmem>> -> memref<1x128x40xf32, #tpu.memory_space<vmem>>
    %dma_start3A_25 = tpu.memref_squeeze %dma_start3A_24 : memref<1x128x40xf32, #tpu.memory_space<vmem>> -> memref<128x40xf32, #tpu.memory_space<vmem>>
    %dma_start3A_26 = arith.constant 0 : i32
    %dma_start3A_27 = tpu.memref_slice %arg8[%dma_start3A_19, %dma_start3A_26] : memref<80x128xi32, #tpu.memory_space<vmem>> -> memref<1x128xi32, #tpu.memory_space<vmem>>
    %dma_start3A_28 = tpu.memref_squeeze %dma_start3A_27 : memref<1x128xi32, #tpu.memory_space<vmem>> -> memref<128xi32, #tpu.memory_space<vmem>>
    %dma_start3A_29 = arith.constant 0 : i32
    %dma_start3A_30 = arith.constant 0 : i32
    %dma_start3A_31 = tpu.memref_slice %arg2[%dma_start3A_29, %dma_start3A_30] : memref<10000x40xf32, #tpu.memory_space<hbm>> -> memref<10000x40xf32, #tpu.memory_space<hbm>>
    %dma_start3A_32 = tpu.memref_slice %arg11[%dma_start3A_21] : memref<8x!tpu.dma_semaphore, #tpu.memory_space<semaphore_mem>> -> memref<1x!tpu.dma_semaphore, #tpu.memory_space<semaphore_mem>>
    %dma_start3A_33 = tpu.memref_squeeze %dma_start3A_32 : memref<1x!tpu.dma_semaphore, #tpu.memory_space<semaphore_mem>> -> memref<!tpu.dma_semaphore, #tpu.memory_space<semaphore_mem>>
    tpu.enqueue_indirect_dma source(%dma_start3A_31 : memref<10000x40xf32, #tpu.memory_space<hbm>>) target(%dma_start3A_25 : memref<128x40xf32, #tpu.memory_space<vmem>>) offsets(%dma_start3A_28 : memref<128xi32, #tpu.memory_space<vmem>>) semaphore(%dma_start3A_33 : memref<!tpu.dma_semaphore, #tpu.memory_space<semaphore_mem>>)
    %dma_start3A_34 = arith.constant 2 : i32
    %dma_start3A_35 = arith.constant 2 : i32
    %dma_start3A_36 = arith.constant 2 : i32
    %dma_start3A_37 = arith.constant 0 : i32
    %dma_start3A_38 = arith.constant 0 : i32
    %dma_start3A_39 = tpu.memref_slice %arg10[%dma_start3A_35, %dma_start3A_37, %dma_start3A_38] : memref<8x128x40xf32, #tpu.memory_space<vmem>> -> memref<1x128x40xf32, #tpu.memory_space<vmem>>
    %dma_start3A_40 = tpu.memref_squeeze %dma_start3A_39 : memref<1x128x40xf32, #tpu.memory_space<vmem>> -> memref<128x40xf32, #tpu.memory_space<vmem>>
    %dma_start3A_41 = arith.constant 0 : i32
    %dma_start3A_42 = tpu.memref_slice %arg8[%dma_start3A_34, %dma_start3A_41] : memref<80x128xi32, #tpu.memory_space<vmem>> -> memref<1x128xi32, #tpu.memory_space<vmem>>
    %dma_start3A_43 = tpu.memref_squeeze %dma_start3A_42 : memref<1x128xi32, #tpu.memory_space<vmem>> -> memref<128xi32, #tpu.memory_space<vmem>>
    %dma_start3A_44 = arith.constant 0 : i32
    %dma_start3A_45 = arith.constant 0 : i32
    %dma_start3A_46 = tpu.memref_slice %arg2[%dma_start3A_44, %dma_start3A_45] : memref<10000x40xf32, #tpu.memory_space<hbm>> -> memref<10000x40xf32, #tpu.memory_space<hbm>>
    %dma_start3A_47 = tpu.memref_slice %arg11[%dma_start3A_36] : memref<8x!tpu.dma_semaphore, #tpu.memory_space<semaphore_mem>> -> memref<1x!tpu.dma_semaphore, #tpu.memory_space<semaphore_mem>>
    %dma_start3A_48 = tpu.memref_squeeze %dma_start3A_47 : memref<1x!tpu.dma_semaphore, #tpu.memory_space<semaphore_mem>> -> memref<!tpu.dma_semaphore, #tpu.memory_space<semaphore_mem>>
    tpu.enqueue_indirect_dma source(%dma_start3A_46 : memref<10000x40xf32, #tpu.memory_space<hbm>>) target(%dma_start3A_40 : memref<128x40xf32, #tpu.memory_space<vmem>>) offsets(%dma_start3A_43 : memref<128xi32, #tpu.memory_space<vmem>>) semaphore(%dma_start3A_48 : memref<!tpu.dma_semaphore, #tpu.memory_space<semaphore_mem>>)
    %dma_start3A_49 = arith.constant 3 : i32
    %dma_start3A_50 = arith.constant 3 : i32
    %dma_start3A_51 = arith.constant 3 : i32
    %dma_start3A_52 = arith.constant 0 : i32
    %dma_start3A_53 = arith.constant 0 : i32
    %dma_start3A_54 = tpu.memref_slice %arg10[%dma_start3A_50, %dma_start3A_52, %dma_start3A_53] : memref<8x128x40xf32, #tpu.memory_space<vmem>> -> memref<1x128x40xf32, #tpu.memory_space<vmem>>
    %dma_start3A_55 = tpu.memref_squeeze %dma_start3A_54 : memref<1x128x40xf32, #tpu.memory_space<vmem>> -> memref<128x40xf32, #tpu.memory_space<vmem>>
    %dma_start3A_56 = arith.constant 0 : i32
    %dma_start3A_57 = tpu.memref_slice %arg8[%dma_start3A_49, %dma_start3A_56] : memref<80x128xi32, #tpu.memory_space<vmem>> -> memref<1x128xi32, #tpu.memory_space<vmem>>
    %dma_start3A_58 = tpu.memref_squeeze %dma_start3A_57 : memref<1x128xi32, #tpu.memory_space<vmem>> -> memref<128xi32, #tpu.memory_space<vmem>>
    %dma_start3A_59 = arith.constant 0 : i32
    %dma_start3A_60 = arith.constant 0 : i32
    %dma_start3A_61 = tpu.memref_slice %arg2[%dma_start3A_59, %dma_start3A_60] : memref<10000x40xf32, #tpu.memory_space<hbm>> -> memref<10000x40xf32, #tpu.memory_space<hbm>>
    %dma_start3A_62 = tpu.memref_slice %arg11[%dma_start3A_51] : memref<8x!tpu.dma_semaphore, #tpu.memory_space<semaphore_mem>> -> memref<1x!tpu.dma_semaphore, #tpu.memory_space<semaphore_mem>>
    %dma_start3A_63 = tpu.memref_squeeze %dma_start3A_62 : memref<1x!tpu.dma_semaphore, #tpu.memory_space<semaphore_mem>> -> memref<!tpu.dma_semaphore, #tpu.memory_space<semaphore_mem>>
    tpu.enqueue_indirect_dma source(%dma_start3A_61 : memref<10000x40xf32, #tpu.memory_space<hbm>>) target(%dma_start3A_55 : memref<128x40xf32, #tpu.memory_space<vmem>>) offsets(%dma_start3A_58 : memref<128xi32, #tpu.memory_space<vmem>>) semaphore(%dma_start3A_63 : memref<!tpu.dma_semaphore, #tpu.memory_space<semaphore_mem>>)
    %dma_start3A_64 = arith.constant 4 : i32
    %dma_start3A_65 = arith.constant 4 : i32
    %dma_start3A_66 = arith.constant 4 : i32
    %dma_start3A_67 = arith.constant 0 : i32
    %dma_start3A_68 = arith.constant 0 : i32
    %dma_start3A_69 = tpu.memref_slice %arg10[%dma_start3A_65, %dma_start3A_67, %dma_start3A_68] : memref<8x128x40xf32, #tpu.memory_space<vmem>> -> memref<1x128x40xf32, #tpu.memory_space<vmem>>
    %dma_start3A_70 = tpu.memref_squeeze %dma_start3A_69 : memref<1x128x40xf32, #tpu.memory_space<vmem>> -> memref<128x40xf32, #tpu.memory_space<vmem>>
    %dma_start3A_71 = arith.constant 0 : i32
    %dma_start3A_72 = tpu.memref_slice %arg8[%dma_start3A_64, %dma_start3A_71] : memref<80x128xi32, #tpu.memory_space<vmem>> -> memref<1x128xi32, #tpu.memory_space<vmem>>
    %dma_start3A_73 = tpu.memref_squeeze %dma_start3A_72 : memref<1x128xi32, #tpu.memory_space<vmem>> -> memref<128xi32, #tpu.memory_space<vmem>>
    %dma_start3A_74 = arith.constant 0 : i32
    %dma_start3A_75 = arith.constant 0 : i32
    %dma_start3A_76 = tpu.memref_slice %arg2[%dma_start3A_74, %dma_start3A_75] : memref<10000x40xf32, #tpu.memory_space<hbm>> -> memref<10000x40xf32, #tpu.memory_space<hbm>>
    %dma_start3A_77 = tpu.memref_slice %arg11[%dma_start3A_66] : memref<8x!tpu.dma_semaphore, #tpu.memory_space<semaphore_mem>> -> memref<1x!tpu.dma_semaphore, #tpu.memory_space<semaphore_mem>>
    %dma_start3A_78 = tpu.memref_squeeze %dma_start3A_77 : memref<1x!tpu.dma_semaphore, #tpu.memory_space<semaphore_mem>> -> memref<!tpu.dma_semaphore, #tpu.memory_space<semaphore_mem>>
    tpu.enqueue_indirect_dma source(%dma_start3A_76 : memref<10000x40xf32, #tpu.memory_space<hbm>>) target(%dma_start3A_70 : memref<128x40xf32, #tpu.memory_space<vmem>>) offsets(%dma_start3A_73 : memref<128xi32, #tpu.memory_space<vmem>>) semaphore(%dma_start3A_78 : memref<!tpu.dma_semaphore, #tpu.memory_space<semaphore_mem>>)
    %dma_start3A_79 = arith.constant 5 : i32
    %dma_start3A_80 = arith.constant 5 : i32
    %dma_start3A_81 = arith.constant 5 : i32
    %dma_start3A_82 = arith.constant 0 : i32
    %dma_start3A_83 = arith.constant 0 : i32
    %dma_start3A_84 = tpu.memref_slice %arg10[%dma_start3A_80, %dma_start3A_82, %dma_start3A_83] : memref<8x128x40xf32, #tpu.memory_space<vmem>> -> memref<1x128x40xf32, #tpu.memory_space<vmem>>
    %dma_start3A_85 = tpu.memref_squeeze %dma_start3A_84 : memref<1x128x40xf32, #tpu.memory_space<vmem>> -> memref<128x40xf32, #tpu.memory_space<vmem>>
    %dma_start3A_86 = arith.constant 0 : i32
    %dma_start3A_87 = tpu.memref_slice %arg8[%dma_start3A_79, %dma_start3A_86] : memref<80x128xi32, #tpu.memory_space<vmem>> -> memref<1x128xi32, #tpu.memory_space<vmem>>
    %dma_start3A_88 = tpu.memref_squeeze %dma_start3A_87 : memref<1x128xi32, #tpu.memory_space<vmem>> -> memref<128xi32, #tpu.memory_space<vmem>>
    %dma_start3A_89 = arith.constant 0 : i32
    %dma_start3A_90 = arith.constant 0 : i32
    %dma_start3A_91 = tpu.memref_slice %arg2[%dma_start3A_89, %dma_start3A_90] : memref<10000x40xf32, #tpu.memory_space<hbm>> -> memref<10000x40xf32, #tpu.memory_space<hbm>>
    %dma_start3A_92 = tpu.memref_slice %arg11[%dma_start3A_81] : memref<8x!tpu.dma_semaphore, #tpu.memory_space<semaphore_mem>> -> memref<1x!tpu.dma_semaphore, #tpu.memory_space<semaphore_mem>>
    %dma_start3A_93 = tpu.memref_squeeze %dma_start3A_92 : memref<1x!tpu.dma_semaphore, #tpu.memory_space<semaphore_mem>> -> memref<!tpu.dma_semaphore, #tpu.memory_space<semaphore_mem>>
    tpu.enqueue_indirect_dma source(%dma_start3A_91 : memref<10000x40xf32, #tpu.memory_space<hbm>>) target(%dma_start3A_85 : memref<128x40xf32, #tpu.memory_space<vmem>>) offsets(%dma_start3A_88 : memref<128xi32, #tpu.memory_space<vmem>>) semaphore(%dma_start3A_93 : memref<!tpu.dma_semaphore, #tpu.memory_space<semaphore_mem>>)
    %dma_start3A_94 = arith.constant 6 : i32
    %dma_start3A_95 = arith.constant 6 : i32
    %dma_start3A_96 = arith.constant 6 : i32
    %dma_start3A_97 = arith.constant 0 : i32
    %dma_start3A_98 = arith.constant 0 : i32
    %dma_start3A_99 = tpu.memref_slice %arg10[%dma_start3A_95, %dma_start3A_97, %dma_start3A_98] : memref<8x128x40xf32, #tpu.memory_space<vmem>> -> memref<1x128x40xf32, #tpu.memory_space<vmem>>
    %dma_start3A_100 = tpu.memref_squeeze %dma_start3A_99 : memref<1x128x40xf32, #tpu.memory_space<vmem>> -> memref<128x40xf32, #tpu.memory_space<vmem>>
    %dma_start3A_101 = arith.constant 0 : i32
    %dma_start3A_102 = tpu.memref_slice %arg8[%dma_start3A_94, %dma_start3A_101] : memref<80x128xi32, #tpu.memory_space<vmem>> -> memref<1x128xi32, #tpu.memory_space<vmem>>
    %dma_start3A_103 = tpu.memref_squeeze %dma_start3A_102 : memref<1x128xi32, #tpu.memory_space<vmem>> -> memref<128xi32, #tpu.memory_space<vmem>>
    %dma_start3A_104 = arith.constant 0 : i32
    %dma_start3A_105 = arith.constant 0 : i32
    %dma_start3A_106 = tpu.memref_slice %arg2[%dma_start3A_104, %dma_start3A_105] : memref<10000x40xf32, #tpu.memory_space<hbm>> -> memref<10000x40xf32, #tpu.memory_space<hbm>>
    %dma_start3A_107 = tpu.memref_slice %arg11[%dma_start3A_96] : memref<8x!tpu.dma_semaphore, #tpu.memory_space<semaphore_mem>> -> memref<1x!tpu.dma_semaphore, #tpu.memory_space<semaphore_mem>>
    %dma_start3A_108 = tpu.memref_squeeze %dma_start3A_107 : memref<1x!tpu.dma_semaphore, #tpu.memory_space<semaphore_mem>> -> memref<!tpu.dma_semaphore, #tpu.memory_space<semaphore_mem>>
    tpu.enqueue_indirect_dma source(%dma_start3A_106 : memref<10000x40xf32, #tpu.memory_space<hbm>>) target(%dma_start3A_100 : memref<128x40xf32, #tpu.memory_space<vmem>>) offsets(%dma_start3A_103 : memref<128xi32, #tpu.memory_space<vmem>>) semaphore(%dma_start3A_108 : memref<!tpu.dma_semaphore, #tpu.memory_space<semaphore_mem>>)
    %dma_start3A_109 = arith.constant 7 : i32
    %dma_start3A_110 = arith.constant 7 : i32
    %dma_start3A_111 = arith.constant 7 : i32
    %dma_start3A_112 = arith.constant 0 : i32
    %dma_start3A_113 = arith.constant 0 : i32
    %dma_start3A_114 = tpu.memref_slice %arg10[%dma_start3A_110, %dma_start3A_112, %dma_start3A_113] : memref<8x128x40xf32, #tpu.memory_space<vmem>> -> memref<1x128x40xf32, #tpu.memory_space<vmem>>
    %dma_start3A_115 = tpu.memref_squeeze %dma_start3A_114 : memref<1x128x40xf32, #tpu.memory_space<vmem>> -> memref<128x40xf32, #tpu.memory_space<vmem>>
    %dma_start3A_116 = arith.constant 0 : i32
    %dma_start3A_117 = tpu.memref_slice %arg8[%dma_start3A_109, %dma_start3A_116] : memref<80x128xi32, #tpu.memory_space<vmem>> -> memref<1x128xi32, #tpu.memory_space<vmem>>
    %dma_start3A_118 = tpu.memref_squeeze %dma_start3A_117 : memref<1x128xi32, #tpu.memory_space<vmem>> -> memref<128xi32, #tpu.memory_space<vmem>>
    %dma_start3A_119 = arith.constant 0 : i32
    %dma_start3A_120 = arith.constant 0 : i32
    %dma_start3A_121 = tpu.memref_slice %arg2[%dma_start3A_119, %dma_start3A_120] : memref<10000x40xf32, #tpu.memory_space<hbm>> -> memref<10000x40xf32, #tpu.memory_space<hbm>>
    %dma_start3A_122 = tpu.memref_slice %arg11[%dma_start3A_111] : memref<8x!tpu.dma_semaphore, #tpu.memory_space<semaphore_mem>> -> memref<1x!tpu.dma_semaphore, #tpu.memory_space<semaphore_mem>>
    %dma_start3A_123 = tpu.memref_squeeze %dma_start3A_122 : memref<1x!tpu.dma_semaphore, #tpu.memory_space<semaphore_mem>> -> memref<!tpu.dma_semaphore, #tpu.memory_space<semaphore_mem>>
    tpu.enqueue_indirect_dma source(%dma_start3A_121 : memref<10000x40xf32, #tpu.memory_space<hbm>>) target(%dma_start3A_115 : memref<128x40xf32, #tpu.memory_space<vmem>>) offsets(%dma_start3A_118 : memref<128xi32, #tpu.memory_space<vmem>>) semaphore(%dma_start3A_123 : memref<!tpu.dma_semaphore, #tpu.memory_space<semaphore_mem>>)
    %scan3A = arith.constant 0 : i32
    %scan3A_124 = arith.constant 10 : i32
    %scan3A_125 = arith.addi %scan3A, %scan3A_124 : i32
    %scan3A_126 = arith.constant 1 : i32
    scf.for %scan3A_252 = %scan3A to %scan3A_125 step %scan3A_126  : i32 {
      %mul3A_253 = arith.constant 8 : i32
      %mul3A_254 = arith.muli %scan3A_252, %mul3A_253 : i32
      %add3A_255 = arith.constant 0 : i32
      %add3A_256 = arith.addi %mul3A_254, %add3A_255 : i32
      %dma_wait3A_257 = arith.constant 0 : i32
      %dma_wait3A_258 = arith.constant 0 : i32
      %dma_wait3A_259 = arith.constant 0 : i32
      %dma_wait3A_260 = arith.constant 0 : i32
      %dma_wait3A_261 = tpu.memref_slice %arg10[%dma_wait3A_257, %dma_wait3A_259, %dma_wait3A_260] : memref<8x128x40xf32, #tpu.memory_space<vmem>> -> memref<1x128x40xf32, #tpu.memory_space<vmem>>
      %dma_wait3A_262 = tpu.memref_squeeze %dma_wait3A_261 : memref<1x128x40xf32, #tpu.memory_space<vmem>> -> memref<128x40xf32, #tpu.memory_space<vmem>>
      %dma_wait3A_263 = arith.constant 0 : i32
      %dma_wait3A_264 = tpu.memref_slice %arg8[%add3A_256, %dma_wait3A_263] : memref<80x128xi32, #tpu.memory_space<vmem>> -> memref<1x128xi32, #tpu.memory_space<vmem>>
      %dma_wait3A_265 = tpu.memref_squeeze %dma_wait3A_264 : memref<1x128xi32, #tpu.memory_space<vmem>> -> memref<128xi32, #tpu.memory_space<vmem>>
      %dma_wait3A_266 = arith.constant 0 : i32
      %dma_wait3A_267 = arith.constant 0 : i32
      %dma_wait3A_268 = tpu.memref_slice %arg2[%dma_wait3A_266, %dma_wait3A_267] : memref<10000x40xf32, #tpu.memory_space<hbm>> -> memref<10000x40xf32, #tpu.memory_space<hbm>>
      %dma_wait3A_269 = tpu.memref_slice %arg11[%dma_wait3A_258] : memref<8x!tpu.dma_semaphore, #tpu.memory_space<semaphore_mem>> -> memref<1x!tpu.dma_semaphore, #tpu.memory_space<semaphore_mem>>
      %dma_wait3A_270 = tpu.memref_squeeze %dma_wait3A_269 : memref<1x!tpu.dma_semaphore, #tpu.memory_space<semaphore_mem>> -> memref<!tpu.dma_semaphore, #tpu.memory_space<semaphore_mem>>
      tpu.wait_indirect_dma semaphore(%dma_wait3A_270 : memref<!tpu.dma_semaphore, #tpu.memory_space<semaphore_mem>>) src(%dma_wait3A_268 : memref<10000x40xf32, #tpu.memory_space<hbm>>) dst(%dma_wait3A_262 : memref<128x40xf32, #tpu.memory_space<vmem>>)
      %dma_start3A_271 = arith.constant 0 : i32
      %dma_start3A_272 = arith.constant 0 : i32
      %dma_start3A_273 = arith.constant 0 : i32
      %dma_start3A_274 = arith.constant 0 : i32
      %dma_start3A_275 = tpu.memref_slice %arg10[%dma_start3A_271, %dma_start3A_273, %dma_start3A_274] : memref<8x128x40xf32, #tpu.memory_space<vmem>> -> memref<1x128x40xf32, #tpu.memory_space<vmem>>
      %dma_start3A_276 = tpu.memref_squeeze %dma_start3A_275 : memref<1x128x40xf32, #tpu.memory_space<vmem>> -> memref<128x40xf32, #tpu.memory_space<vmem>>
      %dma_start3A_277 = arith.constant 0 : i32
      %dma_start3A_278 = tpu.memref_slice %arg9[%add3A_256, %dma_start3A_277] : memref<80x128xi32, #tpu.memory_space<vmem>> -> memref<1x128xi32, #tpu.memory_space<vmem>>
      %dma_start3A_279 = tpu.memref_squeeze %dma_start3A_278 : memref<1x128xi32, #tpu.memory_space<vmem>> -> memref<128xi32, #tpu.memory_space<vmem>>
      %dma_start3A_280 = arith.constant 0 : i32
      %dma_start3A_281 = arith.constant 0 : i32
      %dma_start3A_282 = tpu.memref_slice %arg7[%dma_start3A_280, %dma_start3A_281] : memref<10112x40xf32, #tpu.memory_space<vmem_shared>> -> memref<10112x40xf32, #tpu.memory_space<vmem_shared>>
      %dma_start3A_283 = tpu.memref_slice %arg12[%dma_start3A_272] : memref<8x!tpu.dma_semaphore, #tpu.memory_space<semaphore_mem>> -> memref<1x!tpu.dma_semaphore, #tpu.memory_space<semaphore_mem>>
      %dma_start3A_284 = tpu.memref_squeeze %dma_start3A_283 : memref<1x!tpu.dma_semaphore, #tpu.memory_space<semaphore_mem>> -> memref<!tpu.dma_semaphore, #tpu.memory_space<semaphore_mem>>
      tpu.enqueue_indirect_dma source(%dma_start3A_276 : memref<128x40xf32, #tpu.memory_space<vmem>>) target(%dma_start3A_282 : memref<10112x40xf32, #tpu.memory_space<vmem_shared>>) offsets(%dma_start3A_279 : memref<128xi32, #tpu.memory_space<vmem>>) semaphore(%dma_start3A_284 : memref<!tpu.dma_semaphore, #tpu.memory_space<semaphore_mem>>) {add = true}
      %add3A_285 = arith.constant 8 : i32
      %add3A_286 = arith.addi %add3A_256, %add3A_285 : i32
      %lt3A = arith.constant 80 : i32
      %lt3A_287 = arith.cmpi slt, %add3A_286, %lt3A : i32
      %convert_element_type3A = arith.extui %lt3A_287 : i1 to i32
      %cond3A = arith.constant 0 : i32
      %cond3A_288 = arith.cmpi ne, %convert_element_type3A, %cond3A : i32
      scf.if %cond3A_288 {
        %dma_wait3A_548 = arith.constant 0 : i32
        %dma_wait3A_549 = arith.constant 0 : i32
        %dma_wait3A_550 = arith.constant 0 : i32
        %dma_wait3A_551 = arith.constant 0 : i32
        %dma_wait3A_552 = tpu.memref_slice %arg10[%dma_wait3A_548, %dma_wait3A_550, %dma_wait3A_551] : memref<8x128x40xf32, #tpu.memory_space<vmem>> -> memref<1x128x40xf32, #tpu.memory_space<vmem>>
        %dma_wait3A_553 = tpu.memref_squeeze %dma_wait3A_552 : memref<1x128x40xf32, #tpu.memory_space<vmem>> -> memref<128x40xf32, #tpu.memory_space<vmem>>
        %dma_wait3A_554 = arith.constant 0 : i32
        %dma_wait3A_555 = tpu.memref_slice %arg9[%add3A_256, %dma_wait3A_554] : memref<80x128xi32, #tpu.memory_space<vmem>> -> memref<1x128xi32, #tpu.memory_space<vmem>>
        %dma_wait3A_556 = tpu.memref_squeeze %dma_wait3A_555 : memref<1x128xi32, #tpu.memory_space<vmem>> -> memref<128xi32, #tpu.memory_space<vmem>>
        %dma_wait3A_557 = arith.constant 0 : i32
        %dma_wait3A_558 = arith.constant 0 : i32
        %dma_wait3A_559 = tpu.memref_slice %arg7[%dma_wait3A_557, %dma_wait3A_558] : memref<10112x40xf32, #tpu.memory_space<vmem_shared>> -> memref<10112x40xf32, #tpu.memory_space<vmem_shared>>
        %dma_wait3A_560 = tpu.memref_slice %arg12[%dma_wait3A_549] : memref<8x!tpu.dma_semaphore, #tpu.memory_space<semaphore_mem>> -> memref<1x!tpu.dma_semaphore, #tpu.memory_space<semaphore_mem>>
        %dma_wait3A_561 = tpu.memref_squeeze %dma_wait3A_560 : memref<1x!tpu.dma_semaphore, #tpu.memory_space<semaphore_mem>> -> memref<!tpu.dma_semaphore, #tpu.memory_space<semaphore_mem>>
        tpu.wait_indirect_dma semaphore(%dma_wait3A_561 : memref<!tpu.dma_semaphore, #tpu.memory_space<semaphore_mem>>) src(%dma_wait3A_553 : memref<128x40xf32, #tpu.memory_space<vmem>>) dst(%dma_wait3A_559 : memref<10112x40xf32, #tpu.memory_space<vmem_shared>>)
        %add3A_562 = arith.constant 8 : i32
        %add3A_563 = arith.addi %add3A_256, %add3A_562 : i32
        %dma_start3A_564 = arith.constant 0 : i32
        %dma_start3A_565 = arith.constant 0 : i32
        %dma_start3A_566 = arith.constant 0 : i32
        %dma_start3A_567 = arith.constant 0 : i32
        %dma_start3A_568 = tpu.memref_slice %arg10[%dma_start3A_564, %dma_start3A_566, %dma_start3A_567] : memref<8x128x40xf32, #tpu.memory_space<vmem>> -> memref<1x128x40xf32, #tpu.memory_space<vmem>>
        %dma_start3A_569 = tpu.memref_squeeze %dma_start3A_568 : memref<1x128x40xf32, #tpu.memory_space<vmem>> -> memref<128x40xf32, #tpu.memory_space<vmem>>
        %dma_start3A_570 = arith.constant 0 : i32
        %dma_start3A_571 = tpu.memref_slice %arg8[%add3A_563, %dma_start3A_570] : memref<80x128xi32, #tpu.memory_space<vmem>> -> memref<1x128xi32, #tpu.memory_space<vmem>>
        %dma_start3A_572 = tpu.memref_squeeze %dma_start3A_571 : memref<1x128xi32, #tpu.memory_space<vmem>> -> memref<128xi32, #tpu.memory_space<vmem>>
        %dma_start3A_573 = arith.constant 0 : i32
        %dma_start3A_574 = arith.constant 0 : i32
        %dma_start3A_575 = tpu.memref_slice %arg2[%dma_start3A_573, %dma_start3A_574] : memref<10000x40xf32, #tpu.memory_space<hbm>> -> memref<10000x40xf32, #tpu.memory_space<hbm>>
        %dma_start3A_576 = tpu.memref_slice %arg11[%dma_start3A_565] : memref<8x!tpu.dma_semaphore, #tpu.memory_space<semaphore_mem>> -> memref<1x!tpu.dma_semaphore, #tpu.memory_space<semaphore_mem>>
        %dma_start3A_577 = tpu.memref_squeeze %dma_start3A_576 : memref<1x!tpu.dma_semaphore, #tpu.memory_space<semaphore_mem>> -> memref<!tpu.dma_semaphore, #tpu.memory_space<semaphore_mem>>
        tpu.enqueue_indirect_dma source(%dma_start3A_575 : memref<10000x40xf32, #tpu.memory_space<hbm>>) target(%dma_start3A_569 : memref<128x40xf32, #tpu.memory_space<vmem>>) offsets(%dma_start3A_572 : memref<128xi32, #tpu.memory_space<vmem>>) semaphore(%dma_start3A_577 : memref<!tpu.dma_semaphore, #tpu.memory_space<semaphore_mem>>)
      } else {
      }
      %add3A_289 = arith.constant 1 : i32
      %add3A_290 = arith.addi %mul3A_254, %add3A_289 : i32
      %dma_wait3A_291 = arith.constant 1 : i32
      %dma_wait3A_292 = arith.constant 1 : i32
      %dma_wait3A_293 = arith.constant 0 : i32
      %dma_wait3A_294 = arith.constant 0 : i32
      %dma_wait3A_295 = tpu.memref_slice %arg10[%dma_wait3A_291, %dma_wait3A_293, %dma_wait3A_294] : memref<8x128x40xf32, #tpu.memory_space<vmem>> -> memref<1x128x40xf32, #tpu.memory_space<vmem>>
      %dma_wait3A_296 = tpu.memref_squeeze %dma_wait3A_295 : memref<1x128x40xf32, #tpu.memory_space<vmem>> -> memref<128x40xf32, #tpu.memory_space<vmem>>
      %dma_wait3A_297 = arith.constant 0 : i32
      %dma_wait3A_298 = tpu.memref_slice %arg8[%add3A_290, %dma_wait3A_297] : memref<80x128xi32, #tpu.memory_space<vmem>> -> memref<1x128xi32, #tpu.memory_space<vmem>>
      %dma_wait3A_299 = tpu.memref_squeeze %dma_wait3A_298 : memref<1x128xi32, #tpu.memory_space<vmem>> -> memref<128xi32, #tpu.memory_space<vmem>>
      %dma_wait3A_300 = arith.constant 0 : i32
      %dma_wait3A_301 = arith.constant 0 : i32
      %dma_wait3A_302 = tpu.memref_slice %arg2[%dma_wait3A_300, %dma_wait3A_301] : memref<10000x40xf32, #tpu.memory_space<hbm>> -> memref<10000x40xf32, #tpu.memory_space<hbm>>
      %dma_wait3A_303 = tpu.memref_slice %arg11[%dma_wait3A_292] : memref<8x!tpu.dma_semaphore, #tpu.memory_space<semaphore_mem>> -> memref<1x!tpu.dma_semaphore, #tpu.memory_space<semaphore_mem>>
      %dma_wait3A_304 = tpu.memref_squeeze %dma_wait3A_303 : memref<1x!tpu.dma_semaphore, #tpu.memory_space<semaphore_mem>> -> memref<!tpu.dma_semaphore, #tpu.memory_space<semaphore_mem>>
      tpu.wait_indirect_dma semaphore(%dma_wait3A_304 : memref<!tpu.dma_semaphore, #tpu.memory_space<semaphore_mem>>) src(%dma_wait3A_302 : memref<10000x40xf32, #tpu.memory_space<hbm>>) dst(%dma_wait3A_296 : memref<128x40xf32, #tpu.memory_space<vmem>>)
      %dma_start3A_305 = arith.constant 1 : i32
      %dma_start3A_306 = arith.constant 1 : i32
      %dma_start3A_307 = arith.constant 0 : i32
      %dma_start3A_308 = arith.constant 0 : i32
      %dma_start3A_309 = tpu.memref_slice %arg10[%dma_start3A_305, %dma_start3A_307, %dma_start3A_308] : memref<8x128x40xf32, #tpu.memory_space<vmem>> -> memref<1x128x40xf32, #tpu.memory_space<vmem>>
      %dma_start3A_310 = tpu.memref_squeeze %dma_start3A_309 : memref<1x128x40xf32, #tpu.memory_space<vmem>> -> memref<128x40xf32, #tpu.memory_space<vmem>>
      %dma_start3A_311 = arith.constant 0 : i32
      %dma_start3A_312 = tpu.memref_slice %arg9[%add3A_290, %dma_start3A_311] : memref<80x128xi32, #tpu.memory_space<vmem>> -> memref<1x128xi32, #tpu.memory_space<vmem>>
      %dma_start3A_313 = tpu.memref_squeeze %dma_start3A_312 : memref<1x128xi32, #tpu.memory_space<vmem>> -> memref<128xi32, #tpu.memory_space<vmem>>
      %dma_start3A_314 = arith.constant 0 : i32
      %dma_start3A_315 = arith.constant 0 : i32
      %dma_start3A_316 = tpu.memref_slice %arg7[%dma_start3A_314, %dma_start3A_315] : memref<10112x40xf32, #tpu.memory_space<vmem_shared>> -> memref<10112x40xf32, #tpu.memory_space<vmem_shared>>
      %dma_start3A_317 = tpu.memref_slice %arg12[%dma_start3A_306] : memref<8x!tpu.dma_semaphore, #tpu.memory_space<semaphore_mem>> -> memref<1x!tpu.dma_semaphore, #tpu.memory_space<semaphore_mem>>
      %dma_start3A_318 = tpu.memref_squeeze %dma_start3A_317 : memref<1x!tpu.dma_semaphore, #tpu.memory_space<semaphore_mem>> -> memref<!tpu.dma_semaphore, #tpu.memory_space<semaphore_mem>>
      tpu.enqueue_indirect_dma source(%dma_start3A_310 : memref<128x40xf32, #tpu.memory_space<vmem>>) target(%dma_start3A_316 : memref<10112x40xf32, #tpu.memory_space<vmem_shared>>) offsets(%dma_start3A_313 : memref<128xi32, #tpu.memory_space<vmem>>) semaphore(%dma_start3A_318 : memref<!tpu.dma_semaphore, #tpu.memory_space<semaphore_mem>>) {add = true}
      %add3A_319 = arith.constant 8 : i32
      %add3A_320 = arith.addi %add3A_290, %add3A_319 : i32
      %lt3A_321 = arith.constant 80 : i32
      %lt3A_322 = arith.cmpi slt, %add3A_320, %lt3A_321 : i32
      %convert_element_type3A_323 = arith.extui %lt3A_322 : i1 to i32
      %cond3A_324 = arith.constant 0 : i32
      %cond3A_325 = arith.cmpi ne, %convert_element_type3A_323, %cond3A_324 : i32
      scf.if %cond3A_325 {
        %dma_wait3A_548 = arith.constant 1 : i32
        %dma_wait3A_549 = arith.constant 1 : i32
        %dma_wait3A_550 = arith.constant 0 : i32
        %dma_wait3A_551 = arith.constant 0 : i32
        %dma_wait3A_552 = tpu.memref_slice %arg10[%dma_wait3A_548, %dma_wait3A_550, %dma_wait3A_551] : memref<8x128x40xf32, #tpu.memory_space<vmem>> -> memref<1x128x40xf32, #tpu.memory_space<vmem>>
        %dma_wait3A_553 = tpu.memref_squeeze %dma_wait3A_552 : memref<1x128x40xf32, #tpu.memory_space<vmem>> -> memref<128x40xf32, #tpu.memory_space<vmem>>
        %dma_wait3A_554 = arith.constant 0 : i32
        %dma_wait3A_555 = tpu.memref_slice %arg9[%add3A_290, %dma_wait3A_554] : memref<80x128xi32, #tpu.memory_space<vmem>> -> memref<1x128xi32, #tpu.memory_space<vmem>>
        %dma_wait3A_556 = tpu.memref_squeeze %dma_wait3A_555 : memref<1x128xi32, #tpu.memory_space<vmem>> -> memref<128xi32, #tpu.memory_space<vmem>>
        %dma_wait3A_557 = arith.constant 0 : i32
        %dma_wait3A_558 = arith.constant 0 : i32
        %dma_wait3A_559 = tpu.memref_slice %arg7[%dma_wait3A_557, %dma_wait3A_558] : memref<10112x40xf32, #tpu.memory_space<vmem_shared>> -> memref<10112x40xf32, #tpu.memory_space<vmem_shared>>
        %dma_wait3A_560 = tpu.memref_slice %arg12[%dma_wait3A_549] : memref<8x!tpu.dma_semaphore, #tpu.memory_space<semaphore_mem>> -> memref<1x!tpu.dma_semaphore, #tpu.memory_space<semaphore_mem>>
        %dma_wait3A_561 = tpu.memref_squeeze %dma_wait3A_560 : memref<1x!tpu.dma_semaphore, #tpu.memory_space<semaphore_mem>> -> memref<!tpu.dma_semaphore, #tpu.memory_space<semaphore_mem>>
        tpu.wait_indirect_dma semaphore(%dma_wait3A_561 : memref<!tpu.dma_semaphore, #tpu.memory_space<semaphore_mem>>) src(%dma_wait3A_553 : memref<128x40xf32, #tpu.memory_space<vmem>>) dst(%dma_wait3A_559 : memref<10112x40xf32, #tpu.memory_space<vmem_shared>>)
        %add3A_562 = arith.constant 8 : i32
        %add3A_563 = arith.addi %add3A_290, %add3A_562 : i32
        %dma_start3A_564 = arith.constant 1 : i32
        %dma_start3A_565 = arith.constant 1 : i32
        %dma_start3A_566 = arith.constant 0 : i32
        %dma_start3A_567 = arith.constant 0 : i32
        %dma_start3A_568 = tpu.memref_slice %arg10[%dma_start3A_564, %dma_start3A_566, %dma_start3A_567] : memref<8x128x40xf32, #tpu.memory_space<vmem>> -> memref<1x128x40xf32, #tpu.memory_space<vmem>>
        %dma_start3A_569 = tpu.memref_squeeze %dma_start3A_568 : memref<1x128x40xf32, #tpu.memory_space<vmem>> -> memref<128x40xf32, #tpu.memory_space<vmem>>
        %dma_start3A_570 = arith.constant 0 : i32
        %dma_start3A_571 = tpu.memref_slice %arg8[%add3A_563, %dma_start3A_570] : memref<80x128xi32, #tpu.memory_space<vmem>> -> memref<1x128xi32, #tpu.memory_space<vmem>>
        %dma_start3A_572 = tpu.memref_squeeze %dma_start3A_571 : memref<1x128xi32, #tpu.memory_space<vmem>> -> memref<128xi32, #tpu.memory_space<vmem>>
        %dma_start3A_573 = arith.constant 0 : i32
        %dma_start3A_574 = arith.constant 0 : i32
        %dma_start3A_575 = tpu.memref_slice %arg2[%dma_start3A_573, %dma_start3A_574] : memref<10000x40xf32, #tpu.memory_space<hbm>> -> memref<10000x40xf32, #tpu.memory_space<hbm>>
        %dma_start3A_576 = tpu.memref_slice %arg11[%dma_start3A_565] : memref<8x!tpu.dma_semaphore, #tpu.memory_space<semaphore_mem>> -> memref<1x!tpu.dma_semaphore, #tpu.memory_space<semaphore_mem>>
        %dma_start3A_577 = tpu.memref_squeeze %dma_start3A_576 : memref<1x!tpu.dma_semaphore, #tpu.memory_space<semaphore_mem>> -> memref<!tpu.dma_semaphore, #tpu.memory_space<semaphore_mem>>
        tpu.enqueue_indirect_dma source(%dma_start3A_575 : memref<10000x40xf32, #tpu.memory_space<hbm>>) target(%dma_start3A_569 : memref<128x40xf32, #tpu.memory_space<vmem>>) offsets(%dma_start3A_572 : memref<128xi32, #tpu.memory_space<vmem>>) semaphore(%dma_start3A_577 : memref<!tpu.dma_semaphore, #tpu.memory_space<semaphore_mem>>)
      } else {
      }
      %add3A_326 = arith.constant 2 : i32
      %add3A_327 = arith.addi %mul3A_254, %add3A_326 : i32
      %dma_wait3A_328 = arith.constant 2 : i32
      %dma_wait3A_329 = arith.constant 2 : i32
      %dma_wait3A_330 = arith.constant 0 : i32
      %dma_wait3A_331 = arith.constant 0 : i32
      %dma_wait3A_332 = tpu.memref_slice %arg10[%dma_wait3A_328, %dma_wait3A_330, %dma_wait3A_331] : memref<8x128x40xf32, #tpu.memory_space<vmem>> -> memref<1x128x40xf32, #tpu.memory_space<vmem>>
      %dma_wait3A_333 = tpu.memref_squeeze %dma_wait3A_332 : memref<1x128x40xf32, #tpu.memory_space<vmem>> -> memref<128x40xf32, #tpu.memory_space<vmem>>
      %dma_wait3A_334 = arith.constant 0 : i32
      %dma_wait3A_335 = tpu.memref_slice %arg8[%add3A_327, %dma_wait3A_334] : memref<80x128xi32, #tpu.memory_space<vmem>> -> memref<1x128xi32, #tpu.memory_space<vmem>>
      %dma_wait3A_336 = tpu.memref_squeeze %dma_wait3A_335 : memref<1x128xi32, #tpu.memory_space<vmem>> -> memref<128xi32, #tpu.memory_space<vmem>>
      %dma_wait3A_337 = arith.constant 0 : i32
      %dma_wait3A_338 = arith.constant 0 : i32
      %dma_wait3A_339 = tpu.memref_slice %arg2[%dma_wait3A_337, %dma_wait3A_338] : memref<10000x40xf32, #tpu.memory_space<hbm>> -> memref<10000x40xf32, #tpu.memory_space<hbm>>
      %dma_wait3A_340 = tpu.memref_slice %arg11[%dma_wait3A_329] : memref<8x!tpu.dma_semaphore, #tpu.memory_space<semaphore_mem>> -> memref<1x!tpu.dma_semaphore, #tpu.memory_space<semaphore_mem>>
      %dma_wait3A_341 = tpu.memref_squeeze %dma_wait3A_340 : memref<1x!tpu.dma_semaphore, #tpu.memory_space<semaphore_mem>> -> memref<!tpu.dma_semaphore, #tpu.memory_space<semaphore_mem>>
      tpu.wait_indirect_dma semaphore(%dma_wait3A_341 : memref<!tpu.dma_semaphore, #tpu.memory_space<semaphore_mem>>) src(%dma_wait3A_339 : memref<10000x40xf32, #tpu.memory_space<hbm>>) dst(%dma_wait3A_333 : memref<128x40xf32, #tpu.memory_space<vmem>>)
      %dma_start3A_342 = arith.constant 2 : i32
      %dma_start3A_343 = arith.constant 2 : i32
      %dma_start3A_344 = arith.constant 0 : i32
      %dma_start3A_345 = arith.constant 0 : i32
      %dma_start3A_346 = tpu.memref_slice %arg10[%dma_start3A_342, %dma_start3A_344, %dma_start3A_345] : memref<8x128x40xf32, #tpu.memory_space<vmem>> -> memref<1x128x40xf32, #tpu.memory_space<vmem>>
      %dma_start3A_347 = tpu.memref_squeeze %dma_start3A_346 : memref<1x128x40xf32, #tpu.memory_space<vmem>> -> memref<128x40xf32, #tpu.memory_space<vmem>>
      %dma_start3A_348 = arith.constant 0 : i32
      %dma_start3A_349 = tpu.memref_slice %arg9[%add3A_327, %dma_start3A_348] : memref<80x128xi32, #tpu.memory_space<vmem>> -> memref<1x128xi32, #tpu.memory_space<vmem>>
      %dma_start3A_350 = tpu.memref_squeeze %dma_start3A_349 : memref<1x128xi32, #tpu.memory_space<vmem>> -> memref<128xi32, #tpu.memory_space<vmem>>
      %dma_start3A_351 = arith.constant 0 : i32
      %dma_start3A_352 = arith.constant 0 : i32
      %dma_start3A_353 = tpu.memref_slice %arg7[%dma_start3A_351, %dma_start3A_352] : memref<10112x40xf32, #tpu.memory_space<vmem_shared>> -> memref<10112x40xf32, #tpu.memory_space<vmem_shared>>
      %dma_start3A_354 = tpu.memref_slice %arg12[%dma_start3A_343] : memref<8x!tpu.dma_semaphore, #tpu.memory_space<semaphore_mem>> -> memref<1x!tpu.dma_semaphore, #tpu.memory_space<semaphore_mem>>
      %dma_start3A_355 = tpu.memref_squeeze %dma_start3A_354 : memref<1x!tpu.dma_semaphore, #tpu.memory_space<semaphore_mem>> -> memref<!tpu.dma_semaphore, #tpu.memory_space<semaphore_mem>>
      tpu.enqueue_indirect_dma source(%dma_start3A_347 : memref<128x40xf32, #tpu.memory_space<vmem>>) target(%dma_start3A_353 : memref<10112x40xf32, #tpu.memory_space<vmem_shared>>) offsets(%dma_start3A_350 : memref<128xi32, #tpu.memory_space<vmem>>) semaphore(%dma_start3A_355 : memref<!tpu.dma_semaphore, #tpu.memory_space<semaphore_mem>>) {add = true}
      %add3A_356 = arith.constant 8 : i32
      %add3A_357 = arith.addi %add3A_327, %add3A_356 : i32
      %lt3A_358 = arith.constant 80 : i32
      %lt3A_359 = arith.cmpi slt, %add3A_357, %lt3A_358 : i32
      %convert_element_type3A_360 = arith.extui %lt3A_359 : i1 to i32
      %cond3A_361 = arith.constant 0 : i32
      %cond3A_362 = arith.cmpi ne, %convert_element_type3A_360, %cond3A_361 : i32
      scf.if %cond3A_362 {
        %dma_wait3A_548 = arith.constant 2 : i32
        %dma_wait3A_549 = arith.constant 2 : i32
        %dma_wait3A_550 = arith.constant 0 : i32
        %dma_wait3A_551 = arith.constant 0 : i32
        %dma_wait3A_552 = tpu.memref_slice %arg10[%dma_wait3A_548, %dma_wait3A_550, %dma_wait3A_551] : memref<8x128x40xf32, #tpu.memory_space<vmem>> -> memref<1x128x40xf32, #tpu.memory_space<vmem>>
        %dma_wait3A_553 = tpu.memref_squeeze %dma_wait3A_552 : memref<1x128x40xf32, #tpu.memory_space<vmem>> -> memref<128x40xf32, #tpu.memory_space<vmem>>
        %dma_wait3A_554 = arith.constant 0 : i32
        %dma_wait3A_555 = tpu.memref_slice %arg9[%add3A_327, %dma_wait3A_554] : memref<80x128xi32, #tpu.memory_space<vmem>> -> memref<1x128xi32, #tpu.memory_space<vmem>>
        %dma_wait3A_556 = tpu.memref_squeeze %dma_wait3A_555 : memref<1x128xi32, #tpu.memory_space<vmem>> -> memref<128xi32, #tpu.memory_space<vmem>>
        %dma_wait3A_557 = arith.constant 0 : i32
        %dma_wait3A_558 = arith.constant 0 : i32
        %dma_wait3A_559 = tpu.memref_slice %arg7[%dma_wait3A_557, %dma_wait3A_558] : memref<10112x40xf32, #tpu.memory_space<vmem_shared>> -> memref<10112x40xf32, #tpu.memory_space<vmem_shared>>
        %dma_wait3A_560 = tpu.memref_slice %arg12[%dma_wait3A_549] : memref<8x!tpu.dma_semaphore, #tpu.memory_space<semaphore_mem>> -> memref<1x!tpu.dma_semaphore, #tpu.memory_space<semaphore_mem>>
        %dma_wait3A_561 = tpu.memref_squeeze %dma_wait3A_560 : memref<1x!tpu.dma_semaphore, #tpu.memory_space<semaphore_mem>> -> memref<!tpu.dma_semaphore, #tpu.memory_space<semaphore_mem>>
        tpu.wait_indirect_dma semaphore(%dma_wait3A_561 : memref<!tpu.dma_semaphore, #tpu.memory_space<semaphore_mem>>) src(%dma_wait3A_553 : memref<128x40xf32, #tpu.memory_space<vmem>>) dst(%dma_wait3A_559 : memref<10112x40xf32, #tpu.memory_space<vmem_shared>>)
        %add3A_562 = arith.constant 8 : i32
        %add3A_563 = arith.addi %add3A_327, %add3A_562 : i32
        %dma_start3A_564 = arith.constant 2 : i32
        %dma_start3A_565 = arith.constant 2 : i32
        %dma_start3A_566 = arith.constant 0 : i32
        %dma_start3A_567 = arith.constant 0 : i32
        %dma_start3A_568 = tpu.memref_slice %arg10[%dma_start3A_564, %dma_start3A_566, %dma_start3A_567] : memref<8x128x40xf32, #tpu.memory_space<vmem>> -> memref<1x128x40xf32, #tpu.memory_space<vmem>>
        %dma_start3A_569 = tpu.memref_squeeze %dma_start3A_568 : memref<1x128x40xf32, #tpu.memory_space<vmem>> -> memref<128x40xf32, #tpu.memory_space<vmem>>
        %dma_start3A_570 = arith.constant 0 : i32
        %dma_start3A_571 = tpu.memref_slice %arg8[%add3A_563, %dma_start3A_570] : memref<80x128xi32, #tpu.memory_space<vmem>> -> memref<1x128xi32, #tpu.memory_space<vmem>>
        %dma_start3A_572 = tpu.memref_squeeze %dma_start3A_571 : memref<1x128xi32, #tpu.memory_space<vmem>> -> memref<128xi32, #tpu.memory_space<vmem>>
        %dma_start3A_573 = arith.constant 0 : i32
        %dma_start3A_574 = arith.constant 0 : i32
        %dma_start3A_575 = tpu.memref_slice %arg2[%dma_start3A_573, %dma_start3A_574] : memref<10000x40xf32, #tpu.memory_space<hbm>> -> memref<10000x40xf32, #tpu.memory_space<hbm>>
        %dma_start3A_576 = tpu.memref_slice %arg11[%dma_start3A_565] : memref<8x!tpu.dma_semaphore, #tpu.memory_space<semaphore_mem>> -> memref<1x!tpu.dma_semaphore, #tpu.memory_space<semaphore_mem>>
        %dma_start3A_577 = tpu.memref_squeeze %dma_start3A_576 : memref<1x!tpu.dma_semaphore, #tpu.memory_space<semaphore_mem>> -> memref<!tpu.dma_semaphore, #tpu.memory_space<semaphore_mem>>
        tpu.enqueue_indirect_dma source(%dma_start3A_575 : memref<10000x40xf32, #tpu.memory_space<hbm>>) target(%dma_start3A_569 : memref<128x40xf32, #tpu.memory_space<vmem>>) offsets(%dma_start3A_572 : memref<128xi32, #tpu.memory_space<vmem>>) semaphore(%dma_start3A_577 : memref<!tpu.dma_semaphore, #tpu.memory_space<semaphore_mem>>)
      } else {
      }
      %add3A_363 = arith.constant 3 : i32
      %add3A_364 = arith.addi %mul3A_254, %add3A_363 : i32
      %dma_wait3A_365 = arith.constant 3 : i32
      %dma_wait3A_366 = arith.constant 3 : i32
      %dma_wait3A_367 = arith.constant 0 : i32
      %dma_wait3A_368 = arith.constant 0 : i32
      %dma_wait3A_369 = tpu.memref_slice %arg10[%dma_wait3A_365, %dma_wait3A_367, %dma_wait3A_368] : memref<8x128x40xf32, #tpu.memory_space<vmem>> -> memref<1x128x40xf32, #tpu.memory_space<vmem>>
      %dma_wait3A_370 = tpu.memref_squeeze %dma_wait3A_369 : memref<1x128x40xf32, #tpu.memory_space<vmem>> -> memref<128x40xf32, #tpu.memory_space<vmem>>
      %dma_wait3A_371 = arith.constant 0 : i32
      %dma_wait3A_372 = tpu.memref_slice %arg8[%add3A_364, %dma_wait3A_371] : memref<80x128xi32, #tpu.memory_space<vmem>> -> memref<1x128xi32, #tpu.memory_space<vmem>>
      %dma_wait3A_373 = tpu.memref_squeeze %dma_wait3A_372 : memref<1x128xi32, #tpu.memory_space<vmem>> -> memref<128xi32, #tpu.memory_space<vmem>>
      %dma_wait3A_374 = arith.constant 0 : i32
      %dma_wait3A_375 = arith.constant 0 : i32
      %dma_wait3A_376 = tpu.memref_slice %arg2[%dma_wait3A_374, %dma_wait3A_375] : memref<10000x40xf32, #tpu.memory_space<hbm>> -> memref<10000x40xf32, #tpu.memory_space<hbm>>
      %dma_wait3A_377 = tpu.memref_slice %arg11[%dma_wait3A_366] : memref<8x!tpu.dma_semaphore, #tpu.memory_space<semaphore_mem>> -> memref<1x!tpu.dma_semaphore, #tpu.memory_space<semaphore_mem>>
      %dma_wait3A_378 = tpu.memref_squeeze %dma_wait3A_377 : memref<1x!tpu.dma_semaphore, #tpu.memory_space<semaphore_mem>> -> memref<!tpu.dma_semaphore, #tpu.memory_space<semaphore_mem>>
      tpu.wait_indirect_dma semaphore(%dma_wait3A_378 : memref<!tpu.dma_semaphore, #tpu.memory_space<semaphore_mem>>) src(%dma_wait3A_376 : memref<10000x40xf32, #tpu.memory_space<hbm>>) dst(%dma_wait3A_370 : memref<128x40xf32, #tpu.memory_space<vmem>>)
      %dma_start3A_379 = arith.constant 3 : i32
      %dma_start3A_380 = arith.constant 3 : i32
      %dma_start3A_381 = arith.constant 0 : i32
      %dma_start3A_382 = arith.constant 0 : i32
      %dma_start3A_383 = tpu.memref_slice %arg10[%dma_start3A_379, %dma_start3A_381, %dma_start3A_382] : memref<8x128x40xf32, #tpu.memory_space<vmem>> -> memref<1x128x40xf32, #tpu.memory_space<vmem>>
      %dma_start3A_384 = tpu.memref_squeeze %dma_start3A_383 : memref<1x128x40xf32, #tpu.memory_space<vmem>> -> memref<128x40xf32, #tpu.memory_space<vmem>>
      %dma_start3A_385 = arith.constant 0 : i32
      %dma_start3A_386 = tpu.memref_slice %arg9[%add3A_364, %dma_start3A_385] : memref<80x128xi32, #tpu.memory_space<vmem>> -> memref<1x128xi32, #tpu.memory_space<vmem>>
      %dma_start3A_387 = tpu.memref_squeeze %dma_start3A_386 : memref<1x128xi32, #tpu.memory_space<vmem>> -> memref<128xi32, #tpu.memory_space<vmem>>
      %dma_start3A_388 = arith.constant 0 : i32
      %dma_start3A_389 = arith.constant 0 : i32
      %dma_start3A_390 = tpu.memref_slice %arg7[%dma_start3A_388, %dma_start3A_389] : memref<10112x40xf32, #tpu.memory_space<vmem_shared>> -> memref<10112x40xf32, #tpu.memory_space<vmem_shared>>
      %dma_start3A_391 = tpu.memref_slice %arg12[%dma_start3A_380] : memref<8x!tpu.dma_semaphore, #tpu.memory_space<semaphore_mem>> -> memref<1x!tpu.dma_semaphore, #tpu.memory_space<semaphore_mem>>
      %dma_start3A_392 = tpu.memref_squeeze %dma_start3A_391 : memref<1x!tpu.dma_semaphore, #tpu.memory_space<semaphore_mem>> -> memref<!tpu.dma_semaphore, #tpu.memory_space<semaphore_mem>>
      tpu.enqueue_indirect_dma source(%dma_start3A_384 : memref<128x40xf32, #tpu.memory_space<vmem>>) target(%dma_start3A_390 : memref<10112x40xf32, #tpu.memory_space<vmem_shared>>) offsets(%dma_start3A_387 : memref<128xi32, #tpu.memory_space<vmem>>) semaphore(%dma_start3A_392 : memref<!tpu.dma_semaphore, #tpu.memory_space<semaphore_mem>>) {add = true}
      %add3A_393 = arith.constant 8 : i32
      %add3A_394 = arith.addi %add3A_364, %add3A_393 : i32
      %lt3A_395 = arith.constant 80 : i32
      %lt3A_396 = arith.cmpi slt, %add3A_394, %lt3A_395 : i32
      %convert_element_type3A_397 = arith.extui %lt3A_396 : i1 to i32
      %cond3A_398 = arith.constant 0 : i32
      %cond3A_399 = arith.cmpi ne, %convert_element_type3A_397, %cond3A_398 : i32
      scf.if %cond3A_399 {
        %dma_wait3A_548 = arith.constant 3 : i32
        %dma_wait3A_549 = arith.constant 3 : i32
        %dma_wait3A_550 = arith.constant 0 : i32
        %dma_wait3A_551 = arith.constant 0 : i32
        %dma_wait3A_552 = tpu.memref_slice %arg10[%dma_wait3A_548, %dma_wait3A_550, %dma_wait3A_551] : memref<8x128x40xf32, #tpu.memory_space<vmem>> -> memref<1x128x40xf32, #tpu.memory_space<vmem>>
        %dma_wait3A_553 = tpu.memref_squeeze %dma_wait3A_552 : memref<1x128x40xf32, #tpu.memory_space<vmem>> -> memref<128x40xf32, #tpu.memory_space<vmem>>
        %dma_wait3A_554 = arith.constant 0 : i32
        %dma_wait3A_555 = tpu.memref_slice %arg9[%add3A_364, %dma_wait3A_554] : memref<80x128xi32, #tpu.memory_space<vmem>> -> memref<1x128xi32, #tpu.memory_space<vmem>>
        %dma_wait3A_556 = tpu.memref_squeeze %dma_wait3A_555 : memref<1x128xi32, #tpu.memory_space<vmem>> -> memref<128xi32, #tpu.memory_space<vmem>>
        %dma_wait3A_557 = arith.constant 0 : i32
        %dma_wait3A_558 = arith.constant 0 : i32
        %dma_wait3A_559 = tpu.memref_slice %arg7[%dma_wait3A_557, %dma_wait3A_558] : memref<10112x40xf32, #tpu.memory_space<vmem_shared>> -> memref<10112x40xf32, #tpu.memory_space<vmem_shared>>
        %dma_wait3A_560 = tpu.memref_slice %arg12[%dma_wait3A_549] : memref<8x!tpu.dma_semaphore, #tpu.memory_space<semaphore_mem>> -> memref<1x!tpu.dma_semaphore, #tpu.memory_space<semaphore_mem>>
        %dma_wait3A_561 = tpu.memref_squeeze %dma_wait3A_560 : memref<1x!tpu.dma_semaphore, #tpu.memory_space<semaphore_mem>> -> memref<!tpu.dma_semaphore, #tpu.memory_space<semaphore_mem>>
        tpu.wait_indirect_dma semaphore(%dma_wait3A_561 : memref<!tpu.dma_semaphore, #tpu.memory_space<semaphore_mem>>) src(%dma_wait3A_553 : memref<128x40xf32, #tpu.memory_space<vmem>>) dst(%dma_wait3A_559 : memref<10112x40xf32, #tpu.memory_space<vmem_shared>>)
        %add3A_562 = arith.constant 8 : i32
        %add3A_563 = arith.addi %add3A_364, %add3A_562 : i32
        %dma_start3A_564 = arith.constant 3 : i32
        %dma_start3A_565 = arith.constant 3 : i32
        %dma_start3A_566 = arith.constant 0 : i32
        %dma_start3A_567 = arith.constant 0 : i32
        %dma_start3A_568 = tpu.memref_slice %arg10[%dma_start3A_564, %dma_start3A_566, %dma_start3A_567] : memref<8x128x40xf32, #tpu.memory_space<vmem>> -> memref<1x128x40xf32, #tpu.memory_space<vmem>>
        %dma_start3A_569 = tpu.memref_squeeze %dma_start3A_568 : memref<1x128x40xf32, #tpu.memory_space<vmem>> -> memref<128x40xf32, #tpu.memory_space<vmem>>
        %dma_start3A_570 = arith.constant 0 : i32
        %dma_start3A_571 = tpu.memref_slice %arg8[%add3A_563, %dma_start3A_570] : memref<80x128xi32, #tpu.memory_space<vmem>> -> memref<1x128xi32, #tpu.memory_space<vmem>>
        %dma_start3A_572 = tpu.memref_squeeze %dma_start3A_571 : memref<1x128xi32, #tpu.memory_space<vmem>> -> memref<128xi32, #tpu.memory_space<vmem>>
        %dma_start3A_573 = arith.constant 0 : i32
        %dma_start3A_574 = arith.constant 0 : i32
        %dma_start3A_575 = tpu.memref_slice %arg2[%dma_start3A_573, %dma_start3A_574] : memref<10000x40xf32, #tpu.memory_space<hbm>> -> memref<10000x40xf32, #tpu.memory_space<hbm>>
        %dma_start3A_576 = tpu.memref_slice %arg11[%dma_start3A_565] : memref<8x!tpu.dma_semaphore, #tpu.memory_space<semaphore_mem>> -> memref<1x!tpu.dma_semaphore, #tpu.memory_space<semaphore_mem>>
        %dma_start3A_577 = tpu.memref_squeeze %dma_start3A_576 : memref<1x!tpu.dma_semaphore, #tpu.memory_space<semaphore_mem>> -> memref<!tpu.dma_semaphore, #tpu.memory_space<semaphore_mem>>
        tpu.enqueue_indirect_dma source(%dma_start3A_575 : memref<10000x40xf32, #tpu.memory_space<hbm>>) target(%dma_start3A_569 : memref<128x40xf32, #tpu.memory_space<vmem>>) offsets(%dma_start3A_572 : memref<128xi32, #tpu.memory_space<vmem>>) semaphore(%dma_start3A_577 : memref<!tpu.dma_semaphore, #tpu.memory_space<semaphore_mem>>)
      } else {
      }
      %add3A_400 = arith.constant 4 : i32
      %add3A_401 = arith.addi %mul3A_254, %add3A_400 : i32
      %dma_wait3A_402 = arith.constant 4 : i32
      %dma_wait3A_403 = arith.constant 4 : i32
      %dma_wait3A_404 = arith.constant 0 : i32
      %dma_wait3A_405 = arith.constant 0 : i32
      %dma_wait3A_406 = tpu.memref_slice %arg10[%dma_wait3A_402, %dma_wait3A_404, %dma_wait3A_405] : memref<8x128x40xf32, #tpu.memory_space<vmem>> -> memref<1x128x40xf32, #tpu.memory_space<vmem>>
      %dma_wait3A_407 = tpu.memref_squeeze %dma_wait3A_406 : memref<1x128x40xf32, #tpu.memory_space<vmem>> -> memref<128x40xf32, #tpu.memory_space<vmem>>
      %dma_wait3A_408 = arith.constant 0 : i32
      %dma_wait3A_409 = tpu.memref_slice %arg8[%add3A_401, %dma_wait3A_408] : memref<80x128xi32, #tpu.memory_space<vmem>> -> memref<1x128xi32, #tpu.memory_space<vmem>>
      %dma_wait3A_410 = tpu.memref_squeeze %dma_wait3A_409 : memref<1x128xi32, #tpu.memory_space<vmem>> -> memref<128xi32, #tpu.memory_space<vmem>>
      %dma_wait3A_411 = arith.constant 0 : i32
      %dma_wait3A_412 = arith.constant 0 : i32
      %dma_wait3A_413 = tpu.memref_slice %arg2[%dma_wait3A_411, %dma_wait3A_412] : memref<10000x40xf32, #tpu.memory_space<hbm>> -> memref<10000x40xf32, #tpu.memory_space<hbm>>
      %dma_wait3A_414 = tpu.memref_slice %arg11[%dma_wait3A_403] : memref<8x!tpu.dma_semaphore, #tpu.memory_space<semaphore_mem>> -> memref<1x!tpu.dma_semaphore, #tpu.memory_space<semaphore_mem>>
      %dma_wait3A_415 = tpu.memref_squeeze %dma_wait3A_414 : memref<1x!tpu.dma_semaphore, #tpu.memory_space<semaphore_mem>> -> memref<!tpu.dma_semaphore, #tpu.memory_space<semaphore_mem>>
      tpu.wait_indirect_dma semaphore(%dma_wait3A_415 : memref<!tpu.dma_semaphore, #tpu.memory_space<semaphore_mem>>) src(%dma_wait3A_413 : memref<10000x40xf32, #tpu.memory_space<hbm>>) dst(%dma_wait3A_407 : memref<128x40xf32, #tpu.memory_space<vmem>>)
      %dma_start3A_416 = arith.constant 4 : i32
      %dma_start3A_417 = arith.constant 4 : i32
      %dma_start3A_418 = arith.constant 0 : i32
      %dma_start3A_419 = arith.constant 0 : i32
      %dma_start3A_420 = tpu.memref_slice %arg10[%dma_start3A_416, %dma_start3A_418, %dma_start3A_419] : memref<8x128x40xf32, #tpu.memory_space<vmem>> -> memref<1x128x40xf32, #tpu.memory_space<vmem>>
      %dma_start3A_421 = tpu.memref_squeeze %dma_start3A_420 : memref<1x128x40xf32, #tpu.memory_space<vmem>> -> memref<128x40xf32, #tpu.memory_space<vmem>>
      %dma_start3A_422 = arith.constant 0 : i32
      %dma_start3A_423 = tpu.memref_slice %arg9[%add3A_401, %dma_start3A_422] : memref<80x128xi32, #tpu.memory_space<vmem>> -> memref<1x128xi32, #tpu.memory_space<vmem>>
      %dma_start3A_424 = tpu.memref_squeeze %dma_start3A_423 : memref<1x128xi32, #tpu.memory_space<vmem>> -> memref<128xi32, #tpu.memory_space<vmem>>
      %dma_start3A_425 = arith.constant 0 : i32
      %dma_start3A_426 = arith.constant 0 : i32
      %dma_start3A_427 = tpu.memref_slice %arg7[%dma_start3A_425, %dma_start3A_426] : memref<10112x40xf32, #tpu.memory_space<vmem_shared>> -> memref<10112x40xf32, #tpu.memory_space<vmem_shared>>
      %dma_start3A_428 = tpu.memref_slice %arg12[%dma_start3A_417] : memref<8x!tpu.dma_semaphore, #tpu.memory_space<semaphore_mem>> -> memref<1x!tpu.dma_semaphore, #tpu.memory_space<semaphore_mem>>
      %dma_start3A_429 = tpu.memref_squeeze %dma_start3A_428 : memref<1x!tpu.dma_semaphore, #tpu.memory_space<semaphore_mem>> -> memref<!tpu.dma_semaphore, #tpu.memory_space<semaphore_mem>>
      tpu.enqueue_indirect_dma source(%dma_start3A_421 : memref<128x40xf32, #tpu.memory_space<vmem>>) target(%dma_start3A_427 : memref<10112x40xf32, #tpu.memory_space<vmem_shared>>) offsets(%dma_start3A_424 : memref<128xi32, #tpu.memory_space<vmem>>) semaphore(%dma_start3A_429 : memref<!tpu.dma_semaphore, #tpu.memory_space<semaphore_mem>>) {add = true}
      %add3A_430 = arith.constant 8 : i32
      %add3A_431 = arith.addi %add3A_401, %add3A_430 : i32
      %lt3A_432 = arith.constant 80 : i32
      %lt3A_433 = arith.cmpi slt, %add3A_431, %lt3A_432 : i32
      %convert_element_type3A_434 = arith.extui %lt3A_433 : i1 to i32
      %cond3A_435 = arith.constant 0 : i32
      %cond3A_436 = arith.cmpi ne, %convert_element_type3A_434, %cond3A_435 : i32
      scf.if %cond3A_436 {
        %dma_wait3A_548 = arith.constant 4 : i32
        %dma_wait3A_549 = arith.constant 4 : i32
        %dma_wait3A_550 = arith.constant 0 : i32
        %dma_wait3A_551 = arith.constant 0 : i32
        %dma_wait3A_552 = tpu.memref_slice %arg10[%dma_wait3A_548, %dma_wait3A_550, %dma_wait3A_551] : memref<8x128x40xf32, #tpu.memory_space<vmem>> -> memref<1x128x40xf32, #tpu.memory_space<vmem>>
        %dma_wait3A_553 = tpu.memref_squeeze %dma_wait3A_552 : memref<1x128x40xf32, #tpu.memory_space<vmem>> -> memref<128x40xf32, #tpu.memory_space<vmem>>
        %dma_wait3A_554 = arith.constant 0 : i32
        %dma_wait3A_555 = tpu.memref_slice %arg9[%add3A_401, %dma_wait3A_554] : memref<80x128xi32, #tpu.memory_space<vmem>> -> memref<1x128xi32, #tpu.memory_space<vmem>>
        %dma_wait3A_556 = tpu.memref_squeeze %dma_wait3A_555 : memref<1x128xi32, #tpu.memory_space<vmem>> -> memref<128xi32, #tpu.memory_space<vmem>>
        %dma_wait3A_557 = arith.constant 0 : i32
        %dma_wait3A_558 = arith.constant 0 : i32
        %dma_wait3A_559 = tpu.memref_slice %arg7[%dma_wait3A_557, %dma_wait3A_558] : memref<10112x40xf32, #tpu.memory_space<vmem_shared>> -> memref<10112x40xf32, #tpu.memory_space<vmem_shared>>
        %dma_wait3A_560 = tpu.memref_slice %arg12[%dma_wait3A_549] : memref<8x!tpu.dma_semaphore, #tpu.memory_space<semaphore_mem>> -> memref<1x!tpu.dma_semaphore, #tpu.memory_space<semaphore_mem>>
        %dma_wait3A_561 = tpu.memref_squeeze %dma_wait3A_560 : memref<1x!tpu.dma_semaphore, #tpu.memory_space<semaphore_mem>> -> memref<!tpu.dma_semaphore, #tpu.memory_space<semaphore_mem>>
        tpu.wait_indirect_dma semaphore(%dma_wait3A_561 : memref<!tpu.dma_semaphore, #tpu.memory_space<semaphore_mem>>) src(%dma_wait3A_553 : memref<128x40xf32, #tpu.memory_space<vmem>>) dst(%dma_wait3A_559 : memref<10112x40xf32, #tpu.memory_space<vmem_shared>>)
        %add3A_562 = arith.constant 8 : i32
        %add3A_563 = arith.addi %add3A_401, %add3A_562 : i32
        %dma_start3A_564 = arith.constant 4 : i32
        %dma_start3A_565 = arith.constant 4 : i32
        %dma_start3A_566 = arith.constant 0 : i32
        %dma_start3A_567 = arith.constant 0 : i32
        %dma_start3A_568 = tpu.memref_slice %arg10[%dma_start3A_564, %dma_start3A_566, %dma_start3A_567] : memref<8x128x40xf32, #tpu.memory_space<vmem>> -> memref<1x128x40xf32, #tpu.memory_space<vmem>>
        %dma_start3A_569 = tpu.memref_squeeze %dma_start3A_568 : memref<1x128x40xf32, #tpu.memory_space<vmem>> -> memref<128x40xf32, #tpu.memory_space<vmem>>
        %dma_start3A_570 = arith.constant 0 : i32
        %dma_start3A_571 = tpu.memref_slice %arg8[%add3A_563, %dma_start3A_570] : memref<80x128xi32, #tpu.memory_space<vmem>> -> memref<1x128xi32, #tpu.memory_space<vmem>>
        %dma_start3A_572 = tpu.memref_squeeze %dma_start3A_571 : memref<1x128xi32, #tpu.memory_space<vmem>> -> memref<128xi32, #tpu.memory_space<vmem>>
        %dma_start3A_573 = arith.constant 0 : i32
        %dma_start3A_574 = arith.constant 0 : i32
        %dma_start3A_575 = tpu.memref_slice %arg2[%dma_start3A_573, %dma_start3A_574] : memref<10000x40xf32, #tpu.memory_space<hbm>> -> memref<10000x40xf32, #tpu.memory_space<hbm>>
        %dma_start3A_576 = tpu.memref_slice %arg11[%dma_start3A_565] : memref<8x!tpu.dma_semaphore, #tpu.memory_space<semaphore_mem>> -> memref<1x!tpu.dma_semaphore, #tpu.memory_space<semaphore_mem>>
        %dma_start3A_577 = tpu.memref_squeeze %dma_start3A_576 : memref<1x!tpu.dma_semaphore, #tpu.memory_space<semaphore_mem>> -> memref<!tpu.dma_semaphore, #tpu.memory_space<semaphore_mem>>
        tpu.enqueue_indirect_dma source(%dma_start3A_575 : memref<10000x40xf32, #tpu.memory_space<hbm>>) target(%dma_start3A_569 : memref<128x40xf32, #tpu.memory_space<vmem>>) offsets(%dma_start3A_572 : memref<128xi32, #tpu.memory_space<vmem>>) semaphore(%dma_start3A_577 : memref<!tpu.dma_semaphore, #tpu.memory_space<semaphore_mem>>)
      } else {
      }
      %add3A_437 = arith.constant 5 : i32
      %add3A_438 = arith.addi %mul3A_254, %add3A_437 : i32
      %dma_wait3A_439 = arith.constant 5 : i32
      %dma_wait3A_440 = arith.constant 5 : i32
      %dma_wait3A_441 = arith.constant 0 : i32
      %dma_wait3A_442 = arith.constant 0 : i32
      %dma_wait3A_443 = tpu.memref_slice %arg10[%dma_wait3A_439, %dma_wait3A_441, %dma_wait3A_442] : memref<8x128x40xf32, #tpu.memory_space<vmem>> -> memref<1x128x40xf32, #tpu.memory_space<vmem>>
      %dma_wait3A_444 = tpu.memref_squeeze %dma_wait3A_443 : memref<1x128x40xf32, #tpu.memory_space<vmem>> -> memref<128x40xf32, #tpu.memory_space<vmem>>
      %dma_wait3A_445 = arith.constant 0 : i32
      %dma_wait3A_446 = tpu.memref_slice %arg8[%add3A_438, %dma_wait3A_445] : memref<80x128xi32, #tpu.memory_space<vmem>> -> memref<1x128xi32, #tpu.memory_space<vmem>>
      %dma_wait3A_447 = tpu.memref_squeeze %dma_wait3A_446 : memref<1x128xi32, #tpu.memory_space<vmem>> -> memref<128xi32, #tpu.memory_space<vmem>>
      %dma_wait3A_448 = arith.constant 0 : i32
      %dma_wait3A_449 = arith.constant 0 : i32
      %dma_wait3A_450 = tpu.memref_slice %arg2[%dma_wait3A_448, %dma_wait3A_449] : memref<10000x40xf32, #tpu.memory_space<hbm>> -> memref<10000x40xf32, #tpu.memory_space<hbm>>
      %dma_wait3A_451 = tpu.memref_slice %arg11[%dma_wait3A_440] : memref<8x!tpu.dma_semaphore, #tpu.memory_space<semaphore_mem>> -> memref<1x!tpu.dma_semaphore, #tpu.memory_space<semaphore_mem>>
      %dma_wait3A_452 = tpu.memref_squeeze %dma_wait3A_451 : memref<1x!tpu.dma_semaphore, #tpu.memory_space<semaphore_mem>> -> memref<!tpu.dma_semaphore, #tpu.memory_space<semaphore_mem>>
      tpu.wait_indirect_dma semaphore(%dma_wait3A_452 : memref<!tpu.dma_semaphore, #tpu.memory_space<semaphore_mem>>) src(%dma_wait3A_450 : memref<10000x40xf32, #tpu.memory_space<hbm>>) dst(%dma_wait3A_444 : memref<128x40xf32, #tpu.memory_space<vmem>>)
      %dma_start3A_453 = arith.constant 5 : i32
      %dma_start3A_454 = arith.constant 5 : i32
      %dma_start3A_455 = arith.constant 0 : i32
      %dma_start3A_456 = arith.constant 0 : i32
      %dma_start3A_457 = tpu.memref_slice %arg10[%dma_start3A_453, %dma_start3A_455, %dma_start3A_456] : memref<8x128x40xf32, #tpu.memory_space<vmem>> -> memref<1x128x40xf32, #tpu.memory_space<vmem>>
      %dma_start3A_458 = tpu.memref_squeeze %dma_start3A_457 : memref<1x128x40xf32, #tpu.memory_space<vmem>> -> memref<128x40xf32, #tpu.memory_space<vmem>>
      %dma_start3A_459 = arith.constant 0 : i32
      %dma_start3A_460 = tpu.memref_slice %arg9[%add3A_438, %dma_start3A_459] : memref<80x128xi32, #tpu.memory_space<vmem>> -> memref<1x128xi32, #tpu.memory_space<vmem>>
      %dma_start3A_461 = tpu.memref_squeeze %dma_start3A_460 : memref<1x128xi32, #tpu.memory_space<vmem>> -> memref<128xi32, #tpu.memory_space<vmem>>
      %dma_start3A_462 = arith.constant 0 : i32
      %dma_start3A_463 = arith.constant 0 : i32
      %dma_start3A_464 = tpu.memref_slice %arg7[%dma_start3A_462, %dma_start3A_463] : memref<10112x40xf32, #tpu.memory_space<vmem_shared>> -> memref<10112x40xf32, #tpu.memory_space<vmem_shared>>
      %dma_start3A_465 = tpu.memref_slice %arg12[%dma_start3A_454] : memref<8x!tpu.dma_semaphore, #tpu.memory_space<semaphore_mem>> -> memref<1x!tpu.dma_semaphore, #tpu.memory_space<semaphore_mem>>
      %dma_start3A_466 = tpu.memref_squeeze %dma_start3A_465 : memref<1x!tpu.dma_semaphore, #tpu.memory_space<semaphore_mem>> -> memref<!tpu.dma_semaphore, #tpu.memory_space<semaphore_mem>>
      tpu.enqueue_indirect_dma source(%dma_start3A_458 : memref<128x40xf32, #tpu.memory_space<vmem>>) target(%dma_start3A_464 : memref<10112x40xf32, #tpu.memory_space<vmem_shared>>) offsets(%dma_start3A_461 : memref<128xi32, #tpu.memory_space<vmem>>) semaphore(%dma_start3A_466 : memref<!tpu.dma_semaphore, #tpu.memory_space<semaphore_mem>>) {add = true}
      %add3A_467 = arith.constant 8 : i32
      %add3A_468 = arith.addi %add3A_438, %add3A_467 : i32
      %lt3A_469 = arith.constant 80 : i32
      %lt3A_470 = arith.cmpi slt, %add3A_468, %lt3A_469 : i32
      %convert_element_type3A_471 = arith.extui %lt3A_470 : i1 to i32
      %cond3A_472 = arith.constant 0 : i32
      %cond3A_473 = arith.cmpi ne, %convert_element_type3A_471, %cond3A_472 : i32
      scf.if %cond3A_473 {
        %dma_wait3A_548 = arith.constant 5 : i32
        %dma_wait3A_549 = arith.constant 5 : i32
        %dma_wait3A_550 = arith.constant 0 : i32
        %dma_wait3A_551 = arith.constant 0 : i32
        %dma_wait3A_552 = tpu.memref_slice %arg10[%dma_wait3A_548, %dma_wait3A_550, %dma_wait3A_551] : memref<8x128x40xf32, #tpu.memory_space<vmem>> -> memref<1x128x40xf32, #tpu.memory_space<vmem>>
        %dma_wait3A_553 = tpu.memref_squeeze %dma_wait3A_552 : memref<1x128x40xf32, #tpu.memory_space<vmem>> -> memref<128x40xf32, #tpu.memory_space<vmem>>
        %dma_wait3A_554 = arith.constant 0 : i32
        %dma_wait3A_555 = tpu.memref_slice %arg9[%add3A_438, %dma_wait3A_554] : memref<80x128xi32, #tpu.memory_space<vmem>> -> memref<1x128xi32, #tpu.memory_space<vmem>>
        %dma_wait3A_556 = tpu.memref_squeeze %dma_wait3A_555 : memref<1x128xi32, #tpu.memory_space<vmem>> -> memref<128xi32, #tpu.memory_space<vmem>>
        %dma_wait3A_557 = arith.constant 0 : i32
        %dma_wait3A_558 = arith.constant 0 : i32
        %dma_wait3A_559 = tpu.memref_slice %arg7[%dma_wait3A_557, %dma_wait3A_558] : memref<10112x40xf32, #tpu.memory_space<vmem_shared>> -> memref<10112x40xf32, #tpu.memory_space<vmem_shared>>
        %dma_wait3A_560 = tpu.memref_slice %arg12[%dma_wait3A_549] : memref<8x!tpu.dma_semaphore, #tpu.memory_space<semaphore_mem>> -> memref<1x!tpu.dma_semaphore, #tpu.memory_space<semaphore_mem>>
        %dma_wait3A_561 = tpu.memref_squeeze %dma_wait3A_560 : memref<1x!tpu.dma_semaphore, #tpu.memory_space<semaphore_mem>> -> memref<!tpu.dma_semaphore, #tpu.memory_space<semaphore_mem>>
        tpu.wait_indirect_dma semaphore(%dma_wait3A_561 : memref<!tpu.dma_semaphore, #tpu.memory_space<semaphore_mem>>) src(%dma_wait3A_553 : memref<128x40xf32, #tpu.memory_space<vmem>>) dst(%dma_wait3A_559 : memref<10112x40xf32, #tpu.memory_space<vmem_shared>>)
        %add3A_562 = arith.constant 8 : i32
        %add3A_563 = arith.addi %add3A_438, %add3A_562 : i32
        %dma_start3A_564 = arith.constant 5 : i32
        %dma_start3A_565 = arith.constant 5 : i32
        %dma_start3A_566 = arith.constant 0 : i32
        %dma_start3A_567 = arith.constant 0 : i32
        %dma_start3A_568 = tpu.memref_slice %arg10[%dma_start3A_564, %dma_start3A_566, %dma_start3A_567] : memref<8x128x40xf32, #tpu.memory_space<vmem>> -> memref<1x128x40xf32, #tpu.memory_space<vmem>>
        %dma_start3A_569 = tpu.memref_squeeze %dma_start3A_568 : memref<1x128x40xf32, #tpu.memory_space<vmem>> -> memref<128x40xf32, #tpu.memory_space<vmem>>
        %dma_start3A_570 = arith.constant 0 : i32
        %dma_start3A_571 = tpu.memref_slice %arg8[%add3A_563, %dma_start3A_570] : memref<80x128xi32, #tpu.memory_space<vmem>> -> memref<1x128xi32, #tpu.memory_space<vmem>>
        %dma_start3A_572 = tpu.memref_squeeze %dma_start3A_571 : memref<1x128xi32, #tpu.memory_space<vmem>> -> memref<128xi32, #tpu.memory_space<vmem>>
        %dma_start3A_573 = arith.constant 0 : i32
        %dma_start3A_574 = arith.constant 0 : i32
        %dma_start3A_575 = tpu.memref_slice %arg2[%dma_start3A_573, %dma_start3A_574] : memref<10000x40xf32, #tpu.memory_space<hbm>> -> memref<10000x40xf32, #tpu.memory_space<hbm>>
        %dma_start3A_576 = tpu.memref_slice %arg11[%dma_start3A_565] : memref<8x!tpu.dma_semaphore, #tpu.memory_space<semaphore_mem>> -> memref<1x!tpu.dma_semaphore, #tpu.memory_space<semaphore_mem>>
        %dma_start3A_577 = tpu.memref_squeeze %dma_start3A_576 : memref<1x!tpu.dma_semaphore, #tpu.memory_space<semaphore_mem>> -> memref<!tpu.dma_semaphore, #tpu.memory_space<semaphore_mem>>
        tpu.enqueue_indirect_dma source(%dma_start3A_575 : memref<10000x40xf32, #tpu.memory_space<hbm>>) target(%dma_start3A_569 : memref<128x40xf32, #tpu.memory_space<vmem>>) offsets(%dma_start3A_572 : memref<128xi32, #tpu.memory_space<vmem>>) semaphore(%dma_start3A_577 : memref<!tpu.dma_semaphore, #tpu.memory_space<semaphore_mem>>)
      } else {
      }
      %add3A_474 = arith.constant 6 : i32
      %add3A_475 = arith.addi %mul3A_254, %add3A_474 : i32
      %dma_wait3A_476 = arith.constant 6 : i32
      %dma_wait3A_477 = arith.constant 6 : i32
      %dma_wait3A_478 = arith.constant 0 : i32
      %dma_wait3A_479 = arith.constant 0 : i32
      %dma_wait3A_480 = tpu.memref_slice %arg10[%dma_wait3A_476, %dma_wait3A_478, %dma_wait3A_479] : memref<8x128x40xf32, #tpu.memory_space<vmem>> -> memref<1x128x40xf32, #tpu.memory_space<vmem>>
      %dma_wait3A_481 = tpu.memref_squeeze %dma_wait3A_480 : memref<1x128x40xf32, #tpu.memory_space<vmem>> -> memref<128x40xf32, #tpu.memory_space<vmem>>
      %dma_wait3A_482 = arith.constant 0 : i32
      %dma_wait3A_483 = tpu.memref_slice %arg8[%add3A_475, %dma_wait3A_482] : memref<80x128xi32, #tpu.memory_space<vmem>> -> memref<1x128xi32, #tpu.memory_space<vmem>>
      %dma_wait3A_484 = tpu.memref_squeeze %dma_wait3A_483 : memref<1x128xi32, #tpu.memory_space<vmem>> -> memref<128xi32, #tpu.memory_space<vmem>>
      %dma_wait3A_485 = arith.constant 0 : i32
      %dma_wait3A_486 = arith.constant 0 : i32
      %dma_wait3A_487 = tpu.memref_slice %arg2[%dma_wait3A_485, %dma_wait3A_486] : memref<10000x40xf32, #tpu.memory_space<hbm>> -> memref<10000x40xf32, #tpu.memory_space<hbm>>
      %dma_wait3A_488 = tpu.memref_slice %arg11[%dma_wait3A_477] : memref<8x!tpu.dma_semaphore, #tpu.memory_space<semaphore_mem>> -> memref<1x!tpu.dma_semaphore, #tpu.memory_space<semaphore_mem>>
      %dma_wait3A_489 = tpu.memref_squeeze %dma_wait3A_488 : memref<1x!tpu.dma_semaphore, #tpu.memory_space<semaphore_mem>> -> memref<!tpu.dma_semaphore, #tpu.memory_space<semaphore_mem>>
      tpu.wait_indirect_dma semaphore(%dma_wait3A_489 : memref<!tpu.dma_semaphore, #tpu.memory_space<semaphore_mem>>) src(%dma_wait3A_487 : memref<10000x40xf32, #tpu.memory_space<hbm>>) dst(%dma_wait3A_481 : memref<128x40xf32, #tpu.memory_space<vmem>>)
      %dma_start3A_490 = arith.constant 6 : i32
      %dma_start3A_491 = arith.constant 6 : i32
      %dma_start3A_492 = arith.constant 0 : i32
      %dma_start3A_493 = arith.constant 0 : i32
      %dma_start3A_494 = tpu.memref_slice %arg10[%dma_start3A_490, %dma_start3A_492, %dma_start3A_493] : memref<8x128x40xf32, #tpu.memory_space<vmem>> -> memref<1x128x40xf32, #tpu.memory_space<vmem>>
      %dma_start3A_495 = tpu.memref_squeeze %dma_start3A_494 : memref<1x128x40xf32, #tpu.memory_space<vmem>> -> memref<128x40xf32, #tpu.memory_space<vmem>>
      %dma_start3A_496 = arith.constant 0 : i32
      %dma_start3A_497 = tpu.memref_slice %arg9[%add3A_475, %dma_start3A_496] : memref<80x128xi32, #tpu.memory_space<vmem>> -> memref<1x128xi32, #tpu.memory_space<vmem>>
      %dma_start3A_498 = tpu.memref_squeeze %dma_start3A_497 : memref<1x128xi32, #tpu.memory_space<vmem>> -> memref<128xi32, #tpu.memory_space<vmem>>
      %dma_start3A_499 = arith.constant 0 : i32
      %dma_start3A_500 = arith.constant 0 : i32
      %dma_start3A_501 = tpu.memref_slice %arg7[%dma_start3A_499, %dma_start3A_500] : memref<10112x40xf32, #tpu.memory_space<vmem_shared>> -> memref<10112x40xf32, #tpu.memory_space<vmem_shared>>
      %dma_start3A_502 = tpu.memref_slice %arg12[%dma_start3A_491] : memref<8x!tpu.dma_semaphore, #tpu.memory_space<semaphore_mem>> -> memref<1x!tpu.dma_semaphore, #tpu.memory_space<semaphore_mem>>
      %dma_start3A_503 = tpu.memref_squeeze %dma_start3A_502 : memref<1x!tpu.dma_semaphore, #tpu.memory_space<semaphore_mem>> -> memref<!tpu.dma_semaphore, #tpu.memory_space<semaphore_mem>>
      tpu.enqueue_indirect_dma source(%dma_start3A_495 : memref<128x40xf32, #tpu.memory_space<vmem>>) target(%dma_start3A_501 : memref<10112x40xf32, #tpu.memory_space<vmem_shared>>) offsets(%dma_start3A_498 : memref<128xi32, #tpu.memory_space<vmem>>) semaphore(%dma_start3A_503 : memref<!tpu.dma_semaphore, #tpu.memory_space<semaphore_mem>>) {add = true}
      %add3A_504 = arith.constant 8 : i32
      %add3A_505 = arith.addi %add3A_475, %add3A_504 : i32
      %lt3A_506 = arith.constant 80 : i32
      %lt3A_507 = arith.cmpi slt, %add3A_505, %lt3A_506 : i32
      %convert_element_type3A_508 = arith.extui %lt3A_507 : i1 to i32
      %cond3A_509 = arith.constant 0 : i32
      %cond3A_510 = arith.cmpi ne, %convert_element_type3A_508, %cond3A_509 : i32
      scf.if %cond3A_510 {
        %dma_wait3A_548 = arith.constant 6 : i32
        %dma_wait3A_549 = arith.constant 6 : i32
        %dma_wait3A_550 = arith.constant 0 : i32
        %dma_wait3A_551 = arith.constant 0 : i32
        %dma_wait3A_552 = tpu.memref_slice %arg10[%dma_wait3A_548, %dma_wait3A_550, %dma_wait3A_551] : memref<8x128x40xf32, #tpu.memory_space<vmem>> -> memref<1x128x40xf32, #tpu.memory_space<vmem>>
        %dma_wait3A_553 = tpu.memref_squeeze %dma_wait3A_552 : memref<1x128x40xf32, #tpu.memory_space<vmem>> -> memref<128x40xf32, #tpu.memory_space<vmem>>
        %dma_wait3A_554 = arith.constant 0 : i32
        %dma_wait3A_555 = tpu.memref_slice %arg9[%add3A_475, %dma_wait3A_554] : memref<80x128xi32, #tpu.memory_space<vmem>> -> memref<1x128xi32, #tpu.memory_space<vmem>>
        %dma_wait3A_556 = tpu.memref_squeeze %dma_wait3A_555 : memref<1x128xi32, #tpu.memory_space<vmem>> -> memref<128xi32, #tpu.memory_space<vmem>>
        %dma_wait3A_557 = arith.constant 0 : i32
        %dma_wait3A_558 = arith.constant 0 : i32
        %dma_wait3A_559 = tpu.memref_slice %arg7[%dma_wait3A_557, %dma_wait3A_558] : memref<10112x40xf32, #tpu.memory_space<vmem_shared>> -> memref<10112x40xf32, #tpu.memory_space<vmem_shared>>
        %dma_wait3A_560 = tpu.memref_slice %arg12[%dma_wait3A_549] : memref<8x!tpu.dma_semaphore, #tpu.memory_space<semaphore_mem>> -> memref<1x!tpu.dma_semaphore, #tpu.memory_space<semaphore_mem>>
        %dma_wait3A_561 = tpu.memref_squeeze %dma_wait3A_560 : memref<1x!tpu.dma_semaphore, #tpu.memory_space<semaphore_mem>> -> memref<!tpu.dma_semaphore, #tpu.memory_space<semaphore_mem>>
        tpu.wait_indirect_dma semaphore(%dma_wait3A_561 : memref<!tpu.dma_semaphore, #tpu.memory_space<semaphore_mem>>) src(%dma_wait3A_553 : memref<128x40xf32, #tpu.memory_space<vmem>>) dst(%dma_wait3A_559 : memref<10112x40xf32, #tpu.memory_space<vmem_shared>>)
        %add3A_562 = arith.constant 8 : i32
        %add3A_563 = arith.addi %add3A_475, %add3A_562 : i32
        %dma_start3A_564 = arith.constant 6 : i32
        %dma_start3A_565 = arith.constant 6 : i32
        %dma_start3A_566 = arith.constant 0 : i32
        %dma_start3A_567 = arith.constant 0 : i32
        %dma_start3A_568 = tpu.memref_slice %arg10[%dma_start3A_564, %dma_start3A_566, %dma_start3A_567] : memref<8x128x40xf32, #tpu.memory_space<vmem>> -> memref<1x128x40xf32, #tpu.memory_space<vmem>>
        %dma_start3A_569 = tpu.memref_squeeze %dma_start3A_568 : memref<1x128x40xf32, #tpu.memory_space<vmem>> -> memref<128x40xf32, #tpu.memory_space<vmem>>
        %dma_start3A_570 = arith.constant 0 : i32
        %dma_start3A_571 = tpu.memref_slice %arg8[%add3A_563, %dma_start3A_570] : memref<80x128xi32, #tpu.memory_space<vmem>> -> memref<1x128xi32, #tpu.memory_space<vmem>>
        %dma_start3A_572 = tpu.memref_squeeze %dma_start3A_571 : memref<1x128xi32, #tpu.memory_space<vmem>> -> memref<128xi32, #tpu.memory_space<vmem>>
        %dma_start3A_573 = arith.constant 0 : i32
        %dma_start3A_574 = arith.constant 0 : i32
        %dma_start3A_575 = tpu.memref_slice %arg2[%dma_start3A_573, %dma_start3A_574] : memref<10000x40xf32, #tpu.memory_space<hbm>> -> memref<10000x40xf32, #tpu.memory_space<hbm>>
        %dma_start3A_576 = tpu.memref_slice %arg11[%dma_start3A_565] : memref<8x!tpu.dma_semaphore, #tpu.memory_space<semaphore_mem>> -> memref<1x!tpu.dma_semaphore, #tpu.memory_space<semaphore_mem>>
        %dma_start3A_577 = tpu.memref_squeeze %dma_start3A_576 : memref<1x!tpu.dma_semaphore, #tpu.memory_space<semaphore_mem>> -> memref<!tpu.dma_semaphore, #tpu.memory_space<semaphore_mem>>
        tpu.enqueue_indirect_dma source(%dma_start3A_575 : memref<10000x40xf32, #tpu.memory_space<hbm>>) target(%dma_start3A_569 : memref<128x40xf32, #tpu.memory_space<vmem>>) offsets(%dma_start3A_572 : memref<128xi32, #tpu.memory_space<vmem>>) semaphore(%dma_start3A_577 : memref<!tpu.dma_semaphore, #tpu.memory_space<semaphore_mem>>)
      } else {
      }
      %add3A_511 = arith.constant 7 : i32
      %add3A_512 = arith.addi %mul3A_254, %add3A_511 : i32
      %dma_wait3A_513 = arith.constant 7 : i32
      %dma_wait3A_514 = arith.constant 7 : i32
      %dma_wait3A_515 = arith.constant 0 : i32
      %dma_wait3A_516 = arith.constant 0 : i32
      %dma_wait3A_517 = tpu.memref_slice %arg10[%dma_wait3A_513, %dma_wait3A_515, %dma_wait3A_516] : memref<8x128x40xf32, #tpu.memory_space<vmem>> -> memref<1x128x40xf32, #tpu.memory_space<vmem>>
      %dma_wait3A_518 = tpu.memref_squeeze %dma_wait3A_517 : memref<1x128x40xf32, #tpu.memory_space<vmem>> -> memref<128x40xf32, #tpu.memory_space<vmem>>
      %dma_wait3A_519 = arith.constant 0 : i32
      %dma_wait3A_520 = tpu.memref_slice %arg8[%add3A_512, %dma_wait3A_519] : memref<80x128xi32, #tpu.memory_space<vmem>> -> memref<1x128xi32, #tpu.memory_space<vmem>>
      %dma_wait3A_521 = tpu.memref_squeeze %dma_wait3A_520 : memref<1x128xi32, #tpu.memory_space<vmem>> -> memref<128xi32, #tpu.memory_space<vmem>>
      %dma_wait3A_522 = arith.constant 0 : i32
      %dma_wait3A_523 = arith.constant 0 : i32
      %dma_wait3A_524 = tpu.memref_slice %arg2[%dma_wait3A_522, %dma_wait3A_523] : memref<10000x40xf32, #tpu.memory_space<hbm>> -> memref<10000x40xf32, #tpu.memory_space<hbm>>
      %dma_wait3A_525 = tpu.memref_slice %arg11[%dma_wait3A_514] : memref<8x!tpu.dma_semaphore, #tpu.memory_space<semaphore_mem>> -> memref<1x!tpu.dma_semaphore, #tpu.memory_space<semaphore_mem>>
      %dma_wait3A_526 = tpu.memref_squeeze %dma_wait3A_525 : memref<1x!tpu.dma_semaphore, #tpu.memory_space<semaphore_mem>> -> memref<!tpu.dma_semaphore, #tpu.memory_space<semaphore_mem>>
      tpu.wait_indirect_dma semaphore(%dma_wait3A_526 : memref<!tpu.dma_semaphore, #tpu.memory_space<semaphore_mem>>) src(%dma_wait3A_524 : memref<10000x40xf32, #tpu.memory_space<hbm>>) dst(%dma_wait3A_518 : memref<128x40xf32, #tpu.memory_space<vmem>>)
      %dma_start3A_527 = arith.constant 7 : i32
      %dma_start3A_528 = arith.constant 7 : i32
      %dma_start3A_529 = arith.constant 0 : i32
      %dma_start3A_530 = arith.constant 0 : i32
      %dma_start3A_531 = tpu.memref_slice %arg10[%dma_start3A_527, %dma_start3A_529, %dma_start3A_530] : memref<8x128x40xf32, #tpu.memory_space<vmem>> -> memref<1x128x40xf32, #tpu.memory_space<vmem>>
      %dma_start3A_532 = tpu.memref_squeeze %dma_start3A_531 : memref<1x128x40xf32, #tpu.memory_space<vmem>> -> memref<128x40xf32, #tpu.memory_space<vmem>>
      %dma_start3A_533 = arith.constant 0 : i32
      %dma_start3A_534 = tpu.memref_slice %arg9[%add3A_512, %dma_start3A_533] : memref<80x128xi32, #tpu.memory_space<vmem>> -> memref<1x128xi32, #tpu.memory_space<vmem>>
      %dma_start3A_535 = tpu.memref_squeeze %dma_start3A_534 : memref<1x128xi32, #tpu.memory_space<vmem>> -> memref<128xi32, #tpu.memory_space<vmem>>
      %dma_start3A_536 = arith.constant 0 : i32
      %dma_start3A_537 = arith.constant 0 : i32
      %dma_start3A_538 = tpu.memref_slice %arg7[%dma_start3A_536, %dma_start3A_537] : memref<10112x40xf32, #tpu.memory_space<vmem_shared>> -> memref<10112x40xf32, #tpu.memory_space<vmem_shared>>
      %dma_start3A_539 = tpu.memref_slice %arg12[%dma_start3A_528] : memref<8x!tpu.dma_semaphore, #tpu.memory_space<semaphore_mem>> -> memref<1x!tpu.dma_semaphore, #tpu.memory_space<semaphore_mem>>
      %dma_start3A_540 = tpu.memref_squeeze %dma_start3A_539 : memref<1x!tpu.dma_semaphore, #tpu.memory_space<semaphore_mem>> -> memref<!tpu.dma_semaphore, #tpu.memory_space<semaphore_mem>>
      tpu.enqueue_indirect_dma source(%dma_start3A_532 : memref<128x40xf32, #tpu.memory_space<vmem>>) target(%dma_start3A_538 : memref<10112x40xf32, #tpu.memory_space<vmem_shared>>) offsets(%dma_start3A_535 : memref<128xi32, #tpu.memory_space<vmem>>) semaphore(%dma_start3A_540 : memref<!tpu.dma_semaphore, #tpu.memory_space<semaphore_mem>>) {add = true}
      %add3A_541 = arith.constant 8 : i32
      %add3A_542 = arith.addi %add3A_512, %add3A_541 : i32
      %lt3A_543 = arith.constant 80 : i32
      %lt3A_544 = arith.cmpi slt, %add3A_542, %lt3A_543 : i32
      %convert_element_type3A_545 = arith.extui %lt3A_544 : i1 to i32
      %cond3A_546 = arith.constant 0 : i32
      %cond3A_547 = arith.cmpi ne, %convert_element_type3A_545, %cond3A_546 : i32
      scf.if %cond3A_547 {
        %dma_wait3A_548 = arith.constant 7 : i32
        %dma_wait3A_549 = arith.constant 7 : i32
        %dma_wait3A_550 = arith.constant 0 : i32
        %dma_wait3A_551 = arith.constant 0 : i32
        %dma_wait3A_552 = tpu.memref_slice %arg10[%dma_wait3A_548, %dma_wait3A_550, %dma_wait3A_551] : memref<8x128x40xf32, #tpu.memory_space<vmem>> -> memref<1x128x40xf32, #tpu.memory_space<vmem>>
        %dma_wait3A_553 = tpu.memref_squeeze %dma_wait3A_552 : memref<1x128x40xf32, #tpu.memory_space<vmem>> -> memref<128x40xf32, #tpu.memory_space<vmem>>
        %dma_wait3A_554 = arith.constant 0 : i32
        %dma_wait3A_555 = tpu.memref_slice %arg9[%add3A_512, %dma_wait3A_554] : memref<80x128xi32, #tpu.memory_space<vmem>> -> memref<1x128xi32, #tpu.memory_space<vmem>>
        %dma_wait3A_556 = tpu.memref_squeeze %dma_wait3A_555 : memref<1x128xi32, #tpu.memory_space<vmem>> -> memref<128xi32, #tpu.memory_space<vmem>>
        %dma_wait3A_557 = arith.constant 0 : i32
        %dma_wait3A_558 = arith.constant 0 : i32
        %dma_wait3A_559 = tpu.memref_slice %arg7[%dma_wait3A_557, %dma_wait3A_558] : memref<10112x40xf32, #tpu.memory_space<vmem_shared>> -> memref<10112x40xf32, #tpu.memory_space<vmem_shared>>
        %dma_wait3A_560 = tpu.memref_slice %arg12[%dma_wait3A_549] : memref<8x!tpu.dma_semaphore, #tpu.memory_space<semaphore_mem>> -> memref<1x!tpu.dma_semaphore, #tpu.memory_space<semaphore_mem>>
        %dma_wait3A_561 = tpu.memref_squeeze %dma_wait3A_560 : memref<1x!tpu.dma_semaphore, #tpu.memory_space<semaphore_mem>> -> memref<!tpu.dma_semaphore, #tpu.memory_space<semaphore_mem>>
        tpu.wait_indirect_dma semaphore(%dma_wait3A_561 : memref<!tpu.dma_semaphore, #tpu.memory_space<semaphore_mem>>) src(%dma_wait3A_553 : memref<128x40xf32, #tpu.memory_space<vmem>>) dst(%dma_wait3A_559 : memref<10112x40xf32, #tpu.memory_space<vmem_shared>>)
        %add3A_562 = arith.constant 8 : i32
        %add3A_563 = arith.addi %add3A_512, %add3A_562 : i32
        %dma_start3A_564 = arith.constant 7 : i32
        %dma_start3A_565 = arith.constant 7 : i32
        %dma_start3A_566 = arith.constant 0 : i32
        %dma_start3A_567 = arith.constant 0 : i32
        %dma_start3A_568 = tpu.memref_slice %arg10[%dma_start3A_564, %dma_start3A_566, %dma_start3A_567] : memref<8x128x40xf32, #tpu.memory_space<vmem>> -> memref<1x128x40xf32, #tpu.memory_space<vmem>>
        %dma_start3A_569 = tpu.memref_squeeze %dma_start3A_568 : memref<1x128x40xf32, #tpu.memory_space<vmem>> -> memref<128x40xf32, #tpu.memory_space<vmem>>
        %dma_start3A_570 = arith.constant 0 : i32
        %dma_start3A_571 = tpu.memref_slice %arg8[%add3A_563, %dma_start3A_570] : memref<80x128xi32, #tpu.memory_space<vmem>> -> memref<1x128xi32, #tpu.memory_space<vmem>>
        %dma_start3A_572 = tpu.memref_squeeze %dma_start3A_571 : memref<1x128xi32, #tpu.memory_space<vmem>> -> memref<128xi32, #tpu.memory_space<vmem>>
        %dma_start3A_573 = arith.constant 0 : i32
        %dma_start3A_574 = arith.constant 0 : i32
        %dma_start3A_575 = tpu.memref_slice %arg2[%dma_start3A_573, %dma_start3A_574] : memref<10000x40xf32, #tpu.memory_space<hbm>> -> memref<10000x40xf32, #tpu.memory_space<hbm>>
        %dma_start3A_576 = tpu.memref_slice %arg11[%dma_start3A_565] : memref<8x!tpu.dma_semaphore, #tpu.memory_space<semaphore_mem>> -> memref<1x!tpu.dma_semaphore, #tpu.memory_space<semaphore_mem>>
        %dma_start3A_577 = tpu.memref_squeeze %dma_start3A_576 : memref<1x!tpu.dma_semaphore, #tpu.memory_space<semaphore_mem>> -> memref<!tpu.dma_semaphore, #tpu.memory_space<semaphore_mem>>
        tpu.enqueue_indirect_dma source(%dma_start3A_575 : memref<10000x40xf32, #tpu.memory_space<hbm>>) target(%dma_start3A_569 : memref<128x40xf32, #tpu.memory_space<vmem>>) offsets(%dma_start3A_572 : memref<128xi32, #tpu.memory_space<vmem>>) semaphore(%dma_start3A_577 : memref<!tpu.dma_semaphore, #tpu.memory_space<semaphore_mem>>)
      } else {
      }
    }
    %scan3A_127 = arith.constant 10 : i32
    %dma_wait3A = arith.constant 0 : i32
    %dma_wait3A_128 = arith.constant 72 : i32
    %dma_wait3A_129 = arith.constant 0 : i32
    %dma_wait3A_130 = arith.constant 0 : i32
    %dma_wait3A_131 = arith.constant 0 : i32
    %dma_wait3A_132 = tpu.memref_slice %arg10[%dma_wait3A, %dma_wait3A_130, %dma_wait3A_131] : memref<8x128x40xf32, #tpu.memory_space<vmem>> -> memref<1x128x40xf32, #tpu.memory_space<vmem>>
    %dma_wait3A_133 = tpu.memref_squeeze %dma_wait3A_132 : memref<1x128x40xf32, #tpu.memory_space<vmem>> -> memref<128x40xf32, #tpu.memory_space<vmem>>
    %dma_wait3A_134 = arith.constant 0 : i32
    %dma_wait3A_135 = tpu.memref_slice %arg9[%dma_wait3A_128, %dma_wait3A_134] : memref<80x128xi32, #tpu.memory_space<vmem>> -> memref<1x128xi32, #tpu.memory_space<vmem>>
    %dma_wait3A_136 = tpu.memref_squeeze %dma_wait3A_135 : memref<1x128xi32, #tpu.memory_space<vmem>> -> memref<128xi32, #tpu.memory_space<vmem>>
    %dma_wait3A_137 = arith.constant 0 : i32
    %dma_wait3A_138 = arith.constant 0 : i32
    %dma_wait3A_139 = tpu.memref_slice %arg7[%dma_wait3A_137, %dma_wait3A_138] : memref<10112x40xf32, #tpu.memory_space<vmem_shared>> -> memref<10112x40xf32, #tpu.memory_space<vmem_shared>>
    %dma_wait3A_140 = tpu.memref_slice %arg12[%dma_wait3A_129] : memref<8x!tpu.dma_semaphore, #tpu.memory_space<semaphore_mem>> -> memref<1x!tpu.dma_semaphore, #tpu.memory_space<semaphore_mem>>
    %dma_wait3A_141 = tpu.memref_squeeze %dma_wait3A_140 : memref<1x!tpu.dma_semaphore, #tpu.memory_space<semaphore_mem>> -> memref<!tpu.dma_semaphore, #tpu.memory_space<semaphore_mem>>
    tpu.wait_indirect_dma semaphore(%dma_wait3A_141 : memref<!tpu.dma_semaphore, #tpu.memory_space<semaphore_mem>>) src(%dma_wait3A_133 : memref<128x40xf32, #tpu.memory_space<vmem>>) dst(%dma_wait3A_139 : memref<10112x40xf32, #tpu.memory_space<vmem_shared>>)
    %dma_wait3A_142 = arith.constant 1 : i32
    %dma_wait3A_143 = arith.constant 73 : i32
    %dma_wait3A_144 = arith.constant 1 : i32
    %dma_wait3A_145 = arith.constant 0 : i32
    %dma_wait3A_146 = arith.constant 0 : i32
    %dma_wait3A_147 = tpu.memref_slice %arg10[%dma_wait3A_142, %dma_wait3A_145, %dma_wait3A_146] : memref<8x128x40xf32, #tpu.memory_space<vmem>> -> memref<1x128x40xf32, #tpu.memory_space<vmem>>
    %dma_wait3A_148 = tpu.memref_squeeze %dma_wait3A_147 : memref<1x128x40xf32, #tpu.memory_space<vmem>> -> memref<128x40xf32, #tpu.memory_space<vmem>>
    %dma_wait3A_149 = arith.constant 0 : i32
    %dma_wait3A_150 = tpu.memref_slice %arg9[%dma_wait3A_143, %dma_wait3A_149] : memref<80x128xi32, #tpu.memory_space<vmem>> -> memref<1x128xi32, #tpu.memory_space<vmem>>
    %dma_wait3A_151 = tpu.memref_squeeze %dma_wait3A_150 : memref<1x128xi32, #tpu.memory_space<vmem>> -> memref<128xi32, #tpu.memory_space<vmem>>
    %dma_wait3A_152 = arith.constant 0 : i32
    %dma_wait3A_153 = arith.constant 0 : i32
    %dma_wait3A_154 = tpu.memref_slice %arg7[%dma_wait3A_152, %dma_wait3A_153] : memref<10112x40xf32, #tpu.memory_space<vmem_shared>> -> memref<10112x40xf32, #tpu.memory_space<vmem_shared>>
    %dma_wait3A_155 = tpu.memref_slice %arg12[%dma_wait3A_144] : memref<8x!tpu.dma_semaphore, #tpu.memory_space<semaphore_mem>> -> memref<1x!tpu.dma_semaphore, #tpu.memory_space<semaphore_mem>>
    %dma_wait3A_156 = tpu.memref_squeeze %dma_wait3A_155 : memref<1x!tpu.dma_semaphore, #tpu.memory_space<semaphore_mem>> -> memref<!tpu.dma_semaphore, #tpu.memory_space<semaphore_mem>>
    tpu.wait_indirect_dma semaphore(%dma_wait3A_156 : memref<!tpu.dma_semaphore, #tpu.memory_space<semaphore_mem>>) src(%dma_wait3A_148 : memref<128x40xf32, #tpu.memory_space<vmem>>) dst(%dma_wait3A_154 : memref<10112x40xf32, #tpu.memory_space<vmem_shared>>)
    %dma_wait3A_157 = arith.constant 2 : i32
    %dma_wait3A_158 = arith.constant 74 : i32
    %dma_wait3A_159 = arith.constant 2 : i32
    %dma_wait3A_160 = arith.constant 0 : i32
    %dma_wait3A_161 = arith.constant 0 : i32
    %dma_wait3A_162 = tpu.memref_slice %arg10[%dma_wait3A_157, %dma_wait3A_160, %dma_wait3A_161] : memref<8x128x40xf32, #tpu.memory_space<vmem>> -> memref<1x128x40xf32, #tpu.memory_space<vmem>>
    %dma_wait3A_163 = tpu.memref_squeeze %dma_wait3A_162 : memref<1x128x40xf32, #tpu.memory_space<vmem>> -> memref<128x40xf32, #tpu.memory_space<vmem>>
    %dma_wait3A_164 = arith.constant 0 : i32
    %dma_wait3A_165 = tpu.memref_slice %arg9[%dma_wait3A_158, %dma_wait3A_164] : memref<80x128xi32, #tpu.memory_space<vmem>> -> memref<1x128xi32, #tpu.memory_space<vmem>>
    %dma_wait3A_166 = tpu.memref_squeeze %dma_wait3A_165 : memref<1x128xi32, #tpu.memory_space<vmem>> -> memref<128xi32, #tpu.memory_space<vmem>>
    %dma_wait3A_167 = arith.constant 0 : i32
    %dma_wait3A_168 = arith.constant 0 : i32
    %dma_wait3A_169 = tpu.memref_slice %arg7[%dma_wait3A_167, %dma_wait3A_168] : memref<10112x40xf32, #tpu.memory_space<vmem_shared>> -> memref<10112x40xf32, #tpu.memory_space<vmem_shared>>
    %dma_wait3A_170 = tpu.memref_slice %arg12[%dma_wait3A_159] : memref<8x!tpu.dma_semaphore, #tpu.memory_space<semaphore_mem>> -> memref<1x!tpu.dma_semaphore, #tpu.memory_space<semaphore_mem>>
    %dma_wait3A_171 = tpu.memref_squeeze %dma_wait3A_170 : memref<1x!tpu.dma_semaphore, #tpu.memory_space<semaphore_mem>> -> memref<!tpu.dma_semaphore, #tpu.memory_space<semaphore_mem>>
    tpu.wait_indirect_dma semaphore(%dma_wait3A_171 : memref<!tpu.dma_semaphore, #tpu.memory_space<semaphore_mem>>) src(%dma_wait3A_163 : memref<128x40xf32, #tpu.memory_space<vmem>>) dst(%dma_wait3A_169 : memref<10112x40xf32, #tpu.memory_space<vmem_shared>>)
    %dma_wait3A_172 = arith.constant 3 : i32
    %dma_wait3A_173 = arith.constant 75 : i32
    %dma_wait3A_174 = arith.constant 3 : i32
    %dma_wait3A_175 = arith.constant 0 : i32
    %dma_wait3A_176 = arith.constant 0 : i32
    %dma_wait3A_177 = tpu.memref_slice %arg10[%dma_wait3A_172, %dma_wait3A_175, %dma_wait3A_176] : memref<8x128x40xf32, #tpu.memory_space<vmem>> -> memref<1x128x40xf32, #tpu.memory_space<vmem>>
    %dma_wait3A_178 = tpu.memref_squeeze %dma_wait3A_177 : memref<1x128x40xf32, #tpu.memory_space<vmem>> -> memref<128x40xf32, #tpu.memory_space<vmem>>
    %dma_wait3A_179 = arith.constant 0 : i32
    %dma_wait3A_180 = tpu.memref_slice %arg9[%dma_wait3A_173, %dma_wait3A_179] : memref<80x128xi32, #tpu.memory_space<vmem>> -> memref<1x128xi32, #tpu.memory_space<vmem>>
    %dma_wait3A_181 = tpu.memref_squeeze %dma_wait3A_180 : memref<1x128xi32, #tpu.memory_space<vmem>> -> memref<128xi32, #tpu.memory_space<vmem>>
    %dma_wait3A_182 = arith.constant 0 : i32
    %dma_wait3A_183 = arith.constant 0 : i32
    %dma_wait3A_184 = tpu.memref_slice %arg7[%dma_wait3A_182, %dma_wait3A_183] : memref<10112x40xf32, #tpu.memory_space<vmem_shared>> -> memref<10112x40xf32, #tpu.memory_space<vmem_shared>>
    %dma_wait3A_185 = tpu.memref_slice %arg12[%dma_wait3A_174] : memref<8x!tpu.dma_semaphore, #tpu.memory_space<semaphore_mem>> -> memref<1x!tpu.dma_semaphore, #tpu.memory_space<semaphore_mem>>
    %dma_wait3A_186 = tpu.memref_squeeze %dma_wait3A_185 : memref<1x!tpu.dma_semaphore, #tpu.memory_space<semaphore_mem>> -> memref<!tpu.dma_semaphore, #tpu.memory_space<semaphore_mem>>
    tpu.wait_indirect_dma semaphore(%dma_wait3A_186 : memref<!tpu.dma_semaphore, #tpu.memory_space<semaphore_mem>>) src(%dma_wait3A_178 : memref<128x40xf32, #tpu.memory_space<vmem>>) dst(%dma_wait3A_184 : memref<10112x40xf32, #tpu.memory_space<vmem_shared>>)
    %dma_wait3A_187 = arith.constant 4 : i32
    %dma_wait3A_188 = arith.constant 76 : i32
    %dma_wait3A_189 = arith.constant 4 : i32
    %dma_wait3A_190 = arith.constant 0 : i32
    %dma_wait3A_191 = arith.constant 0 : i32
    %dma_wait3A_192 = tpu.memref_slice %arg10[%dma_wait3A_187, %dma_wait3A_190, %dma_wait3A_191] : memref<8x128x40xf32, #tpu.memory_space<vmem>> -> memref<1x128x40xf32, #tpu.memory_space<vmem>>
    %dma_wait3A_193 = tpu.memref_squeeze %dma_wait3A_192 : memref<1x128x40xf32, #tpu.memory_space<vmem>> -> memref<128x40xf32, #tpu.memory_space<vmem>>
    %dma_wait3A_194 = arith.constant 0 : i32
    %dma_wait3A_195 = tpu.memref_slice %arg9[%dma_wait3A_188, %dma_wait3A_194] : memref<80x128xi32, #tpu.memory_space<vmem>> -> memref<1x128xi32, #tpu.memory_space<vmem>>
    %dma_wait3A_196 = tpu.memref_squeeze %dma_wait3A_195 : memref<1x128xi32, #tpu.memory_space<vmem>> -> memref<128xi32, #tpu.memory_space<vmem>>
    %dma_wait3A_197 = arith.constant 0 : i32
    %dma_wait3A_198 = arith.constant 0 : i32
    %dma_wait3A_199 = tpu.memref_slice %arg7[%dma_wait3A_197, %dma_wait3A_198] : memref<10112x40xf32, #tpu.memory_space<vmem_shared>> -> memref<10112x40xf32, #tpu.memory_space<vmem_shared>>
    %dma_wait3A_200 = tpu.memref_slice %arg12[%dma_wait3A_189] : memref<8x!tpu.dma_semaphore, #tpu.memory_space<semaphore_mem>> -> memref<1x!tpu.dma_semaphore, #tpu.memory_space<semaphore_mem>>
    %dma_wait3A_201 = tpu.memref_squeeze %dma_wait3A_200 : memref<1x!tpu.dma_semaphore, #tpu.memory_space<semaphore_mem>> -> memref<!tpu.dma_semaphore, #tpu.memory_space<semaphore_mem>>
    tpu.wait_indirect_dma semaphore(%dma_wait3A_201 : memref<!tpu.dma_semaphore, #tpu.memory_space<semaphore_mem>>) src(%dma_wait3A_193 : memref<128x40xf32, #tpu.memory_space<vmem>>) dst(%dma_wait3A_199 : memref<10112x40xf32, #tpu.memory_space<vmem_shared>>)
    %dma_wait3A_202 = arith.constant 5 : i32
    %dma_wait3A_203 = arith.constant 77 : i32
    %dma_wait3A_204 = arith.constant 5 : i32
    %dma_wait3A_205 = arith.constant 0 : i32
    %dma_wait3A_206 = arith.constant 0 : i32
    %dma_wait3A_207 = tpu.memref_slice %arg10[%dma_wait3A_202, %dma_wait3A_205, %dma_wait3A_206] : memref<8x128x40xf32, #tpu.memory_space<vmem>> -> memref<1x128x40xf32, #tpu.memory_space<vmem>>
    %dma_wait3A_208 = tpu.memref_squeeze %dma_wait3A_207 : memref<1x128x40xf32, #tpu.memory_space<vmem>> -> memref<128x40xf32, #tpu.memory_space<vmem>>
    %dma_wait3A_209 = arith.constant 0 : i32
    %dma_wait3A_210 = tpu.memref_slice %arg9[%dma_wait3A_203, %dma_wait3A_209] : memref<80x128xi32, #tpu.memory_space<vmem>> -> memref<1x128xi32, #tpu.memory_space<vmem>>
    %dma_wait3A_211 = tpu.memref_squeeze %dma_wait3A_210 : memref<1x128xi32, #tpu.memory_space<vmem>> -> memref<128xi32, #tpu.memory_space<vmem>>
    %dma_wait3A_212 = arith.constant 0 : i32
    %dma_wait3A_213 = arith.constant 0 : i32
    %dma_wait3A_214 = tpu.memref_slice %arg7[%dma_wait3A_212, %dma_wait3A_213] : memref<10112x40xf32, #tpu.memory_space<vmem_shared>> -> memref<10112x40xf32, #tpu.memory_space<vmem_shared>>
    %dma_wait3A_215 = tpu.memref_slice %arg12[%dma_wait3A_204] : memref<8x!tpu.dma_semaphore, #tpu.memory_space<semaphore_mem>> -> memref<1x!tpu.dma_semaphore, #tpu.memory_space<semaphore_mem>>
    %dma_wait3A_216 = tpu.memref_squeeze %dma_wait3A_215 : memref<1x!tpu.dma_semaphore, #tpu.memory_space<semaphore_mem>> -> memref<!tpu.dma_semaphore, #tpu.memory_space<semaphore_mem>>
    tpu.wait_indirect_dma semaphore(%dma_wait3A_216 : memref<!tpu.dma_semaphore, #tpu.memory_space<semaphore_mem>>) src(%dma_wait3A_208 : memref<128x40xf32, #tpu.memory_space<vmem>>) dst(%dma_wait3A_214 : memref<10112x40xf32, #tpu.memory_space<vmem_shared>>)
    %dma_wait3A_217 = arith.constant 6 : i32
    %dma_wait3A_218 = arith.constant 78 : i32
    %dma_wait3A_219 = arith.constant 6 : i32
    %dma_wait3A_220 = arith.constant 0 : i32
    %dma_wait3A_221 = arith.constant 0 : i32
    %dma_wait3A_222 = tpu.memref_slice %arg10[%dma_wait3A_217, %dma_wait3A_220, %dma_wait3A_221] : memref<8x128x40xf32, #tpu.memory_space<vmem>> -> memref<1x128x40xf32, #tpu.memory_space<vmem>>
    %dma_wait3A_223 = tpu.memref_squeeze %dma_wait3A_222 : memref<1x128x40xf32, #tpu.memory_space<vmem>> -> memref<128x40xf32, #tpu.memory_space<vmem>>
    %dma_wait3A_224 = arith.constant 0 : i32
    %dma_wait3A_225 = tpu.memref_slice %arg9[%dma_wait3A_218, %dma_wait3A_224] : memref<80x128xi32, #tpu.memory_space<vmem>> -> memref<1x128xi32, #tpu.memory_space<vmem>>
    %dma_wait3A_226 = tpu.memref_squeeze %dma_wait3A_225 : memref<1x128xi32, #tpu.memory_space<vmem>> -> memref<128xi32, #tpu.memory_space<vmem>>
    %dma_wait3A_227 = arith.constant 0 : i32
    %dma_wait3A_228 = arith.constant 0 : i32
    %dma_wait3A_229 = tpu.memref_slice %arg7[%dma_wait3A_227, %dma_wait3A_228] : memref<10112x40xf32, #tpu.memory_space<vmem_shared>> -> memref<10112x40xf32, #tpu.memory_space<vmem_shared>>
    %dma_wait3A_230 = tpu.memref_slice %arg12[%dma_wait3A_219] : memref<8x!tpu.dma_semaphore, #tpu.memory_space<semaphore_mem>> -> memref<1x!tpu.dma_semaphore, #tpu.memory_space<semaphore_mem>>
    %dma_wait3A_231 = tpu.memref_squeeze %dma_wait3A_230 : memref<1x!tpu.dma_semaphore, #tpu.memory_space<semaphore_mem>> -> memref<!tpu.dma_semaphore, #tpu.memory_space<semaphore_mem>>
    tpu.wait_indirect_dma semaphore(%dma_wait3A_231 : memref<!tpu.dma_semaphore, #tpu.memory_space<semaphore_mem>>) src(%dma_wait3A_223 : memref<128x40xf32, #tpu.memory_space<vmem>>) dst(%dma_wait3A_229 : memref<10112x40xf32, #tpu.memory_space<vmem_shared>>)
    %dma_wait3A_232 = arith.constant 7 : i32
    %dma_wait3A_233 = arith.constant 79 : i32
    %dma_wait3A_234 = arith.constant 7 : i32
    %dma_wait3A_235 = arith.constant 0 : i32
    %dma_wait3A_236 = arith.constant 0 : i32
    %dma_wait3A_237 = tpu.memref_slice %arg10[%dma_wait3A_232, %dma_wait3A_235, %dma_wait3A_236] : memref<8x128x40xf32, #tpu.memory_space<vmem>> -> memref<1x128x40xf32, #tpu.memory_space<vmem>>
    %dma_wait3A_238 = tpu.memref_squeeze %dma_wait3A_237 : memref<1x128x40xf32, #tpu.memory_space<vmem>> -> memref<128x40xf32, #tpu.memory_space<vmem>>
    %dma_wait3A_239 = arith.constant 0 : i32
    %dma_wait3A_240 = tpu.memref_slice %arg9[%dma_wait3A_233, %dma_wait3A_239] : memref<80x128xi32, #tpu.memory_space<vmem>> -> memref<1x128xi32, #tpu.memory_space<vmem>>
    %dma_wait3A_241 = tpu.memref_squeeze %dma_wait3A_240 : memref<1x128xi32, #tpu.memory_space<vmem>> -> memref<128xi32, #tpu.memory_space<vmem>>
    %dma_wait3A_242 = arith.constant 0 : i32
    %dma_wait3A_243 = arith.constant 0 : i32
    %dma_wait3A_244 = tpu.memref_slice %arg7[%dma_wait3A_242, %dma_wait3A_243] : memref<10112x40xf32, #tpu.memory_space<vmem_shared>> -> memref<10112x40xf32, #tpu.memory_space<vmem_shared>>
    %dma_wait3A_245 = tpu.memref_slice %arg12[%dma_wait3A_234] : memref<8x!tpu.dma_semaphore, #tpu.memory_space<semaphore_mem>> -> memref<1x!tpu.dma_semaphore, #tpu.memory_space<semaphore_mem>>
    %dma_wait3A_246 = tpu.memref_squeeze %dma_wait3A_245 : memref<1x!tpu.dma_semaphore, #tpu.memory_space<semaphore_mem>> -> memref<!tpu.dma_semaphore, #tpu.memory_space<semaphore_mem>>
    tpu.wait_indirect_dma semaphore(%dma_wait3A_246 : memref<!tpu.dma_semaphore, #tpu.memory_space<semaphore_mem>>) src(%dma_wait3A_238 : memref<128x40xf32, #tpu.memory_space<vmem>>) dst(%dma_wait3A_244 : memref<10112x40xf32, #tpu.memory_space<vmem_shared>>)
    %barrier3A_247 = arith.constant 0 : index
    tpu.barrier barrier_id(%barrier3A_247)
    %mul3A_248 = arith.constant 632 : i32
    %mul3A_249 = arith.muli %arg1, %mul3A_248 : i32
    %mul3A_250 = arith.constant 632 : i32
    %mul3A_251 = arith.muli %arg1, %mul3A_250 : i32
    "tpu.region"() ({
      %run_scoped3A = tpu.sem_alloc : memref<!tpu.dma_semaphore, #tpu.memory_space<semaphore_mem>>
      %dma_start3A_252 = arith.constant 0 : i32
      %dma_start3A_253 = arith.constant 0 : i32
      %dma_start3A_254 = tpu.memref_slice %arg6[%arg0, %dma_start3A_252, %dma_start3A_253] : memref<2x10112x40xf32, #tpu.memory_space<hbm>> -> memref<1x10112x40xf32, #tpu.memory_space<hbm>>
      %dma_start3A_255 = tpu.memref_squeeze %dma_start3A_254 : memref<1x10112x40xf32, #tpu.memory_space<hbm>> -> memref<10112x40xf32, #tpu.memory_space<hbm>>
      %dma_start3A_256 = arith.constant 0 : i32
      %dma_start3A_257 = tpu.memref_slice %dma_start3A_255[%mul3A_251, %dma_start3A_256] : memref<10112x40xf32, #tpu.memory_space<hbm>> -> memref<632x40xf32, #tpu.memory_space<hbm>>
      %dma_start3A_258 = arith.constant 0 : i32
      %dma_start3A_259 = tpu.memref_slice %arg7[%mul3A_249, %dma_start3A_258] : memref<10112x40xf32, #tpu.memory_space<vmem_shared>> -> memref<632x40xf32, #tpu.memory_space<vmem_shared>>
      tpu.enqueue_dma source(%dma_start3A_259 : memref<632x40xf32, #tpu.memory_space<vmem_shared>>) target(%dma_start3A_257 : memref<632x40xf32, #tpu.memory_space<hbm>>) target_semaphore(%run_scoped3A : memref<!tpu.dma_semaphore, #tpu.memory_space<semaphore_mem>>)
      %dma_wait3A_260 = arith.constant 0 : i32
      %dma_wait3A_261 = arith.constant 0 : i32
      %dma_wait3A_262 = tpu.memref_slice %arg6[%arg0, %dma_wait3A_260, %dma_wait3A_261] : memref<2x10112x40xf32, #tpu.memory_space<hbm>> -> memref<1x10112x40xf32, #tpu.memory_space<hbm>>
      %dma_wait3A_263 = tpu.memref_squeeze %dma_wait3A_262 : memref<1x10112x40xf32, #tpu.memory_space<hbm>> -> memref<10112x40xf32, #tpu.memory_space<hbm>>
      %dma_wait3A_264 = arith.constant 0 : i32
      %dma_wait3A_265 = tpu.memref_slice %dma_wait3A_263[%mul3A_251, %dma_wait3A_264] : memref<10112x40xf32, #tpu.memory_space<hbm>> -> memref<632x40xf32, #tpu.memory_space<hbm>>
      %dma_wait3A_266 = arith.constant 0 : i32
      %dma_wait3A_267 = tpu.memref_slice %arg7[%mul3A_249, %dma_wait3A_266] : memref<10112x40xf32, #tpu.memory_space<vmem_shared>> -> memref<632x40xf32, #tpu.memory_space<vmem_shared>>
      tpu.wait_dma2 semaphore(%run_scoped3A : memref<!tpu.dma_semaphore, #tpu.memory_space<semaphore_mem>>) src(%dma_wait3A_267 : memref<632x40xf32, #tpu.memory_space<vmem_shared>>) dst(%dma_wait3A_265 : memref<632x40xf32, #tpu.memory_space<hbm>>)
      tpu.yield
    }) : () -> ()
    return
  }
}

module attributes {stable_mosaic.version = 14 : i64} {
  func.func @body(%arg0: memref<2x10112x8xf32, #tpu.memory_space<vmem>>, %arg1: memref<10000x128xf32, #tpu.memory_space<vmem>>, %arg2: memref<128x16xf32, #tpu.memory_space<vmem>>, %arg3: memref<10000x16xf32, #tpu.memory_space<vmem>>, %arg4: memref<10000x1xf32, #tpu.memory_space<vmem>>) attributes {dimension_semantics = [], scalar_prefetch = 0 : i64, scratch_operands = 0 : i64, tpu.core_type = #tpu.core_type<tc>} {
    %get3A = arith.constant 0 : index
    %get3A_0 = arith.constant 0 : index
    %get3A_1 = arith.constant 0 : index
    %get3A_2 = vector.load %arg0[%get3A, %get3A_0, %get3A_1] : memref<2x10112x8xf32, #tpu.memory_space<vmem>>, vector<1x10000x1xf32>
    %get3A_3 = vector.shape_cast %get3A_2 : vector<1x10000x1xf32> to vector<10000x1xf32>
    %get3A_4 = arith.constant 1 : index
    %get3A_5 = arith.constant 0 : index
    %get3A_6 = arith.constant 0 : index
    %get3A_7 = vector.load %arg0[%get3A_4, %get3A_5, %get3A_6] : memref<2x10112x8xf32, #tpu.memory_space<vmem>>, vector<1x10000x1xf32>
    %get3A_8 = vector.shape_cast %get3A_7 : vector<1x10000x1xf32> to vector<10000x1xf32>
    %add3A = arith.addf %get3A_3, %get3A_8 : vector<10000x1xf32>
    %add3A_9 = arith.constant 1.000000e+00 : f32
    %add3A_10 = vector.broadcast %add3A_9 : f32 to vector<10000x1xf32>
    %add3A_11 = arith.addf %add3A, %add3A_10 : vector<10000x1xf32>
    %rsqrt3A = math.rsqrt %add3A_11 : vector<10000x1xf32>
    %get3A_12 = arith.constant 0 : index
    %get3A_13 = arith.constant 0 : index
    %get3A_14 = vector.load %arg1[%get3A_12, %get3A_13] : memref<10000x128xf32, #tpu.memory_space<vmem>>, vector<10000x128xf32>
    %get3A_15 = arith.constant 0 : index
    %get3A_16 = arith.constant 0 : index
    %get3A_17 = vector.load %arg2[%get3A_15, %get3A_16] : memref<128x16xf32, #tpu.memory_space<vmem>>, vector<128x16xf32>
    %dot_general3A = arith.constant dense<0.000000e+00> : vector<10000x16xf32>
    %dot_general3A_18 = tpu.matmul %get3A_14, %get3A_17, %dot_general3A {dimension_numbers = #tpu.dot_dimension_numbers<[1], [0], [0], [1], [0, 0, 1, 1], [], []>, transpose_lhs_hint = false} : vector<10000x128xf32>, vector<128x16xf32>, vector<10000x16xf32> -> vector<10000x16xf32>
    %mul3A = vector.broadcast %rsqrt3A : vector<10000x1xf32> to vector<10000x16xf32>
    %mul3A_19 = arith.mulf %dot_general3A_18, %mul3A : vector<10000x16xf32>
    %swap3A = arith.constant 0 : index
    %swap3A_20 = arith.constant 0 : index
    %swap3A_21 = vector.load %arg3[%swap3A, %swap3A_20] : memref<10000x16xf32, #tpu.memory_space<vmem>>, vector<10000x16xf32>
    tpu.vector_store %arg3[%swap3A, %swap3A_20], %mul3A_19 {strides = array<i32>} : memref<10000x16xf32, #tpu.memory_space<vmem>>, vector<10000x16xf32>,
    %swap3A_22 = arith.constant 0 : index
    %swap3A_23 = arith.constant 0 : index
    %swap3A_24 = vector.load %arg4[%swap3A_22, %swap3A_23] : memref<10000x1xf32, #tpu.memory_space<vmem>>, vector<10000x1xf32>
    tpu.vector_store %arg4[%swap3A_22, %swap3A_23], %rsqrt3A {strides = array<i32>} : memref<10000x1xf32, #tpu.memory_space<vmem>>, vector<10000x1xf32>,
    return
  }
}

module attributes {stable_mosaic.version = 14 : i64} {
  func.func @body(%arg0: memref<2x10112x16xf32, #tpu.memory_space<vmem>>, %arg1: memref<10000x16xf32, #tpu.memory_space<vmem>>, %arg2: memref<10000x1xf32, #tpu.memory_space<vmem>>, %arg3: memref<1x16xf32, #tpu.memory_space<vmem>>, %arg4: memref<16x40xf32, #tpu.memory_space<vmem>>, %arg5: memref<10000x40xf32, #tpu.memory_space<vmem>>) attributes {dimension_semantics = [], scalar_prefetch = 0 : i64, scratch_operands = 0 : i64, tpu.core_type = #tpu.core_type<tc>} {
    %get3A = arith.constant 0 : index
    %get3A_0 = arith.constant 0 : index
    %get3A_1 = vector.load %arg2[%get3A, %get3A_0] : memref<10000x1xf32, #tpu.memory_space<vmem>>, vector<10000x1xf32>
    %get3A_2 = arith.constant 0 : index
    %get3A_3 = arith.constant 0 : index
    %get3A_4 = arith.constant 0 : index
    %get3A_5 = vector.load %arg0[%get3A_2, %get3A_3, %get3A_4] : memref<2x10112x16xf32, #tpu.memory_space<vmem>>, vector<1x10000x16xf32>
    %get3A_6 = vector.shape_cast %get3A_5 : vector<1x10000x16xf32> to vector<10000x16xf32>
    %get3A_7 = arith.constant 1 : index
    %get3A_8 = arith.constant 0 : index
    %get3A_9 = arith.constant 0 : index
    %get3A_10 = vector.load %arg0[%get3A_7, %get3A_8, %get3A_9] : memref<2x10112x16xf32, #tpu.memory_space<vmem>>, vector<1x10000x16xf32>
    %get3A_11 = vector.shape_cast %get3A_10 : vector<1x10000x16xf32> to vector<10000x16xf32>
    %add3A = arith.addf %get3A_6, %get3A_11 : vector<10000x16xf32>
    %get3A_12 = arith.constant 0 : index
    %get3A_13 = arith.constant 0 : index
    %get3A_14 = vector.load %arg1[%get3A_12, %get3A_13] : memref<10000x16xf32, #tpu.memory_space<vmem>>, vector<10000x16xf32>
    %add3A_15 = arith.addf %add3A, %get3A_14 : vector<10000x16xf32>
    %mul3A = vector.broadcast %get3A_1 : vector<10000x1xf32> to vector<10000x16xf32>
    %mul3A_16 = arith.mulf %mul3A, %add3A_15 : vector<10000x16xf32>
    %get3A_17 = arith.constant 0 : index
    %get3A_18 = arith.constant 0 : index
    %get3A_19 = vector.load %arg3[%get3A_17, %get3A_18] : memref<1x16xf32, #tpu.memory_space<vmem>>, vector<1x16xf32>
    %add3A_20 = vector.broadcast %get3A_19 : vector<1x16xf32> to vector<10000x16xf32>
    %add3A_21 = arith.addf %mul3A_16, %add3A_20 : vector<10000x16xf32>
    %max3A = arith.constant 0.000000e+00 : f32
    %max3A_22 = vector.broadcast %max3A : f32 to vector<10000x16xf32>
    %max3A_23 = arith.maximumf %add3A_21, %max3A_22 : vector<10000x16xf32>
    %get3A_24 = arith.constant 0 : index
    %get3A_25 = arith.constant 0 : index
    %get3A_26 = vector.load %arg4[%get3A_24, %get3A_25] : memref<16x40xf32, #tpu.memory_space<vmem>>, vector<16x40xf32>
    %dot_general3A = arith.constant dense<0.000000e+00> : vector<10000x40xf32>
    %dot_general3A_27 = tpu.matmul %max3A_23, %get3A_26, %dot_general3A {dimension_numbers = #tpu.dot_dimension_numbers<[1], [0], [0], [1], [0, 0, 1, 1], [], []>, transpose_lhs_hint = false} : vector<10000x16xf32>, vector<16x40xf32>, vector<10000x40xf32> -> vector<10000x40xf32>
    %mul3A_28 = vector.broadcast %get3A_1 : vector<10000x1xf32> to vector<10000x40xf32>
    %mul3A_29 = arith.mulf %dot_general3A_27, %mul3A_28 : vector<10000x40xf32>
    %swap3A = arith.constant 0 : index
    %swap3A_30 = arith.constant 0 : index
    %swap3A_31 = vector.load %arg5[%swap3A, %swap3A_30] : memref<10000x40xf32, #tpu.memory_space<vmem>>, vector<10000x40xf32>
    tpu.vector_store %arg5[%swap3A, %swap3A_30], %mul3A_29 {strides = array<i32>} : memref<10000x40xf32, #tpu.memory_space<vmem>>, vector<10000x40xf32>,
    return
  }
}

module attributes {stable_mosaic.version = 14 : i64} {
  func.func @body(%arg0: memref<2x10112x40xf32, #tpu.memory_space<vmem>>, %arg1: memref<10000x40xf32, #tpu.memory_space<vmem>>, %arg2: memref<10000x1xf32, #tpu.memory_space<vmem>>, %arg3: memref<1x40xf32, #tpu.memory_space<vmem>>, %arg4: memref<10000x40xf32, #tpu.memory_space<vmem>>) attributes {dimension_semantics = [], scalar_prefetch = 0 : i64, scratch_operands = 0 : i64, tpu.core_type = #tpu.core_type<tc>} {
    %get3A = arith.constant 0 : index
    %get3A_0 = arith.constant 0 : index
    %get3A_1 = vector.load %arg2[%get3A, %get3A_0] : memref<10000x1xf32, #tpu.memory_space<vmem>>, vector<10000x1xf32>
    %get3A_2 = arith.constant 0 : index
    %get3A_3 = arith.constant 0 : index
    %get3A_4 = arith.constant 0 : index
    %get3A_5 = vector.load %arg0[%get3A_2, %get3A_3, %get3A_4] : memref<2x10112x40xf32, #tpu.memory_space<vmem>>, vector<1x10000x40xf32>
    %get3A_6 = vector.shape_cast %get3A_5 : vector<1x10000x40xf32> to vector<10000x40xf32>
    %get3A_7 = arith.constant 1 : index
    %get3A_8 = arith.constant 0 : index
    %get3A_9 = arith.constant 0 : index
    %get3A_10 = vector.load %arg0[%get3A_7, %get3A_8, %get3A_9] : memref<2x10112x40xf32, #tpu.memory_space<vmem>>, vector<1x10000x40xf32>
    %get3A_11 = vector.shape_cast %get3A_10 : vector<1x10000x40xf32> to vector<10000x40xf32>
    %add3A = arith.addf %get3A_6, %get3A_11 : vector<10000x40xf32>
    %get3A_12 = arith.constant 0 : index
    %get3A_13 = arith.constant 0 : index
    %get3A_14 = vector.load %arg1[%get3A_12, %get3A_13] : memref<10000x40xf32, #tpu.memory_space<vmem>>, vector<10000x40xf32>
    %add3A_15 = arith.addf %add3A, %get3A_14 : vector<10000x40xf32>
    %mul3A = vector.broadcast %get3A_1 : vector<10000x1xf32> to vector<10000x40xf32>
    %mul3A_16 = arith.mulf %mul3A, %add3A_15 : vector<10000x40xf32>
    %get3A_17 = arith.constant 0 : index
    %get3A_18 = arith.constant 0 : index
    %get3A_19 = vector.load %arg3[%get3A_17, %get3A_18] : memref<1x40xf32, #tpu.memory_space<vmem>>, vector<1x40xf32>
    %add3A_20 = vector.broadcast %get3A_19 : vector<1x40xf32> to vector<10000x40xf32>
    %add3A_21 = arith.addf %mul3A_16, %add3A_20 : vector<10000x40xf32>
    %swap3A = arith.constant 0 : index
    %swap3A_22 = arith.constant 0 : index
    %swap3A_23 = vector.load %arg4[%swap3A, %swap3A_22] : memref<10000x40xf32, #tpu.memory_space<vmem>>, vector<10000x40xf32>
    tpu.vector_store %arg4[%swap3A, %swap3A_22], %add3A_21 {strides = array<i32>} : memref<10000x40xf32, #tpu.memory_space<vmem>>, vector<10000x40xf32>,
    return
  }
}

</mosaic_0001>

<sc_bundles>
// kernel: kernel.11.cloned.1.call-start
scs
__scs_entry_jumppad:
0x0: {  	(pc) =	sbr.rel $0x88, $3  }
0x1: {  	(tag) =	ssettag $0x0;
	lr =	simm.s32 $0x1  }
0x2: {  	[smem:$0x3F9B] =	sst lr;
	_ =	strace $0xD0000000  }
0x3: {  	_ = 	snop  }
0x4: {  	_ = 	snop  }
0x5: {  	_ = 	snop  }
0x6: {  	_ = 	snop  }
0x7: {  	_ = 	snop  }
__scs_overlays_trampoline_lowered:
0x8: {  	[smem:$0x3FAA] =	sst s0  }
0x9: {  	[smem:$0x3FAB] =	sst s1  }
0xa: {  	[smem:$0x3FAC] =	sst s2  }
0xb: {  	[smem:$0x3FAD] =	sst s3  }
0xc: {  	[smem:$0x3FAE] =	sst s4  }
0xd: {  	[smem:$0x3FAF] =	sst s5  }
0xe: {  	[smem:$0x3FB0] =	sst s6  }
0xf: {  	[smem:$0x3FB1] =	sst s7  }
0x10: {  	[smem:$0x3FB2] =	sst s8  }
0x11: {  	[smem:$0x3FB3] =	sst s9;
	s0 =	simm.s32 @!p0 $0x0  }
0x12: {  	s1 =	sld [smem:$0x3F99];
	s0 =	simm.s32 @p0 $0x1  }
0x13: {  	[smem:$0x3FB4] =	sst s0;
	s0 =	simm.s32 @!p1 $0x0  }
0x14: {  	s2 =	sld [smem:$0x3F98];
	s0 =	simm.s32 @p1 $0x1  }
0x15: {  	[smem:$0x3FB5] =	sst s0;
	s0 =	simm.s32 @!p2 $0x0  }
0x16: {  	s3 =	sld [smem:$0x3FDB];
	s0 =	simm.s32 @p2 $0x1  }
0x17: {  	s4 =	simm.s32 $0x1BF5;
	[smem:$0x3FB7] =	sst s0  }
0x18: {  	s0 =	sld [smem:$0x3F9A];
	_ =	swait.ge [sflag:s4], $0x0  }
0x19: {  	s7 =	sld [smem:$0x3F9B]  }
0x1a: {  	s8 =	sadd.s32 $0xFFFFE003, lr  }
0x1b: {  	s9 =	sadd.s32 $0xFFFFFEF7, lr;
	s5 =	simm.s32 $0xFFFFFFFF;
	p2 =	slt.u32 s8, $0xFFFFF086  }
0x1c: {  	p1 =	slt.u32 s9, $0xF7A;
	s5 =	simm.s32 @!p2 $0x0  }
0x1d: {  	s5 =	simm.s32 @p1 $0x1;
	p0 =	seq.s32 s7, s2  }
0x1e: {  	s7 =	smul.u32 @!p0 $0xF7A, s2;
	p2 =	seq.s32 @!p0 s5, $0x0  }
0x1f: {  	s9 =	smul.u32 $0xF7A, s1;
	s8 =	simm.s32 @!p0 $0x1BF5;
	p2 =	por !p2, p0  }
0x20: {  	[sflag:s8] =	ssyncset.s32 @!p0 $0xFFFFF086;
	s6 =	sadd.s32 @!p0 s3, s7;
	s7 =	simm.s32 @!p0 $0x108  }
0x21: {  	s3 =	sadd.s32 s3, s9;
	s6 =	sadd.s32 @!p0 $0x88, s6;
	s7 =	simm.s32 @p2 $0x1082  }
0x22: {  	[simem:s7], [sflag:s8] =	dma.local @!p0 [hbm:s6], $0xF7A  }
0x23: {  	s9 =	sor.u32 $0xD0000000, s2;
	s6 =	simm.s32 $0x108;
	_ =	swait.ge @!p0 [sflag:s8], $0x0  }
0x24: {  	s3 =	sadd.s32 $0x88, s3;
	s6 =	simm.s32 @!p1 $0x1082;
	[sflag:s4] =	ssyncset.s32 $0xFFFFF086  }
0x25: {  	[simem:s6], [sflag:s4] =	dma.local [hbm:s3], $0xF7A  }
0x26: {  	[smem:$0x3F9B] =	sst s1;
	(tag) =	ssettag s2;
	_ =	strace s9  }
0x27: {  	s1 =	sld [smem:$0x3FAB]  }
0x28: {  	s2 =	sld [smem:$0x3FAC]  }
0x29: {  	s4 =	sld [smem:$0x3FAE]  }
0x2a: {  	p0 =	seq.s32 s5, $0x0;
	s5 =	sld [smem:$0x3FAF]  }
0x2b: {  	s6 =	sld [smem:$0x3FB0]  }
0x2c: {  	s7 =	sld [smem:$0x3FB1]  }
0x2d: {  	s3 =	simm.s32 $0x108;
	s8 =	sld [smem:$0x3FB2]  }
0x2e: {  	s3 =	simm.s32 @!p0 $0x1082;
	s9 =	sld [smem:$0x3FB3]  }
0x2f: {  	lr =	sadd.s32 s0, s3;
	s0 =	sld [smem:$0x3FAA]  }
0x30: {  	s3 =	sld [smem:$0x3FAD]  }
0x31: {  	[smem:$0x3FB6] =	sst s10  }
0x32: {  	s10 =	sld [smem:$0x3FB4];
	_ =	sdelay $0x3  }
0x33: {  	p0 =	seq.s32 s10, $0x1;
	s10 =	sld [smem:$0x3FB6];
	_ =	sdelay $0x3  }
0x34: {  	[smem:$0x3FB6] =	sst s10  }
0x35: {  	s10 =	sld [smem:$0x3FB5];
	_ =	sdelay $0x3  }
0x36: {  	p1 =	seq.s32 s10, $0x1;
	s10 =	sld [smem:$0x3FB6];
	_ =	sdelay $0x3  }
0x37: {  	[smem:$0x3FB6] =	sst s10  }
0x38: {  	s10 =	sld [smem:$0x3FB7]  }
0x39: {  	_ = 	snop;
	(pc) =	sbr.ind lr, $3  }
0x3a: {  	_ = 	snop  }
0x3b: {  	_ = 	snop  }
0x3c: {  	p2 =	seq.s32 s10, $0x1;
	s10 =	sld [smem:$0x3FB6]  }
0x3d: {  	_ =	shalt  }
0x3e: {  	_ =	shalt  }
0x3f: {  	_ =	shalt  }
0x40: {  	_ =	shalt  }
0x41: {  	_ =	shalt  }
0x42: {  	_ =	shalt  }
0x43: {  	_ =	shalt  }
0x44: {  	_ =	shalt  }
0x45: {  	_ =	shalt  }
0x46: {  	_ =	shalt  }
0x47: {  	_ =	shalt  }
0x48: {  	_ =	shalt  }
0x49: {  	_ =	shalt  }
0x4a: {  	_ =	shalt  }
0x4b: {  	_ =	shalt  }
0x4c: {  	_ =	shalt  }
0x4d: {  	_ =	shalt  }
0x4e: {  	_ =	shalt  }
0x4f: {  	_ =	shalt  }
0x50: {  	_ =	shalt  }
0x51: {  	_ =	shalt  }
0x52: {  	_ =	shalt  }
0x53: {  	_ =	shalt  }
0x54: {  	_ =	shalt  }
0x55: {  	_ =	shalt  }
0x56: {  	_ =	shalt  }
0x57: {  	_ =	shalt  }
0x58: {  	_ =	shalt  }
0x59: {  	_ =	shalt  }
0x5a: {  	_ =	shalt  }
0x5b: {  	_ =	shalt  }
0x5c: {  	_ =	shalt  }
0x5d: {  	_ =	shalt  }
0x5e: {  	_ =	shalt  }
0x5f: {  	_ =	shalt  }
0x60: {  	_ =	shalt  }
0x61: {  	_ =	shalt  }
0x62: {  	_ =	shalt  }
0x63: {  	_ =	shalt  }
0x64: {  	_ =	shalt  }
0x65: {  	_ =	shalt  }
0x66: {  	_ =	shalt  }
0x67: {  	_ =	shalt  }
0x68: {  	_ =	shalt  }
0x69: {  	_ =	shalt  }
0x6a: {  	_ =	shalt  }
0x6b: {  	_ =	shalt  }
0x6c: {  	_ =	shalt  }
0x6d: {  	_ =	shalt  }
0x6e: {  	_ =	shalt  }
0x6f: {  	_ =	shalt  }
0x70: {  	_ =	shalt  }
0x71: {  	_ =	shalt  }
0x72: {  	_ =	shalt  }
0x73: {  	_ =	shalt  }
0x74: {  	_ =	shalt  }
0x75: {  	_ =	shalt  }
0x76: {  	_ =	shalt  }
0x77: {  	_ =	shalt  }
0x78: {  	_ =	shalt  }
0x79: {  	_ =	shalt  }
0x7a: {  	_ =	shalt  }
0x7b: {  	_ =	shalt  }
0x7c: {  	_ =	shalt  }
0x7d: {  	_ =	shalt  }
0x7e: {  	_ =	shalt  }
0x7f: {  	_ =	shalt  }
0x80: {  	_ =	shalt  }
0x81: {  	_ =	shalt  }
0x82: {  	_ =	shalt  }
0x83: {  	_ =	shalt  }
0x84: {  	_ =	shalt  }
0x85: {  	_ =	shalt  }
0x86: {  	_ =	shalt  }
0x87: {  	_ =	shalt  }
.Lfunc_end0:
.L_simem_size_0:
called_computation.1_lowered:
.L_overlay_start_0:
0x88: {  	s2 =	sld [smem:$0x3FD9]  }
0x89: {  	s3 =	sld [smem:$0x3FFE];
	_ =	sdelay $0x1  }
0x8a: {  	s1 =	srdreg.scid  }
0x8b: {  	s0 =	sand.u32 $0x1, s1  }
0x8c: {  	s17 =	sshll.u32 s0, $0xA;
	s2 =	sadd.s32 s3, s2  }
0x8d: {  	s2 =	sadd.s32 s2, s17  }
0x8e: {  	[smem:$0x3FC2] =	sst s2  }
0x8f: {  	_ = 	snop  }
0x90: {  	s2 =	sld [smem:$0x3FD0];
	(tm) =	ssettm $0x1  }
0x91: {  	s18 =	sld [smem:$0x3FFB];
	_ =	sdelay $0x3  }
0x92: {  	_ =	strace s18  }
0x93: {  	s3 =	sld [smem:$0x3FFC];
	_ =	sdelay $0x3  }
0x94: {  	_ =	strace s3  }
0x95: {  	s3 =	sld [smem:$0x3FFD];
	_ =	sdelay $0x3  }
0x96: {  	_ =	strace s3  }
0x97: {  	_ =	strace $0x8FFFFFFF  }
0x98: {  	s19 =	sld [smem:$0x3FDB];
	_ =	sdelay $0x1  }
0x99: {  	s4 =	simm.s32 $_scs_section_size  }
0x9a: {  	s5 =	simm.s32 $_size__tile_overlayer_lowered;
	s6 =	simm.s32 $_tile_overlayer_lowered  }
0x9b: {  	s22 =	simm.s32 $0x1BFF;
	s21 =	sshll.u32 s6, $0x1;
	s3 =	sadd.s32 s4, s19  }
0x9c: {  	s7 =	simm.s32 $0x0;
	s20 =	sshll.u32 s5, $0x1;
	s5 =	sadd.s32 s21, s3  }
0x9d: {  	[timem:s7], [sflag:s22] =	dma.local [hbm:s5], s20  }
0x9e: {  	_ =	swait.ge [sflag:s22], s20  }
0x9f: {  	s4 =	ssub.s32 $0x0, s20;
	[sflag:s22] =	ssyncset.done $0x0  }
0xa0: {  	[sflag:s22] =	ssyncadd.s32 s4;
	_ =	sdelay $0x1  }
0xa1: {  	s23 =	simm.s32 $0x1B8B  }
0xa2: {  	_ =	swait.ge [sflag:s23], $0x1  }
0xa3: {  	[sflag:s23] =	ssyncset.done $0x0  }
0xa4: {  	s25 =	simm.s32 $0x1B8E;
	s24 =	sld [smem:$0x3FFE];
	[sflag:s23] =	ssyncadd.s32 $0xFFFFFFFF  }
0xa5: {  	s26 =	simm.s32 $execute0_lowered;
	[smem:$0x3FD2] =	sst s25  }
0xa6: {  	s5 =	sshll.u32 s26, $0x1;
	_ =	strace $0x80000049;
	[dreg:$0x1] =	wrdreg $0xFFFFFFFF  }
0xa7: {  	s28 =	simm.s32 $_size_execute0_lowered;
	s3 =	sadd.s32 s3, s5;
	[dreg:$0x0] =	wrdreg $0x0  }
0xa8: {  	s5 =	sshll.u32 s28, $0x1;
	[dreg:$0x2] =	wrdreg s3  }
0xa9: {  	[dreg:$0x3] =	wrdreg s5  }
0xaa: {  	[dreg:$0x4] =	wrdreg $0xC0  }
0xab: {  	_ =	task [dreg:s7], $0x5FFFF  }
0xac: {  	[dreg:$0x1] =	wrdreg $0xFFFFFFFF  }
0xad: {  	[dreg:$0x0] =	wrdreg $0x60  }
0xae: {  	[dreg:$0x2] =	wrdreg s24  }
0xaf: {  	[dreg:$0x3] =	wrdreg s2  }
0xb0: {  	[dreg:$0x4] =	wrdreg $0x0  }
0xb1: {  	[dreg:$0x5] =	wrdreg $0x9  }
0xb2: {  	_ =	task.clear_ibuf [dreg:s7], $0x6FFFF;
	_ =	strace $0x90000049  }
0xb3: {  	s29 =	simm.s32 $0x9;
	_ =	strace $0x8000004B  }
0xb4: {  	_ =	swait.ge [sflag:s29], $0x1  }
0xb5: {  	[sflag:s29] =	ssyncadd.s32 $0xFFFFFFFF  }
0xb6: {  	_ =	strace $0x9000004B  }
0xb7: {  	_ =	sfence  }
0xb8: {  	s30 =	sld [smem:$0x0];
	_ =	sdelay $0x2  }
0xb9: {  	s31 =	sshll.u32 s1, $0xD;
	s1 =	sshrl.u32 s1, $0x2  }
0xba: {  	s3 =	sand.u32 $0x4000, s31;
	s1 =	sadd.s32 s1, s30  }
0xbb: {  	s0 =	sor.u32 s3, s0;
	s1 =	sshll.u32 s1, $0x11  }
0xbc: {  	s0 =	sor.u32 s1, s0  }
0xbd: {  	s0 =	sadd.s32 $0x8F2B, s0  }
0xbe: {  	[sflag:s0] =	ssyncadd.remote.s32 $0x1  }
0xbf: {  	_ =	sfence.sel $0xFFFF  }
0xc0: {  	[dreg:$0x0] =	wrdreg $0xFFFFFFFF;
	(pc) =	sbr.abs _section_cstart, $3  }
0xc1: {  	[dreg:$0x1] =	wrdreg $0xFFFFFFFF  }
0xc2: {  	_ =	task.clear_ibuf [dreg:s7], $0x2FFFF;
	_ =	strace $0x9FFFFFFF  }
0xc3: {  	(tm) =	ssettm $0x7FFFFFFF  }
tec
execute0_lowered:
.L_overlay_start_1:
0x0: {  	(tag) =	ssettag $0x1  }
0x1: {  	s0 =	rddreg [dreg:$0x0]  }
0x2: {  	s1 =	rddreg [dreg:$0x1]  }
0x3: {  	s2 =	rddreg [dreg:$0x2]  }
0x4: {  	s3 =	srdreg.scid;
	s10 =	stileid.u32  }
0x5: {  	s5 =	simm.s32 $0x0;
	s11 =	simm.s32 $0x11;
	s14 =	simm.s32 $0x80  }
0x6: {  	s15 =	simm.s32 $0x7780;
	s19 =	simm.s32 $0x8780;
	s29 =	simm.s32 $0xA780  }
0x7: {  	s31 =	simm.s32 $0xAF80;
	s13 =	simm.s32 $0x5;
	s16 =	simm.s32 $0x7  }
0x8: {  	s17 =	simm.s32 $0x8;
	s28 =	simm.s32 $0xF;
	s30 =	simm.s32 $0x10  }
0x9: {  	s3 =	sand.u32 $0x1, s3;
	s4 =	sshll.u32 s10, $0x1;
	[smem:$0x7FF] =	sst s5  }
0xa: {  	s20 =	smul.u32 $0x2780, s10;
	s22 =	sshll.u32 s10, $0x6;
	s4 =	sor.u32 s3, s4  }
0xb: {  	_ =	strace $0x8000004A;
	s8 =	ssub.s32 $0x2, s3;
	s3 =	smul.u32 $0x4F00, s3  }
0xc: {  	s6 =	smul.u32 $0x500, s4;
	s4 =	sadd.s32 $0x15800, s0;
	s21 =	sshrl.u32 s8, $0x1  }
0xd: {  	s7 =	sshrl.u32 s20, $0x3;
	s5 =	sadd.s32 s20, s2;
	s8 =	ssub.s32 s8, s21  }
0xe: {  	s25 =	sadd.s32 s1, s3;
	s10 =	sshrl.u32 s5, $0x3;
	s1 =	simm.s32 $0x3  }
0xf: {  	s21 =	simm.s32 $0xB;
	s3 =	simm.s32 $0x0;
	s9 =	sadd.s32 s6, s0  }
0x10: {  	s0 =	sadd.s32 s7, s0;
	s6 =	sor.u32 $0x1C11, s22;
	s26 =	smax.u32 s8, $0x1  }
.Ltmp0:
0x11: {  	s0 =	sadd.s32 $0x1A800, s0;
	[dreg:$0x7] =	wrdreg s26;
	(pc) =	sbr.rel .LBB2_1-.Ltmp0, $4  }
0x12: {  	s22 =	simm.s32 $0xC;
	s23 =	sadd.s32 $0xB800, s9;
	[dreg:$0x4] =	wrdreg s0  }
0x13: {  	s24 =	sadd.s32 $0x1800, s9;
	s26 =	simm.s32 $0xE;
	[dreg:$0x5] =	wrdreg s23  }
0x14: {  	[dreg:$0x6] =	wrdreg s24;
	s23 =	simm.s32 $0x9780;
	s0 =	sadd.s32 s7, s25  }
0x15: {  	s25 =	simm.s32 $0xD;
	[dreg:$0x8] =	wrdreg s0;
	s0 =	simm.s32 $0x1  }
.LBB2_4:
0x16: {  	_ =	swait.ge [sflag:s17], $0x800  }
0x17: {  	[sflag:s17] =	ssyncset.done $0x0  }
0x18: {  	s5 =	simm.s32 $0x9;
	[sflag:s17] =	ssyncadd.s32 $0xFFFFF800  }
0x19: {  	[spmem:s2] =	stream.indirect.scatter.add.f32 [tilespmem:s31], [sflag:$0x10], $0x10, s8, s14, $0xb8;
	[tilespmem:$0xB780] =	vst v63  }
0x1a: {  	_ =	swait.ge [sflag:s5], $0x800  }
0x1b: {  	[sflag:s5] =	ssyncset.done $0x0  }
0x1c: {  	s18 =	simm.s32 $0xA;
	[sflag:s5] =	ssyncadd.s32 $0xFFFFF800  }
0x1d: {  	_ =	swait.ge [sflag:s18], $0x800  }
0x1e: {  	[sflag:s18] =	ssyncset.done $0x0  }
0x1f: {  	[sflag:s18] =	ssyncadd.s32 $0xFFFFF800  }
0x20: {  	_ =	swait.ge [sflag:s21], $0x800  }
0x21: {  	[sflag:s21] =	ssyncset.done $0x0  }
0x22: {  	[sflag:s21] =	ssyncadd.s32 $0xFFFFF800  }
0x23: {  	_ =	swait.ge [sflag:s22], $0x800  }
0x24: {  	[sflag:s22] =	ssyncset.done $0x0  }
0x25: {  	[sflag:s22] =	ssyncadd.s32 $0xFFFFF800  }
0x26: {  	_ =	swait.ge [sflag:s25], $0x800  }
0x27: {  	[sflag:s25] =	ssyncset.done $0x0  }
0x28: {  	[sflag:s25] =	ssyncadd.s32 $0xFFFFF800  }
0x29: {  	_ =	swait.ge [sflag:s26], $0x800  }
0x2a: {  	[sflag:s26] =	ssyncset.done $0x0  }
0x2b: {  	[sflag:s26] =	ssyncadd.s32 $0xFFFFF800  }
0x2c: {  	_ =	swait.ge [sflag:s28], $0x800  }
0x2d: {  	[sflag:s28] =	ssyncset.done $0x0  }
0x2e: {  	[sflag:s28] =	ssyncadd.s32 $0xFFFFF800  }
0x2f: {  	_ =	swait.ge [sflag:s30], $0x800  }
0x30: {  	[sflag:s30] =	ssyncset.done $0x0  }
0x31: {  	[sflag:s30] =	ssyncadd.s32 $0xFFFFF800  }
0x32: {  	[bflag:$0x0] =	sbarrier.arrive $0xFFFF  }
0x33: {  	s20 =	rddreg [dreg:$0x8]  }
0x34: {  	[hbm:s20], [sflag:s6] =	dma.local [spmem:s10], $0x4F0  }
0x35: {  	_ =	swait.ge [sflag:s11], $0x4F0  }
0x36: {  	s3 =	sadd.s32 $0x1, s3;
	s24 =	rddreg [dreg:$0x7]  }
0x37: {  	p0 =	sne.s32 s3, s24  }
.Ltmp1:
0x38: {  	_ = 	snop;
	(pc) =	sbr.rel @!p0 .LBB2_5-.Ltmp1, $3  }
0x39: {  	_ =	sdelay $0x1  }
0x3a: {  	[sflag:s11] =	ssyncset.done $0x0  }
0x3b: {  	[sflag:s11] =	ssyncadd.s32 $0xFFFFFB10  }
.LBB2_1:
0x3c: {  	s5 =	rddreg [dreg:$0x4]  }
0x3d: {  	[spmem:s10], [sflag:s6] =	dma.local [hbm:s5], $0x4F0  }
0x3e: {  	_ =	swait.ge [sflag:s11], $0x4F0  }
0x3f: {  	s24 =	simm.s32 $0x0;
	[sflag:s11] =	ssyncset.done $0x0  }
0x40: {  	s8 =	simm.s32 $0x2780;
	s7 =	rddreg [dreg:$0x5];
	[sflag:s11] =	ssyncadd.s32 $0xFFFFFB10  }
0x41: {  	[tilespmem:s8], [sflag:$0x11] =	stream.linear.gather [hbm4b:s7+s24], $0x2800, $0x38;
	[tilespmem:$0xB780] =	vst v63  }
0x42: {  	_ =	swait.ge [sflag:s11], $0x2800  }
0x43: {  	[sflag:s11] =	ssyncset.done $0x0  }
0x44: {  	s9 =	simm.s32 $0x4F80;
	s12 =	rddreg [dreg:$0x6];
	[sflag:s11] =	ssyncadd.s32 $0xFFFFD800  }
0x45: {  	[tilespmem:s9], [sflag:$0x11] =	stream.linear.gather [hbm4b:s12+s24], $0x2800, $0x38;
	[tilespmem:$0xB780] =	vst v63  }
0x46: {  	_ =	swait.ge [sflag:s11], $0x2800  }
0x47: {  	[sflag:s11] =	ssyncset.done $0x0  }
0x48: {  	[sflag:s11] =	ssyncadd.s32 $0xFFFFD800  }
0x49: {  	[bflag:$0x0] =	sbarrier.arrive $0xFFFF  }
0x4a: {  	[tilespmem:s15], [sflag:$0x1] =	stream.indirect.gather [hbm4b:s4+s14], $0x10, s8, s14, $0xb8;
	[tilespmem:$0xB780] =	vst v63  }
0x4b: {  	s18 =	simm.s32 $0x2800;
	s20 =	simm.s32 $0x7F80  }
0x4c: {  	[tilespmem:s20], [sflag:$0x2] =	stream.indirect.gather [hbm4b:s4+s14], $0x10, s18, s14, $0xb8;
	[tilespmem:$0xB780] =	vst v63  }
0x4d: {  	s24 =	simm.s32 $0x2880  }
0x4e: {  	[tilespmem:s19], [sflag:$0x3] =	stream.indirect.gather [hbm4b:s4+s14], $0x10, s24, s14, $0xb8;
	[tilespmem:$0xB780] =	vst v63  }
0x4f: {  	s7 =	simm.s32 $0x2900;
	s8 =	simm.s32 $0x8F80  }
0x50: {  	[tilespmem:s8], [sflag:$0x4] =	stream.indirect.gather [hbm4b:s4+s14], $0x10, s7, s14, $0xb8;
	[tilespmem:$0xB780] =	vst v63  }
0x51: {  	s9 =	simm.s32 $0x2980  }
0x52: {  	[tilespmem:s23], [sflag:$0x5] =	stream.indirect.gather [hbm4b:s4+s14], $0x10, s9, s14, $0xb8;
	[tilespmem:$0xB780] =	vst v63  }
0x53: {  	s12 =	simm.s32 $0x2A00;
	s18 =	simm.s32 $0x9F80  }
0x54: {  	[tilespmem:s18], [sflag:$0x6] =	stream.indirect.gather [hbm4b:s4+s14], $0x10, s12, s14, $0xb8;
	[tilespmem:$0xB780] =	vst v63  }
0x55: {  	s20 =	simm.s32 $0x2A80  }
0x56: {  	[tilespmem:s29], [sflag:$0x7] =	stream.indirect.gather [hbm4b:s4+s14], $0x10, s20, s14, $0xb8;
	[tilespmem:$0xB780] =	vst v63  }
0x57: {  	s5 =	simm.s32 $0x0;
	s24 =	simm.s32 $0x2B00  }
0x58: {  	[tilespmem:s31], [sflag:$0x8] =	stream.indirect.gather [hbm4b:s4+s14], $0x10, s24, s14, $0xb8;
	[tilespmem:$0xB780] =	vst v63  }
.LBB2_2:
0x59: {  	_ =	swait.ge [sflag:s0], $0x800  }
0x5a: {  	s7 =	sshra.s32 s5, $0x2;
	[sflag:s0] =	ssyncset.done $0x0  }
0x5b: {  	p0 =	seq.s32 s5, $0x9000;
	s8 =	sadd.s32 $0x4F80, s7;
	[sflag:s0] =	ssyncadd.s32 $0xFFFFF800  }
0x5c: {  	[spmem:s2] =	stream.indirect.scatter.add.f32 [tilespmem:s15], [sflag:$0x9], $0x10, s8, s14, $0xb8;
	[tilespmem:$0xB780] =	vst v63  }
0x5d: {  	s8 =	simm.s32 @p0 $0x2  }
0x5e: {  	_ =	swait.ge @p0 [sflag:s8], $0x800  }
0x5f: {  	s9 =	sshra.s32 @p0 s5, $0x2;
	s24 =	simm.s32 @p0 $0x80;
	[sflag:s8] =	ssyncset.done @p0 $0x0  }
0x60: {  	s12 =	simm.s32 @p0 $0x7F80;
	[sflag:s8] =	ssyncadd.s32 @p0 $0xFFFFF800;
	s8 =	sadd.s32 @p0 $0x5000, s9  }
0x61: {  	[spmem:s2] =	stream.indirect.scatter.add.f32 @p0 [tilespmem:s12], [sflag:$0xA], $0x10, s8, s24, $0xb8;
	[tilespmem:$0xB780] =	vst v63  }
0x62: {  	s8 =	simm.s32 @!p0 $0x9  }
0x63: {  	_ =	swait.ge @!p0 [sflag:s8], $0x800  }
0x64: {  	[sflag:s8] =	ssyncset.done @!p0 $0x0  }
0x65: {  	[sflag:s8] =	ssyncadd.s32 @!p0 $0xFFFFF800;
	s8 =	sshra.s32 @!p0 s5, $0x2  }
0x66: {  	s20 =	simm.s32 @!p0 $0x7780;
	s12 =	simm.s32 @!p0 $0x80;
	s18 =	sadd.s32 @!p0 $0x2B80, s8  }
0x67: {  	[tilespmem:s20], [sflag:$0x1] =	stream.indirect.gather @!p0 [hbm4b:s4+s12], $0x10, s18, s12, $0xb8;
	[tilespmem:$0xB780] =	vst v63  }
0x68: {  	s18 =	simm.s32 @!p0 $0x2  }
0x69: {  	_ =	swait.ge @!p0 [sflag:s18], $0x800  }
0x6a: {  	[sflag:s18] =	ssyncset.done @!p0 $0x0  }
0x6b: {  	s20 =	simm.s32 @!p0 $0x7F80;
	[sflag:s18] =	ssyncadd.s32 @!p0 $0xFFFFF800;
	s18 =	sadd.s32 @!p0 $0x5000, s8  }
0x6c: {  	[spmem:s2] =	stream.indirect.scatter.add.f32 @!p0 [tilespmem:s20], [sflag:$0xA], $0x10, s18, s12, $0xb8;
	[tilespmem:$0xB780] =	vst v63  }
0x6d: {  	s18 =	simm.s32 @!p0 $0xA  }
0x6e: {  	_ =	swait.ge @!p0 [sflag:s18], $0x800  }
0x6f: {  	[sflag:s18] =	ssyncset.done @!p0 $0x0  }
0x70: {  	[sflag:s18] =	ssyncadd.s32 @!p0 $0xFFFFF800;
	s18 =	sadd.s32 @!p0 $0x2C00, s8  }
0x71: {  	[tilespmem:s20], [sflag:$0x2] =	stream.indirect.gather @!p0 [hbm4b:s4+s12], $0x10, s18, s12, $0xb8;
	[tilespmem:$0xB780] =	vst v63  }
0x72: {  	_ =	swait.ge [sflag:s1], $0x800  }
0x73: {  	[sflag:s1] =	ssyncset.done $0x0  }
0x74: {  	s20 =	sadd.s32 $0x5080, s7;
	s18 =	simm.s32 @p0 $0x4;
	[sflag:s1] =	ssyncadd.s32 $0xFFFFF800  }
0x75: {  	[spmem:s2] =	stream.indirect.scatter.add.f32 [tilespmem:s19], [sflag:$0xB], $0x10, s20, s14, $0xb8;
	[tilespmem:$0xB780] =	vst v63  }
0x76: {  	_ =	swait.ge @p0 [sflag:s18], $0x800  }
0x77: {  	[sflag:s18] =	ssyncset.done @p0 $0x0  }
0x78: {  	s20 =	simm.s32 @p0 $0x8F80;
	[sflag:s18] =	ssyncadd.s32 @p0 $0xFFFFF800;
	s18 =	sadd.s32 @p0 $0x5100, s9  }
0x79: {  	[spmem:s2] =	stream.indirect.scatter.add.f32 @p0 [tilespmem:s20], [sflag:$0xC], $0x10, s18, s24, $0xb8;
	[tilespmem:$0xB780] =	vst v63  }
0x7a: {  	s18 =	simm.s32 @!p0 $0xB  }
0x7b: {  	_ =	swait.ge @!p0 [sflag:s18], $0x800  }
0x7c: {  	[sflag:s18] =	ssyncset.done @!p0 $0x0  }
0x7d: {  	s20 =	simm.s32 @!p0 $0x8780;
	[sflag:s18] =	ssyncadd.s32 @!p0 $0xFFFFF800;
	s18 =	sadd.s32 @!p0 $0x2C80, s8  }
0x7e: {  	[tilespmem:s20], [sflag:$0x3] =	stream.indirect.gather @!p0 [hbm4b:s4+s12], $0x10, s18, s12, $0xb8;
	[tilespmem:$0xB780] =	vst v63  }
0x7f: {  	s18 =	simm.s32 @!p0 $0x4  }
0x80: {  	_ =	swait.ge @!p0 [sflag:s18], $0x800  }
0x81: {  	[sflag:s18] =	ssyncset.done @!p0 $0x0  }
0x82: {  	s20 =	simm.s32 @!p0 $0x8F80;
	[sflag:s18] =	ssyncadd.s32 @!p0 $0xFFFFF800;
	s18 =	sadd.s32 @!p0 $0x5100, s8  }
0x83: {  	[spmem:s2] =	stream.indirect.scatter.add.f32 @!p0 [tilespmem:s20], [sflag:$0xC], $0x10, s18, s12, $0xb8;
	[tilespmem:$0xB780] =	vst v63  }
0x84: {  	s18 =	simm.s32 @!p0 $0xC  }
0x85: {  	_ =	swait.ge @!p0 [sflag:s18], $0x800  }
0x86: {  	[sflag:s18] =	ssyncset.done @!p0 $0x0  }
0x87: {  	[sflag:s18] =	ssyncadd.s32 @!p0 $0xFFFFF800;
	s18 =	sadd.s32 @!p0 $0x2D00, s8  }
0x88: {  	[tilespmem:s20], [sflag:$0x4] =	stream.indirect.gather @!p0 [hbm4b:s4+s12], $0x10, s18, s12, $0xb8;
	[tilespmem:$0xB780] =	vst v63  }
0x89: {  	_ =	swait.ge [sflag:s13], $0x800  }
0x8a: {  	[sflag:s13] =	ssyncset.done $0x0  }
0x8b: {  	s20 =	sadd.s32 $0x5180, s7;
	s18 =	simm.s32 @p0 $0x6;
	[sflag:s13] =	ssyncadd.s32 $0xFFFFF800  }
0x8c: {  	[spmem:s2] =	stream.indirect.scatter.add.f32 [tilespmem:s23], [sflag:$0xD], $0x10, s20, s14, $0xb8;
	[tilespmem:$0xB780] =	vst v63  }
0x8d: {  	_ =	swait.ge @p0 [sflag:s18], $0x800  }
0x8e: {  	[sflag:s18] =	ssyncset.done @p0 $0x0  }
0x8f: {  	s9 =	sadd.s32 @p0 $0x5200, s9;
	[sflag:s18] =	ssyncadd.s32 @p0 $0xFFFFF800;
	s18 =	simm.s32 @p0 $0x9F80  }
0x90: {  	[spmem:s2] =	stream.indirect.scatter.add.f32 @p0 [tilespmem:s18], [sflag:$0xE], $0x10, s9, s24, $0xb8;
	[tilespmem:$0xB780] =	vst v63  }
0x91: {  	s9 =	simm.s32 @!p0 $0xD  }
0x92: {  	_ =	swait.ge @!p0 [sflag:s9], $0x800  }
0x93: {  	[sflag:s9] =	ssyncset.done @!p0 $0x0  }
0x94: {  	s18 =	simm.s32 @!p0 $0x9780;
	[sflag:s9] =	ssyncadd.s32 @!p0 $0xFFFFF800;
	s9 =	sadd.s32 @!p0 $0x2D80, s8  }
0x95: {  	[tilespmem:s18], [sflag:$0x5] =	stream.indirect.gather @!p0 [hbm4b:s4+s12], $0x10, s9, s12, $0xb8;
	[tilespmem:$0xB780] =	vst v63  }
0x96: {  	s9 =	simm.s32 @!p0 $0x6  }
0x97: {  	_ =	swait.ge @!p0 [sflag:s9], $0x800  }
0x98: {  	[sflag:s9] =	ssyncset.done @!p0 $0x0  }
0x99: {  	s18 =	simm.s32 @!p0 $0x9F80;
	[sflag:s9] =	ssyncadd.s32 @!p0 $0xFFFFF800;
	s9 =	sadd.s32 @!p0 $0x5200, s8  }
0x9a: {  	[spmem:s2] =	stream.indirect.scatter.add.f32 @!p0 [tilespmem:s18], [sflag:$0xE], $0x10, s9, s12, $0xb8;
	[tilespmem:$0xB780] =	vst v63  }
0x9b: {  	s9 =	simm.s32 @!p0 $0xE  }
0x9c: {  	_ =	swait.ge @!p0 [sflag:s9], $0x800  }
0x9d: {  	[sflag:s9] =	ssyncset.done @!p0 $0x0  }
0x9e: {  	s8 =	sadd.s32 @!p0 $0x2E00, s8;
	[sflag:s9] =	ssyncadd.s32 @!p0 $0xFFFFF800  }
0x9f: {  	[tilespmem:s18], [sflag:$0x6] =	stream.indirect.gather @!p0 [hbm4b:s4+s12], $0x10, s8, s12, $0xb8;
	[tilespmem:$0xB780] =	vst v63  }
.Ltmp2:
0xa0: {  	_ = 	snop;
	(pc) =	sbr.rel @p0 .LBB2_4-.Ltmp2, $4  }
0xa1: {  	_ =	swait.ge [sflag:s16], $0x800  }
0xa2: {  	[sflag:s16] =	ssyncset.done $0x0  }
0xa3: {  	s24 =	sadd.s32 $0x5280, s7;
	s8 =	sadd.s32 $0x5300, s7;
	[sflag:s16] =	ssyncadd.s32 $0xFFFFF800  }
0xa4: {  	[spmem:s2] =	stream.indirect.scatter.add.f32 [tilespmem:s29], [sflag:$0xF], $0x10, s24, s14, $0xb8;
	[tilespmem:$0xB780] =	vst v63  }
0xa5: {  	_ =	swait.ge [sflag:s28], $0x800  }
0xa6: {  	[sflag:s28] =	ssyncset.done $0x0  }
0xa7: {  	s9 =	sadd.s32 $0x2E80, s7;
	[sflag:s28] =	ssyncadd.s32 $0xFFFFF800  }
0xa8: {  	[tilespmem:s29], [sflag:$0x7] =	stream.indirect.gather [hbm4b:s4+s14], $0x10, s9, s14, $0xb8;
	[tilespmem:$0xB780] =	vst v63  }
0xa9: {  	_ =	swait.ge [sflag:s17], $0x800  }
0xaa: {  	[sflag:s17] =	ssyncset.done $0x0  }
0xab: {  	[sflag:s17] =	ssyncadd.s32 $0xFFFFF800  }
0xac: {  	[spmem:s2] =	stream.indirect.scatter.add.f32 [tilespmem:s31], [sflag:$0x10], $0x10, s8, s14, $0xb8;
	[tilespmem:$0xB780] =	vst v63  }
.Ltmp3:
0xad: {  	_ = 	snop;
	(pc) =	sbr.rel .LBB2_2-.Ltmp3, $4  }
0xae: {  	_ =	swait.ge [sflag:s30], $0x800  }
0xaf: {  	[sflag:s30] =	ssyncset.done $0x0  }
0xb0: {  	s24 =	sadd.s32 $0x2F00, s7;
	s5 =	sadd.s32 $0x1000, s5;
	[sflag:s30] =	ssyncadd.s32 $0xFFFFF800  }
0xb1: {  	[tilespmem:s31], [sflag:$0x8] =	stream.indirect.gather [hbm4b:s4+s14], $0x10, s24, s14, $0xb8;
	[tilespmem:$0xB780] =	vst v63  }
.LBB2_5:
0xb2: {  	_ =	sfence.sel $0x180000  }
0xb3: {  	[bflag:$0x0] =	sbarrier.arrive $0xFFFF  }
0xb4: {  	_ =	strace $0x9000004A  }
0xb5: {  	s0 =	stileid.u32;
	[bflag:$0x2] =	sbarrier.arrive $0xFFFF  }
0xb6: {  	p0 =	sne.s32 s0, $0x0;
	s0 =	rddreg [dreg:$0x3]  }
0xb7: {  	s0 =	sadd.s32 @!p0 $0x100000, s0  }
0xb8: {  	[sflag:s0] =	ssyncadd.tile.s32 @!p0 $0x1;
	_ =	shalt  }
.Lfunc_end2:
_tile_overlayer_lowered:
.L_overlay_start_2:
0xb9: {  	(tag) =	ssettag $0x2  }
0xba: {  	s0 =	rddreg [dreg:$0x0];
	s2 =	stileid.u32  }
0xbb: {  	s1 =	rddreg [dreg:$0x1];
	p0 =	sne.s32 s2, $0x0  }
0xbc: {  	s3 =	rddreg [dreg:$0x2];
	[bflag:$0x3] =	sbarrier.arrive $0xFFFF;
	s2 =	simm.s32 @!p0 $0x1C11  }
0xbd: {  	[timem:s3], [sflag:s2] =	dma.local @!p0 [hbm:s0], s1  }
0xbe: {  	s0 =	simm.s32 @!p0 $0x11  }
0xbf: {  	_ =	swait.ge @!p0 [sflag:s0], s1  }
0xc0: {  	s1 =	ssub.s32 @!p0 $0x0, s1;
	[sflag:s0] =	ssyncset.done @!p0 $0x0  }
0xc1: {  	[sflag:s0] =	ssyncadd.s32 @!p0 s1  }
0xc2: {  	[bflag:$0x3] =	sbarrier.arrive $0xFFFF  }
0xc3: {  	_ =	shalt  }

// kernel: kernel.14.cloned.1.call-start
scs
__scs_entry_jumppad:
0x0: {  	(pc) =	sbr.rel $0x88, $3  }
0x1: {  	(tag) =	ssettag $0x0;
	lr =	simm.s32 $0x1  }
0x2: {  	[smem:$0x3F9B] =	sst lr;
	_ =	strace $0xD0000000  }
0x3: {  	_ = 	snop  }
0x4: {  	_ = 	snop  }
0x5: {  	_ = 	snop  }
0x6: {  	_ = 	snop  }
0x7: {  	_ = 	snop  }
__scs_overlays_trampoline_lowered:
0x8: {  	[smem:$0x3FAA] =	sst s0  }
0x9: {  	[smem:$0x3FAB] =	sst s1  }
0xa: {  	[smem:$0x3FAC] =	sst s2  }
0xb: {  	[smem:$0x3FAD] =	sst s3  }
0xc: {  	[smem:$0x3FAE] =	sst s4  }
0xd: {  	[smem:$0x3FAF] =	sst s5  }
0xe: {  	[smem:$0x3FB0] =	sst s6  }
0xf: {  	[smem:$0x3FB1] =	sst s7  }
0x10: {  	[smem:$0x3FB2] =	sst s8  }
0x11: {  	[smem:$0x3FB3] =	sst s9;
	s0 =	simm.s32 @!p0 $0x0  }
0x12: {  	s1 =	sld [smem:$0x3F99];
	s0 =	simm.s32 @p0 $0x1  }
0x13: {  	[smem:$0x3FB4] =	sst s0;
	s0 =	simm.s32 @!p1 $0x0  }
0x14: {  	s2 =	sld [smem:$0x3F98];
	s0 =	simm.s32 @p1 $0x1  }
0x15: {  	[smem:$0x3FB5] =	sst s0;
	s0 =	simm.s32 @!p2 $0x0  }
0x16: {  	s3 =	sld [smem:$0x3FDB];
	s0 =	simm.s32 @p2 $0x1  }
0x17: {  	s4 =	simm.s32 $0x1BF5;
	[smem:$0x3FB7] =	sst s0  }
0x18: {  	s0 =	sld [smem:$0x3F9A];
	_ =	swait.ge [sflag:s4], $0x0  }
0x19: {  	s7 =	sld [smem:$0x3F9B]  }
0x1a: {  	s8 =	sadd.s32 $0xFFFFE003, lr  }
0x1b: {  	s9 =	sadd.s32 $0xFFFFFEF7, lr;
	s5 =	simm.s32 $0xFFFFFFFF;
	p2 =	slt.u32 s8, $0xFFFFF086  }
0x1c: {  	p1 =	slt.u32 s9, $0xF7A;
	s5 =	simm.s32 @!p2 $0x0  }
0x1d: {  	s5 =	simm.s32 @p1 $0x1;
	p0 =	seq.s32 s7, s2  }
0x1e: {  	s7 =	smul.u32 @!p0 $0xF7A, s2;
	p2 =	seq.s32 @!p0 s5, $0x0  }
0x1f: {  	s9 =	smul.u32 $0xF7A, s1;
	s8 =	simm.s32 @!p0 $0x1BF5;
	p2 =	por !p2, p0  }
0x20: {  	[sflag:s8] =	ssyncset.s32 @!p0 $0xFFFFF086;
	s6 =	sadd.s32 @!p0 s3, s7;
	s7 =	simm.s32 @!p0 $0x108  }
0x21: {  	s3 =	sadd.s32 s3, s9;
	s6 =	sadd.s32 @!p0 $0x88, s6;
	s7 =	simm.s32 @p2 $0x1082  }
0x22: {  	[simem:s7], [sflag:s8] =	dma.local @!p0 [hbm:s6], $0xF7A  }
0x23: {  	s9 =	sor.u32 $0xD0000000, s2;
	s6 =	simm.s32 $0x108;
	_ =	swait.ge @!p0 [sflag:s8], $0x0  }
0x24: {  	s3 =	sadd.s32 $0x88, s3;
	s6 =	simm.s32 @!p1 $0x1082;
	[sflag:s4] =	ssyncset.s32 $0xFFFFF086  }
0x25: {  	[simem:s6], [sflag:s4] =	dma.local [hbm:s3], $0xF7A  }
0x26: {  	[smem:$0x3F9B] =	sst s1;
	(tag) =	ssettag s2;
	_ =	strace s9  }
0x27: {  	s1 =	sld [smem:$0x3FAB]  }
0x28: {  	s2 =	sld [smem:$0x3FAC]  }
0x29: {  	s4 =	sld [smem:$0x3FAE]  }
0x2a: {  	p0 =	seq.s32 s5, $0x0;
	s5 =	sld [smem:$0x3FAF]  }
0x2b: {  	s6 =	sld [smem:$0x3FB0]  }
0x2c: {  	s7 =	sld [smem:$0x3FB1]  }
0x2d: {  	s3 =	simm.s32 $0x108;
	s8 =	sld [smem:$0x3FB2]  }
0x2e: {  	s3 =	simm.s32 @!p0 $0x1082;
	s9 =	sld [smem:$0x3FB3]  }
0x2f: {  	lr =	sadd.s32 s0, s3;
	s0 =	sld [smem:$0x3FAA]  }
0x30: {  	s3 =	sld [smem:$0x3FAD]  }
0x31: {  	[smem:$0x3FB6] =	sst s10  }
0x32: {  	s10 =	sld [smem:$0x3FB4];
	_ =	sdelay $0x3  }
0x33: {  	p0 =	seq.s32 s10, $0x1;
	s10 =	sld [smem:$0x3FB6];
	_ =	sdelay $0x3  }
0x34: {  	[smem:$0x3FB6] =	sst s10  }
0x35: {  	s10 =	sld [smem:$0x3FB5];
	_ =	sdelay $0x3  }
0x36: {  	p1 =	seq.s32 s10, $0x1;
	s10 =	sld [smem:$0x3FB6];
	_ =	sdelay $0x3  }
0x37: {  	[smem:$0x3FB6] =	sst s10  }
0x38: {  	s10 =	sld [smem:$0x3FB7]  }
0x39: {  	_ = 	snop;
	(pc) =	sbr.ind lr, $3  }
0x3a: {  	_ = 	snop  }
0x3b: {  	_ = 	snop  }
0x3c: {  	p2 =	seq.s32 s10, $0x1;
	s10 =	sld [smem:$0x3FB6]  }
0x3d: {  	_ =	shalt  }
0x3e: {  	_ =	shalt  }
0x3f: {  	_ =	shalt  }
0x40: {  	_ =	shalt  }
0x41: {  	_ =	shalt  }
0x42: {  	_ =	shalt  }
0x43: {  	_ =	shalt  }
0x44: {  	_ =	shalt  }
0x45: {  	_ =	shalt  }
0x46: {  	_ =	shalt  }
0x47: {  	_ =	shalt  }
0x48: {  	_ =	shalt  }
0x49: {  	_ =	shalt  }
0x4a: {  	_ =	shalt  }
0x4b: {  	_ =	shalt  }
0x4c: {  	_ =	shalt  }
0x4d: {  	_ =	shalt  }
0x4e: {  	_ =	shalt  }
0x4f: {  	_ =	shalt  }
0x50: {  	_ =	shalt  }
0x51: {  	_ =	shalt  }
0x52: {  	_ =	shalt  }
0x53: {  	_ =	shalt  }
0x54: {  	_ =	shalt  }
0x55: {  	_ =	shalt  }
0x56: {  	_ =	shalt  }
0x57: {  	_ =	shalt  }
0x58: {  	_ =	shalt  }
0x59: {  	_ =	shalt  }
0x5a: {  	_ =	shalt  }
0x5b: {  	_ =	shalt  }
0x5c: {  	_ =	shalt  }
0x5d: {  	_ =	shalt  }
0x5e: {  	_ =	shalt  }
0x5f: {  	_ =	shalt  }
0x60: {  	_ =	shalt  }
0x61: {  	_ =	shalt  }
0x62: {  	_ =	shalt  }
0x63: {  	_ =	shalt  }
0x64: {  	_ =	shalt  }
0x65: {  	_ =	shalt  }
0x66: {  	_ =	shalt  }
0x67: {  	_ =	shalt  }
0x68: {  	_ =	shalt  }
0x69: {  	_ =	shalt  }
0x6a: {  	_ =	shalt  }
0x6b: {  	_ =	shalt  }
0x6c: {  	_ =	shalt  }
0x6d: {  	_ =	shalt  }
0x6e: {  	_ =	shalt  }
0x6f: {  	_ =	shalt  }
0x70: {  	_ =	shalt  }
0x71: {  	_ =	shalt  }
0x72: {  	_ =	shalt  }
0x73: {  	_ =	shalt  }
0x74: {  	_ =	shalt  }
0x75: {  	_ =	shalt  }
0x76: {  	_ =	shalt  }
0x77: {  	_ =	shalt  }
0x78: {  	_ =	shalt  }
0x79: {  	_ =	shalt  }
0x7a: {  	_ =	shalt  }
0x7b: {  	_ =	shalt  }
0x7c: {  	_ =	shalt  }
0x7d: {  	_ =	shalt  }
0x7e: {  	_ =	shalt  }
0x7f: {  	_ =	shalt  }
0x80: {  	_ =	shalt  }
0x81: {  	_ =	shalt  }
0x82: {  	_ =	shalt  }
0x83: {  	_ =	shalt  }
0x84: {  	_ =	shalt  }
0x85: {  	_ =	shalt  }
0x86: {  	_ =	shalt  }
0x87: {  	_ =	shalt  }
.Lfunc_end0:
.L_simem_size_0:
called_computation.2_lowered:
.L_overlay_start_0:
0x88: {  	s2 =	sld [smem:$0x3FD9]  }
0x89: {  	s3 =	sld [smem:$0x3FFE];
	_ =	sdelay $0x1  }
0x8a: {  	s1 =	srdreg.scid  }
0x8b: {  	s0 =	sand.u32 $0x1, s1  }
0x8c: {  	s17 =	sshll.u32 s0, $0xA;
	s2 =	sadd.s32 s3, s2  }
0x8d: {  	s2 =	sadd.s32 s2, s17  }
0x8e: {  	[smem:$0x3FC2] =	sst s2  }
0x8f: {  	_ = 	snop  }
0x90: {  	s2 =	sld [smem:$0x3FD0];
	(tm) =	ssettm $0x1  }
0x91: {  	s18 =	sld [smem:$0x3FFB];
	_ =	sdelay $0x3  }
0x92: {  	_ =	strace s18  }
0x93: {  	s3 =	sld [smem:$0x3FFC];
	_ =	sdelay $0x3  }
0x94: {  	_ =	strace s3  }
0x95: {  	s3 =	sld [smem:$0x3FFD];
	_ =	sdelay $0x3  }
0x96: {  	_ =	strace s3  }
0x97: {  	_ =	strace $0x8FFFFFFF  }
0x98: {  	s19 =	sld [smem:$0x3FDB];
	_ =	sdelay $0x1  }
0x99: {  	s4 =	simm.s32 $_scs_section_size  }
0x9a: {  	s5 =	simm.s32 $_size__tile_overlayer_lowered;
	s6 =	simm.s32 $_tile_overlayer_lowered  }
0x9b: {  	s22 =	simm.s32 $0x1BFF;
	s21 =	sshll.u32 s6, $0x1;
	s3 =	sadd.s32 s4, s19  }
0x9c: {  	s7 =	simm.s32 $0x0;
	s20 =	sshll.u32 s5, $0x1;
	s5 =	sadd.s32 s21, s3  }
0x9d: {  	[timem:s7], [sflag:s22] =	dma.local [hbm:s5], s20  }
0x9e: {  	_ =	swait.ge [sflag:s22], s20  }
0x9f: {  	s4 =	ssub.s32 $0x0, s20;
	[sflag:s22] =	ssyncset.done $0x0  }
0xa0: {  	[sflag:s22] =	ssyncadd.s32 s4;
	_ =	sdelay $0x1  }
0xa1: {  	s23 =	simm.s32 $0x1B8B  }
0xa2: {  	_ =	swait.ge [sflag:s23], $0x1  }
0xa3: {  	[sflag:s23] =	ssyncset.done $0x0  }
0xa4: {  	s25 =	simm.s32 $0x1B8E;
	s24 =	sld [smem:$0x3FFE];
	[sflag:s23] =	ssyncadd.s32 $0xFFFFFFFF  }
0xa5: {  	s26 =	simm.s32 $execute0_lowered;
	[smem:$0x3FD2] =	sst s25  }
0xa6: {  	s5 =	sshll.u32 s26, $0x1;
	_ =	strace $0x8000004C;
	[dreg:$0x1] =	wrdreg $0xFFFFFFFF  }
0xa7: {  	s28 =	simm.s32 $_size_execute0_lowered;
	s3 =	sadd.s32 s3, s5;
	[dreg:$0x0] =	wrdreg $0x0  }
0xa8: {  	s5 =	sshll.u32 s28, $0x1;
	[dreg:$0x2] =	wrdreg s3  }
0xa9: {  	[dreg:$0x3] =	wrdreg s5  }
0xaa: {  	[dreg:$0x4] =	wrdreg $0xC0  }
0xab: {  	_ =	task [dreg:s7], $0x5FFFF  }
0xac: {  	[dreg:$0x1] =	wrdreg $0xFFFFFFFF  }
0xad: {  	[dreg:$0x0] =	wrdreg $0x60  }
0xae: {  	[dreg:$0x2] =	wrdreg s24  }
0xaf: {  	[dreg:$0x3] =	wrdreg s2  }
0xb0: {  	[dreg:$0x4] =	wrdreg $0x0  }
0xb1: {  	[dreg:$0x5] =	wrdreg $0x9  }
0xb2: {  	_ =	task.clear_ibuf [dreg:s7], $0x6FFFF;
	_ =	strace $0x9000004C  }
0xb3: {  	s29 =	simm.s32 $0x9;
	_ =	strace $0x8000004E  }
0xb4: {  	_ =	swait.ge [sflag:s29], $0x1  }
0xb5: {  	[sflag:s29] =	ssyncadd.s32 $0xFFFFFFFF  }
0xb6: {  	_ =	strace $0x9000004E  }
0xb7: {  	_ =	sfence  }
0xb8: {  	s30 =	sld [smem:$0x0];
	_ =	sdelay $0x2  }
0xb9: {  	s31 =	sshll.u32 s1, $0xD;
	s1 =	sshrl.u32 s1, $0x2  }
0xba: {  	s3 =	sand.u32 $0x4000, s31;
	s1 =	sadd.s32 s1, s30  }
0xbb: {  	s0 =	sor.u32 s3, s0;
	s1 =	sshll.u32 s1, $0x11  }
0xbc: {  	s0 =	sor.u32 s1, s0  }
0xbd: {  	s0 =	sadd.s32 $0x8F2B, s0  }
0xbe: {  	[sflag:s0] =	ssyncadd.remote.s32 $0x1  }
0xbf: {  	_ =	sfence.sel $0xFFFF  }
0xc0: {  	[dreg:$0x0] =	wrdreg $0xFFFFFFFF;
	(pc) =	sbr.abs _section_cstart, $3  }
0xc1: {  	[dreg:$0x1] =	wrdreg $0xFFFFFFFF  }
0xc2: {  	_ =	task.clear_ibuf [dreg:s7], $0x2FFFF;
	_ =	strace $0x9FFFFFFF  }
0xc3: {  	(tm) =	ssettm $0x7FFFFFFF  }
tec
execute0_lowered:
.L_overlay_start_1:
0x0: {  	(tag) =	ssettag $0x1  }
0x1: {  	s0 =	rddreg [dreg:$0x0]  }
0x2: {  	s1 =	rddreg [dreg:$0x1];
	s3 =	srdreg.scid  }
0x3: {  	s9 =	stileid.u32;
	s2 =	rddreg [dreg:$0x2]  }
0x4: {  	s5 =	simm.s32 $0x0;
	s11 =	simm.s32 $0x11;
	s14 =	simm.s32 $0x80  }
0x5: {  	s15 =	simm.s32 $0xB2C0;
	s19 =	simm.s32 $0xDAC0;
	s29 =	simm.s32 $0x12AC0  }
0x6: {  	s31 =	simm.s32 $0x13EC0;
	s13 =	simm.s32 $0x5;
	s16 =	simm.s32 $0x7  }
0x7: {  	s17 =	simm.s32 $0x8;
	s28 =	simm.s32 $0xF;
	s30 =	simm.s32 $0x10  }
0x8: {  	s3 =	sand.u32 $0x1, s3;
	s4 =	sshll.u32 s9, $0x1;
	[smem:$0x7FF] =	sst s5  }
0x9: {  	s7 =	smul.u32 $0x62C0, s9;
	s23 =	sshll.u32 s9, $0x6;
	s4 =	sor.u32 s3, s4  }
0xa: {  	_ =	strace $0x8000004D;
	s6 =	smul.u32 $0xC580, s3;
	s3 =	ssub.s32 $0x2, s3  }
0xb: {  	s21 =	smul.u32 $0x500, s4;
	s4 =	sadd.s32 $0x15800, s0;
	s22 =	sshrl.u32 s3, $0x1  }
0xc: {  	s8 =	sshrl.u32 s7, $0x3;
	s7 =	sadd.s32 s7, s2;
	s3 =	ssub.s32 s3, s22  }
0xd: {  	s1 =	sadd.s32 s1, s8;
	s10 =	sshrl.u32 s7, $0x3;
	s22 =	simm.s32 $0xC  }
0xe: {  	s5 =	sadd.s32 s21, s0;
	s0 =	sadd.s32 s6, s0;
	[dreg:$0x4] =	wrdreg s1  }
0xf: {  	s6 =	sor.u32 $0x1C11, s23;
	s26 =	smax.u32 s3, $0x1;
	s23 =	simm.s32 $0x102C0  }
.Ltmp0:
0x10: {  	s1 =	simm.s32 $0x1;
	s21 =	simm.s32 $0xB;
	(pc) =	sbr.rel .LBB2_1-.Ltmp0, $4  }
0x11: {  	s3 =	simm.s32 $0x0;
	s24 =	sadd.s32 $0xB800, s5;
	[dreg:$0x7] =	wrdreg s26  }
0x12: {  	s25 =	sadd.s32 $0x1800, s5;
	s0 =	sadd.s32 $0x21C00, s0;
	[dreg:$0x5] =	wrdreg s24  }
0x13: {  	s26 =	simm.s32 $0xE;
	[dreg:$0x6] =	wrdreg s25;
	s0 =	sadd.s32 s8, s0  }
0x14: {  	s25 =	simm.s32 $0xD;
	[dreg:$0x8] =	wrdreg s0;
	s0 =	simm.s32 $0x3  }
.LBB2_4:
0x15: {  	_ =	swait.ge [sflag:s17], $0x1400  }
0x16: {  	[sflag:s17] =	ssyncset.done $0x0  }
0x17: {  	s5 =	simm.s32 $0x9;
	[sflag:s17] =	ssyncadd.s32 $0xFFFFEC00  }
0x18: {  	[spmem:s2] =	stream.indirect.scatter.add.f32 [tilespmem:s31], [sflag:$0x10], $0x28, s8, s14, $0xb8;
	[tilespmem:$0x152C0] =	vst v63  }
0x19: {  	_ =	swait.ge [sflag:s5], $0x1400  }
0x1a: {  	[sflag:s5] =	ssyncset.done $0x0  }
0x1b: {  	s18 =	simm.s32 $0xA;
	[sflag:s5] =	ssyncadd.s32 $0xFFFFEC00  }
0x1c: {  	_ =	swait.ge [sflag:s18], $0x1400  }
0x1d: {  	[sflag:s18] =	ssyncset.done $0x0  }
0x1e: {  	[sflag:s18] =	ssyncadd.s32 $0xFFFFEC00  }
0x1f: {  	_ =	swait.ge [sflag:s21], $0x1400  }
0x20: {  	[sflag:s21] =	ssyncset.done $0x0  }
0x21: {  	[sflag:s21] =	ssyncadd.s32 $0xFFFFEC00  }
0x22: {  	_ =	swait.ge [sflag:s22], $0x1400  }
0x23: {  	[sflag:s22] =	ssyncset.done $0x0  }
0x24: {  	[sflag:s22] =	ssyncadd.s32 $0xFFFFEC00  }
0x25: {  	_ =	swait.ge [sflag:s25], $0x1400  }
0x26: {  	[sflag:s25] =	ssyncset.done $0x0  }
0x27: {  	[sflag:s25] =	ssyncadd.s32 $0xFFFFEC00  }
0x28: {  	_ =	swait.ge [sflag:s26], $0x1400  }
0x29: {  	[sflag:s26] =	ssyncset.done $0x0  }
0x2a: {  	[sflag:s26] =	ssyncadd.s32 $0xFFFFEC00  }
0x2b: {  	_ =	swait.ge [sflag:s28], $0x1400  }
0x2c: {  	[sflag:s28] =	ssyncset.done $0x0  }
0x2d: {  	[sflag:s28] =	ssyncadd.s32 $0xFFFFEC00  }
0x2e: {  	_ =	swait.ge [sflag:s30], $0x1400  }
0x2f: {  	[sflag:s30] =	ssyncset.done $0x0  }
0x30: {  	[sflag:s30] =	ssyncadd.s32 $0xFFFFEC00  }
0x31: {  	[bflag:$0x0] =	sbarrier.arrive $0xFFFF  }
0x32: {  	s20 =	rddreg [dreg:$0x8]  }
0x33: {  	[hbm:s20], [sflag:s6] =	dma.local [spmem:s10], $0xC58  }
0x34: {  	_ =	swait.ge [sflag:s11], $0xC58  }
0x35: {  	s3 =	sadd.s32 $0x1, s3;
	s24 =	rddreg [dreg:$0x7]  }
0x36: {  	p0 =	sne.s32 s3, s24  }
.Ltmp1:
0x37: {  	_ = 	snop;
	(pc) =	sbr.rel @!p0 .LBB2_5-.Ltmp1, $3  }
0x38: {  	_ =	sdelay $0x1  }
0x39: {  	[sflag:s11] =	ssyncset.done $0x0  }
0x3a: {  	[sflag:s11] =	ssyncadd.s32 $0xFFFFF3A8  }
.LBB2_1:
0x3b: {  	s5 =	rddreg [dreg:$0x4]  }
0x3c: {  	[spmem:s10], [sflag:s6] =	dma.local [hbm:s5], $0xC58  }
0x3d: {  	_ =	swait.ge [sflag:s11], $0xC58  }
0x3e: {  	s24 =	simm.s32 $0x0;
	[sflag:s11] =	ssyncset.done $0x0  }
0x3f: {  	s8 =	simm.s32 $0x62C0;
	s7 =	rddreg [dreg:$0x5];
	[sflag:s11] =	ssyncadd.s32 $0xFFFFF3A8  }
0x40: {  	[tilespmem:s8], [sflag:$0x11] =	stream.linear.gather [hbm4b:s7+s24], $0x2800, $0x38;
	[tilespmem:$0x152C0] =	vst v63  }
0x41: {  	_ =	swait.ge [sflag:s11], $0x2800  }
0x42: {  	[sflag:s11] =	ssyncset.done $0x0  }
0x43: {  	s9 =	simm.s32 $0x8AC0;
	s12 =	rddreg [dreg:$0x6];
	[sflag:s11] =	ssyncadd.s32 $0xFFFFD800  }
0x44: {  	[tilespmem:s9], [sflag:$0x11] =	stream.linear.gather [hbm4b:s12+s24], $0x2800, $0x38;
	[tilespmem:$0x152C0] =	vst v63  }
0x45: {  	_ =	swait.ge [sflag:s11], $0x2800  }
0x46: {  	[sflag:s11] =	ssyncset.done $0x0  }
0x47: {  	[sflag:s11] =	ssyncadd.s32 $0xFFFFD800  }
0x48: {  	[bflag:$0x0] =	sbarrier.arrive $0xFFFF  }
0x49: {  	[tilespmem:s15], [sflag:$0x1] =	stream.indirect.gather [hbm4b:s4+s14], $0x28, s8, s14, $0xb8;
	[tilespmem:$0x152C0] =	vst v63  }
0x4a: {  	s18 =	simm.s32 $0x6340;
	s20 =	simm.s32 $0xC6C0  }
0x4b: {  	[tilespmem:s20], [sflag:$0x2] =	stream.indirect.gather [hbm4b:s4+s14], $0x28, s18, s14, $0xb8;
	[tilespmem:$0x152C0] =	vst v63  }
0x4c: {  	s24 =	simm.s32 $0x63C0  }
0x4d: {  	[tilespmem:s19], [sflag:$0x3] =	stream.indirect.gather [hbm4b:s4+s14], $0x28, s24, s14, $0xb8;
	[tilespmem:$0x152C0] =	vst v63  }
0x4e: {  	s7 =	simm.s32 $0x6440;
	s8 =	simm.s32 $0xEEC0  }
0x4f: {  	[tilespmem:s8], [sflag:$0x4] =	stream.indirect.gather [hbm4b:s4+s14], $0x28, s7, s14, $0xb8;
	[tilespmem:$0x152C0] =	vst v63  }
0x50: {  	s9 =	simm.s32 $0x64C0  }
0x51: {  	[tilespmem:s23], [sflag:$0x5] =	stream.indirect.gather [hbm4b:s4+s14], $0x28, s9, s14, $0xb8;
	[tilespmem:$0x152C0] =	vst v63  }
0x52: {  	s12 =	simm.s32 $0x6540;
	s18 =	simm.s32 $0x116C0  }
0x53: {  	[tilespmem:s18], [sflag:$0x6] =	stream.indirect.gather [hbm4b:s4+s14], $0x28, s12, s14, $0xb8;
	[tilespmem:$0x152C0] =	vst v63  }
0x54: {  	s20 =	simm.s32 $0x65C0  }
0x55: {  	[tilespmem:s29], [sflag:$0x7] =	stream.indirect.gather [hbm4b:s4+s14], $0x28, s20, s14, $0xb8;
	[tilespmem:$0x152C0] =	vst v63  }
0x56: {  	s5 =	simm.s32 $0x0;
	s24 =	simm.s32 $0x6640  }
0x57: {  	[tilespmem:s31], [sflag:$0x8] =	stream.indirect.gather [hbm4b:s4+s14], $0x28, s24, s14, $0xb8;
	[tilespmem:$0x152C0] =	vst v63  }
.LBB2_2:
0x58: {  	_ =	swait.ge [sflag:s1], $0x1400  }
0x59: {  	s7 =	sshra.s32 s5, $0x2;
	[sflag:s1] =	ssyncset.done $0x0  }
0x5a: {  	p0 =	seq.s32 s5, $0x9000;
	s8 =	sadd.s32 $0x8AC0, s7;
	[sflag:s1] =	ssyncadd.s32 $0xFFFFEC00  }
0x5b: {  	[spmem:s2] =	stream.indirect.scatter.add.f32 [tilespmem:s15], [sflag:$0x9], $0x28, s8, s14, $0xb8;
	[tilespmem:$0x152C0] =	vst v63  }
0x5c: {  	s8 =	simm.s32 @p0 $0x2  }
0x5d: {  	_ =	swait.ge @p0 [sflag:s8], $0x1400  }
0x5e: {  	s9 =	sshra.s32 @p0 s5, $0x2;
	s24 =	simm.s32 @p0 $0x80;
	[sflag:s8] =	ssyncset.done @p0 $0x0  }
0x5f: {  	s12 =	simm.s32 @p0 $0xC6C0;
	[sflag:s8] =	ssyncadd.s32 @p0 $0xFFFFEC00;
	s8 =	sadd.s32 @p0 $0x8B40, s9  }
0x60: {  	[spmem:s2] =	stream.indirect.scatter.add.f32 @p0 [tilespmem:s12], [sflag:$0xA], $0x28, s8, s24, $0xb8;
	[tilespmem:$0x152C0] =	vst v63  }
0x61: {  	s8 =	simm.s32 @!p0 $0x9  }
0x62: {  	_ =	swait.ge @!p0 [sflag:s8], $0x1400  }
0x63: {  	[sflag:s8] =	ssyncset.done @!p0 $0x0  }
0x64: {  	[sflag:s8] =	ssyncadd.s32 @!p0 $0xFFFFEC00;
	s8 =	sshra.s32 @!p0 s5, $0x2  }
0x65: {  	s20 =	simm.s32 @!p0 $0xB2C0;
	s12 =	simm.s32 @!p0 $0x80;
	s18 =	sadd.s32 @!p0 $0x66C0, s8  }
0x66: {  	[tilespmem:s20], [sflag:$0x1] =	stream.indirect.gather @!p0 [hbm4b:s4+s12], $0x28, s18, s12, $0xb8;
	[tilespmem:$0x152C0] =	vst v63  }
0x67: {  	s18 =	simm.s32 @!p0 $0x2  }
0x68: {  	_ =	swait.ge @!p0 [sflag:s18], $0x1400  }
0x69: {  	[sflag:s18] =	ssyncset.done @!p0 $0x0  }
0x6a: {  	s20 =	simm.s32 @!p0 $0xC6C0;
	[sflag:s18] =	ssyncadd.s32 @!p0 $0xFFFFEC00;
	s18 =	sadd.s32 @!p0 $0x8B40, s8  }
0x6b: {  	[spmem:s2] =	stream.indirect.scatter.add.f32 @!p0 [tilespmem:s20], [sflag:$0xA], $0x28, s18, s12, $0xb8;
	[tilespmem:$0x152C0] =	vst v63  }
0x6c: {  	s18 =	simm.s32 @!p0 $0xA  }
0x6d: {  	_ =	swait.ge @!p0 [sflag:s18], $0x1400  }
0x6e: {  	[sflag:s18] =	ssyncset.done @!p0 $0x0  }
0x6f: {  	[sflag:s18] =	ssyncadd.s32 @!p0 $0xFFFFEC00;
	s18 =	sadd.s32 @!p0 $0x6740, s8  }
0x70: {  	[tilespmem:s20], [sflag:$0x2] =	stream.indirect.gather @!p0 [hbm4b:s4+s12], $0x28, s18, s12, $0xb8;
	[tilespmem:$0x152C0] =	vst v63  }
0x71: {  	_ =	swait.ge [sflag:s0], $0x1400  }
0x72: {  	[sflag:s0] =	ssyncset.done $0x0  }
0x73: {  	s20 =	sadd.s32 $0x8BC0, s7;
	s18 =	simm.s32 @p0 $0x4;
	[sflag:s0] =	ssyncadd.s32 $0xFFFFEC00  }
0x74: {  	[spmem:s2] =	stream.indirect.scatter.add.f32 [tilespmem:s19], [sflag:$0xB], $0x28, s20, s14, $0xb8;
	[tilespmem:$0x152C0] =	vst v63  }
0x75: {  	_ =	swait.ge @p0 [sflag:s18], $0x1400  }
0x76: {  	[sflag:s18] =	ssyncset.done @p0 $0x0  }
0x77: {  	s20 =	simm.s32 @p0 $0xEEC0;
	[sflag:s18] =	ssyncadd.s32 @p0 $0xFFFFEC00;
	s18 =	sadd.s32 @p0 $0x8C40, s9  }
0x78: {  	[spmem:s2] =	stream.indirect.scatter.add.f32 @p0 [tilespmem:s20], [sflag:$0xC], $0x28, s18, s24, $0xb8;
	[tilespmem:$0x152C0] =	vst v63  }
0x79: {  	s18 =	simm.s32 @!p0 $0xB  }
0x7a: {  	_ =	swait.ge @!p0 [sflag:s18], $0x1400  }
0x7b: {  	[sflag:s18] =	ssyncset.done @!p0 $0x0  }
0x7c: {  	s20 =	simm.s32 @!p0 $0xDAC0;
	[sflag:s18] =	ssyncadd.s32 @!p0 $0xFFFFEC00;
	s18 =	sadd.s32 @!p0 $0x67C0, s8  }
0x7d: {  	[tilespmem:s20], [sflag:$0x3] =	stream.indirect.gather @!p0 [hbm4b:s4+s12], $0x28, s18, s12, $0xb8;
	[tilespmem:$0x152C0] =	vst v63  }
0x7e: {  	s18 =	simm.s32 @!p0 $0x4  }
0x7f: {  	_ =	swait.ge @!p0 [sflag:s18], $0x1400  }
0x80: {  	[sflag:s18] =	ssyncset.done @!p0 $0x0  }
0x81: {  	s20 =	simm.s32 @!p0 $0xEEC0;
	[sflag:s18] =	ssyncadd.s32 @!p0 $0xFFFFEC00;
	s18 =	sadd.s32 @!p0 $0x8C40, s8  }
0x82: {  	[spmem:s2] =	stream.indirect.scatter.add.f32 @!p0 [tilespmem:s20], [sflag:$0xC], $0x28, s18, s12, $0xb8;
	[tilespmem:$0x152C0] =	vst v63  }
0x83: {  	s18 =	simm.s32 @!p0 $0xC  }
0x84: {  	_ =	swait.ge @!p0 [sflag:s18], $0x1400  }
0x85: {  	[sflag:s18] =	ssyncset.done @!p0 $0x0  }
0x86: {  	[sflag:s18] =	ssyncadd.s32 @!p0 $0xFFFFEC00;
	s18 =	sadd.s32 @!p0 $0x6840, s8  }
0x87: {  	[tilespmem:s20], [sflag:$0x4] =	stream.indirect.gather @!p0 [hbm4b:s4+s12], $0x28, s18, s12, $0xb8;
	[tilespmem:$0x152C0] =	vst v63  }
0x88: {  	_ =	swait.ge [sflag:s13], $0x1400  }
0x89: {  	[sflag:s13] =	ssyncset.done $0x0  }
0x8a: {  	s20 =	sadd.s32 $0x8CC0, s7;
	s18 =	simm.s32 @p0 $0x6;
	[sflag:s13] =	ssyncadd.s32 $0xFFFFEC00  }
0x8b: {  	[spmem:s2] =	stream.indirect.scatter.add.f32 [tilespmem:s23], [sflag:$0xD], $0x28, s20, s14, $0xb8;
	[tilespmem:$0x152C0] =	vst v63  }
0x8c: {  	_ =	swait.ge @p0 [sflag:s18], $0x1400  }
0x8d: {  	[sflag:s18] =	ssyncset.done @p0 $0x0  }
0x8e: {  	s9 =	sadd.s32 @p0 $0x8D40, s9;
	[sflag:s18] =	ssyncadd.s32 @p0 $0xFFFFEC00;
	s18 =	simm.s32 @p0 $0x116C0  }
0x8f: {  	[spmem:s2] =	stream.indirect.scatter.add.f32 @p0 [tilespmem:s18], [sflag:$0xE], $0x28, s9, s24, $0xb8;
	[tilespmem:$0x152C0] =	vst v63  }
0x90: {  	s9 =	simm.s32 @!p0 $0xD  }
0x91: {  	_ =	swait.ge @!p0 [sflag:s9], $0x1400  }
0x92: {  	[sflag:s9] =	ssyncset.done @!p0 $0x0  }
0x93: {  	s18 =	simm.s32 @!p0 $0x102C0;
	[sflag:s9] =	ssyncadd.s32 @!p0 $0xFFFFEC00;
	s9 =	sadd.s32 @!p0 $0x68C0, s8  }
0x94: {  	[tilespmem:s18], [sflag:$0x5] =	stream.indirect.gather @!p0 [hbm4b:s4+s12], $0x28, s9, s12, $0xb8;
	[tilespmem:$0x152C0] =	vst v63  }
0x95: {  	s9 =	simm.s32 @!p0 $0x6  }
0x96: {  	_ =	swait.ge @!p0 [sflag:s9], $0x1400  }
0x97: {  	[sflag:s9] =	ssyncset.done @!p0 $0x0  }
0x98: {  	s18 =	simm.s32 @!p0 $0x116C0;
	[sflag:s9] =	ssyncadd.s32 @!p0 $0xFFFFEC00;
	s9 =	sadd.s32 @!p0 $0x8D40, s8  }
0x99: {  	[spmem:s2] =	stream.indirect.scatter.add.f32 @!p0 [tilespmem:s18], [sflag:$0xE], $0x28, s9, s12, $0xb8;
	[tilespmem:$0x152C0] =	vst v63  }
0x9a: {  	s9 =	simm.s32 @!p0 $0xE  }
0x9b: {  	_ =	swait.ge @!p0 [sflag:s9], $0x1400  }
0x9c: {  	[sflag:s9] =	ssyncset.done @!p0 $0x0  }
0x9d: {  	s8 =	sadd.s32 @!p0 $0x6940, s8;
	[sflag:s9] =	ssyncadd.s32 @!p0 $0xFFFFEC00  }
0x9e: {  	[tilespmem:s18], [sflag:$0x6] =	stream.indirect.gather @!p0 [hbm4b:s4+s12], $0x28, s8, s12, $0xb8;
	[tilespmem:$0x152C0] =	vst v63  }
.Ltmp2:
0x9f: {  	_ = 	snop;
	(pc) =	sbr.rel @p0 .LBB2_4-.Ltmp2, $4  }
0xa0: {  	_ =	swait.ge [sflag:s16], $0x1400  }
0xa1: {  	[sflag:s16] =	ssyncset.done $0x0  }
0xa2: {  	s24 =	sadd.s32 $0x8DC0, s7;
	s8 =	sadd.s32 $0x8E40, s7;
	[sflag:s16] =	ssyncadd.s32 $0xFFFFEC00  }
0xa3: {  	[spmem:s2] =	stream.indirect.scatter.add.f32 [tilespmem:s29], [sflag:$0xF], $0x28, s24, s14, $0xb8;
	[tilespmem:$0x152C0] =	vst v63  }
0xa4: {  	_ =	swait.ge [sflag:s28], $0x1400  }
0xa5: {  	[sflag:s28] =	ssyncset.done $0x0  }
0xa6: {  	s9 =	sadd.s32 $0x69C0, s7;
	[sflag:s28] =	ssyncadd.s32 $0xFFFFEC00  }
0xa7: {  	[tilespmem:s29], [sflag:$0x7] =	stream.indirect.gather [hbm4b:s4+s14], $0x28, s9, s14, $0xb8;
	[tilespmem:$0x152C0] =	vst v63  }
0xa8: {  	_ =	swait.ge [sflag:s17], $0x1400  }
0xa9: {  	[sflag:s17] =	ssyncset.done $0x0  }
0xaa: {  	[sflag:s17] =	ssyncadd.s32 $0xFFFFEC00  }
0xab: {  	[spmem:s2] =	stream.indirect.scatter.add.f32 [tilespmem:s31], [sflag:$0x10], $0x28, s8, s14, $0xb8;
	[tilespmem:$0x152C0] =	vst v63  }
.Ltmp3:
0xac: {  	_ = 	snop;
	(pc) =	sbr.rel .LBB2_2-.Ltmp3, $4  }
0xad: {  	_ =	swait.ge [sflag:s30], $0x1400  }
0xae: {  	[sflag:s30] =	ssyncset.done $0x0  }
0xaf: {  	s24 =	sadd.s32 $0x6A40, s7;
	s5 =	sadd.s32 $0x1000, s5;
	[sflag:s30] =	ssyncadd.s32 $0xFFFFEC00  }
0xb0: {  	[tilespmem:s31], [sflag:$0x8] =	stream.indirect.gather [hbm4b:s4+s14], $0x28, s24, s14, $0xb8;
	[tilespmem:$0x152C0] =	vst v63  }
.LBB2_5:
0xb1: {  	_ =	sfence.sel $0x180000  }
0xb2: {  	[bflag:$0x0] =	sbarrier.arrive $0xFFFF  }
0xb3: {  	_ =	strace $0x9000004D  }
0xb4: {  	s0 =	stileid.u32;
	[bflag:$0x2] =	sbarrier.arrive $0xFFFF  }
0xb5: {  	p0 =	sne.s32 s0, $0x0;
	s0 =	rddreg [dreg:$0x3]  }
0xb6: {  	s0 =	sadd.s32 @!p0 $0x100000, s0  }
0xb7: {  	[sflag:s0] =	ssyncadd.tile.s32 @!p0 $0x1;
	_ =	shalt  }
.Lfunc_end2:
_tile_overlayer_lowered:
.L_overlay_start_2:
0xb8: {  	(tag) =	ssettag $0x2  }
0xb9: {  	s0 =	rddreg [dreg:$0x0];
	s2 =	stileid.u32  }
0xba: {  	s1 =	rddreg [dreg:$0x1];
	p0 =	sne.s32 s2, $0x0  }
0xbb: {  	s3 =	rddreg [dreg:$0x2];
	[bflag:$0x3] =	sbarrier.arrive $0xFFFF;
	s2 =	simm.s32 @!p0 $0x1C11  }
0xbc: {  	[timem:s3], [sflag:s2] =	dma.local @!p0 [hbm:s0], s1  }
0xbd: {  	s0 =	simm.s32 @!p0 $0x11  }
0xbe: {  	_ =	swait.ge @!p0 [sflag:s0], s1  }
0xbf: {  	s1 =	ssub.s32 @!p0 $0x0, s1;
	[sflag:s0] =	ssyncset.done @!p0 $0x0  }
0xc0: {  	[sflag:s0] =	ssyncadd.s32 @!p0 s1  }
0xc1: {  	[bflag:$0x3] =	sbarrier.arrive $0xFFFF  }
0xc2: {  	_ =	shalt  }

// kernel: kernel.8.cloned.1.call-start
scs
__scs_entry_jumppad:
0x0: {  	(pc) =	sbr.rel $0x88, $3  }
0x1: {  	(tag) =	ssettag $0x0;
	lr =	simm.s32 $0x1  }
0x2: {  	[smem:$0x3F9B] =	sst lr;
	_ =	strace $0xD0000000  }
0x3: {  	_ = 	snop  }
0x4: {  	_ = 	snop  }
0x5: {  	_ = 	snop  }
0x6: {  	_ = 	snop  }
0x7: {  	_ = 	snop  }
__scs_overlays_trampoline_lowered:
0x8: {  	[smem:$0x3FAA] =	sst s0  }
0x9: {  	[smem:$0x3FAB] =	sst s1  }
0xa: {  	[smem:$0x3FAC] =	sst s2  }
0xb: {  	[smem:$0x3FAD] =	sst s3  }
0xc: {  	[smem:$0x3FAE] =	sst s4  }
0xd: {  	[smem:$0x3FAF] =	sst s5  }
0xe: {  	[smem:$0x3FB0] =	sst s6  }
0xf: {  	[smem:$0x3FB1] =	sst s7  }
0x10: {  	[smem:$0x3FB2] =	sst s8  }
0x11: {  	[smem:$0x3FB3] =	sst s9;
	s0 =	simm.s32 @!p0 $0x0  }
0x12: {  	s1 =	sld [smem:$0x3F99];
	s0 =	simm.s32 @p0 $0x1  }
0x13: {  	[smem:$0x3FB4] =	sst s0;
	s0 =	simm.s32 @!p1 $0x0  }
0x14: {  	s2 =	sld [smem:$0x3F98];
	s0 =	simm.s32 @p1 $0x1  }
0x15: {  	[smem:$0x3FB5] =	sst s0;
	s0 =	simm.s32 @!p2 $0x0  }
0x16: {  	s3 =	sld [smem:$0x3FDB];
	s0 =	simm.s32 @p2 $0x1  }
0x17: {  	s4 =	simm.s32 $0x1BF5;
	[smem:$0x3FB7] =	sst s0  }
0x18: {  	s0 =	sld [smem:$0x3F9A];
	_ =	swait.ge [sflag:s4], $0x0  }
0x19: {  	s7 =	sld [smem:$0x3F9B]  }
0x1a: {  	s8 =	sadd.s32 $0xFFFFE003, lr  }
0x1b: {  	s9 =	sadd.s32 $0xFFFFFEF7, lr;
	s5 =	simm.s32 $0xFFFFFFFF;
	p2 =	slt.u32 s8, $0xFFFFF086  }
0x1c: {  	p1 =	slt.u32 s9, $0xF7A;
	s5 =	simm.s32 @!p2 $0x0  }
0x1d: {  	s5 =	simm.s32 @p1 $0x1;
	p0 =	seq.s32 s7, s2  }
0x1e: {  	s7 =	smul.u32 @!p0 $0xF7A, s2;
	p2 =	seq.s32 @!p0 s5, $0x0  }
0x1f: {  	s9 =	smul.u32 $0xF7A, s1;
	s8 =	simm.s32 @!p0 $0x1BF5;
	p2 =	por !p2, p0  }
0x20: {  	[sflag:s8] =	ssyncset.s32 @!p0 $0xFFFFF086;
	s6 =	sadd.s32 @!p0 s3, s7;
	s7 =	simm.s32 @!p0 $0x108  }
0x21: {  	s3 =	sadd.s32 s3, s9;
	s6 =	sadd.s32 @!p0 $0x88, s6;
	s7 =	simm.s32 @p2 $0x1082  }
0x22: {  	[simem:s7], [sflag:s8] =	dma.local @!p0 [hbm:s6], $0xF7A  }
0x23: {  	s9 =	sor.u32 $0xD0000000, s2;
	s6 =	simm.s32 $0x108;
	_ =	swait.ge @!p0 [sflag:s8], $0x0  }
0x24: {  	s3 =	sadd.s32 $0x88, s3;
	s6 =	simm.s32 @!p1 $0x1082;
	[sflag:s4] =	ssyncset.s32 $0xFFFFF086  }
0x25: {  	[simem:s6], [sflag:s4] =	dma.local [hbm:s3], $0xF7A  }
0x26: {  	[smem:$0x3F9B] =	sst s1;
	(tag) =	ssettag s2;
	_ =	strace s9  }
0x27: {  	s1 =	sld [smem:$0x3FAB]  }
0x28: {  	s2 =	sld [smem:$0x3FAC]  }
0x29: {  	s4 =	sld [smem:$0x3FAE]  }
0x2a: {  	p0 =	seq.s32 s5, $0x0;
	s5 =	sld [smem:$0x3FAF]  }
0x2b: {  	s6 =	sld [smem:$0x3FB0]  }
0x2c: {  	s7 =	sld [smem:$0x3FB1]  }
0x2d: {  	s3 =	simm.s32 $0x108;
	s8 =	sld [smem:$0x3FB2]  }
0x2e: {  	s3 =	simm.s32 @!p0 $0x1082;
	s9 =	sld [smem:$0x3FB3]  }
0x2f: {  	lr =	sadd.s32 s0, s3;
	s0 =	sld [smem:$0x3FAA]  }
0x30: {  	s3 =	sld [smem:$0x3FAD]  }
0x31: {  	[smem:$0x3FB6] =	sst s10  }
0x32: {  	s10 =	sld [smem:$0x3FB4];
	_ =	sdelay $0x3  }
0x33: {  	p0 =	seq.s32 s10, $0x1;
	s10 =	sld [smem:$0x3FB6];
	_ =	sdelay $0x3  }
0x34: {  	[smem:$0x3FB6] =	sst s10  }
0x35: {  	s10 =	sld [smem:$0x3FB5];
	_ =	sdelay $0x3  }
0x36: {  	p1 =	seq.s32 s10, $0x1;
	s10 =	sld [smem:$0x3FB6];
	_ =	sdelay $0x3  }
0x37: {  	[smem:$0x3FB6] =	sst s10  }
0x38: {  	s10 =	sld [smem:$0x3FB7]  }
0x39: {  	_ = 	snop;
	(pc) =	sbr.ind lr, $3  }
0x3a: {  	_ = 	snop  }
0x3b: {  	_ = 	snop  }
0x3c: {  	p2 =	seq.s32 s10, $0x1;
	s10 =	sld [smem:$0x3FB6]  }
0x3d: {  	_ =	shalt  }
0x3e: {  	_ =	shalt  }
0x3f: {  	_ =	shalt  }
0x40: {  	_ =	shalt  }
0x41: {  	_ =	shalt  }
0x42: {  	_ =	shalt  }
0x43: {  	_ =	shalt  }
0x44: {  	_ =	shalt  }
0x45: {  	_ =	shalt  }
0x46: {  	_ =	shalt  }
0x47: {  	_ =	shalt  }
0x48: {  	_ =	shalt  }
0x49: {  	_ =	shalt  }
0x4a: {  	_ =	shalt  }
0x4b: {  	_ =	shalt  }
0x4c: {  	_ =	shalt  }
0x4d: {  	_ =	shalt  }
0x4e: {  	_ =	shalt  }
0x4f: {  	_ =	shalt  }
0x50: {  	_ =	shalt  }
0x51: {  	_ =	shalt  }
0x52: {  	_ =	shalt  }
0x53: {  	_ =	shalt  }
0x54: {  	_ =	shalt  }
0x55: {  	_ =	shalt  }
0x56: {  	_ =	shalt  }
0x57: {  	_ =	shalt  }
0x58: {  	_ =	shalt  }
0x59: {  	_ =	shalt  }
0x5a: {  	_ =	shalt  }
0x5b: {  	_ =	shalt  }
0x5c: {  	_ =	shalt  }
0x5d: {  	_ =	shalt  }
0x5e: {  	_ =	shalt  }
0x5f: {  	_ =	shalt  }
0x60: {  	_ =	shalt  }
0x61: {  	_ =	shalt  }
0x62: {  	_ =	shalt  }
0x63: {  	_ =	shalt  }
0x64: {  	_ =	shalt  }
0x65: {  	_ =	shalt  }
0x66: {  	_ =	shalt  }
0x67: {  	_ =	shalt  }
0x68: {  	_ =	shalt  }
0x69: {  	_ =	shalt  }
0x6a: {  	_ =	shalt  }
0x6b: {  	_ =	shalt  }
0x6c: {  	_ =	shalt  }
0x6d: {  	_ =	shalt  }
0x6e: {  	_ =	shalt  }
0x6f: {  	_ =	shalt  }
0x70: {  	_ =	shalt  }
0x71: {  	_ =	shalt  }
0x72: {  	_ =	shalt  }
0x73: {  	_ =	shalt  }
0x74: {  	_ =	shalt  }
0x75: {  	_ =	shalt  }
0x76: {  	_ =	shalt  }
0x77: {  	_ =	shalt  }
0x78: {  	_ =	shalt  }
0x79: {  	_ =	shalt  }
0x7a: {  	_ =	shalt  }
0x7b: {  	_ =	shalt  }
0x7c: {  	_ =	shalt  }
0x7d: {  	_ =	shalt  }
0x7e: {  	_ =	shalt  }
0x7f: {  	_ =	shalt  }
0x80: {  	_ =	shalt  }
0x81: {  	_ =	shalt  }
0x82: {  	_ =	shalt  }
0x83: {  	_ =	shalt  }
0x84: {  	_ =	shalt  }
0x85: {  	_ =	shalt  }
0x86: {  	_ =	shalt  }
0x87: {  	_ =	shalt  }
.Lfunc_end0:
.L_simem_size_0:
called_computation_lowered:
.L_overlay_start_0:
0x88: {  	s2 =	sld [smem:$0x3FD9]  }
0x89: {  	s3 =	sld [smem:$0x3FFE];
	_ =	sdelay $0x1  }
0x8a: {  	s1 =	srdreg.scid  }
0x8b: {  	s0 =	sand.u32 $0x1, s1  }
0x8c: {  	s17 =	sshll.u32 s0, $0xA;
	s2 =	sadd.s32 s3, s2  }
0x8d: {  	s2 =	sadd.s32 s2, s17  }
0x8e: {  	[smem:$0x3FC2] =	sst s2  }
0x8f: {  	_ = 	snop  }
0x90: {  	s2 =	sld [smem:$0x3FD0];
	(tm) =	ssettm $0x1  }
0x91: {  	s18 =	sld [smem:$0x3FFB];
	_ =	sdelay $0x3  }
0x92: {  	_ =	strace s18  }
0x93: {  	s3 =	sld [smem:$0x3FFC];
	_ =	sdelay $0x3  }
0x94: {  	_ =	strace s3  }
0x95: {  	s3 =	sld [smem:$0x3FFD];
	_ =	sdelay $0x3  }
0x96: {  	_ =	strace s3  }
0x97: {  	_ =	strace $0x8FFFFFFF  }
0x98: {  	s19 =	sld [smem:$0x3FDB];
	_ =	sdelay $0x1  }
0x99: {  	s4 =	simm.s32 $_scs_section_size  }
0x9a: {  	s5 =	simm.s32 $_size__tile_overlayer_lowered;
	s6 =	simm.s32 $_tile_overlayer_lowered  }
0x9b: {  	s22 =	simm.s32 $0x1BFF;
	s21 =	sshll.u32 s6, $0x1;
	s3 =	sadd.s32 s4, s19  }
0x9c: {  	s7 =	simm.s32 $0x0;
	s20 =	sshll.u32 s5, $0x1;
	s5 =	sadd.s32 s21, s3  }
0x9d: {  	[timem:s7], [sflag:s22] =	dma.local [hbm:s5], s20  }
0x9e: {  	_ =	swait.ge [sflag:s22], s20  }
0x9f: {  	s4 =	ssub.s32 $0x0, s20;
	[sflag:s22] =	ssyncset.done $0x0  }
0xa0: {  	[sflag:s22] =	ssyncadd.s32 s4;
	_ =	sdelay $0x1  }
0xa1: {  	s23 =	simm.s32 $0x1B8B  }
0xa2: {  	_ =	swait.ge [sflag:s23], $0x1  }
0xa3: {  	[sflag:s23] =	ssyncset.done $0x0  }
0xa4: {  	s25 =	simm.s32 $0x1B8E;
	s24 =	sld [smem:$0x3FFE];
	[sflag:s23] =	ssyncadd.s32 $0xFFFFFFFF  }
0xa5: {  	s26 =	simm.s32 $execute0_lowered;
	[smem:$0x3FD2] =	sst s25  }
0xa6: {  	s5 =	sshll.u32 s26, $0x1;
	_ =	strace $0x80000046;
	[dreg:$0x1] =	wrdreg $0xFFFFFFFF  }
0xa7: {  	s28 =	simm.s32 $_size_execute0_lowered;
	s3 =	sadd.s32 s3, s5;
	[dreg:$0x0] =	wrdreg $0x0  }
0xa8: {  	s5 =	sshll.u32 s28, $0x1;
	[dreg:$0x2] =	wrdreg s3  }
0xa9: {  	[dreg:$0x3] =	wrdreg s5  }
0xaa: {  	[dreg:$0x4] =	wrdreg $0xC0  }
0xab: {  	_ =	task [dreg:s7], $0x5FFFF  }
0xac: {  	[dreg:$0x1] =	wrdreg $0xFFFFFFFF  }
0xad: {  	[dreg:$0x0] =	wrdreg $0x60  }
0xae: {  	[dreg:$0x2] =	wrdreg s24  }
0xaf: {  	[dreg:$0x3] =	wrdreg s2  }
0xb0: {  	[dreg:$0x4] =	wrdreg $0x0  }
0xb1: {  	[dreg:$0x5] =	wrdreg $0x9  }
0xb2: {  	_ =	task.clear_ibuf [dreg:s7], $0x6FFFF;
	_ =	strace $0x90000046  }
0xb3: {  	s29 =	simm.s32 $0x9;
	_ =	strace $0x80000048  }
0xb4: {  	_ =	swait.ge [sflag:s29], $0x1  }
0xb5: {  	[sflag:s29] =	ssyncadd.s32 $0xFFFFFFFF  }
0xb6: {  	_ =	strace $0x90000048  }
0xb7: {  	_ =	sfence  }
0xb8: {  	s30 =	sld [smem:$0x0];
	_ =	sdelay $0x2  }
0xb9: {  	s31 =	sshll.u32 s1, $0xD;
	s1 =	sshrl.u32 s1, $0x2  }
0xba: {  	s3 =	sand.u32 $0x4000, s31;
	s1 =	sadd.s32 s1, s30  }
0xbb: {  	s0 =	sor.u32 s3, s0;
	s1 =	sshll.u32 s1, $0x11  }
0xbc: {  	s0 =	sor.u32 s1, s0  }
0xbd: {  	s0 =	sadd.s32 $0x8F2B, s0  }
0xbe: {  	[sflag:s0] =	ssyncadd.remote.s32 $0x1  }
0xbf: {  	_ =	sfence.sel $0xFFFF  }
0xc0: {  	[dreg:$0x0] =	wrdreg $0xFFFFFFFF;
	(pc) =	sbr.abs _section_cstart, $3  }
0xc1: {  	[dreg:$0x1] =	wrdreg $0xFFFFFFFF  }
0xc2: {  	_ =	task.clear_ibuf [dreg:s7], $0x2FFFF;
	_ =	strace $0x9FFFFFFF  }
0xc3: {  	(tm) =	ssettm $0x7FFFFFFF  }
tec
execute0_lowered:
.L_overlay_start_1:
0x0: {  	(tag) =	ssettag $0x1  }
0x1: {  	s0 =	rddreg [dreg:$0x0];
	s1 =	srdreg.scid  }
0x2: {  	s11 =	stileid.u32;
	s8 =	rddreg [dreg:$0x1]  }
0x3: {  	s2 =	rddreg [dreg:$0x2];
	s12 =	simm.s32 $0x3BC0;
	s13 =	simm.s32 $0x80  }
0x4: {  	s15 =	simm.s32 $0x14C0;
	s16 =	simm.s32 $0x1540;
	s17 =	simm.s32 $0x15C0  }
0x5: {  	s18 =	simm.s32 $0x1640;
	s19 =	simm.s32 $0x16C0;
	s20 =	simm.s32 $0x1740  }
0x6: {  	s21 =	simm.s32 $0x1;
	s22 =	simm.s32 $0x2;
	s23 =	simm.s32 $0x3  }
0x7: {  	s28 =	simm.s32 $0x6;
	s29 =	simm.s32 $0x7;
	s30 =	simm.s32 $0x8  }
0x8: {  	s31 =	simm.s32 $0x0;
	s1 =	sand.u32 $0x1, s1;
	s3 =	sshll.u32 s11, $0x1  }
0x9: {  	s5 =	smul.u32 $0x13C0, s11;
	s25 =	sshll.u32 s11, $0x6;
	s4 =	sor.u32 s1, s3  }
0xa: {  	s3 =	simm.s32 $0x0;
	s6 =	ssub.s32 $0x2, s1;
	s1 =	smul.u32 $0x2780, s1  }
0xb: {  	s11 =	simm.s32 $0x13C0;
	s4 =	smul.u32 $0x500, s4;
	[smem:$0x7FF] =	sst s3  }
0xc: {  	s24 =	sshrl.u32 s5, $0x3;
	s9 =	sshrl.u32 s6, $0x1;
	s10 =	sadd.s32 s5, s2  }
0xd: {  	_ =	strace $0x80000047;
	s9 =	ssub.s32 s6, s9;
	s6 =	sor.u32 $0x1C09, s25  }
0xe: {  	s26 =	sadd.s32 s8, s1;
	s25 =	simm.s32 $0x4;
	s7 =	sadd.s32 s4, s0  }
0xf: {  	s4 =	sadd.s32 $0x18000, s0;
	s0 =	sadd.s32 s24, s0;
	s8 =	smax.u32 s9, $0x1  }
0x10: {  	s9 =	sshrl.u32 s10, $0x3;
	s10 =	simm.s32 $0x9;
	s24 =	sadd.s32 s24, s26  }
0x11: {  	s26 =	simm.s32 $0x5;
	s5 =	sadd.s32 $0x15800, s0;
	s7 =	sadd.s32 $0x1800, s7  }
.LBB2_1:
0x12: {  	[spmem:s9], [sflag:s6] =	dma.local [hbm:s5], $0x278  }
0x13: {  	_ =	swait.ge [sflag:s10], $0x278  }
0x14: {  	[sflag:s10] =	ssyncset.done $0x0  }
0x15: {  	[sflag:s10] =	ssyncadd.s32 $0xFFFFFD88  }
0x16: {  	[tilespmem:s11], [sflag:$0x9] =	stream.linear.gather [hbm4b:s7+s3], $0x2800, $0x38;
	[tilespmem:$0x3FC0] =	vst v63  }
0x17: {  	_ =	swait.ge [sflag:s10], $0x2800  }
0x18: {  	[sflag:s10] =	ssyncset.done $0x0  }
0x19: {  	[sflag:s10] =	ssyncadd.s32 $0xFFFFD800  }
0x1a: {  	[tilespmem:s12], [sflag:$0x9] =	stream.linear.gather [hbm4b:s4+s3], $0x400, $0x38;
	[tilespmem:$0x3FC0] =	vst v63  }
0x1b: {  	_ =	swait.ge [sflag:s10], $0x400  }
0x1c: {  	[sflag:s10] =	ssyncset.done $0x0  }
0x1d: {  	[sflag:s10] =	ssyncadd.s32 $0xFFFFFC00  }
0x1e: {  	[bflag:$0x0] =	sbarrier.arrive $0xFFFF  }
0x1f: {  	[spmem:s2] =	stream.indirect.scatter.add.f32 [tilespmem:s12], [sflag:$0x1], $0x8, s11, s13, $0xb8;
	[tilespmem:$0x3FC0] =	vst v63  }
0x20: {  	s0 =	simm.s32 $0x1440  }
0x21: {  	[spmem:s2] =	stream.indirect.scatter.add.f32 [tilespmem:s12], [sflag:$0x2], $0x8, s0, s13, $0xb8;
	[tilespmem:$0x3FC0] =	vst v63  }
0x22: {  	_ = 	snop  }
0x23: {  	[spmem:s2] =	stream.indirect.scatter.add.f32 [tilespmem:s12], [sflag:$0x3], $0x8, s15, s13, $0xb8;
	[tilespmem:$0x3FC0] =	vst v63  }
0x24: {  	_ = 	snop  }
0x25: {  	[spmem:s2] =	stream.indirect.scatter.add.f32 [tilespmem:s12], [sflag:$0x4], $0x8, s16, s13, $0xb8;
	[tilespmem:$0x3FC0] =	vst v63  }
0x26: {  	_ = 	snop  }
0x27: {  	[spmem:s2] =	stream.indirect.scatter.add.f32 [tilespmem:s12], [sflag:$0x5], $0x8, s17, s13, $0xb8;
	[tilespmem:$0x3FC0] =	vst v63  }
0x28: {  	_ = 	snop  }
0x29: {  	[spmem:s2] =	stream.indirect.scatter.add.f32 [tilespmem:s12], [sflag:$0x6], $0x8, s18, s13, $0xb8;
	[tilespmem:$0x3FC0] =	vst v63  }
0x2a: {  	_ = 	snop  }
0x2b: {  	[spmem:s2] =	stream.indirect.scatter.add.f32 [tilespmem:s12], [sflag:$0x7], $0x8, s19, s13, $0xb8;
	[tilespmem:$0x3FC0] =	vst v63  }
0x2c: {  	_ = 	snop  }
0x2d: {  	[spmem:s2] =	stream.indirect.scatter.add.f32 [tilespmem:s12], [sflag:$0x8], $0x8, s20, s13, $0xb8;
	[tilespmem:$0x3FC0] =	vst v63  }
0x2e: {  	_ =	swait.ge [sflag:s21], $0x400  }
0x2f: {  	[sflag:s21] =	ssyncset.done $0x0  }
0x30: {  	s14 =	simm.s32 $0x17C0;
	[sflag:s21] =	ssyncadd.s32 $0xFFFFFC00  }
0x31: {  	[spmem:s2] =	stream.indirect.scatter.add.f32 [tilespmem:s12], [sflag:$0x1], $0x8, s14, s13, $0xb8;
	[tilespmem:$0x3FC0] =	vst v63  }
0x32: {  	_ =	swait.ge [sflag:s22], $0x400  }
0x33: {  	[sflag:s22] =	ssyncset.done $0x0  }
0x34: {  	s1 =	simm.s32 $0x1840;
	[sflag:s22] =	ssyncadd.s32 $0xFFFFFC00  }
0x35: {  	[spmem:s2] =	stream.indirect.scatter.add.f32 [tilespmem:s12], [sflag:$0x2], $0x8, s1, s13, $0xb8;
	[tilespmem:$0x3FC0] =	vst v63  }
0x36: {  	_ =	swait.ge [sflag:s23], $0x400  }
0x37: {  	[sflag:s23] =	ssyncset.done $0x0  }
0x38: {  	s14 =	simm.s32 $0x18C0;
	[sflag:s23] =	ssyncadd.s32 $0xFFFFFC00  }
0x39: {  	[spmem:s2] =	stream.indirect.scatter.add.f32 [tilespmem:s12], [sflag:$0x3], $0x8, s14, s13, $0xb8;
	[tilespmem:$0x3FC0] =	vst v63  }
0x3a: {  	_ =	swait.ge [sflag:s25], $0x400  }
0x3b: {  	[sflag:s25] =	ssyncset.done $0x0  }
0x3c: {  	s1 =	simm.s32 $0x1940;
	[sflag:s25] =	ssyncadd.s32 $0xFFFFFC00  }
0x3d: {  	[spmem:s2] =	stream.indirect.scatter.add.f32 [tilespmem:s12], [sflag:$0x4], $0x8, s1, s13, $0xb8;
	[tilespmem:$0x3FC0] =	vst v63  }
0x3e: {  	_ =	swait.ge [sflag:s26], $0x400  }
0x3f: {  	[sflag:s26] =	ssyncset.done $0x0  }
0x40: {  	s14 =	simm.s32 $0x19C0;
	[sflag:s26] =	ssyncadd.s32 $0xFFFFFC00  }
0x41: {  	[spmem:s2] =	stream.indirect.scatter.add.f32 [tilespmem:s12], [sflag:$0x5], $0x8, s14, s13, $0xb8;
	[tilespmem:$0x3FC0] =	vst v63  }
0x42: {  	_ =	swait.ge [sflag:s28], $0x400  }
0x43: {  	[sflag:s28] =	ssyncset.done $0x0  }
0x44: {  	s1 =	simm.s32 $0x1A40;
	[sflag:s28] =	ssyncadd.s32 $0xFFFFFC00  }
0x45: {  	[spmem:s2] =	stream.indirect.scatter.add.f32 [tilespmem:s12], [sflag:$0x6], $0x8, s1, s13, $0xb8;
	[tilespmem:$0x3FC0] =	vst v63  }
0x46: {  	_ =	swait.ge [sflag:s29], $0x400  }
0x47: {  	[sflag:s29] =	ssyncset.done $0x0  }
0x48: {  	s14 =	simm.s32 $0x1AC0;
	[sflag:s29] =	ssyncadd.s32 $0xFFFFFC00  }
0x49: {  	[spmem:s2] =	stream.indirect.scatter.add.f32 [tilespmem:s12], [sflag:$0x7], $0x8, s14, s13, $0xb8;
	[tilespmem:$0x3FC0] =	vst v63  }
0x4a: {  	_ =	swait.ge [sflag:s30], $0x400  }
0x4b: {  	[sflag:s30] =	ssyncset.done $0x0  }
0x4c: {  	s0 =	simm.s32 $0x1B40;
	s1 =	simm.s32 $0x1000;
	[sflag:s30] =	ssyncadd.s32 $0xFFFFFC00  }
.LBB2_2:
0x4d: {  	[spmem:s2] =	stream.indirect.scatter.add.f32 [tilespmem:s12], [sflag:$0x8], $0x8, s0, s13, $0xb8;
	[tilespmem:$0x3FC0] =	vst v63  }
0x4e: {  	s0 =	smov.u32 s1  }
0x4f: {  	p0 =	sne.s32 s1, $0x8000;
	s1 =	sadd.s32 $0x1000, s1;
	_ =	swait.ge [sflag:s21], $0x400  }
0x50: {  	s0 =	sshra.s32 s0, $0x2;
	[sflag:s21] =	ssyncset.done $0x0  }
0x51: {  	s14 =	sadd.s32 $0x17C0, s0;
	[sflag:s21] =	ssyncadd.s32 $0xFFFFFC00  }
0x52: {  	[spmem:s2] =	stream.indirect.scatter.add.f32 [tilespmem:s12], [sflag:$0x1], $0x8, s14, s13, $0xb8;
	[tilespmem:$0x3FC0] =	vst v63  }
0x53: {  	_ =	swait.ge [sflag:s22], $0x400  }
0x54: {  	[sflag:s22] =	ssyncset.done $0x0  }
0x55: {  	s14 =	sadd.s32 $0x1840, s0;
	[sflag:s22] =	ssyncadd.s32 $0xFFFFFC00  }
0x56: {  	[spmem:s2] =	stream.indirect.scatter.add.f32 [tilespmem:s12], [sflag:$0x2], $0x8, s14, s13, $0xb8;
	[tilespmem:$0x3FC0] =	vst v63  }
0x57: {  	_ =	swait.ge [sflag:s23], $0x400  }
0x58: {  	[sflag:s23] =	ssyncset.done $0x0  }
0x59: {  	s14 =	sadd.s32 $0x18C0, s0;
	[sflag:s23] =	ssyncadd.s32 $0xFFFFFC00  }
0x5a: {  	[spmem:s2] =	stream.indirect.scatter.add.f32 [tilespmem:s12], [sflag:$0x3], $0x8, s14, s13, $0xb8;
	[tilespmem:$0x3FC0] =	vst v63  }
0x5b: {  	_ =	swait.ge [sflag:s25], $0x400  }
0x5c: {  	[sflag:s25] =	ssyncset.done $0x0  }
0x5d: {  	s14 =	sadd.s32 $0x1940, s0;
	[sflag:s25] =	ssyncadd.s32 $0xFFFFFC00  }
0x5e: {  	[spmem:s2] =	stream.indirect.scatter.add.f32 [tilespmem:s12], [sflag:$0x4], $0x8, s14, s13, $0xb8;
	[tilespmem:$0x3FC0] =	vst v63  }
0x5f: {  	_ =	swait.ge [sflag:s26], $0x400  }
0x60: {  	[sflag:s26] =	ssyncset.done $0x0  }
0x61: {  	s14 =	sadd.s32 $0x19C0, s0;
	[sflag:s26] =	ssyncadd.s32 $0xFFFFFC00  }
0x62: {  	[spmem:s2] =	stream.indirect.scatter.add.f32 [tilespmem:s12], [sflag:$0x5], $0x8, s14, s13, $0xb8;
	[tilespmem:$0x3FC0] =	vst v63  }
0x63: {  	_ =	swait.ge [sflag:s28], $0x400  }
0x64: {  	[sflag:s28] =	ssyncset.done $0x0  }
0x65: {  	s14 =	sadd.s32 $0x1A40, s0;
	[sflag:s28] =	ssyncadd.s32 $0xFFFFFC00  }
0x66: {  	[spmem:s2] =	stream.indirect.scatter.add.f32 [tilespmem:s12], [sflag:$0x6], $0x8, s14, s13, $0xb8;
	[tilespmem:$0x3FC0] =	vst v63  }
0x67: {  	_ =	swait.ge [sflag:s29], $0x400  }
0x68: {  	[sflag:s29] =	ssyncset.done $0x0  }
.Ltmp0:
0x69: {  	s14 =	sadd.s32 $0x1AC0, s0;
	[sflag:s29] =	ssyncadd.s32 $0xFFFFFC00;
	(pc) =	sbr.rel @p0 .LBB2_2-.Ltmp0, $4  }
0x6a: {  	[spmem:s2] =	stream.indirect.scatter.add.f32 [tilespmem:s12], [sflag:$0x7], $0x8, s14, s13, $0xb8;
	[tilespmem:$0x3FC0] =	vst v63  }
0x6b: {  	_ =	swait.ge [sflag:s30], $0x400  }
0x6c: {  	[sflag:s30] =	ssyncset.done $0x0  }
0x6d: {  	s0 =	sadd.s32 $0x1B40, s0;
	[sflag:s30] =	ssyncadd.s32 $0xFFFFFC00  }
0x6e: {  	[spmem:s2] =	stream.indirect.scatter.add.f32 [tilespmem:s12], [sflag:$0x8], $0x8, s0, s13, $0xb8;
	[tilespmem:$0x3FC0] =	vst v63  }
0x6f: {  	_ =	swait.ge [sflag:s21], $0x400  }
0x70: {  	[sflag:s21] =	ssyncset.done $0x0  }
0x71: {  	[sflag:s21] =	ssyncadd.s32 $0xFFFFFC00  }
0x72: {  	_ =	swait.ge [sflag:s22], $0x400  }
0x73: {  	[sflag:s22] =	ssyncset.done $0x0  }
0x74: {  	[sflag:s22] =	ssyncadd.s32 $0xFFFFFC00  }
0x75: {  	_ =	swait.ge [sflag:s23], $0x400  }
0x76: {  	[sflag:s23] =	ssyncset.done $0x0  }
0x77: {  	[sflag:s23] =	ssyncadd.s32 $0xFFFFFC00  }
0x78: {  	_ =	swait.ge [sflag:s25], $0x400  }
0x79: {  	[sflag:s25] =	ssyncset.done $0x0  }
0x7a: {  	[sflag:s25] =	ssyncadd.s32 $0xFFFFFC00  }
0x7b: {  	_ =	swait.ge [sflag:s26], $0x400  }
0x7c: {  	[sflag:s26] =	ssyncset.done $0x0  }
0x7d: {  	[sflag:s26] =	ssyncadd.s32 $0xFFFFFC00  }
0x7e: {  	_ =	swait.ge [sflag:s28], $0x400  }
0x7f: {  	[sflag:s28] =	ssyncset.done $0x0  }
0x80: {  	[sflag:s28] =	ssyncadd.s32 $0xFFFFFC00  }
0x81: {  	_ =	swait.ge [sflag:s29], $0x400  }
0x82: {  	[sflag:s29] =	ssyncset.done $0x0  }
0x83: {  	[sflag:s29] =	ssyncadd.s32 $0xFFFFFC00  }
0x84: {  	_ =	swait.ge [sflag:s30], $0x400  }
0x85: {  	s31 =	sadd.s32 $0x1, s31;
	[sflag:s30] =	ssyncset.done $0x0  }
0x86: {  	p0 =	sne.s32 s31, s8;
	[sflag:s30] =	ssyncadd.s32 $0xFFFFFC00  }
.Ltmp1:
0x87: {  	[bflag:$0x0] =	sbarrier.arrive $0xFFFF;
	(pc) =	sbr.rel @p0 .LBB2_1-.Ltmp1, $4  }
0x88: {  	[hbm:s24], [sflag:s6] =	dma.local [spmem:s9], $0x278  }
0x89: {  	_ =	swait.ge [sflag:s10], $0x278  }
0x8a: {  	[sflag:s10] =	ssyncset.done $0x0  }
0x8b: {  	[sflag:s10] =	ssyncadd.s32 $0xFFFFFD88  }
0x8c: {  	_ =	sfence.sel $0x180000  }
0x8d: {  	[bflag:$0x0] =	sbarrier.arrive $0xFFFF  }
0x8e: {  	_ =	strace $0x90000047  }
0x8f: {  	s0 =	stileid.u32;
	[bflag:$0x2] =	sbarrier.arrive $0xFFFF  }
0x90: {  	p0 =	sne.s32 s0, $0x0;
	s0 =	rddreg [dreg:$0x3]  }
0x91: {  	s0 =	sadd.s32 @!p0 $0x100000, s0  }
0x92: {  	[sflag:s0] =	ssyncadd.tile.s32 @!p0 $0x1;
	_ =	shalt  }
.Lfunc_end2:
_tile_overlayer_lowered:
.L_overlay_start_2:
0x93: {  	(tag) =	ssettag $0x2  }
0x94: {  	s0 =	rddreg [dreg:$0x0];
	s2 =	stileid.u32  }
0x95: {  	s1 =	rddreg [dreg:$0x1];
	p0 =	sne.s32 s2, $0x0  }
0x96: {  	s3 =	rddreg [dreg:$0x2];
	[bflag:$0x3] =	sbarrier.arrive $0xFFFF;
	s2 =	simm.s32 @!p0 $0x1C09  }
0x97: {  	[timem:s3], [sflag:s2] =	dma.local @!p0 [hbm:s0], s1  }
0x98: {  	s0 =	simm.s32 @!p0 $0x9  }
0x99: {  	_ =	swait.ge @!p0 [sflag:s0], s1  }
0x9a: {  	s1 =	ssub.s32 @!p0 $0x0, s1;
	[sflag:s0] =	ssyncset.done @!p0 $0x0  }
0x9b: {  	[sflag:s0] =	ssyncadd.s32 @!p0 s1  }
0x9c: {  	[bflag:$0x3] =	sbarrier.arrive $0xFFFF  }
0x9d: {  	_ =	shalt  }

</sc_bundles>
